<compile_context>
chip_gen: v7x
topology: tpu7x:2x2x1
jax: 0.10.2.dev20260603
libtpu: 0.0.44.dev20260713+nightly
codegen_flags: <defaults>
</compile_context>

<pallas_src>
import functools

import jax
import jax.numpy as jnp
from jax import lax
from jax.experimental import pallas as pl
from jax.experimental.pallas import tpu as pltpu
from jax.experimental.pallas import tpu_sc as plsc

V = 1_000_000
B = 16384
T = 200
L = 16
NS = 16
NC = 2
CPT = B // NS
G = CPT // 128
RB = 8
NBLK = T // RB
NRING = 2


def _body(label_h, text_h, w0_h, w1_h, out0_h, out1_h, lc0_h, lc1_h,
          hist_sh, lcsum_sh, labels_v, vals_v, accf_v, idx0_v, lcf_v,
          tile_bufs, idx_bufs, lsems, ssems):
    c = lax.axis_index("c")
    s = lax.axis_index("s")

    @pl.when(jnp.logical_and(s == 0, c == 0))
    def _():
        pltpu.sync_copy(w0_h, hist_sh)

    @pl.when(jnp.logical_and(s == 0, c == 1))
    def _():
        pltpu.sync_copy(w1_h, hist_sh)

    pltpu.sync_copy(label_h.at[pl.ds(s * CPT, CPT)], labels_v)
    accf = jnp.zeros((L,), jnp.float32)
    for g in range(G):
        for k in range(128 // L):
            lv = labels_v[pl.ds(g * 128 + k * L, L)]
            mv = jnp.where(lv == c, 1.0, 0.0).astype(jnp.float32)
            vals_v[pl.ds(g * 128 + k * L, L)] = mv
            accf = accf + mv
    accf_v[...] = accf
    idx0_v[...] = jnp.zeros((L,), jnp.int32)

    @pl.when(s == 1)
    def _():
        lcf_v[...] = jnp.zeros((L,), jnp.float32)
        pltpu.sync_copy(lcf_v, lcsum_sh)

    plsc.subcore_barrier()

    pltpu.sync_copy(accf_v, lcsum_sh.at[idx0_v], add=True)

    def load_block(bi, j):
        r0 = pl.multiple_of(bi * RB, 8)
        for t in range(G):
            ct = pl.multiple_of(s * CPT + t * 128, 128)
            pltpu.async_copy(text_h.at[pl.ds(r0, RB), pl.ds(ct, 128)],
                             tile_bufs[j][t], lsems[j])

    def process_block(bi, j, drain, next_load):
        for t in range(G):
            pltpu.make_async_copy(text_h.at[pl.ds(0, RB), pl.ds(0, 128)],
                                  tile_bufs[j][t], lsems[j]).wait()

        if drain is not None:
            @pl.when(drain)
            def _():
                for r in range(RB):
                    pltpu.make_async_copy(vals_v, hist_sh.at[idx_bufs[j][0]],
                                          ssems[j]).wait()

        def rp(k, cy):
            for r in range(RB):
                for t in range(G):
                    idx_bufs[j][r][pl.ds(t * 128 + k * L, L)] = \
                        tile_bufs[j][t][r, pl.ds(k * L, L)]
            return cy
        lax.fori_loop(0, 128 // L, rp, 0)

        for r in range(RB):
            pltpu.async_copy(vals_v, hist_sh.at[idx_bufs[j][r]],
                             ssems[j], add=True)

        if next_load is not None:
            @pl.when(next_load)
            def _():
                load_block(bi + NRING, j)

    load_block(0, 0)
    load_block(1, 1)

    def round_(ob, carry):
        for jb in range(NRING):
            bi = ob * NRING + jb
            process_block(bi, jb, drain=ob >= 1, next_load=bi < NBLK - NRING)
        return carry

    lax.fori_loop(0, (NBLK - 1) // NRING, round_, 0)
    process_block(NBLK - 1, 0, drain=jnp.bool_(True), next_load=None)

    for j in range(NRING):
        for r in range(RB):
            pltpu.make_async_copy(vals_v, hist_sh.at[idx_bufs[j][0]],
                                  ssems[j]).wait()

    plsc.subcore_barrier()

    @pl.when(jnp.logical_and(s == 0, c == 0))
    def _():
        pltpu.sync_copy(hist_sh, out0_h)

    @pl.when(jnp.logical_and(s == 0, c == 1))
    def _():
        pltpu.sync_copy(hist_sh, out1_h)

    @pl.when(jnp.logical_and(s == 1, c == 0))
    def _():
        pltpu.sync_copy(lcsum_sh, lc0_h)

    @pl.when(jnp.logical_and(s == 1, c == 1))
    def _():
        pltpu.sync_copy(lcsum_sh, lc1_h)


_hist = functools.partial(
    pl.kernel,
    out_type=[
        jax.ShapeDtypeStruct((V,), jnp.float32),
        jax.ShapeDtypeStruct((V,), jnp.float32),
        jax.ShapeDtypeStruct((L,), jnp.float32),
        jax.ShapeDtypeStruct((L,), jnp.float32),
    ],
    mesh=plsc.VectorSubcoreMesh(core_axis_name="c", subcore_axis_name="s"),
    scratch_types=[
        pltpu.VMEM_SHARED((V,), jnp.float32),
        pltpu.VMEM_SHARED((L,), jnp.float32),
        pltpu.VMEM((CPT,), jnp.int32),
        pltpu.VMEM((CPT,), jnp.float32),
        pltpu.VMEM((L,), jnp.float32),
        pltpu.VMEM((L,), jnp.int32),
        pltpu.VMEM((L,), jnp.float32),
        [[pltpu.VMEM((RB, 128), jnp.int32)
          for _ in range(G)] for _ in range(NRING)],
        [[pltpu.VMEM((CPT,), jnp.int32)
          for _ in range(RB)] for _ in range(NRING)],
        [pltpu.SemaphoreType.DMA] * NRING,
        [pltpu.SemaphoreType.DMA] * NRING,
    ],
)(_body)


def kernel(label, text, w_counts0, w_counts1):
    w0, w1, lc0v, lc1v = _hist(label.astype(jnp.int32),
                               text.astype(jnp.int32),
                               w_counts0, w_counts1)
    return w0, w1, lc0v[0].astype(jnp.int32), lc1v[0].astype(jnp.int32)

# --- scband reference (transcript-rebuilt; emitter-appended) ---
"""Pipeline reference for scband-mnb-13743895347515 (READ-ONLY COPY).

The authoritative reference and input builder live on the scoring server;
editing this copy changes nothing except your own understanding.
"""

import jax, jax.numpy as jnp
import numpy as np

V = 1000000
B = 16384
T = 200


def setup_inputs(seed: int = 0) -> dict:
    key = jax.random.key(seed)
    k1, k2 = jax.random.split(key)
    label = jax.random.randint(k1, (B,), 0, 2)
    text = jax.random.randint(k2, (T, B), 0, V)
    w_counts0 = jnp.zeros((V,), dtype=jnp.float32)
    w_counts1 = jnp.zeros((V,), dtype=jnp.float32)
    return {"label": label, "text": text, "w_counts0": w_counts0, "w_counts1": w_counts1}


def reference(label, text, w_counts0, w_counts1):
    # Faithful translation of MNB.train_sample:
    #   large_label = label.view(1,-1) * ones(T,1)  -> broadcast label across token dim
    #   Counter over text[large_label == lab] and accumulate into w_counts[lab]
    # The per-value Counter loop is exactly a masked scatter-add (histogram) over V bins.
    large_label = jnp.broadcast_to(label[None, :], text.shape)
    mask0 = (large_label == 0).astype(jnp.float32)
    mask1 = (large_label == 1).astype(jnp.float32)
    new_w0 = w_counts0.at[text].add(mask0)
    new_w1 = w_counts1.at[text].add(mask1)
    lc0 = (label == 0).sum()
    lc1 = (label == 1).sum()
    return (new_w0, new_w1, lc0, lc1)

if __name__ == "__main__":
    import jax
    _d = setup_inputs()
    print(jax.jit(kernel)(*tuple(_d.values())))

</pallas_src>

<mosaic_0001>
#map = affine_map<(d0, d1) -> (0)>
#map1 = affine_map<(d0, d1) -> (0, 0)>
module attributes {stable_mosaic.version = 14 : i64} {
  func.func @_body(%arg0: i32, %arg1: i32, %arg2: memref<16384xi32, #tpu.memory_space<hbm>>, %arg3: memref<200x16384xi32, #tpu.memory_space<hbm>>, %arg4: memref<1000000xf32, #tpu.memory_space<hbm>>, %arg5: memref<1000000xf32, #tpu.memory_space<hbm>>, %arg6: memref<1000000xf32, #tpu.memory_space<hbm>>, %arg7: memref<1000000xf32, #tpu.memory_space<hbm>>, %arg8: memref<16xf32, #tpu.memory_space<hbm>>, %arg9: memref<16xf32, #tpu.memory_space<hbm>>, %arg10: memref<1000000xf32, #tpu.memory_space<vmem_shared>>, %arg11: memref<16xf32, #tpu.memory_space<vmem_shared>>, %arg12: memref<1024xi32, #tpu.memory_space<vmem>>, %arg13: memref<1024xf32, #tpu.memory_space<vmem>>, %arg14: memref<16xf32, #tpu.memory_space<vmem>>, %arg15: memref<16xi32, #tpu.memory_space<vmem>>, %arg16: memref<16xf32, #tpu.memory_space<vmem>>, %arg17: memref<8x128xi32, #tpu.memory_space<vmem>>, %arg18: memref<8x128xi32, #tpu.memory_space<vmem>>, %arg19: memref<8x128xi32, #tpu.memory_space<vmem>>, %arg20: memref<8x128xi32, #tpu.memory_space<vmem>>, %arg21: memref<8x128xi32, #tpu.memory_space<vmem>>, %arg22: memref<8x128xi32, #tpu.memory_space<vmem>>, %arg23: memref<8x128xi32, #tpu.memory_space<vmem>>, %arg24: memref<8x128xi32, #tpu.memory_space<vmem>>, %arg25: memref<8x128xi32, #tpu.memory_space<vmem>>, %arg26: memref<8x128xi32, #tpu.memory_space<vmem>>, %arg27: memref<8x128xi32, #tpu.memory_space<vmem>>, %arg28: memref<8x128xi32, #tpu.memory_space<vmem>>, %arg29: memref<8x128xi32, #tpu.memory_space<vmem>>, %arg30: memref<8x128xi32, #tpu.memory_space<vmem>>, %arg31: memref<8x128xi32, #tpu.memory_space<vmem>>, %arg32: memref<8x128xi32, #tpu.memory_space<vmem>>, %arg33: memref<1024xi32, #tpu.memory_space<vmem>>, %arg34: memref<1024xi32, #tpu.memory_space<vmem>>, %arg35: memref<1024xi32, #tpu.memory_space<vmem>>, %arg36: memref<1024xi32, #tpu.memory_space<vmem>>, %arg37: memref<1024xi32, #tpu.memory_space<vmem>>, %arg38: memref<1024xi32, #tpu.memory_space<vmem>>, %arg39: memref<1024xi32, #tpu.memory_space<vmem>>, %arg40: memref<1024xi32, #tpu.memory_space<vmem>>, %arg41: memref<1024xi32, #tpu.memory_space<vmem>>, %arg42: memref<1024xi32, #tpu.memory_space<vmem>>, %arg43: memref<1024xi32, #tpu.memory_space<vmem>>, %arg44: memref<1024xi32, #tpu.memory_space<vmem>>, %arg45: memref<1024xi32, #tpu.memory_space<vmem>>, %arg46: memref<1024xi32, #tpu.memory_space<vmem>>, %arg47: memref<1024xi32, #tpu.memory_space<vmem>>, %arg48: memref<1024xi32, #tpu.memory_space<vmem>>, %arg49: memref<!tpu.dma_semaphore, #tpu.memory_space<semaphore_mem>>, %arg50: memref<!tpu.dma_semaphore, #tpu.memory_space<semaphore_mem>>, %arg51: memref<!tpu.dma_semaphore, #tpu.memory_space<semaphore_mem>>, %arg52: memref<!tpu.dma_semaphore, #tpu.memory_space<semaphore_mem>>) attributes {dimension_semantics = [#tpu.dimension_semantics<core_parallel>, #tpu.dimension_semantics<subcore_parallel>], iteration_bounds = array<i64: 2, 16>, scalar_prefetch = 0 : i64, scratch_operands = 43 : i64, tpu.core_type = #tpu.core_type<sc_vector_subcore>, window_params = [{transform_indices = #map}, {transform_indices = #map1}, {transform_indices = #map}, {transform_indices = #map}, {transform_indices = #map}, {transform_indices = #map}, {transform_indices = #map}, {transform_indices = #map}]} {
    %eq3A = arith.constant 0 : i32
    %eq3A_0 = arith.cmpi eq, %arg1, %eq3A : i32
    %eq3A_1 = arith.constant 0 : i32
    %eq3A_2 = arith.cmpi eq, %arg0, %eq3A_1 : i32
    %and3A = arith.andi %eq3A_0, %eq3A_2 : i1
    %convert_element_type3A = arith.extui %and3A : i1 to i32
    %cond3A = arith.constant 0 : i32
    %cond3A_3 = arith.cmpi ne, %convert_element_type3A, %cond3A : i32
    scf.if %cond3A_3 {
      "tpu.region"() ({
        %run_scoped3A = tpu.sem_alloc : memref<!tpu.dma_semaphore, #tpu.memory_space<semaphore_mem>>
        tpu.enqueue_dma source(%arg4 : memref<1000000xf32, #tpu.memory_space<hbm>>) target(%arg10 : memref<1000000xf32, #tpu.memory_space<vmem_shared>>) target_semaphore(%run_scoped3A : memref<!tpu.dma_semaphore, #tpu.memory_space<semaphore_mem>>)
        tpu.wait_dma2 semaphore(%run_scoped3A : memref<!tpu.dma_semaphore, #tpu.memory_space<semaphore_mem>>) src(%arg4 : memref<1000000xf32, #tpu.memory_space<hbm>>) dst(%arg10 : memref<1000000xf32, #tpu.memory_space<vmem_shared>>)
        tpu.yield
      }) : () -> ()
    } else {
    }
    %eq3A_4 = arith.constant 0 : i32
    %eq3A_5 = arith.cmpi eq, %arg1, %eq3A_4 : i32
    %eq3A_6 = arith.constant 1 : i32
    %eq3A_7 = arith.cmpi eq, %arg0, %eq3A_6 : i32
    %and3A_8 = arith.andi %eq3A_5, %eq3A_7 : i1
    %convert_element_type3A_9 = arith.extui %and3A_8 : i1 to i32
    %cond3A_10 = arith.constant 0 : i32
    %cond3A_11 = arith.cmpi ne, %convert_element_type3A_9, %cond3A_10 : i32
    scf.if %cond3A_11 {
      "tpu.region"() ({
        %run_scoped3A = tpu.sem_alloc : memref<!tpu.dma_semaphore, #tpu.memory_space<semaphore_mem>>
        tpu.enqueue_dma source(%arg5 : memref<1000000xf32, #tpu.memory_space<hbm>>) target(%arg10 : memref<1000000xf32, #tpu.memory_space<vmem_shared>>) target_semaphore(%run_scoped3A : memref<!tpu.dma_semaphore, #tpu.memory_space<semaphore_mem>>)
        tpu.wait_dma2 semaphore(%run_scoped3A : memref<!tpu.dma_semaphore, #tpu.memory_space<semaphore_mem>>) src(%arg5 : memref<1000000xf32, #tpu.memory_space<hbm>>) dst(%arg10 : memref<1000000xf32, #tpu.memory_space<vmem_shared>>)
        tpu.yield
      }) : () -> ()
    } else {
    }
    %mul3A = arith.constant 1024 : i32
    %mul3A_12 = arith.muli %arg1, %mul3A : i32
    "tpu.region"() ({
      %run_scoped3A = tpu.sem_alloc : memref<!tpu.dma_semaphore, #tpu.memory_space<semaphore_mem>>
      %dma_start3A_1254 = tpu.memref_slice %arg2[%mul3A_12] : memref<16384xi32, #tpu.memory_space<hbm>> -> memref<1024xi32, #tpu.memory_space<hbm>>
      %dma_start3A_1255 = tpu.memref_slice %arg2[%mul3A_12] : memref<16384xi32, #tpu.memory_space<hbm>> -> memref<1024xi32, #tpu.memory_space<hbm>>
      tpu.enqueue_dma source(%dma_start3A_1255 : memref<1024xi32, #tpu.memory_space<hbm>>) target(%arg12 : memref<1024xi32, #tpu.memory_space<vmem>>) target_semaphore(%run_scoped3A : memref<!tpu.dma_semaphore, #tpu.memory_space<semaphore_mem>>)
      %dma_wait3A_1256 = tpu.memref_slice %arg2[%mul3A_12] : memref<16384xi32, #tpu.memory_space<hbm>> -> memref<1024xi32, #tpu.memory_space<hbm>>
      %dma_wait3A_1257 = tpu.memref_slice %arg2[%mul3A_12] : memref<16384xi32, #tpu.memory_space<hbm>> -> memref<1024xi32, #tpu.memory_space<hbm>>
      tpu.wait_dma2 semaphore(%run_scoped3A : memref<!tpu.dma_semaphore, #tpu.memory_space<semaphore_mem>>) src(%dma_wait3A_1257 : memref<1024xi32, #tpu.memory_space<hbm>>) dst(%arg12 : memref<1024xi32, #tpu.memory_space<vmem>>)
      tpu.yield
    }) : () -> ()
    %broadcast_in_dim3A = arith.constant 0.000000e+00 : f32
    %broadcast_in_dim3A_13 = vector.broadcast %broadcast_in_dim3A : f32 to vector<16xf32>
    %get3A = arith.constant 0 : index
    %get3A_14 = tpu.vector_load %arg12[%get3A] {strides = array<i32>} : memref<1024xi32, #tpu.memory_space<vmem>>, vector<16xi32>,
    %get3A_15 = vector.shape_cast %get3A_14 : vector<16xi32> to vector<16xi32>
    %eq3A_16 = vector.broadcast %arg0 : i32 to vector<16xi32>
    %eq3A_17 = arith.cmpi eq, %get3A_15, %eq3A_16 : vector<16xi32>
    %jit3A = arith.constant 1.000000e+00 : f32
    %jit3A_18 = arith.constant 0.000000e+00 : f32
    %broadcast_in_dim3A_19 = vector.broadcast %jit3A : f32 to vector<16xf32>
    %broadcast_in_dim3A_20 = vector.broadcast %jit3A_18 : f32 to vector<16xf32>
    %select_n3A = arith.select %eq3A_17, %broadcast_in_dim3A_19, %broadcast_in_dim3A_20 : vector<16xi1>, vector<16xf32>
    %swap3A = arith.constant 0 : index
    %swap3A_21 = tpu.vector_load %arg13[%swap3A] {strides = array<i32>} : memref<1024xf32, #tpu.memory_space<vmem>>, vector<16xf32>,
    %swap3A_22 = vector.shape_cast %swap3A_21 : vector<16xf32> to vector<16xf32>
    %swap3A_23 = vector.shape_cast %select_n3A : vector<16xf32> to vector<16xf32>
    tpu.vector_store %arg13[%swap3A], %swap3A_23 {strides = array<i32>} : memref<1024xf32, #tpu.memory_space<vmem>>, vector<16xf32>,
    %add3A = arith.addf %broadcast_in_dim3A_13, %select_n3A : vector<16xf32>
    %get3A_24 = arith.constant 16 : index
    %get3A_25 = tpu.vector_load %arg12[%get3A_24] {strides = array<i32>} : memref<1024xi32, #tpu.memory_space<vmem>>, vector<16xi32>,
    %get3A_26 = vector.shape_cast %get3A_25 : vector<16xi32> to vector<16xi32>
    %eq3A_27 = vector.broadcast %arg0 : i32 to vector<16xi32>
    %eq3A_28 = arith.cmpi eq, %get3A_26, %eq3A_27 : vector<16xi32>
    %jit3A_29 = arith.constant 1.000000e+00 : f32
    %jit3A_30 = arith.constant 0.000000e+00 : f32
    %broadcast_in_dim3A_31 = vector.broadcast %jit3A_29 : f32 to vector<16xf32>
    %broadcast_in_dim3A_32 = vector.broadcast %jit3A_30 : f32 to vector<16xf32>
    %select_n3A_33 = arith.select %eq3A_28, %broadcast_in_dim3A_31, %broadcast_in_dim3A_32 : vector<16xi1>, vector<16xf32>
    %swap3A_34 = arith.constant 16 : index
    %swap3A_35 = tpu.vector_load %arg13[%swap3A_34] {strides = array<i32>} : memref<1024xf32, #tpu.memory_space<vmem>>, vector<16xf32>,
    %swap3A_36 = vector.shape_cast %swap3A_35 : vector<16xf32> to vector<16xf32>
    %swap3A_37 = vector.shape_cast %select_n3A_33 : vector<16xf32> to vector<16xf32>
    tpu.vector_store %arg13[%swap3A_34], %swap3A_37 {strides = array<i32>} : memref<1024xf32, #tpu.memory_space<vmem>>, vector<16xf32>,
    %add3A_38 = arith.addf %add3A, %select_n3A_33 : vector<16xf32>
    %get3A_39 = arith.constant 32 : index
    %get3A_40 = tpu.vector_load %arg12[%get3A_39] {strides = array<i32>} : memref<1024xi32, #tpu.memory_space<vmem>>, vector<16xi32>,
    %get3A_41 = vector.shape_cast %get3A_40 : vector<16xi32> to vector<16xi32>
    %eq3A_42 = vector.broadcast %arg0 : i32 to vector<16xi32>
    %eq3A_43 = arith.cmpi eq, %get3A_41, %eq3A_42 : vector<16xi32>
    %jit3A_44 = arith.constant 1.000000e+00 : f32
    %jit3A_45 = arith.constant 0.000000e+00 : f32
    %broadcast_in_dim3A_46 = vector.broadcast %jit3A_44 : f32 to vector<16xf32>
    %broadcast_in_dim3A_47 = vector.broadcast %jit3A_45 : f32 to vector<16xf32>
    %select_n3A_48 = arith.select %eq3A_43, %broadcast_in_dim3A_46, %broadcast_in_dim3A_47 : vector<16xi1>, vector<16xf32>
    %swap3A_49 = arith.constant 32 : index
    %swap3A_50 = tpu.vector_load %arg13[%swap3A_49] {strides = array<i32>} : memref<1024xf32, #tpu.memory_space<vmem>>, vector<16xf32>,
    %swap3A_51 = vector.shape_cast %swap3A_50 : vector<16xf32> to vector<16xf32>
    %swap3A_52 = vector.shape_cast %select_n3A_48 : vector<16xf32> to vector<16xf32>
    tpu.vector_store %arg13[%swap3A_49], %swap3A_52 {strides = array<i32>} : memref<1024xf32, #tpu.memory_space<vmem>>, vector<16xf32>,
    %add3A_53 = arith.addf %add3A_38, %select_n3A_48 : vector<16xf32>
    %get3A_54 = arith.constant 48 : index
    %get3A_55 = tpu.vector_load %arg12[%get3A_54] {strides = array<i32>} : memref<1024xi32, #tpu.memory_space<vmem>>, vector<16xi32>,
    %get3A_56 = vector.shape_cast %get3A_55 : vector<16xi32> to vector<16xi32>
    %eq3A_57 = vector.broadcast %arg0 : i32 to vector<16xi32>
    %eq3A_58 = arith.cmpi eq, %get3A_56, %eq3A_57 : vector<16xi32>
    %jit3A_59 = arith.constant 1.000000e+00 : f32
    %jit3A_60 = arith.constant 0.000000e+00 : f32
    %broadcast_in_dim3A_61 = vector.broadcast %jit3A_59 : f32 to vector<16xf32>
    %broadcast_in_dim3A_62 = vector.broadcast %jit3A_60 : f32 to vector<16xf32>
    %select_n3A_63 = arith.select %eq3A_58, %broadcast_in_dim3A_61, %broadcast_in_dim3A_62 : vector<16xi1>, vector<16xf32>
    %swap3A_64 = arith.constant 48 : index
    %swap3A_65 = tpu.vector_load %arg13[%swap3A_64] {strides = array<i32>} : memref<1024xf32, #tpu.memory_space<vmem>>, vector<16xf32>,
    %swap3A_66 = vector.shape_cast %swap3A_65 : vector<16xf32> to vector<16xf32>
    %swap3A_67 = vector.shape_cast %select_n3A_63 : vector<16xf32> to vector<16xf32>
    tpu.vector_store %arg13[%swap3A_64], %swap3A_67 {strides = array<i32>} : memref<1024xf32, #tpu.memory_space<vmem>>, vector<16xf32>,
    %add3A_68 = arith.addf %add3A_53, %select_n3A_63 : vector<16xf32>
    %get3A_69 = arith.constant 64 : index
    %get3A_70 = tpu.vector_load %arg12[%get3A_69] {strides = array<i32>} : memref<1024xi32, #tpu.memory_space<vmem>>, vector<16xi32>,
    %get3A_71 = vector.shape_cast %get3A_70 : vector<16xi32> to vector<16xi32>
    %eq3A_72 = vector.broadcast %arg0 : i32 to vector<16xi32>
    %eq3A_73 = arith.cmpi eq, %get3A_71, %eq3A_72 : vector<16xi32>
    %jit3A_74 = arith.constant 1.000000e+00 : f32
    %jit3A_75 = arith.constant 0.000000e+00 : f32
    %broadcast_in_dim3A_76 = vector.broadcast %jit3A_74 : f32 to vector<16xf32>
    %broadcast_in_dim3A_77 = vector.broadcast %jit3A_75 : f32 to vector<16xf32>
    %select_n3A_78 = arith.select %eq3A_73, %broadcast_in_dim3A_76, %broadcast_in_dim3A_77 : vector<16xi1>, vector<16xf32>
    %swap3A_79 = arith.constant 64 : index
    %swap3A_80 = tpu.vector_load %arg13[%swap3A_79] {strides = array<i32>} : memref<1024xf32, #tpu.memory_space<vmem>>, vector<16xf32>,
    %swap3A_81 = vector.shape_cast %swap3A_80 : vector<16xf32> to vector<16xf32>
    %swap3A_82 = vector.shape_cast %select_n3A_78 : vector<16xf32> to vector<16xf32>
    tpu.vector_store %arg13[%swap3A_79], %swap3A_82 {strides = array<i32>} : memref<1024xf32, #tpu.memory_space<vmem>>, vector<16xf32>,
    %add3A_83 = arith.addf %add3A_68, %select_n3A_78 : vector<16xf32>
    %get3A_84 = arith.constant 80 : index
    %get3A_85 = tpu.vector_load %arg12[%get3A_84] {strides = array<i32>} : memref<1024xi32, #tpu.memory_space<vmem>>, vector<16xi32>,
    %get3A_86 = vector.shape_cast %get3A_85 : vector<16xi32> to vector<16xi32>
    %eq3A_87 = vector.broadcast %arg0 : i32 to vector<16xi32>
    %eq3A_88 = arith.cmpi eq, %get3A_86, %eq3A_87 : vector<16xi32>
    %jit3A_89 = arith.constant 1.000000e+00 : f32
    %jit3A_90 = arith.constant 0.000000e+00 : f32
    %broadcast_in_dim3A_91 = vector.broadcast %jit3A_89 : f32 to vector<16xf32>
    %broadcast_in_dim3A_92 = vector.broadcast %jit3A_90 : f32 to vector<16xf32>
    %select_n3A_93 = arith.select %eq3A_88, %broadcast_in_dim3A_91, %broadcast_in_dim3A_92 : vector<16xi1>, vector<16xf32>
    %swap3A_94 = arith.constant 80 : index
    %swap3A_95 = tpu.vector_load %arg13[%swap3A_94] {strides = array<i32>} : memref<1024xf32, #tpu.memory_space<vmem>>, vector<16xf32>,
    %swap3A_96 = vector.shape_cast %swap3A_95 : vector<16xf32> to vector<16xf32>
    %swap3A_97 = vector.shape_cast %select_n3A_93 : vector<16xf32> to vector<16xf32>
    tpu.vector_store %arg13[%swap3A_94], %swap3A_97 {strides = array<i32>} : memref<1024xf32, #tpu.memory_space<vmem>>, vector<16xf32>,
    %add3A_98 = arith.addf %add3A_83, %select_n3A_93 : vector<16xf32>
    %get3A_99 = arith.constant 96 : index
    %get3A_100 = tpu.vector_load %arg12[%get3A_99] {strides = array<i32>} : memref<1024xi32, #tpu.memory_space<vmem>>, vector<16xi32>,
    %get3A_101 = vector.shape_cast %get3A_100 : vector<16xi32> to vector<16xi32>
    %eq3A_102 = vector.broadcast %arg0 : i32 to vector<16xi32>
    %eq3A_103 = arith.cmpi eq, %get3A_101, %eq3A_102 : vector<16xi32>
    %jit3A_104 = arith.constant 1.000000e+00 : f32
    %jit3A_105 = arith.constant 0.000000e+00 : f32
    %broadcast_in_dim3A_106 = vector.broadcast %jit3A_104 : f32 to vector<16xf32>
    %broadcast_in_dim3A_107 = vector.broadcast %jit3A_105 : f32 to vector<16xf32>
    %select_n3A_108 = arith.select %eq3A_103, %broadcast_in_dim3A_106, %broadcast_in_dim3A_107 : vector<16xi1>, vector<16xf32>
    %swap3A_109 = arith.constant 96 : index
    %swap3A_110 = tpu.vector_load %arg13[%swap3A_109] {strides = array<i32>} : memref<1024xf32, #tpu.memory_space<vmem>>, vector<16xf32>,
    %swap3A_111 = vector.shape_cast %swap3A_110 : vector<16xf32> to vector<16xf32>
    %swap3A_112 = vector.shape_cast %select_n3A_108 : vector<16xf32> to vector<16xf32>
    tpu.vector_store %arg13[%swap3A_109], %swap3A_112 {strides = array<i32>} : memref<1024xf32, #tpu.memory_space<vmem>>, vector<16xf32>,
    %add3A_113 = arith.addf %add3A_98, %select_n3A_108 : vector<16xf32>
    %get3A_114 = arith.constant 112 : index
    %get3A_115 = tpu.vector_load %arg12[%get3A_114] {strides = array<i32>} : memref<1024xi32, #tpu.memory_space<vmem>>, vector<16xi32>,
    %get3A_116 = vector.shape_cast %get3A_115 : vector<16xi32> to vector<16xi32>
    %eq3A_117 = vector.broadcast %arg0 : i32 to vector<16xi32>
    %eq3A_118 = arith.cmpi eq, %get3A_116, %eq3A_117 : vector<16xi32>
    %jit3A_119 = arith.constant 1.000000e+00 : f32
    %jit3A_120 = arith.constant 0.000000e+00 : f32
    %broadcast_in_dim3A_121 = vector.broadcast %jit3A_119 : f32 to vector<16xf32>
    %broadcast_in_dim3A_122 = vector.broadcast %jit3A_120 : f32 to vector<16xf32>
    %select_n3A_123 = arith.select %eq3A_118, %broadcast_in_dim3A_121, %broadcast_in_dim3A_122 : vector<16xi1>, vector<16xf32>
    %swap3A_124 = arith.constant 112 : index
    %swap3A_125 = tpu.vector_load %arg13[%swap3A_124] {strides = array<i32>} : memref<1024xf32, #tpu.memory_space<vmem>>, vector<16xf32>,
    %swap3A_126 = vector.shape_cast %swap3A_125 : vector<16xf32> to vector<16xf32>
    %swap3A_127 = vector.shape_cast %select_n3A_123 : vector<16xf32> to vector<16xf32>
    tpu.vector_store %arg13[%swap3A_124], %swap3A_127 {strides = array<i32>} : memref<1024xf32, #tpu.memory_space<vmem>>, vector<16xf32>,
    %add3A_128 = arith.addf %add3A_113, %select_n3A_123 : vector<16xf32>
    %get3A_129 = arith.constant 128 : index
    %get3A_130 = tpu.vector_load %arg12[%get3A_129] {strides = array<i32>} : memref<1024xi32, #tpu.memory_space<vmem>>, vector<16xi32>,
    %get3A_131 = vector.shape_cast %get3A_130 : vector<16xi32> to vector<16xi32>
    %eq3A_132 = vector.broadcast %arg0 : i32 to vector<16xi32>
    %eq3A_133 = arith.cmpi eq, %get3A_131, %eq3A_132 : vector<16xi32>
    %jit3A_134 = arith.constant 1.000000e+00 : f32
    %jit3A_135 = arith.constant 0.000000e+00 : f32
    %broadcast_in_dim3A_136 = vector.broadcast %jit3A_134 : f32 to vector<16xf32>
    %broadcast_in_dim3A_137 = vector.broadcast %jit3A_135 : f32 to vector<16xf32>
    %select_n3A_138 = arith.select %eq3A_133, %broadcast_in_dim3A_136, %broadcast_in_dim3A_137 : vector<16xi1>, vector<16xf32>
    %swap3A_139 = arith.constant 128 : index
    %swap3A_140 = tpu.vector_load %arg13[%swap3A_139] {strides = array<i32>} : memref<1024xf32, #tpu.memory_space<vmem>>, vector<16xf32>,
    %swap3A_141 = vector.shape_cast %swap3A_140 : vector<16xf32> to vector<16xf32>
    %swap3A_142 = vector.shape_cast %select_n3A_138 : vector<16xf32> to vector<16xf32>
    tpu.vector_store %arg13[%swap3A_139], %swap3A_142 {strides = array<i32>} : memref<1024xf32, #tpu.memory_space<vmem>>, vector<16xf32>,
    %add3A_143 = arith.addf %add3A_128, %select_n3A_138 : vector<16xf32>
    %get3A_144 = arith.constant 144 : index
    %get3A_145 = tpu.vector_load %arg12[%get3A_144] {strides = array<i32>} : memref<1024xi32, #tpu.memory_space<vmem>>, vector<16xi32>,
    %get3A_146 = vector.shape_cast %get3A_145 : vector<16xi32> to vector<16xi32>
    %eq3A_147 = vector.broadcast %arg0 : i32 to vector<16xi32>
    %eq3A_148 = arith.cmpi eq, %get3A_146, %eq3A_147 : vector<16xi32>
    %jit3A_149 = arith.constant 1.000000e+00 : f32
    %jit3A_150 = arith.constant 0.000000e+00 : f32
    %broadcast_in_dim3A_151 = vector.broadcast %jit3A_149 : f32 to vector<16xf32>
    %broadcast_in_dim3A_152 = vector.broadcast %jit3A_150 : f32 to vector<16xf32>
    %select_n3A_153 = arith.select %eq3A_148, %broadcast_in_dim3A_151, %broadcast_in_dim3A_152 : vector<16xi1>, vector<16xf32>
    %swap3A_154 = arith.constant 144 : index
    %swap3A_155 = tpu.vector_load %arg13[%swap3A_154] {strides = array<i32>} : memref<1024xf32, #tpu.memory_space<vmem>>, vector<16xf32>,
    %swap3A_156 = vector.shape_cast %swap3A_155 : vector<16xf32> to vector<16xf32>
    %swap3A_157 = vector.shape_cast %select_n3A_153 : vector<16xf32> to vector<16xf32>
    tpu.vector_store %arg13[%swap3A_154], %swap3A_157 {strides = array<i32>} : memref<1024xf32, #tpu.memory_space<vmem>>, vector<16xf32>,
    %add3A_158 = arith.addf %add3A_143, %select_n3A_153 : vector<16xf32>
    %get3A_159 = arith.constant 160 : index
    %get3A_160 = tpu.vector_load %arg12[%get3A_159] {strides = array<i32>} : memref<1024xi32, #tpu.memory_space<vmem>>, vector<16xi32>,
    %get3A_161 = vector.shape_cast %get3A_160 : vector<16xi32> to vector<16xi32>
    %eq3A_162 = vector.broadcast %arg0 : i32 to vector<16xi32>
    %eq3A_163 = arith.cmpi eq, %get3A_161, %eq3A_162 : vector<16xi32>
    %jit3A_164 = arith.constant 1.000000e+00 : f32
    %jit3A_165 = arith.constant 0.000000e+00 : f32
    %broadcast_in_dim3A_166 = vector.broadcast %jit3A_164 : f32 to vector<16xf32>
    %broadcast_in_dim3A_167 = vector.broadcast %jit3A_165 : f32 to vector<16xf32>
    %select_n3A_168 = arith.select %eq3A_163, %broadcast_in_dim3A_166, %broadcast_in_dim3A_167 : vector<16xi1>, vector<16xf32>
    %swap3A_169 = arith.constant 160 : index
    %swap3A_170 = tpu.vector_load %arg13[%swap3A_169] {strides = array<i32>} : memref<1024xf32, #tpu.memory_space<vmem>>, vector<16xf32>,
    %swap3A_171 = vector.shape_cast %swap3A_170 : vector<16xf32> to vector<16xf32>
    %swap3A_172 = vector.shape_cast %select_n3A_168 : vector<16xf32> to vector<16xf32>
    tpu.vector_store %arg13[%swap3A_169], %swap3A_172 {strides = array<i32>} : memref<1024xf32, #tpu.memory_space<vmem>>, vector<16xf32>,
    %add3A_173 = arith.addf %add3A_158, %select_n3A_168 : vector<16xf32>
    %get3A_174 = arith.constant 176 : index
    %get3A_175 = tpu.vector_load %arg12[%get3A_174] {strides = array<i32>} : memref<1024xi32, #tpu.memory_space<vmem>>, vector<16xi32>,
    %get3A_176 = vector.shape_cast %get3A_175 : vector<16xi32> to vector<16xi32>
    %eq3A_177 = vector.broadcast %arg0 : i32 to vector<16xi32>
    %eq3A_178 = arith.cmpi eq, %get3A_176, %eq3A_177 : vector<16xi32>
    %jit3A_179 = arith.constant 1.000000e+00 : f32
    %jit3A_180 = arith.constant 0.000000e+00 : f32
    %broadcast_in_dim3A_181 = vector.broadcast %jit3A_179 : f32 to vector<16xf32>
    %broadcast_in_dim3A_182 = vector.broadcast %jit3A_180 : f32 to vector<16xf32>
    %select_n3A_183 = arith.select %eq3A_178, %broadcast_in_dim3A_181, %broadcast_in_dim3A_182 : vector<16xi1>, vector<16xf32>
    %swap3A_184 = arith.constant 176 : index
    %swap3A_185 = tpu.vector_load %arg13[%swap3A_184] {strides = array<i32>} : memref<1024xf32, #tpu.memory_space<vmem>>, vector<16xf32>,
    %swap3A_186 = vector.shape_cast %swap3A_185 : vector<16xf32> to vector<16xf32>
    %swap3A_187 = vector.shape_cast %select_n3A_183 : vector<16xf32> to vector<16xf32>
    tpu.vector_store %arg13[%swap3A_184], %swap3A_187 {strides = array<i32>} : memref<1024xf32, #tpu.memory_space<vmem>>, vector<16xf32>,
    %add3A_188 = arith.addf %add3A_173, %select_n3A_183 : vector<16xf32>
    %get3A_189 = arith.constant 192 : index
    %get3A_190 = tpu.vector_load %arg12[%get3A_189] {strides = array<i32>} : memref<1024xi32, #tpu.memory_space<vmem>>, vector<16xi32>,
    %get3A_191 = vector.shape_cast %get3A_190 : vector<16xi32> to vector<16xi32>
    %eq3A_192 = vector.broadcast %arg0 : i32 to vector<16xi32>
    %eq3A_193 = arith.cmpi eq, %get3A_191, %eq3A_192 : vector<16xi32>
    %jit3A_194 = arith.constant 1.000000e+00 : f32
    %jit3A_195 = arith.constant 0.000000e+00 : f32
    %broadcast_in_dim3A_196 = vector.broadcast %jit3A_194 : f32 to vector<16xf32>
    %broadcast_in_dim3A_197 = vector.broadcast %jit3A_195 : f32 to vector<16xf32>
    %select_n3A_198 = arith.select %eq3A_193, %broadcast_in_dim3A_196, %broadcast_in_dim3A_197 : vector<16xi1>, vector<16xf32>
    %swap3A_199 = arith.constant 192 : index
    %swap3A_200 = tpu.vector_load %arg13[%swap3A_199] {strides = array<i32>} : memref<1024xf32, #tpu.memory_space<vmem>>, vector<16xf32>,
    %swap3A_201 = vector.shape_cast %swap3A_200 : vector<16xf32> to vector<16xf32>
    %swap3A_202 = vector.shape_cast %select_n3A_198 : vector<16xf32> to vector<16xf32>
    tpu.vector_store %arg13[%swap3A_199], %swap3A_202 {strides = array<i32>} : memref<1024xf32, #tpu.memory_space<vmem>>, vector<16xf32>,
    %add3A_203 = arith.addf %add3A_188, %select_n3A_198 : vector<16xf32>
    %get3A_204 = arith.constant 208 : index
    %get3A_205 = tpu.vector_load %arg12[%get3A_204] {strides = array<i32>} : memref<1024xi32, #tpu.memory_space<vmem>>, vector<16xi32>,
    %get3A_206 = vector.shape_cast %get3A_205 : vector<16xi32> to vector<16xi32>
    %eq3A_207 = vector.broadcast %arg0 : i32 to vector<16xi32>
    %eq3A_208 = arith.cmpi eq, %get3A_206, %eq3A_207 : vector<16xi32>
    %jit3A_209 = arith.constant 1.000000e+00 : f32
    %jit3A_210 = arith.constant 0.000000e+00 : f32
    %broadcast_in_dim3A_211 = vector.broadcast %jit3A_209 : f32 to vector<16xf32>
    %broadcast_in_dim3A_212 = vector.broadcast %jit3A_210 : f32 to vector<16xf32>
    %select_n3A_213 = arith.select %eq3A_208, %broadcast_in_dim3A_211, %broadcast_in_dim3A_212 : vector<16xi1>, vector<16xf32>
    %swap3A_214 = arith.constant 208 : index
    %swap3A_215 = tpu.vector_load %arg13[%swap3A_214] {strides = array<i32>} : memref<1024xf32, #tpu.memory_space<vmem>>, vector<16xf32>,
    %swap3A_216 = vector.shape_cast %swap3A_215 : vector<16xf32> to vector<16xf32>
    %swap3A_217 = vector.shape_cast %select_n3A_213 : vector<16xf32> to vector<16xf32>
    tpu.vector_store %arg13[%swap3A_214], %swap3A_217 {strides = array<i32>} : memref<1024xf32, #tpu.memory_space<vmem>>, vector<16xf32>,
    %add3A_218 = arith.addf %add3A_203, %select_n3A_213 : vector<16xf32>
    %get3A_219 = arith.constant 224 : index
    %get3A_220 = tpu.vector_load %arg12[%get3A_219] {strides = array<i32>} : memref<1024xi32, #tpu.memory_space<vmem>>, vector<16xi32>,
    %get3A_221 = vector.shape_cast %get3A_220 : vector<16xi32> to vector<16xi32>
    %eq3A_222 = vector.broadcast %arg0 : i32 to vector<16xi32>
    %eq3A_223 = arith.cmpi eq, %get3A_221, %eq3A_222 : vector<16xi32>
    %jit3A_224 = arith.constant 1.000000e+00 : f32
    %jit3A_225 = arith.constant 0.000000e+00 : f32
    %broadcast_in_dim3A_226 = vector.broadcast %jit3A_224 : f32 to vector<16xf32>
    %broadcast_in_dim3A_227 = vector.broadcast %jit3A_225 : f32 to vector<16xf32>
    %select_n3A_228 = arith.select %eq3A_223, %broadcast_in_dim3A_226, %broadcast_in_dim3A_227 : vector<16xi1>, vector<16xf32>
    %swap3A_229 = arith.constant 224 : index
    %swap3A_230 = tpu.vector_load %arg13[%swap3A_229] {strides = array<i32>} : memref<1024xf32, #tpu.memory_space<vmem>>, vector<16xf32>,
    %swap3A_231 = vector.shape_cast %swap3A_230 : vector<16xf32> to vector<16xf32>
    %swap3A_232 = vector.shape_cast %select_n3A_228 : vector<16xf32> to vector<16xf32>
    tpu.vector_store %arg13[%swap3A_229], %swap3A_232 {strides = array<i32>} : memref<1024xf32, #tpu.memory_space<vmem>>, vector<16xf32>,
    %add3A_233 = arith.addf %add3A_218, %select_n3A_228 : vector<16xf32>
    %get3A_234 = arith.constant 240 : index
    %get3A_235 = tpu.vector_load %arg12[%get3A_234] {strides = array<i32>} : memref<1024xi32, #tpu.memory_space<vmem>>, vector<16xi32>,
    %get3A_236 = vector.shape_cast %get3A_235 : vector<16xi32> to vector<16xi32>
    %eq3A_237 = vector.broadcast %arg0 : i32 to vector<16xi32>
    %eq3A_238 = arith.cmpi eq, %get3A_236, %eq3A_237 : vector<16xi32>
    %jit3A_239 = arith.constant 1.000000e+00 : f32
    %jit3A_240 = arith.constant 0.000000e+00 : f32
    %broadcast_in_dim3A_241 = vector.broadcast %jit3A_239 : f32 to vector<16xf32>
    %broadcast_in_dim3A_242 = vector.broadcast %jit3A_240 : f32 to vector<16xf32>
    %select_n3A_243 = arith.select %eq3A_238, %broadcast_in_dim3A_241, %broadcast_in_dim3A_242 : vector<16xi1>, vector<16xf32>
    %swap3A_244 = arith.constant 240 : index
    %swap3A_245 = tpu.vector_load %arg13[%swap3A_244] {strides = array<i32>} : memref<1024xf32, #tpu.memory_space<vmem>>, vector<16xf32>,
    %swap3A_246 = vector.shape_cast %swap3A_245 : vector<16xf32> to vector<16xf32>
    %swap3A_247 = vector.shape_cast %select_n3A_243 : vector<16xf32> to vector<16xf32>
    tpu.vector_store %arg13[%swap3A_244], %swap3A_247 {strides = array<i32>} : memref<1024xf32, #tpu.memory_space<vmem>>, vector<16xf32>,
    %add3A_248 = arith.addf %add3A_233, %select_n3A_243 : vector<16xf32>
    %get3A_249 = arith.constant 256 : index
    %get3A_250 = tpu.vector_load %arg12[%get3A_249] {strides = array<i32>} : memref<1024xi32, #tpu.memory_space<vmem>>, vector<16xi32>,
    %get3A_251 = vector.shape_cast %get3A_250 : vector<16xi32> to vector<16xi32>
    %eq3A_252 = vector.broadcast %arg0 : i32 to vector<16xi32>
    %eq3A_253 = arith.cmpi eq, %get3A_251, %eq3A_252 : vector<16xi32>
    %jit3A_254 = arith.constant 1.000000e+00 : f32
    %jit3A_255 = arith.constant 0.000000e+00 : f32
    %broadcast_in_dim3A_256 = vector.broadcast %jit3A_254 : f32 to vector<16xf32>
    %broadcast_in_dim3A_257 = vector.broadcast %jit3A_255 : f32 to vector<16xf32>
    %select_n3A_258 = arith.select %eq3A_253, %broadcast_in_dim3A_256, %broadcast_in_dim3A_257 : vector<16xi1>, vector<16xf32>
    %swap3A_259 = arith.constant 256 : index
    %swap3A_260 = tpu.vector_load %arg13[%swap3A_259] {strides = array<i32>} : memref<1024xf32, #tpu.memory_space<vmem>>, vector<16xf32>,
    %swap3A_261 = vector.shape_cast %swap3A_260 : vector<16xf32> to vector<16xf32>
    %swap3A_262 = vector.shape_cast %select_n3A_258 : vector<16xf32> to vector<16xf32>
    tpu.vector_store %arg13[%swap3A_259], %swap3A_262 {strides = array<i32>} : memref<1024xf32, #tpu.memory_space<vmem>>, vector<16xf32>,
    %add3A_263 = arith.addf %add3A_248, %select_n3A_258 : vector<16xf32>
    %get3A_264 = arith.constant 272 : index
    %get3A_265 = tpu.vector_load %arg12[%get3A_264] {strides = array<i32>} : memref<1024xi32, #tpu.memory_space<vmem>>, vector<16xi32>,
    %get3A_266 = vector.shape_cast %get3A_265 : vector<16xi32> to vector<16xi32>
    %eq3A_267 = vector.broadcast %arg0 : i32 to vector<16xi32>
    %eq3A_268 = arith.cmpi eq, %get3A_266, %eq3A_267 : vector<16xi32>
    %jit3A_269 = arith.constant 1.000000e+00 : f32
    %jit3A_270 = arith.constant 0.000000e+00 : f32
    %broadcast_in_dim3A_271 = vector.broadcast %jit3A_269 : f32 to vector<16xf32>
    %broadcast_in_dim3A_272 = vector.broadcast %jit3A_270 : f32 to vector<16xf32>
    %select_n3A_273 = arith.select %eq3A_268, %broadcast_in_dim3A_271, %broadcast_in_dim3A_272 : vector<16xi1>, vector<16xf32>
    %swap3A_274 = arith.constant 272 : index
    %swap3A_275 = tpu.vector_load %arg13[%swap3A_274] {strides = array<i32>} : memref<1024xf32, #tpu.memory_space<vmem>>, vector<16xf32>,
    %swap3A_276 = vector.shape_cast %swap3A_275 : vector<16xf32> to vector<16xf32>
    %swap3A_277 = vector.shape_cast %select_n3A_273 : vector<16xf32> to vector<16xf32>
    tpu.vector_store %arg13[%swap3A_274], %swap3A_277 {strides = array<i32>} : memref<1024xf32, #tpu.memory_space<vmem>>, vector<16xf32>,
    %add3A_278 = arith.addf %add3A_263, %select_n3A_273 : vector<16xf32>
    %get3A_279 = arith.constant 288 : index
    %get3A_280 = tpu.vector_load %arg12[%get3A_279] {strides = array<i32>} : memref<1024xi32, #tpu.memory_space<vmem>>, vector<16xi32>,
    %get3A_281 = vector.shape_cast %get3A_280 : vector<16xi32> to vector<16xi32>
    %eq3A_282 = vector.broadcast %arg0 : i32 to vector<16xi32>
    %eq3A_283 = arith.cmpi eq, %get3A_281, %eq3A_282 : vector<16xi32>
    %jit3A_284 = arith.constant 1.000000e+00 : f32
    %jit3A_285 = arith.constant 0.000000e+00 : f32
    %broadcast_in_dim3A_286 = vector.broadcast %jit3A_284 : f32 to vector<16xf32>
    %broadcast_in_dim3A_287 = vector.broadcast %jit3A_285 : f32 to vector<16xf32>
    %select_n3A_288 = arith.select %eq3A_283, %broadcast_in_dim3A_286, %broadcast_in_dim3A_287 : vector<16xi1>, vector<16xf32>
    %swap3A_289 = arith.constant 288 : index
    %swap3A_290 = tpu.vector_load %arg13[%swap3A_289] {strides = array<i32>} : memref<1024xf32, #tpu.memory_space<vmem>>, vector<16xf32>,
    %swap3A_291 = vector.shape_cast %swap3A_290 : vector<16xf32> to vector<16xf32>
    %swap3A_292 = vector.shape_cast %select_n3A_288 : vector<16xf32> to vector<16xf32>
    tpu.vector_store %arg13[%swap3A_289], %swap3A_292 {strides = array<i32>} : memref<1024xf32, #tpu.memory_space<vmem>>, vector<16xf32>,
    %add3A_293 = arith.addf %add3A_278, %select_n3A_288 : vector<16xf32>
    %get3A_294 = arith.constant 304 : index
    %get3A_295 = tpu.vector_load %arg12[%get3A_294] {strides = array<i32>} : memref<1024xi32, #tpu.memory_space<vmem>>, vector<16xi32>,
    %get3A_296 = vector.shape_cast %get3A_295 : vector<16xi32> to vector<16xi32>
    %eq3A_297 = vector.broadcast %arg0 : i32 to vector<16xi32>
    %eq3A_298 = arith.cmpi eq, %get3A_296, %eq3A_297 : vector<16xi32>
    %jit3A_299 = arith.constant 1.000000e+00 : f32
    %jit3A_300 = arith.constant 0.000000e+00 : f32
    %broadcast_in_dim3A_301 = vector.broadcast %jit3A_299 : f32 to vector<16xf32>
    %broadcast_in_dim3A_302 = vector.broadcast %jit3A_300 : f32 to vector<16xf32>
    %select_n3A_303 = arith.select %eq3A_298, %broadcast_in_dim3A_301, %broadcast_in_dim3A_302 : vector<16xi1>, vector<16xf32>
    %swap3A_304 = arith.constant 304 : index
    %swap3A_305 = tpu.vector_load %arg13[%swap3A_304] {strides = array<i32>} : memref<1024xf32, #tpu.memory_space<vmem>>, vector<16xf32>,
    %swap3A_306 = vector.shape_cast %swap3A_305 : vector<16xf32> to vector<16xf32>
    %swap3A_307 = vector.shape_cast %select_n3A_303 : vector<16xf32> to vector<16xf32>
    tpu.vector_store %arg13[%swap3A_304], %swap3A_307 {strides = array<i32>} : memref<1024xf32, #tpu.memory_space<vmem>>, vector<16xf32>,
    %add3A_308 = arith.addf %add3A_293, %select_n3A_303 : vector<16xf32>
    %get3A_309 = arith.constant 320 : index
    %get3A_310 = tpu.vector_load %arg12[%get3A_309] {strides = array<i32>} : memref<1024xi32, #tpu.memory_space<vmem>>, vector<16xi32>,
    %get3A_311 = vector.shape_cast %get3A_310 : vector<16xi32> to vector<16xi32>
    %eq3A_312 = vector.broadcast %arg0 : i32 to vector<16xi32>
    %eq3A_313 = arith.cmpi eq, %get3A_311, %eq3A_312 : vector<16xi32>
    %jit3A_314 = arith.constant 1.000000e+00 : f32
    %jit3A_315 = arith.constant 0.000000e+00 : f32
    %broadcast_in_dim3A_316 = vector.broadcast %jit3A_314 : f32 to vector<16xf32>
    %broadcast_in_dim3A_317 = vector.broadcast %jit3A_315 : f32 to vector<16xf32>
    %select_n3A_318 = arith.select %eq3A_313, %broadcast_in_dim3A_316, %broadcast_in_dim3A_317 : vector<16xi1>, vector<16xf32>
    %swap3A_319 = arith.constant 320 : index
    %swap3A_320 = tpu.vector_load %arg13[%swap3A_319] {strides = array<i32>} : memref<1024xf32, #tpu.memory_space<vmem>>, vector<16xf32>,
    %swap3A_321 = vector.shape_cast %swap3A_320 : vector<16xf32> to vector<16xf32>
    %swap3A_322 = vector.shape_cast %select_n3A_318 : vector<16xf32> to vector<16xf32>
    tpu.vector_store %arg13[%swap3A_319], %swap3A_322 {strides = array<i32>} : memref<1024xf32, #tpu.memory_space<vmem>>, vector<16xf32>,
    %add3A_323 = arith.addf %add3A_308, %select_n3A_318 : vector<16xf32>
    %get3A_324 = arith.constant 336 : index
    %get3A_325 = tpu.vector_load %arg12[%get3A_324] {strides = array<i32>} : memref<1024xi32, #tpu.memory_space<vmem>>, vector<16xi32>,
    %get3A_326 = vector.shape_cast %get3A_325 : vector<16xi32> to vector<16xi32>
    %eq3A_327 = vector.broadcast %arg0 : i32 to vector<16xi32>
    %eq3A_328 = arith.cmpi eq, %get3A_326, %eq3A_327 : vector<16xi32>
    %jit3A_329 = arith.constant 1.000000e+00 : f32
    %jit3A_330 = arith.constant 0.000000e+00 : f32
    %broadcast_in_dim3A_331 = vector.broadcast %jit3A_329 : f32 to vector<16xf32>
    %broadcast_in_dim3A_332 = vector.broadcast %jit3A_330 : f32 to vector<16xf32>
    %select_n3A_333 = arith.select %eq3A_328, %broadcast_in_dim3A_331, %broadcast_in_dim3A_332 : vector<16xi1>, vector<16xf32>
    %swap3A_334 = arith.constant 336 : index
    %swap3A_335 = tpu.vector_load %arg13[%swap3A_334] {strides = array<i32>} : memref<1024xf32, #tpu.memory_space<vmem>>, vector<16xf32>,
    %swap3A_336 = vector.shape_cast %swap3A_335 : vector<16xf32> to vector<16xf32>
    %swap3A_337 = vector.shape_cast %select_n3A_333 : vector<16xf32> to vector<16xf32>
    tpu.vector_store %arg13[%swap3A_334], %swap3A_337 {strides = array<i32>} : memref<1024xf32, #tpu.memory_space<vmem>>, vector<16xf32>,
    %add3A_338 = arith.addf %add3A_323, %select_n3A_333 : vector<16xf32>
    %get3A_339 = arith.constant 352 : index
    %get3A_340 = tpu.vector_load %arg12[%get3A_339] {strides = array<i32>} : memref<1024xi32, #tpu.memory_space<vmem>>, vector<16xi32>,
    %get3A_341 = vector.shape_cast %get3A_340 : vector<16xi32> to vector<16xi32>
    %eq3A_342 = vector.broadcast %arg0 : i32 to vector<16xi32>
    %eq3A_343 = arith.cmpi eq, %get3A_341, %eq3A_342 : vector<16xi32>
    %jit3A_344 = arith.constant 1.000000e+00 : f32
    %jit3A_345 = arith.constant 0.000000e+00 : f32
    %broadcast_in_dim3A_346 = vector.broadcast %jit3A_344 : f32 to vector<16xf32>
    %broadcast_in_dim3A_347 = vector.broadcast %jit3A_345 : f32 to vector<16xf32>
    %select_n3A_348 = arith.select %eq3A_343, %broadcast_in_dim3A_346, %broadcast_in_dim3A_347 : vector<16xi1>, vector<16xf32>
    %swap3A_349 = arith.constant 352 : index
    %swap3A_350 = tpu.vector_load %arg13[%swap3A_349] {strides = array<i32>} : memref<1024xf32, #tpu.memory_space<vmem>>, vector<16xf32>,
    %swap3A_351 = vector.shape_cast %swap3A_350 : vector<16xf32> to vector<16xf32>
    %swap3A_352 = vector.shape_cast %select_n3A_348 : vector<16xf32> to vector<16xf32>
    tpu.vector_store %arg13[%swap3A_349], %swap3A_352 {strides = array<i32>} : memref<1024xf32, #tpu.memory_space<vmem>>, vector<16xf32>,
    %add3A_353 = arith.addf %add3A_338, %select_n3A_348 : vector<16xf32>
    %get3A_354 = arith.constant 368 : index
    %get3A_355 = tpu.vector_load %arg12[%get3A_354] {strides = array<i32>} : memref<1024xi32, #tpu.memory_space<vmem>>, vector<16xi32>,
    %get3A_356 = vector.shape_cast %get3A_355 : vector<16xi32> to vector<16xi32>
    %eq3A_357 = vector.broadcast %arg0 : i32 to vector<16xi32>
    %eq3A_358 = arith.cmpi eq, %get3A_356, %eq3A_357 : vector<16xi32>
    %jit3A_359 = arith.constant 1.000000e+00 : f32
    %jit3A_360 = arith.constant 0.000000e+00 : f32
    %broadcast_in_dim3A_361 = vector.broadcast %jit3A_359 : f32 to vector<16xf32>
    %broadcast_in_dim3A_362 = vector.broadcast %jit3A_360 : f32 to vector<16xf32>
    %select_n3A_363 = arith.select %eq3A_358, %broadcast_in_dim3A_361, %broadcast_in_dim3A_362 : vector<16xi1>, vector<16xf32>
    %swap3A_364 = arith.constant 368 : index
    %swap3A_365 = tpu.vector_load %arg13[%swap3A_364] {strides = array<i32>} : memref<1024xf32, #tpu.memory_space<vmem>>, vector<16xf32>,
    %swap3A_366 = vector.shape_cast %swap3A_365 : vector<16xf32> to vector<16xf32>
    %swap3A_367 = vector.shape_cast %select_n3A_363 : vector<16xf32> to vector<16xf32>
    tpu.vector_store %arg13[%swap3A_364], %swap3A_367 {strides = array<i32>} : memref<1024xf32, #tpu.memory_space<vmem>>, vector<16xf32>,
    %add3A_368 = arith.addf %add3A_353, %select_n3A_363 : vector<16xf32>
    %get3A_369 = arith.constant 384 : index
    %get3A_370 = tpu.vector_load %arg12[%get3A_369] {strides = array<i32>} : memref<1024xi32, #tpu.memory_space<vmem>>, vector<16xi32>,
    %get3A_371 = vector.shape_cast %get3A_370 : vector<16xi32> to vector<16xi32>
    %eq3A_372 = vector.broadcast %arg0 : i32 to vector<16xi32>
    %eq3A_373 = arith.cmpi eq, %get3A_371, %eq3A_372 : vector<16xi32>
    %jit3A_374 = arith.constant 1.000000e+00 : f32
    %jit3A_375 = arith.constant 0.000000e+00 : f32
    %broadcast_in_dim3A_376 = vector.broadcast %jit3A_374 : f32 to vector<16xf32>
    %broadcast_in_dim3A_377 = vector.broadcast %jit3A_375 : f32 to vector<16xf32>
    %select_n3A_378 = arith.select %eq3A_373, %broadcast_in_dim3A_376, %broadcast_in_dim3A_377 : vector<16xi1>, vector<16xf32>
    %swap3A_379 = arith.constant 384 : index
    %swap3A_380 = tpu.vector_load %arg13[%swap3A_379] {strides = array<i32>} : memref<1024xf32, #tpu.memory_space<vmem>>, vector<16xf32>,
    %swap3A_381 = vector.shape_cast %swap3A_380 : vector<16xf32> to vector<16xf32>
    %swap3A_382 = vector.shape_cast %select_n3A_378 : vector<16xf32> to vector<16xf32>
    tpu.vector_store %arg13[%swap3A_379], %swap3A_382 {strides = array<i32>} : memref<1024xf32, #tpu.memory_space<vmem>>, vector<16xf32>,
    %add3A_383 = arith.addf %add3A_368, %select_n3A_378 : vector<16xf32>
    %get3A_384 = arith.constant 400 : index
    %get3A_385 = tpu.vector_load %arg12[%get3A_384] {strides = array<i32>} : memref<1024xi32, #tpu.memory_space<vmem>>, vector<16xi32>,
    %get3A_386 = vector.shape_cast %get3A_385 : vector<16xi32> to vector<16xi32>
    %eq3A_387 = vector.broadcast %arg0 : i32 to vector<16xi32>
    %eq3A_388 = arith.cmpi eq, %get3A_386, %eq3A_387 : vector<16xi32>
    %jit3A_389 = arith.constant 1.000000e+00 : f32
    %jit3A_390 = arith.constant 0.000000e+00 : f32
    %broadcast_in_dim3A_391 = vector.broadcast %jit3A_389 : f32 to vector<16xf32>
    %broadcast_in_dim3A_392 = vector.broadcast %jit3A_390 : f32 to vector<16xf32>
    %select_n3A_393 = arith.select %eq3A_388, %broadcast_in_dim3A_391, %broadcast_in_dim3A_392 : vector<16xi1>, vector<16xf32>
    %swap3A_394 = arith.constant 400 : index
    %swap3A_395 = tpu.vector_load %arg13[%swap3A_394] {strides = array<i32>} : memref<1024xf32, #tpu.memory_space<vmem>>, vector<16xf32>,
    %swap3A_396 = vector.shape_cast %swap3A_395 : vector<16xf32> to vector<16xf32>
    %swap3A_397 = vector.shape_cast %select_n3A_393 : vector<16xf32> to vector<16xf32>
    tpu.vector_store %arg13[%swap3A_394], %swap3A_397 {strides = array<i32>} : memref<1024xf32, #tpu.memory_space<vmem>>, vector<16xf32>,
    %add3A_398 = arith.addf %add3A_383, %select_n3A_393 : vector<16xf32>
    %get3A_399 = arith.constant 416 : index
    %get3A_400 = tpu.vector_load %arg12[%get3A_399] {strides = array<i32>} : memref<1024xi32, #tpu.memory_space<vmem>>, vector<16xi32>,
    %get3A_401 = vector.shape_cast %get3A_400 : vector<16xi32> to vector<16xi32>
    %eq3A_402 = vector.broadcast %arg0 : i32 to vector<16xi32>
    %eq3A_403 = arith.cmpi eq, %get3A_401, %eq3A_402 : vector<16xi32>
    %jit3A_404 = arith.constant 1.000000e+00 : f32
    %jit3A_405 = arith.constant 0.000000e+00 : f32
    %broadcast_in_dim3A_406 = vector.broadcast %jit3A_404 : f32 to vector<16xf32>
    %broadcast_in_dim3A_407 = vector.broadcast %jit3A_405 : f32 to vector<16xf32>
    %select_n3A_408 = arith.select %eq3A_403, %broadcast_in_dim3A_406, %broadcast_in_dim3A_407 : vector<16xi1>, vector<16xf32>
    %swap3A_409 = arith.constant 416 : index
    %swap3A_410 = tpu.vector_load %arg13[%swap3A_409] {strides = array<i32>} : memref<1024xf32, #tpu.memory_space<vmem>>, vector<16xf32>,
    %swap3A_411 = vector.shape_cast %swap3A_410 : vector<16xf32> to vector<16xf32>
    %swap3A_412 = vector.shape_cast %select_n3A_408 : vector<16xf32> to vector<16xf32>
    tpu.vector_store %arg13[%swap3A_409], %swap3A_412 {strides = array<i32>} : memref<1024xf32, #tpu.memory_space<vmem>>, vector<16xf32>,
    %add3A_413 = arith.addf %add3A_398, %select_n3A_408 : vector<16xf32>
    %get3A_414 = arith.constant 432 : index
    %get3A_415 = tpu.vector_load %arg12[%get3A_414] {strides = array<i32>} : memref<1024xi32, #tpu.memory_space<vmem>>, vector<16xi32>,
    %get3A_416 = vector.shape_cast %get3A_415 : vector<16xi32> to vector<16xi32>
    %eq3A_417 = vector.broadcast %arg0 : i32 to vector<16xi32>
    %eq3A_418 = arith.cmpi eq, %get3A_416, %eq3A_417 : vector<16xi32>
    %jit3A_419 = arith.constant 1.000000e+00 : f32
    %jit3A_420 = arith.constant 0.000000e+00 : f32
    %broadcast_in_dim3A_421 = vector.broadcast %jit3A_419 : f32 to vector<16xf32>
    %broadcast_in_dim3A_422 = vector.broadcast %jit3A_420 : f32 to vector<16xf32>
    %select_n3A_423 = arith.select %eq3A_418, %broadcast_in_dim3A_421, %broadcast_in_dim3A_422 : vector<16xi1>, vector<16xf32>
    %swap3A_424 = arith.constant 432 : index
    %swap3A_425 = tpu.vector_load %arg13[%swap3A_424] {strides = array<i32>} : memref<1024xf32, #tpu.memory_space<vmem>>, vector<16xf32>,
    %swap3A_426 = vector.shape_cast %swap3A_425 : vector<16xf32> to vector<16xf32>
    %swap3A_427 = vector.shape_cast %select_n3A_423 : vector<16xf32> to vector<16xf32>
    tpu.vector_store %arg13[%swap3A_424], %swap3A_427 {strides = array<i32>} : memref<1024xf32, #tpu.memory_space<vmem>>, vector<16xf32>,
    %add3A_428 = arith.addf %add3A_413, %select_n3A_423 : vector<16xf32>
    %get3A_429 = arith.constant 448 : index
    %get3A_430 = tpu.vector_load %arg12[%get3A_429] {strides = array<i32>} : memref<1024xi32, #tpu.memory_space<vmem>>, vector<16xi32>,
    %get3A_431 = vector.shape_cast %get3A_430 : vector<16xi32> to vector<16xi32>
    %eq3A_432 = vector.broadcast %arg0 : i32 to vector<16xi32>
    %eq3A_433 = arith.cmpi eq, %get3A_431, %eq3A_432 : vector<16xi32>
    %jit3A_434 = arith.constant 1.000000e+00 : f32
    %jit3A_435 = arith.constant 0.000000e+00 : f32
    %broadcast_in_dim3A_436 = vector.broadcast %jit3A_434 : f32 to vector<16xf32>
    %broadcast_in_dim3A_437 = vector.broadcast %jit3A_435 : f32 to vector<16xf32>
    %select_n3A_438 = arith.select %eq3A_433, %broadcast_in_dim3A_436, %broadcast_in_dim3A_437 : vector<16xi1>, vector<16xf32>
    %swap3A_439 = arith.constant 448 : index
    %swap3A_440 = tpu.vector_load %arg13[%swap3A_439] {strides = array<i32>} : memref<1024xf32, #tpu.memory_space<vmem>>, vector<16xf32>,
    %swap3A_441 = vector.shape_cast %swap3A_440 : vector<16xf32> to vector<16xf32>
    %swap3A_442 = vector.shape_cast %select_n3A_438 : vector<16xf32> to vector<16xf32>
    tpu.vector_store %arg13[%swap3A_439], %swap3A_442 {strides = array<i32>} : memref<1024xf32, #tpu.memory_space<vmem>>, vector<16xf32>,
    %add3A_443 = arith.addf %add3A_428, %select_n3A_438 : vector<16xf32>
    %get3A_444 = arith.constant 464 : index
    %get3A_445 = tpu.vector_load %arg12[%get3A_444] {strides = array<i32>} : memref<1024xi32, #tpu.memory_space<vmem>>, vector<16xi32>,
    %get3A_446 = vector.shape_cast %get3A_445 : vector<16xi32> to vector<16xi32>
    %eq3A_447 = vector.broadcast %arg0 : i32 to vector<16xi32>
    %eq3A_448 = arith.cmpi eq, %get3A_446, %eq3A_447 : vector<16xi32>
    %jit3A_449 = arith.constant 1.000000e+00 : f32
    %jit3A_450 = arith.constant 0.000000e+00 : f32
    %broadcast_in_dim3A_451 = vector.broadcast %jit3A_449 : f32 to vector<16xf32>
    %broadcast_in_dim3A_452 = vector.broadcast %jit3A_450 : f32 to vector<16xf32>
    %select_n3A_453 = arith.select %eq3A_448, %broadcast_in_dim3A_451, %broadcast_in_dim3A_452 : vector<16xi1>, vector<16xf32>
    %swap3A_454 = arith.constant 464 : index
    %swap3A_455 = tpu.vector_load %arg13[%swap3A_454] {strides = array<i32>} : memref<1024xf32, #tpu.memory_space<vmem>>, vector<16xf32>,
    %swap3A_456 = vector.shape_cast %swap3A_455 : vector<16xf32> to vector<16xf32>
    %swap3A_457 = vector.shape_cast %select_n3A_453 : vector<16xf32> to vector<16xf32>
    tpu.vector_store %arg13[%swap3A_454], %swap3A_457 {strides = array<i32>} : memref<1024xf32, #tpu.memory_space<vmem>>, vector<16xf32>,
    %add3A_458 = arith.addf %add3A_443, %select_n3A_453 : vector<16xf32>
    %get3A_459 = arith.constant 480 : index
    %get3A_460 = tpu.vector_load %arg12[%get3A_459] {strides = array<i32>} : memref<1024xi32, #tpu.memory_space<vmem>>, vector<16xi32>,
    %get3A_461 = vector.shape_cast %get3A_460 : vector<16xi32> to vector<16xi32>
    %eq3A_462 = vector.broadcast %arg0 : i32 to vector<16xi32>
    %eq3A_463 = arith.cmpi eq, %get3A_461, %eq3A_462 : vector<16xi32>
    %jit3A_464 = arith.constant 1.000000e+00 : f32
    %jit3A_465 = arith.constant 0.000000e+00 : f32
    %broadcast_in_dim3A_466 = vector.broadcast %jit3A_464 : f32 to vector<16xf32>
    %broadcast_in_dim3A_467 = vector.broadcast %jit3A_465 : f32 to vector<16xf32>
    %select_n3A_468 = arith.select %eq3A_463, %broadcast_in_dim3A_466, %broadcast_in_dim3A_467 : vector<16xi1>, vector<16xf32>
    %swap3A_469 = arith.constant 480 : index
    %swap3A_470 = tpu.vector_load %arg13[%swap3A_469] {strides = array<i32>} : memref<1024xf32, #tpu.memory_space<vmem>>, vector<16xf32>,
    %swap3A_471 = vector.shape_cast %swap3A_470 : vector<16xf32> to vector<16xf32>
    %swap3A_472 = vector.shape_cast %select_n3A_468 : vector<16xf32> to vector<16xf32>
    tpu.vector_store %arg13[%swap3A_469], %swap3A_472 {strides = array<i32>} : memref<1024xf32, #tpu.memory_space<vmem>>, vector<16xf32>,
    %add3A_473 = arith.addf %add3A_458, %select_n3A_468 : vector<16xf32>
    %get3A_474 = arith.constant 496 : index
    %get3A_475 = tpu.vector_load %arg12[%get3A_474] {strides = array<i32>} : memref<1024xi32, #tpu.memory_space<vmem>>, vector<16xi32>,
    %get3A_476 = vector.shape_cast %get3A_475 : vector<16xi32> to vector<16xi32>
    %eq3A_477 = vector.broadcast %arg0 : i32 to vector<16xi32>
    %eq3A_478 = arith.cmpi eq, %get3A_476, %eq3A_477 : vector<16xi32>
    %jit3A_479 = arith.constant 1.000000e+00 : f32
    %jit3A_480 = arith.constant 0.000000e+00 : f32
    %broadcast_in_dim3A_481 = vector.broadcast %jit3A_479 : f32 to vector<16xf32>
    %broadcast_in_dim3A_482 = vector.broadcast %jit3A_480 : f32 to vector<16xf32>
    %select_n3A_483 = arith.select %eq3A_478, %broadcast_in_dim3A_481, %broadcast_in_dim3A_482 : vector<16xi1>, vector<16xf32>
    %swap3A_484 = arith.constant 496 : index
    %swap3A_485 = tpu.vector_load %arg13[%swap3A_484] {strides = array<i32>} : memref<1024xf32, #tpu.memory_space<vmem>>, vector<16xf32>,
    %swap3A_486 = vector.shape_cast %swap3A_485 : vector<16xf32> to vector<16xf32>
    %swap3A_487 = vector.shape_cast %select_n3A_483 : vector<16xf32> to vector<16xf32>
    tpu.vector_store %arg13[%swap3A_484], %swap3A_487 {strides = array<i32>} : memref<1024xf32, #tpu.memory_space<vmem>>, vector<16xf32>,
    %add3A_488 = arith.addf %add3A_473, %select_n3A_483 : vector<16xf32>
    %get3A_489 = arith.constant 512 : index
    %get3A_490 = tpu.vector_load %arg12[%get3A_489] {strides = array<i32>} : memref<1024xi32, #tpu.memory_space<vmem>>, vector<16xi32>,
    %get3A_491 = vector.shape_cast %get3A_490 : vector<16xi32> to vector<16xi32>
    %eq3A_492 = vector.broadcast %arg0 : i32 to vector<16xi32>
    %eq3A_493 = arith.cmpi eq, %get3A_491, %eq3A_492 : vector<16xi32>
    %jit3A_494 = arith.constant 1.000000e+00 : f32
    %jit3A_495 = arith.constant 0.000000e+00 : f32
    %broadcast_in_dim3A_496 = vector.broadcast %jit3A_494 : f32 to vector<16xf32>
    %broadcast_in_dim3A_497 = vector.broadcast %jit3A_495 : f32 to vector<16xf32>
    %select_n3A_498 = arith.select %eq3A_493, %broadcast_in_dim3A_496, %broadcast_in_dim3A_497 : vector<16xi1>, vector<16xf32>
    %swap3A_499 = arith.constant 512 : index
    %swap3A_500 = tpu.vector_load %arg13[%swap3A_499] {strides = array<i32>} : memref<1024xf32, #tpu.memory_space<vmem>>, vector<16xf32>,
    %swap3A_501 = vector.shape_cast %swap3A_500 : vector<16xf32> to vector<16xf32>
    %swap3A_502 = vector.shape_cast %select_n3A_498 : vector<16xf32> to vector<16xf32>
    tpu.vector_store %arg13[%swap3A_499], %swap3A_502 {strides = array<i32>} : memref<1024xf32, #tpu.memory_space<vmem>>, vector<16xf32>,
    %add3A_503 = arith.addf %add3A_488, %select_n3A_498 : vector<16xf32>
    %get3A_504 = arith.constant 528 : index
    %get3A_505 = tpu.vector_load %arg12[%get3A_504] {strides = array<i32>} : memref<1024xi32, #tpu.memory_space<vmem>>, vector<16xi32>,
    %get3A_506 = vector.shape_cast %get3A_505 : vector<16xi32> to vector<16xi32>
    %eq3A_507 = vector.broadcast %arg0 : i32 to vector<16xi32>
    %eq3A_508 = arith.cmpi eq, %get3A_506, %eq3A_507 : vector<16xi32>
    %jit3A_509 = arith.constant 1.000000e+00 : f32
    %jit3A_510 = arith.constant 0.000000e+00 : f32
    %broadcast_in_dim3A_511 = vector.broadcast %jit3A_509 : f32 to vector<16xf32>
    %broadcast_in_dim3A_512 = vector.broadcast %jit3A_510 : f32 to vector<16xf32>
    %select_n3A_513 = arith.select %eq3A_508, %broadcast_in_dim3A_511, %broadcast_in_dim3A_512 : vector<16xi1>, vector<16xf32>
    %swap3A_514 = arith.constant 528 : index
    %swap3A_515 = tpu.vector_load %arg13[%swap3A_514] {strides = array<i32>} : memref<1024xf32, #tpu.memory_space<vmem>>, vector<16xf32>,
    %swap3A_516 = vector.shape_cast %swap3A_515 : vector<16xf32> to vector<16xf32>
    %swap3A_517 = vector.shape_cast %select_n3A_513 : vector<16xf32> to vector<16xf32>
    tpu.vector_store %arg13[%swap3A_514], %swap3A_517 {strides = array<i32>} : memref<1024xf32, #tpu.memory_space<vmem>>, vector<16xf32>,
    %add3A_518 = arith.addf %add3A_503, %select_n3A_513 : vector<16xf32>
    %get3A_519 = arith.constant 544 : index
    %get3A_520 = tpu.vector_load %arg12[%get3A_519] {strides = array<i32>} : memref<1024xi32, #tpu.memory_space<vmem>>, vector<16xi32>,
    %get3A_521 = vector.shape_cast %get3A_520 : vector<16xi32> to vector<16xi32>
    %eq3A_522 = vector.broadcast %arg0 : i32 to vector<16xi32>
    %eq3A_523 = arith.cmpi eq, %get3A_521, %eq3A_522 : vector<16xi32>
    %jit3A_524 = arith.constant 1.000000e+00 : f32
    %jit3A_525 = arith.constant 0.000000e+00 : f32
    %broadcast_in_dim3A_526 = vector.broadcast %jit3A_524 : f32 to vector<16xf32>
    %broadcast_in_dim3A_527 = vector.broadcast %jit3A_525 : f32 to vector<16xf32>
    %select_n3A_528 = arith.select %eq3A_523, %broadcast_in_dim3A_526, %broadcast_in_dim3A_527 : vector<16xi1>, vector<16xf32>
    %swap3A_529 = arith.constant 544 : index
    %swap3A_530 = tpu.vector_load %arg13[%swap3A_529] {strides = array<i32>} : memref<1024xf32, #tpu.memory_space<vmem>>, vector<16xf32>,
    %swap3A_531 = vector.shape_cast %swap3A_530 : vector<16xf32> to vector<16xf32>
    %swap3A_532 = vector.shape_cast %select_n3A_528 : vector<16xf32> to vector<16xf32>
    tpu.vector_store %arg13[%swap3A_529], %swap3A_532 {strides = array<i32>} : memref<1024xf32, #tpu.memory_space<vmem>>, vector<16xf32>,
    %add3A_533 = arith.addf %add3A_518, %select_n3A_528 : vector<16xf32>
    %get3A_534 = arith.constant 560 : index
    %get3A_535 = tpu.vector_load %arg12[%get3A_534] {strides = array<i32>} : memref<1024xi32, #tpu.memory_space<vmem>>, vector<16xi32>,
    %get3A_536 = vector.shape_cast %get3A_535 : vector<16xi32> to vector<16xi32>
    %eq3A_537 = vector.broadcast %arg0 : i32 to vector<16xi32>
    %eq3A_538 = arith.cmpi eq, %get3A_536, %eq3A_537 : vector<16xi32>
    %jit3A_539 = arith.constant 1.000000e+00 : f32
    %jit3A_540 = arith.constant 0.000000e+00 : f32
    %broadcast_in_dim3A_541 = vector.broadcast %jit3A_539 : f32 to vector<16xf32>
    %broadcast_in_dim3A_542 = vector.broadcast %jit3A_540 : f32 to vector<16xf32>
    %select_n3A_543 = arith.select %eq3A_538, %broadcast_in_dim3A_541, %broadcast_in_dim3A_542 : vector<16xi1>, vector<16xf32>
    %swap3A_544 = arith.constant 560 : index
    %swap3A_545 = tpu.vector_load %arg13[%swap3A_544] {strides = array<i32>} : memref<1024xf32, #tpu.memory_space<vmem>>, vector<16xf32>,
    %swap3A_546 = vector.shape_cast %swap3A_545 : vector<16xf32> to vector<16xf32>
    %swap3A_547 = vector.shape_cast %select_n3A_543 : vector<16xf32> to vector<16xf32>
    tpu.vector_store %arg13[%swap3A_544], %swap3A_547 {strides = array<i32>} : memref<1024xf32, #tpu.memory_space<vmem>>, vector<16xf32>,
    %add3A_548 = arith.addf %add3A_533, %select_n3A_543 : vector<16xf32>
    %get3A_549 = arith.constant 576 : index
    %get3A_550 = tpu.vector_load %arg12[%get3A_549] {strides = array<i32>} : memref<1024xi32, #tpu.memory_space<vmem>>, vector<16xi32>,
    %get3A_551 = vector.shape_cast %get3A_550 : vector<16xi32> to vector<16xi32>
    %eq3A_552 = vector.broadcast %arg0 : i32 to vector<16xi32>
    %eq3A_553 = arith.cmpi eq, %get3A_551, %eq3A_552 : vector<16xi32>
    %jit3A_554 = arith.constant 1.000000e+00 : f32
    %jit3A_555 = arith.constant 0.000000e+00 : f32
    %broadcast_in_dim3A_556 = vector.broadcast %jit3A_554 : f32 to vector<16xf32>
    %broadcast_in_dim3A_557 = vector.broadcast %jit3A_555 : f32 to vector<16xf32>
    %select_n3A_558 = arith.select %eq3A_553, %broadcast_in_dim3A_556, %broadcast_in_dim3A_557 : vector<16xi1>, vector<16xf32>
    %swap3A_559 = arith.constant 576 : index
    %swap3A_560 = tpu.vector_load %arg13[%swap3A_559] {strides = array<i32>} : memref<1024xf32, #tpu.memory_space<vmem>>, vector<16xf32>,
    %swap3A_561 = vector.shape_cast %swap3A_560 : vector<16xf32> to vector<16xf32>
    %swap3A_562 = vector.shape_cast %select_n3A_558 : vector<16xf32> to vector<16xf32>
    tpu.vector_store %arg13[%swap3A_559], %swap3A_562 {strides = array<i32>} : memref<1024xf32, #tpu.memory_space<vmem>>, vector<16xf32>,
    %add3A_563 = arith.addf %add3A_548, %select_n3A_558 : vector<16xf32>
    %get3A_564 = arith.constant 592 : index
    %get3A_565 = tpu.vector_load %arg12[%get3A_564] {strides = array<i32>} : memref<1024xi32, #tpu.memory_space<vmem>>, vector<16xi32>,
    %get3A_566 = vector.shape_cast %get3A_565 : vector<16xi32> to vector<16xi32>
    %eq3A_567 = vector.broadcast %arg0 : i32 to vector<16xi32>
    %eq3A_568 = arith.cmpi eq, %get3A_566, %eq3A_567 : vector<16xi32>
    %jit3A_569 = arith.constant 1.000000e+00 : f32
    %jit3A_570 = arith.constant 0.000000e+00 : f32
    %broadcast_in_dim3A_571 = vector.broadcast %jit3A_569 : f32 to vector<16xf32>
    %broadcast_in_dim3A_572 = vector.broadcast %jit3A_570 : f32 to vector<16xf32>
    %select_n3A_573 = arith.select %eq3A_568, %broadcast_in_dim3A_571, %broadcast_in_dim3A_572 : vector<16xi1>, vector<16xf32>
    %swap3A_574 = arith.constant 592 : index
    %swap3A_575 = tpu.vector_load %arg13[%swap3A_574] {strides = array<i32>} : memref<1024xf32, #tpu.memory_space<vmem>>, vector<16xf32>,
    %swap3A_576 = vector.shape_cast %swap3A_575 : vector<16xf32> to vector<16xf32>
    %swap3A_577 = vector.shape_cast %select_n3A_573 : vector<16xf32> to vector<16xf32>
    tpu.vector_store %arg13[%swap3A_574], %swap3A_577 {strides = array<i32>} : memref<1024xf32, #tpu.memory_space<vmem>>, vector<16xf32>,
    %add3A_578 = arith.addf %add3A_563, %select_n3A_573 : vector<16xf32>
    %get3A_579 = arith.constant 608 : index
    %get3A_580 = tpu.vector_load %arg12[%get3A_579] {strides = array<i32>} : memref<1024xi32, #tpu.memory_space<vmem>>, vector<16xi32>,
    %get3A_581 = vector.shape_cast %get3A_580 : vector<16xi32> to vector<16xi32>
    %eq3A_582 = vector.broadcast %arg0 : i32 to vector<16xi32>
    %eq3A_583 = arith.cmpi eq, %get3A_581, %eq3A_582 : vector<16xi32>
    %jit3A_584 = arith.constant 1.000000e+00 : f32
    %jit3A_585 = arith.constant 0.000000e+00 : f32
    %broadcast_in_dim3A_586 = vector.broadcast %jit3A_584 : f32 to vector<16xf32>
    %broadcast_in_dim3A_587 = vector.broadcast %jit3A_585 : f32 to vector<16xf32>
    %select_n3A_588 = arith.select %eq3A_583, %broadcast_in_dim3A_586, %broadcast_in_dim3A_587 : vector<16xi1>, vector<16xf32>
    %swap3A_589 = arith.constant 608 : index
    %swap3A_590 = tpu.vector_load %arg13[%swap3A_589] {strides = array<i32>} : memref<1024xf32, #tpu.memory_space<vmem>>, vector<16xf32>,
    %swap3A_591 = vector.shape_cast %swap3A_590 : vector<16xf32> to vector<16xf32>
    %swap3A_592 = vector.shape_cast %select_n3A_588 : vector<16xf32> to vector<16xf32>
    tpu.vector_store %arg13[%swap3A_589], %swap3A_592 {strides = array<i32>} : memref<1024xf32, #tpu.memory_space<vmem>>, vector<16xf32>,
    %add3A_593 = arith.addf %add3A_578, %select_n3A_588 : vector<16xf32>
    %get3A_594 = arith.constant 624 : index
    %get3A_595 = tpu.vector_load %arg12[%get3A_594] {strides = array<i32>} : memref<1024xi32, #tpu.memory_space<vmem>>, vector<16xi32>,
    %get3A_596 = vector.shape_cast %get3A_595 : vector<16xi32> to vector<16xi32>
    %eq3A_597 = vector.broadcast %arg0 : i32 to vector<16xi32>
    %eq3A_598 = arith.cmpi eq, %get3A_596, %eq3A_597 : vector<16xi32>
    %jit3A_599 = arith.constant 1.000000e+00 : f32
    %jit3A_600 = arith.constant 0.000000e+00 : f32
    %broadcast_in_dim3A_601 = vector.broadcast %jit3A_599 : f32 to vector<16xf32>
    %broadcast_in_dim3A_602 = vector.broadcast %jit3A_600 : f32 to vector<16xf32>
    %select_n3A_603 = arith.select %eq3A_598, %broadcast_in_dim3A_601, %broadcast_in_dim3A_602 : vector<16xi1>, vector<16xf32>
    %swap3A_604 = arith.constant 624 : index
    %swap3A_605 = tpu.vector_load %arg13[%swap3A_604] {strides = array<i32>} : memref<1024xf32, #tpu.memory_space<vmem>>, vector<16xf32>,
    %swap3A_606 = vector.shape_cast %swap3A_605 : vector<16xf32> to vector<16xf32>
    %swap3A_607 = vector.shape_cast %select_n3A_603 : vector<16xf32> to vector<16xf32>
    tpu.vector_store %arg13[%swap3A_604], %swap3A_607 {strides = array<i32>} : memref<1024xf32, #tpu.memory_space<vmem>>, vector<16xf32>,
    %add3A_608 = arith.addf %add3A_593, %select_n3A_603 : vector<16xf32>
    %get3A_609 = arith.constant 640 : index
    %get3A_610 = tpu.vector_load %arg12[%get3A_609] {strides = array<i32>} : memref<1024xi32, #tpu.memory_space<vmem>>, vector<16xi32>,
    %get3A_611 = vector.shape_cast %get3A_610 : vector<16xi32> to vector<16xi32>
    %eq3A_612 = vector.broadcast %arg0 : i32 to vector<16xi32>
    %eq3A_613 = arith.cmpi eq, %get3A_611, %eq3A_612 : vector<16xi32>
    %jit3A_614 = arith.constant 1.000000e+00 : f32
    %jit3A_615 = arith.constant 0.000000e+00 : f32
    %broadcast_in_dim3A_616 = vector.broadcast %jit3A_614 : f32 to vector<16xf32>
    %broadcast_in_dim3A_617 = vector.broadcast %jit3A_615 : f32 to vector<16xf32>
    %select_n3A_618 = arith.select %eq3A_613, %broadcast_in_dim3A_616, %broadcast_in_dim3A_617 : vector<16xi1>, vector<16xf32>
    %swap3A_619 = arith.constant 640 : index
    %swap3A_620 = tpu.vector_load %arg13[%swap3A_619] {strides = array<i32>} : memref<1024xf32, #tpu.memory_space<vmem>>, vector<16xf32>,
    %swap3A_621 = vector.shape_cast %swap3A_620 : vector<16xf32> to vector<16xf32>
    %swap3A_622 = vector.shape_cast %select_n3A_618 : vector<16xf32> to vector<16xf32>
    tpu.vector_store %arg13[%swap3A_619], %swap3A_622 {strides = array<i32>} : memref<1024xf32, #tpu.memory_space<vmem>>, vector<16xf32>,
    %add3A_623 = arith.addf %add3A_608, %select_n3A_618 : vector<16xf32>
    %get3A_624 = arith.constant 656 : index
    %get3A_625 = tpu.vector_load %arg12[%get3A_624] {strides = array<i32>} : memref<1024xi32, #tpu.memory_space<vmem>>, vector<16xi32>,
    %get3A_626 = vector.shape_cast %get3A_625 : vector<16xi32> to vector<16xi32>
    %eq3A_627 = vector.broadcast %arg0 : i32 to vector<16xi32>
    %eq3A_628 = arith.cmpi eq, %get3A_626, %eq3A_627 : vector<16xi32>
    %jit3A_629 = arith.constant 1.000000e+00 : f32
    %jit3A_630 = arith.constant 0.000000e+00 : f32
    %broadcast_in_dim3A_631 = vector.broadcast %jit3A_629 : f32 to vector<16xf32>
    %broadcast_in_dim3A_632 = vector.broadcast %jit3A_630 : f32 to vector<16xf32>
    %select_n3A_633 = arith.select %eq3A_628, %broadcast_in_dim3A_631, %broadcast_in_dim3A_632 : vector<16xi1>, vector<16xf32>
    %swap3A_634 = arith.constant 656 : index
    %swap3A_635 = tpu.vector_load %arg13[%swap3A_634] {strides = array<i32>} : memref<1024xf32, #tpu.memory_space<vmem>>, vector<16xf32>,
    %swap3A_636 = vector.shape_cast %swap3A_635 : vector<16xf32> to vector<16xf32>
    %swap3A_637 = vector.shape_cast %select_n3A_633 : vector<16xf32> to vector<16xf32>
    tpu.vector_store %arg13[%swap3A_634], %swap3A_637 {strides = array<i32>} : memref<1024xf32, #tpu.memory_space<vmem>>, vector<16xf32>,
    %add3A_638 = arith.addf %add3A_623, %select_n3A_633 : vector<16xf32>
    %get3A_639 = arith.constant 672 : index
    %get3A_640 = tpu.vector_load %arg12[%get3A_639] {strides = array<i32>} : memref<1024xi32, #tpu.memory_space<vmem>>, vector<16xi32>,
    %get3A_641 = vector.shape_cast %get3A_640 : vector<16xi32> to vector<16xi32>
    %eq3A_642 = vector.broadcast %arg0 : i32 to vector<16xi32>
    %eq3A_643 = arith.cmpi eq, %get3A_641, %eq3A_642 : vector<16xi32>
    %jit3A_644 = arith.constant 1.000000e+00 : f32
    %jit3A_645 = arith.constant 0.000000e+00 : f32
    %broadcast_in_dim3A_646 = vector.broadcast %jit3A_644 : f32 to vector<16xf32>
    %broadcast_in_dim3A_647 = vector.broadcast %jit3A_645 : f32 to vector<16xf32>
    %select_n3A_648 = arith.select %eq3A_643, %broadcast_in_dim3A_646, %broadcast_in_dim3A_647 : vector<16xi1>, vector<16xf32>
    %swap3A_649 = arith.constant 672 : index
    %swap3A_650 = tpu.vector_load %arg13[%swap3A_649] {strides = array<i32>} : memref<1024xf32, #tpu.memory_space<vmem>>, vector<16xf32>,
    %swap3A_651 = vector.shape_cast %swap3A_650 : vector<16xf32> to vector<16xf32>
    %swap3A_652 = vector.shape_cast %select_n3A_648 : vector<16xf32> to vector<16xf32>
    tpu.vector_store %arg13[%swap3A_649], %swap3A_652 {strides = array<i32>} : memref<1024xf32, #tpu.memory_space<vmem>>, vector<16xf32>,
    %add3A_653 = arith.addf %add3A_638, %select_n3A_648 : vector<16xf32>
    %get3A_654 = arith.constant 688 : index
    %get3A_655 = tpu.vector_load %arg12[%get3A_654] {strides = array<i32>} : memref<1024xi32, #tpu.memory_space<vmem>>, vector<16xi32>,
    %get3A_656 = vector.shape_cast %get3A_655 : vector<16xi32> to vector<16xi32>
    %eq3A_657 = vector.broadcast %arg0 : i32 to vector<16xi32>
    %eq3A_658 = arith.cmpi eq, %get3A_656, %eq3A_657 : vector<16xi32>
    %jit3A_659 = arith.constant 1.000000e+00 : f32
    %jit3A_660 = arith.constant 0.000000e+00 : f32
    %broadcast_in_dim3A_661 = vector.broadcast %jit3A_659 : f32 to vector<16xf32>
    %broadcast_in_dim3A_662 = vector.broadcast %jit3A_660 : f32 to vector<16xf32>
    %select_n3A_663 = arith.select %eq3A_658, %broadcast_in_dim3A_661, %broadcast_in_dim3A_662 : vector<16xi1>, vector<16xf32>
    %swap3A_664 = arith.constant 688 : index
    %swap3A_665 = tpu.vector_load %arg13[%swap3A_664] {strides = array<i32>} : memref<1024xf32, #tpu.memory_space<vmem>>, vector<16xf32>,
    %swap3A_666 = vector.shape_cast %swap3A_665 : vector<16xf32> to vector<16xf32>
    %swap3A_667 = vector.shape_cast %select_n3A_663 : vector<16xf32> to vector<16xf32>
    tpu.vector_store %arg13[%swap3A_664], %swap3A_667 {strides = array<i32>} : memref<1024xf32, #tpu.memory_space<vmem>>, vector<16xf32>,
    %add3A_668 = arith.addf %add3A_653, %select_n3A_663 : vector<16xf32>
    %get3A_669 = arith.constant 704 : index
    %get3A_670 = tpu.vector_load %arg12[%get3A_669] {strides = array<i32>} : memref<1024xi32, #tpu.memory_space<vmem>>, vector<16xi32>,
    %get3A_671 = vector.shape_cast %get3A_670 : vector<16xi32> to vector<16xi32>
    %eq3A_672 = vector.broadcast %arg0 : i32 to vector<16xi32>
    %eq3A_673 = arith.cmpi eq, %get3A_671, %eq3A_672 : vector<16xi32>
    %jit3A_674 = arith.constant 1.000000e+00 : f32
    %jit3A_675 = arith.constant 0.000000e+00 : f32
    %broadcast_in_dim3A_676 = vector.broadcast %jit3A_674 : f32 to vector<16xf32>
    %broadcast_in_dim3A_677 = vector.broadcast %jit3A_675 : f32 to vector<16xf32>
    %select_n3A_678 = arith.select %eq3A_673, %broadcast_in_dim3A_676, %broadcast_in_dim3A_677 : vector<16xi1>, vector<16xf32>
    %swap3A_679 = arith.constant 704 : index
    %swap3A_680 = tpu.vector_load %arg13[%swap3A_679] {strides = array<i32>} : memref<1024xf32, #tpu.memory_space<vmem>>, vector<16xf32>,
    %swap3A_681 = vector.shape_cast %swap3A_680 : vector<16xf32> to vector<16xf32>
    %swap3A_682 = vector.shape_cast %select_n3A_678 : vector<16xf32> to vector<16xf32>
    tpu.vector_store %arg13[%swap3A_679], %swap3A_682 {strides = array<i32>} : memref<1024xf32, #tpu.memory_space<vmem>>, vector<16xf32>,
    %add3A_683 = arith.addf %add3A_668, %select_n3A_678 : vector<16xf32>
    %get3A_684 = arith.constant 720 : index
    %get3A_685 = tpu.vector_load %arg12[%get3A_684] {strides = array<i32>} : memref<1024xi32, #tpu.memory_space<vmem>>, vector<16xi32>,
    %get3A_686 = vector.shape_cast %get3A_685 : vector<16xi32> to vector<16xi32>
    %eq3A_687 = vector.broadcast %arg0 : i32 to vector<16xi32>
    %eq3A_688 = arith.cmpi eq, %get3A_686, %eq3A_687 : vector<16xi32>
    %jit3A_689 = arith.constant 1.000000e+00 : f32
    %jit3A_690 = arith.constant 0.000000e+00 : f32
    %broadcast_in_dim3A_691 = vector.broadcast %jit3A_689 : f32 to vector<16xf32>
    %broadcast_in_dim3A_692 = vector.broadcast %jit3A_690 : f32 to vector<16xf32>
    %select_n3A_693 = arith.select %eq3A_688, %broadcast_in_dim3A_691, %broadcast_in_dim3A_692 : vector<16xi1>, vector<16xf32>
    %swap3A_694 = arith.constant 720 : index
    %swap3A_695 = tpu.vector_load %arg13[%swap3A_694] {strides = array<i32>} : memref<1024xf32, #tpu.memory_space<vmem>>, vector<16xf32>,
    %swap3A_696 = vector.shape_cast %swap3A_695 : vector<16xf32> to vector<16xf32>
    %swap3A_697 = vector.shape_cast %select_n3A_693 : vector<16xf32> to vector<16xf32>
    tpu.vector_store %arg13[%swap3A_694], %swap3A_697 {strides = array<i32>} : memref<1024xf32, #tpu.memory_space<vmem>>, vector<16xf32>,
    %add3A_698 = arith.addf %add3A_683, %select_n3A_693 : vector<16xf32>
    %get3A_699 = arith.constant 736 : index
    %get3A_700 = tpu.vector_load %arg12[%get3A_699] {strides = array<i32>} : memref<1024xi32, #tpu.memory_space<vmem>>, vector<16xi32>,
    %get3A_701 = vector.shape_cast %get3A_700 : vector<16xi32> to vector<16xi32>
    %eq3A_702 = vector.broadcast %arg0 : i32 to vector<16xi32>
    %eq3A_703 = arith.cmpi eq, %get3A_701, %eq3A_702 : vector<16xi32>
    %jit3A_704 = arith.constant 1.000000e+00 : f32
    %jit3A_705 = arith.constant 0.000000e+00 : f32
    %broadcast_in_dim3A_706 = vector.broadcast %jit3A_704 : f32 to vector<16xf32>
    %broadcast_in_dim3A_707 = vector.broadcast %jit3A_705 : f32 to vector<16xf32>
    %select_n3A_708 = arith.select %eq3A_703, %broadcast_in_dim3A_706, %broadcast_in_dim3A_707 : vector<16xi1>, vector<16xf32>
    %swap3A_709 = arith.constant 736 : index
    %swap3A_710 = tpu.vector_load %arg13[%swap3A_709] {strides = array<i32>} : memref<1024xf32, #tpu.memory_space<vmem>>, vector<16xf32>,
    %swap3A_711 = vector.shape_cast %swap3A_710 : vector<16xf32> to vector<16xf32>
    %swap3A_712 = vector.shape_cast %select_n3A_708 : vector<16xf32> to vector<16xf32>
    tpu.vector_store %arg13[%swap3A_709], %swap3A_712 {strides = array<i32>} : memref<1024xf32, #tpu.memory_space<vmem>>, vector<16xf32>,
    %add3A_713 = arith.addf %add3A_698, %select_n3A_708 : vector<16xf32>
    %get3A_714 = arith.constant 752 : index
    %get3A_715 = tpu.vector_load %arg12[%get3A_714] {strides = array<i32>} : memref<1024xi32, #tpu.memory_space<vmem>>, vector<16xi32>,
    %get3A_716 = vector.shape_cast %get3A_715 : vector<16xi32> to vector<16xi32>
    %eq3A_717 = vector.broadcast %arg0 : i32 to vector<16xi32>
    %eq3A_718 = arith.cmpi eq, %get3A_716, %eq3A_717 : vector<16xi32>
    %jit3A_719 = arith.constant 1.000000e+00 : f32
    %jit3A_720 = arith.constant 0.000000e+00 : f32
    %broadcast_in_dim3A_721 = vector.broadcast %jit3A_719 : f32 to vector<16xf32>
    %broadcast_in_dim3A_722 = vector.broadcast %jit3A_720 : f32 to vector<16xf32>
    %select_n3A_723 = arith.select %eq3A_718, %broadcast_in_dim3A_721, %broadcast_in_dim3A_722 : vector<16xi1>, vector<16xf32>
    %swap3A_724 = arith.constant 752 : index
    %swap3A_725 = tpu.vector_load %arg13[%swap3A_724] {strides = array<i32>} : memref<1024xf32, #tpu.memory_space<vmem>>, vector<16xf32>,
    %swap3A_726 = vector.shape_cast %swap3A_725 : vector<16xf32> to vector<16xf32>
    %swap3A_727 = vector.shape_cast %select_n3A_723 : vector<16xf32> to vector<16xf32>
    tpu.vector_store %arg13[%swap3A_724], %swap3A_727 {strides = array<i32>} : memref<1024xf32, #tpu.memory_space<vmem>>, vector<16xf32>,
    %add3A_728 = arith.addf %add3A_713, %select_n3A_723 : vector<16xf32>
    %get3A_729 = arith.constant 768 : index
    %get3A_730 = tpu.vector_load %arg12[%get3A_729] {strides = array<i32>} : memref<1024xi32, #tpu.memory_space<vmem>>, vector<16xi32>,
    %get3A_731 = vector.shape_cast %get3A_730 : vector<16xi32> to vector<16xi32>
    %eq3A_732 = vector.broadcast %arg0 : i32 to vector<16xi32>
    %eq3A_733 = arith.cmpi eq, %get3A_731, %eq3A_732 : vector<16xi32>
    %jit3A_734 = arith.constant 1.000000e+00 : f32
    %jit3A_735 = arith.constant 0.000000e+00 : f32
    %broadcast_in_dim3A_736 = vector.broadcast %jit3A_734 : f32 to vector<16xf32>
    %broadcast_in_dim3A_737 = vector.broadcast %jit3A_735 : f32 to vector<16xf32>
    %select_n3A_738 = arith.select %eq3A_733, %broadcast_in_dim3A_736, %broadcast_in_dim3A_737 : vector<16xi1>, vector<16xf32>
    %swap3A_739 = arith.constant 768 : index
    %swap3A_740 = tpu.vector_load %arg13[%swap3A_739] {strides = array<i32>} : memref<1024xf32, #tpu.memory_space<vmem>>, vector<16xf32>,
    %swap3A_741 = vector.shape_cast %swap3A_740 : vector<16xf32> to vector<16xf32>
    %swap3A_742 = vector.shape_cast %select_n3A_738 : vector<16xf32> to vector<16xf32>
    tpu.vector_store %arg13[%swap3A_739], %swap3A_742 {strides = array<i32>} : memref<1024xf32, #tpu.memory_space<vmem>>, vector<16xf32>,
    %add3A_743 = arith.addf %add3A_728, %select_n3A_738 : vector<16xf32>
    %get3A_744 = arith.constant 784 : index
    %get3A_745 = tpu.vector_load %arg12[%get3A_744] {strides = array<i32>} : memref<1024xi32, #tpu.memory_space<vmem>>, vector<16xi32>,
    %get3A_746 = vector.shape_cast %get3A_745 : vector<16xi32> to vector<16xi32>
    %eq3A_747 = vector.broadcast %arg0 : i32 to vector<16xi32>
    %eq3A_748 = arith.cmpi eq, %get3A_746, %eq3A_747 : vector<16xi32>
    %jit3A_749 = arith.constant 1.000000e+00 : f32
    %jit3A_750 = arith.constant 0.000000e+00 : f32
    %broadcast_in_dim3A_751 = vector.broadcast %jit3A_749 : f32 to vector<16xf32>
    %broadcast_in_dim3A_752 = vector.broadcast %jit3A_750 : f32 to vector<16xf32>
    %select_n3A_753 = arith.select %eq3A_748, %broadcast_in_dim3A_751, %broadcast_in_dim3A_752 : vector<16xi1>, vector<16xf32>
    %swap3A_754 = arith.constant 784 : index
    %swap3A_755 = tpu.vector_load %arg13[%swap3A_754] {strides = array<i32>} : memref<1024xf32, #tpu.memory_space<vmem>>, vector<16xf32>,
    %swap3A_756 = vector.shape_cast %swap3A_755 : vector<16xf32> to vector<16xf32>
    %swap3A_757 = vector.shape_cast %select_n3A_753 : vector<16xf32> to vector<16xf32>
    tpu.vector_store %arg13[%swap3A_754], %swap3A_757 {strides = array<i32>} : memref<1024xf32, #tpu.memory_space<vmem>>, vector<16xf32>,
    %add3A_758 = arith.addf %add3A_743, %select_n3A_753 : vector<16xf32>
    %get3A_759 = arith.constant 800 : index
    %get3A_760 = tpu.vector_load %arg12[%get3A_759] {strides = array<i32>} : memref<1024xi32, #tpu.memory_space<vmem>>, vector<16xi32>,
    %get3A_761 = vector.shape_cast %get3A_760 : vector<16xi32> to vector<16xi32>
    %eq3A_762 = vector.broadcast %arg0 : i32 to vector<16xi32>
    %eq3A_763 = arith.cmpi eq, %get3A_761, %eq3A_762 : vector<16xi32>
    %jit3A_764 = arith.constant 1.000000e+00 : f32
    %jit3A_765 = arith.constant 0.000000e+00 : f32
    %broadcast_in_dim3A_766 = vector.broadcast %jit3A_764 : f32 to vector<16xf32>
    %broadcast_in_dim3A_767 = vector.broadcast %jit3A_765 : f32 to vector<16xf32>
    %select_n3A_768 = arith.select %eq3A_763, %broadcast_in_dim3A_766, %broadcast_in_dim3A_767 : vector<16xi1>, vector<16xf32>
    %swap3A_769 = arith.constant 800 : index
    %swap3A_770 = tpu.vector_load %arg13[%swap3A_769] {strides = array<i32>} : memref<1024xf32, #tpu.memory_space<vmem>>, vector<16xf32>,
    %swap3A_771 = vector.shape_cast %swap3A_770 : vector<16xf32> to vector<16xf32>
    %swap3A_772 = vector.shape_cast %select_n3A_768 : vector<16xf32> to vector<16xf32>
    tpu.vector_store %arg13[%swap3A_769], %swap3A_772 {strides = array<i32>} : memref<1024xf32, #tpu.memory_space<vmem>>, vector<16xf32>,
    %add3A_773 = arith.addf %add3A_758, %select_n3A_768 : vector<16xf32>
    %get3A_774 = arith.constant 816 : index
    %get3A_775 = tpu.vector_load %arg12[%get3A_774] {strides = array<i32>} : memref<1024xi32, #tpu.memory_space<vmem>>, vector<16xi32>,
    %get3A_776 = vector.shape_cast %get3A_775 : vector<16xi32> to vector<16xi32>
    %eq3A_777 = vector.broadcast %arg0 : i32 to vector<16xi32>
    %eq3A_778 = arith.cmpi eq, %get3A_776, %eq3A_777 : vector<16xi32>
    %jit3A_779 = arith.constant 1.000000e+00 : f32
    %jit3A_780 = arith.constant 0.000000e+00 : f32
    %broadcast_in_dim3A_781 = vector.broadcast %jit3A_779 : f32 to vector<16xf32>
    %broadcast_in_dim3A_782 = vector.broadcast %jit3A_780 : f32 to vector<16xf32>
    %select_n3A_783 = arith.select %eq3A_778, %broadcast_in_dim3A_781, %broadcast_in_dim3A_782 : vector<16xi1>, vector<16xf32>
    %swap3A_784 = arith.constant 816 : index
    %swap3A_785 = tpu.vector_load %arg13[%swap3A_784] {strides = array<i32>} : memref<1024xf32, #tpu.memory_space<vmem>>, vector<16xf32>,
    %swap3A_786 = vector.shape_cast %swap3A_785 : vector<16xf32> to vector<16xf32>
    %swap3A_787 = vector.shape_cast %select_n3A_783 : vector<16xf32> to vector<16xf32>
    tpu.vector_store %arg13[%swap3A_784], %swap3A_787 {strides = array<i32>} : memref<1024xf32, #tpu.memory_space<vmem>>, vector<16xf32>,
    %add3A_788 = arith.addf %add3A_773, %select_n3A_783 : vector<16xf32>
    %get3A_789 = arith.constant 832 : index
    %get3A_790 = tpu.vector_load %arg12[%get3A_789] {strides = array<i32>} : memref<1024xi32, #tpu.memory_space<vmem>>, vector<16xi32>,
    %get3A_791 = vector.shape_cast %get3A_790 : vector<16xi32> to vector<16xi32>
    %eq3A_792 = vector.broadcast %arg0 : i32 to vector<16xi32>
    %eq3A_793 = arith.cmpi eq, %get3A_791, %eq3A_792 : vector<16xi32>
    %jit3A_794 = arith.constant 1.000000e+00 : f32
    %jit3A_795 = arith.constant 0.000000e+00 : f32
    %broadcast_in_dim3A_796 = vector.broadcast %jit3A_794 : f32 to vector<16xf32>
    %broadcast_in_dim3A_797 = vector.broadcast %jit3A_795 : f32 to vector<16xf32>
    %select_n3A_798 = arith.select %eq3A_793, %broadcast_in_dim3A_796, %broadcast_in_dim3A_797 : vector<16xi1>, vector<16xf32>
    %swap3A_799 = arith.constant 832 : index
    %swap3A_800 = tpu.vector_load %arg13[%swap3A_799] {strides = array<i32>} : memref<1024xf32, #tpu.memory_space<vmem>>, vector<16xf32>,
    %swap3A_801 = vector.shape_cast %swap3A_800 : vector<16xf32> to vector<16xf32>
    %swap3A_802 = vector.shape_cast %select_n3A_798 : vector<16xf32> to vector<16xf32>
    tpu.vector_store %arg13[%swap3A_799], %swap3A_802 {strides = array<i32>} : memref<1024xf32, #tpu.memory_space<vmem>>, vector<16xf32>,
    %add3A_803 = arith.addf %add3A_788, %select_n3A_798 : vector<16xf32>
    %get3A_804 = arith.constant 848 : index
    %get3A_805 = tpu.vector_load %arg12[%get3A_804] {strides = array<i32>} : memref<1024xi32, #tpu.memory_space<vmem>>, vector<16xi32>,
    %get3A_806 = vector.shape_cast %get3A_805 : vector<16xi32> to vector<16xi32>
    %eq3A_807 = vector.broadcast %arg0 : i32 to vector<16xi32>
    %eq3A_808 = arith.cmpi eq, %get3A_806, %eq3A_807 : vector<16xi32>
    %jit3A_809 = arith.constant 1.000000e+00 : f32
    %jit3A_810 = arith.constant 0.000000e+00 : f32
    %broadcast_in_dim3A_811 = vector.broadcast %jit3A_809 : f32 to vector<16xf32>
    %broadcast_in_dim3A_812 = vector.broadcast %jit3A_810 : f32 to vector<16xf32>
    %select_n3A_813 = arith.select %eq3A_808, %broadcast_in_dim3A_811, %broadcast_in_dim3A_812 : vector<16xi1>, vector<16xf32>
    %swap3A_814 = arith.constant 848 : index
    %swap3A_815 = tpu.vector_load %arg13[%swap3A_814] {strides = array<i32>} : memref<1024xf32, #tpu.memory_space<vmem>>, vector<16xf32>,
    %swap3A_816 = vector.shape_cast %swap3A_815 : vector<16xf32> to vector<16xf32>
    %swap3A_817 = vector.shape_cast %select_n3A_813 : vector<16xf32> to vector<16xf32>
    tpu.vector_store %arg13[%swap3A_814], %swap3A_817 {strides = array<i32>} : memref<1024xf32, #tpu.memory_space<vmem>>, vector<16xf32>,
    %add3A_818 = arith.addf %add3A_803, %select_n3A_813 : vector<16xf32>
    %get3A_819 = arith.constant 864 : index
    %get3A_820 = tpu.vector_load %arg12[%get3A_819] {strides = array<i32>} : memref<1024xi32, #tpu.memory_space<vmem>>, vector<16xi32>,
    %get3A_821 = vector.shape_cast %get3A_820 : vector<16xi32> to vector<16xi32>
    %eq3A_822 = vector.broadcast %arg0 : i32 to vector<16xi32>
    %eq3A_823 = arith.cmpi eq, %get3A_821, %eq3A_822 : vector<16xi32>
    %jit3A_824 = arith.constant 1.000000e+00 : f32
    %jit3A_825 = arith.constant 0.000000e+00 : f32
    %broadcast_in_dim3A_826 = vector.broadcast %jit3A_824 : f32 to vector<16xf32>
    %broadcast_in_dim3A_827 = vector.broadcast %jit3A_825 : f32 to vector<16xf32>
    %select_n3A_828 = arith.select %eq3A_823, %broadcast_in_dim3A_826, %broadcast_in_dim3A_827 : vector<16xi1>, vector<16xf32>
    %swap3A_829 = arith.constant 864 : index
    %swap3A_830 = tpu.vector_load %arg13[%swap3A_829] {strides = array<i32>} : memref<1024xf32, #tpu.memory_space<vmem>>, vector<16xf32>,
    %swap3A_831 = vector.shape_cast %swap3A_830 : vector<16xf32> to vector<16xf32>
    %swap3A_832 = vector.shape_cast %select_n3A_828 : vector<16xf32> to vector<16xf32>
    tpu.vector_store %arg13[%swap3A_829], %swap3A_832 {strides = array<i32>} : memref<1024xf32, #tpu.memory_space<vmem>>, vector<16xf32>,
    %add3A_833 = arith.addf %add3A_818, %select_n3A_828 : vector<16xf32>
    %get3A_834 = arith.constant 880 : index
    %get3A_835 = tpu.vector_load %arg12[%get3A_834] {strides = array<i32>} : memref<1024xi32, #tpu.memory_space<vmem>>, vector<16xi32>,
    %get3A_836 = vector.shape_cast %get3A_835 : vector<16xi32> to vector<16xi32>
    %eq3A_837 = vector.broadcast %arg0 : i32 to vector<16xi32>
    %eq3A_838 = arith.cmpi eq, %get3A_836, %eq3A_837 : vector<16xi32>
    %jit3A_839 = arith.constant 1.000000e+00 : f32
    %jit3A_840 = arith.constant 0.000000e+00 : f32
    %broadcast_in_dim3A_841 = vector.broadcast %jit3A_839 : f32 to vector<16xf32>
    %broadcast_in_dim3A_842 = vector.broadcast %jit3A_840 : f32 to vector<16xf32>
    %select_n3A_843 = arith.select %eq3A_838, %broadcast_in_dim3A_841, %broadcast_in_dim3A_842 : vector<16xi1>, vector<16xf32>
    %swap3A_844 = arith.constant 880 : index
    %swap3A_845 = tpu.vector_load %arg13[%swap3A_844] {strides = array<i32>} : memref<1024xf32, #tpu.memory_space<vmem>>, vector<16xf32>,
    %swap3A_846 = vector.shape_cast %swap3A_845 : vector<16xf32> to vector<16xf32>
    %swap3A_847 = vector.shape_cast %select_n3A_843 : vector<16xf32> to vector<16xf32>
    tpu.vector_store %arg13[%swap3A_844], %swap3A_847 {strides = array<i32>} : memref<1024xf32, #tpu.memory_space<vmem>>, vector<16xf32>,
    %add3A_848 = arith.addf %add3A_833, %select_n3A_843 : vector<16xf32>
    %get3A_849 = arith.constant 896 : index
    %get3A_850 = tpu.vector_load %arg12[%get3A_849] {strides = array<i32>} : memref<1024xi32, #tpu.memory_space<vmem>>, vector<16xi32>,
    %get3A_851 = vector.shape_cast %get3A_850 : vector<16xi32> to vector<16xi32>
    %eq3A_852 = vector.broadcast %arg0 : i32 to vector<16xi32>
    %eq3A_853 = arith.cmpi eq, %get3A_851, %eq3A_852 : vector<16xi32>
    %jit3A_854 = arith.constant 1.000000e+00 : f32
    %jit3A_855 = arith.constant 0.000000e+00 : f32
    %broadcast_in_dim3A_856 = vector.broadcast %jit3A_854 : f32 to vector<16xf32>
    %broadcast_in_dim3A_857 = vector.broadcast %jit3A_855 : f32 to vector<16xf32>
    %select_n3A_858 = arith.select %eq3A_853, %broadcast_in_dim3A_856, %broadcast_in_dim3A_857 : vector<16xi1>, vector<16xf32>
    %swap3A_859 = arith.constant 896 : index
    %swap3A_860 = tpu.vector_load %arg13[%swap3A_859] {strides = array<i32>} : memref<1024xf32, #tpu.memory_space<vmem>>, vector<16xf32>,
    %swap3A_861 = vector.shape_cast %swap3A_860 : vector<16xf32> to vector<16xf32>
    %swap3A_862 = vector.shape_cast %select_n3A_858 : vector<16xf32> to vector<16xf32>
    tpu.vector_store %arg13[%swap3A_859], %swap3A_862 {strides = array<i32>} : memref<1024xf32, #tpu.memory_space<vmem>>, vector<16xf32>,
    %add3A_863 = arith.addf %add3A_848, %select_n3A_858 : vector<16xf32>
    %get3A_864 = arith.constant 912 : index
    %get3A_865 = tpu.vector_load %arg12[%get3A_864] {strides = array<i32>} : memref<1024xi32, #tpu.memory_space<vmem>>, vector<16xi32>,
    %get3A_866 = vector.shape_cast %get3A_865 : vector<16xi32> to vector<16xi32>
    %eq3A_867 = vector.broadcast %arg0 : i32 to vector<16xi32>
    %eq3A_868 = arith.cmpi eq, %get3A_866, %eq3A_867 : vector<16xi32>
    %jit3A_869 = arith.constant 1.000000e+00 : f32
    %jit3A_870 = arith.constant 0.000000e+00 : f32
    %broadcast_in_dim3A_871 = vector.broadcast %jit3A_869 : f32 to vector<16xf32>
    %broadcast_in_dim3A_872 = vector.broadcast %jit3A_870 : f32 to vector<16xf32>
    %select_n3A_873 = arith.select %eq3A_868, %broadcast_in_dim3A_871, %broadcast_in_dim3A_872 : vector<16xi1>, vector<16xf32>
    %swap3A_874 = arith.constant 912 : index
    %swap3A_875 = tpu.vector_load %arg13[%swap3A_874] {strides = array<i32>} : memref<1024xf32, #tpu.memory_space<vmem>>, vector<16xf32>,
    %swap3A_876 = vector.shape_cast %swap3A_875 : vector<16xf32> to vector<16xf32>
    %swap3A_877 = vector.shape_cast %select_n3A_873 : vector<16xf32> to vector<16xf32>
    tpu.vector_store %arg13[%swap3A_874], %swap3A_877 {strides = array<i32>} : memref<1024xf32, #tpu.memory_space<vmem>>, vector<16xf32>,
    %add3A_878 = arith.addf %add3A_863, %select_n3A_873 : vector<16xf32>
    %get3A_879 = arith.constant 928 : index
    %get3A_880 = tpu.vector_load %arg12[%get3A_879] {strides = array<i32>} : memref<1024xi32, #tpu.memory_space<vmem>>, vector<16xi32>,
    %get3A_881 = vector.shape_cast %get3A_880 : vector<16xi32> to vector<16xi32>
    %eq3A_882 = vector.broadcast %arg0 : i32 to vector<16xi32>
    %eq3A_883 = arith.cmpi eq, %get3A_881, %eq3A_882 : vector<16xi32>
    %jit3A_884 = arith.constant 1.000000e+00 : f32
    %jit3A_885 = arith.constant 0.000000e+00 : f32
    %broadcast_in_dim3A_886 = vector.broadcast %jit3A_884 : f32 to vector<16xf32>
    %broadcast_in_dim3A_887 = vector.broadcast %jit3A_885 : f32 to vector<16xf32>
    %select_n3A_888 = arith.select %eq3A_883, %broadcast_in_dim3A_886, %broadcast_in_dim3A_887 : vector<16xi1>, vector<16xf32>
    %swap3A_889 = arith.constant 928 : index
    %swap3A_890 = tpu.vector_load %arg13[%swap3A_889] {strides = array<i32>} : memref<1024xf32, #tpu.memory_space<vmem>>, vector<16xf32>,
    %swap3A_891 = vector.shape_cast %swap3A_890 : vector<16xf32> to vector<16xf32>
    %swap3A_892 = vector.shape_cast %select_n3A_888 : vector<16xf32> to vector<16xf32>
    tpu.vector_store %arg13[%swap3A_889], %swap3A_892 {strides = array<i32>} : memref<1024xf32, #tpu.memory_space<vmem>>, vector<16xf32>,
    %add3A_893 = arith.addf %add3A_878, %select_n3A_888 : vector<16xf32>
    %get3A_894 = arith.constant 944 : index
    %get3A_895 = tpu.vector_load %arg12[%get3A_894] {strides = array<i32>} : memref<1024xi32, #tpu.memory_space<vmem>>, vector<16xi32>,
    %get3A_896 = vector.shape_cast %get3A_895 : vector<16xi32> to vector<16xi32>
    %eq3A_897 = vector.broadcast %arg0 : i32 to vector<16xi32>
    %eq3A_898 = arith.cmpi eq, %get3A_896, %eq3A_897 : vector<16xi32>
    %jit3A_899 = arith.constant 1.000000e+00 : f32
    %jit3A_900 = arith.constant 0.000000e+00 : f32
    %broadcast_in_dim3A_901 = vector.broadcast %jit3A_899 : f32 to vector<16xf32>
    %broadcast_in_dim3A_902 = vector.broadcast %jit3A_900 : f32 to vector<16xf32>
    %select_n3A_903 = arith.select %eq3A_898, %broadcast_in_dim3A_901, %broadcast_in_dim3A_902 : vector<16xi1>, vector<16xf32>
    %swap3A_904 = arith.constant 944 : index
    %swap3A_905 = tpu.vector_load %arg13[%swap3A_904] {strides = array<i32>} : memref<1024xf32, #tpu.memory_space<vmem>>, vector<16xf32>,
    %swap3A_906 = vector.shape_cast %swap3A_905 : vector<16xf32> to vector<16xf32>
    %swap3A_907 = vector.shape_cast %select_n3A_903 : vector<16xf32> to vector<16xf32>
    tpu.vector_store %arg13[%swap3A_904], %swap3A_907 {strides = array<i32>} : memref<1024xf32, #tpu.memory_space<vmem>>, vector<16xf32>,
    %add3A_908 = arith.addf %add3A_893, %select_n3A_903 : vector<16xf32>
    %get3A_909 = arith.constant 960 : index
    %get3A_910 = tpu.vector_load %arg12[%get3A_909] {strides = array<i32>} : memref<1024xi32, #tpu.memory_space<vmem>>, vector<16xi32>,
    %get3A_911 = vector.shape_cast %get3A_910 : vector<16xi32> to vector<16xi32>
    %eq3A_912 = vector.broadcast %arg0 : i32 to vector<16xi32>
    %eq3A_913 = arith.cmpi eq, %get3A_911, %eq3A_912 : vector<16xi32>
    %jit3A_914 = arith.constant 1.000000e+00 : f32
    %jit3A_915 = arith.constant 0.000000e+00 : f32
    %broadcast_in_dim3A_916 = vector.broadcast %jit3A_914 : f32 to vector<16xf32>
    %broadcast_in_dim3A_917 = vector.broadcast %jit3A_915 : f32 to vector<16xf32>
    %select_n3A_918 = arith.select %eq3A_913, %broadcast_in_dim3A_916, %broadcast_in_dim3A_917 : vector<16xi1>, vector<16xf32>
    %swap3A_919 = arith.constant 960 : index
    %swap3A_920 = tpu.vector_load %arg13[%swap3A_919] {strides = array<i32>} : memref<1024xf32, #tpu.memory_space<vmem>>, vector<16xf32>,
    %swap3A_921 = vector.shape_cast %swap3A_920 : vector<16xf32> to vector<16xf32>
    %swap3A_922 = vector.shape_cast %select_n3A_918 : vector<16xf32> to vector<16xf32>
    tpu.vector_store %arg13[%swap3A_919], %swap3A_922 {strides = array<i32>} : memref<1024xf32, #tpu.memory_space<vmem>>, vector<16xf32>,
    %add3A_923 = arith.addf %add3A_908, %select_n3A_918 : vector<16xf32>
    %get3A_924 = arith.constant 976 : index
    %get3A_925 = tpu.vector_load %arg12[%get3A_924] {strides = array<i32>} : memref<1024xi32, #tpu.memory_space<vmem>>, vector<16xi32>,
    %get3A_926 = vector.shape_cast %get3A_925 : vector<16xi32> to vector<16xi32>
    %eq3A_927 = vector.broadcast %arg0 : i32 to vector<16xi32>
    %eq3A_928 = arith.cmpi eq, %get3A_926, %eq3A_927 : vector<16xi32>
    %jit3A_929 = arith.constant 1.000000e+00 : f32
    %jit3A_930 = arith.constant 0.000000e+00 : f32
    %broadcast_in_dim3A_931 = vector.broadcast %jit3A_929 : f32 to vector<16xf32>
    %broadcast_in_dim3A_932 = vector.broadcast %jit3A_930 : f32 to vector<16xf32>
    %select_n3A_933 = arith.select %eq3A_928, %broadcast_in_dim3A_931, %broadcast_in_dim3A_932 : vector<16xi1>, vector<16xf32>
    %swap3A_934 = arith.constant 976 : index
    %swap3A_935 = tpu.vector_load %arg13[%swap3A_934] {strides = array<i32>} : memref<1024xf32, #tpu.memory_space<vmem>>, vector<16xf32>,
    %swap3A_936 = vector.shape_cast %swap3A_935 : vector<16xf32> to vector<16xf32>
    %swap3A_937 = vector.shape_cast %select_n3A_933 : vector<16xf32> to vector<16xf32>
    tpu.vector_store %arg13[%swap3A_934], %swap3A_937 {strides = array<i32>} : memref<1024xf32, #tpu.memory_space<vmem>>, vector<16xf32>,
    %add3A_938 = arith.addf %add3A_923, %select_n3A_933 : vector<16xf32>
    %get3A_939 = arith.constant 992 : index
    %get3A_940 = tpu.vector_load %arg12[%get3A_939] {strides = array<i32>} : memref<1024xi32, #tpu.memory_space<vmem>>, vector<16xi32>,
    %get3A_941 = vector.shape_cast %get3A_940 : vector<16xi32> to vector<16xi32>
    %eq3A_942 = vector.broadcast %arg0 : i32 to vector<16xi32>
    %eq3A_943 = arith.cmpi eq, %get3A_941, %eq3A_942 : vector<16xi32>
    %jit3A_944 = arith.constant 1.000000e+00 : f32
    %jit3A_945 = arith.constant 0.000000e+00 : f32
    %broadcast_in_dim3A_946 = vector.broadcast %jit3A_944 : f32 to vector<16xf32>
    %broadcast_in_dim3A_947 = vector.broadcast %jit3A_945 : f32 to vector<16xf32>
    %select_n3A_948 = arith.select %eq3A_943, %broadcast_in_dim3A_946, %broadcast_in_dim3A_947 : vector<16xi1>, vector<16xf32>
    %swap3A_949 = arith.constant 992 : index
    %swap3A_950 = tpu.vector_load %arg13[%swap3A_949] {strides = array<i32>} : memref<1024xf32, #tpu.memory_space<vmem>>, vector<16xf32>,
    %swap3A_951 = vector.shape_cast %swap3A_950 : vector<16xf32> to vector<16xf32>
    %swap3A_952 = vector.shape_cast %select_n3A_948 : vector<16xf32> to vector<16xf32>
    tpu.vector_store %arg13[%swap3A_949], %swap3A_952 {strides = array<i32>} : memref<1024xf32, #tpu.memory_space<vmem>>, vector<16xf32>,
    %add3A_953 = arith.addf %add3A_938, %select_n3A_948 : vector<16xf32>
    %get3A_954 = arith.constant 1008 : index
    %get3A_955 = tpu.vector_load %arg12[%get3A_954] {strides = array<i32>} : memref<1024xi32, #tpu.memory_space<vmem>>, vector<16xi32>,
    %get3A_956 = vector.shape_cast %get3A_955 : vector<16xi32> to vector<16xi32>
    %eq3A_957 = vector.broadcast %arg0 : i32 to vector<16xi32>
    %eq3A_958 = arith.cmpi eq, %get3A_956, %eq3A_957 : vector<16xi32>
    %jit3A_959 = arith.constant 1.000000e+00 : f32
    %jit3A_960 = arith.constant 0.000000e+00 : f32
    %broadcast_in_dim3A_961 = vector.broadcast %jit3A_959 : f32 to vector<16xf32>
    %broadcast_in_dim3A_962 = vector.broadcast %jit3A_960 : f32 to vector<16xf32>
    %select_n3A_963 = arith.select %eq3A_958, %broadcast_in_dim3A_961, %broadcast_in_dim3A_962 : vector<16xi1>, vector<16xf32>
    %swap3A_964 = arith.constant 1008 : index
    %swap3A_965 = tpu.vector_load %arg13[%swap3A_964] {strides = array<i32>} : memref<1024xf32, #tpu.memory_space<vmem>>, vector<16xf32>,
    %swap3A_966 = vector.shape_cast %swap3A_965 : vector<16xf32> to vector<16xf32>
    %swap3A_967 = vector.shape_cast %select_n3A_963 : vector<16xf32> to vector<16xf32>
    tpu.vector_store %arg13[%swap3A_964], %swap3A_967 {strides = array<i32>} : memref<1024xf32, #tpu.memory_space<vmem>>, vector<16xf32>,
    %add3A_968 = arith.addf %add3A_953, %select_n3A_963 : vector<16xf32>
    %swap3A_969 = arith.constant 0 : index
    %swap3A_970 = tpu.vector_load %arg14[%swap3A_969] {strides = array<i32>} : memref<16xf32, #tpu.memory_space<vmem>>, vector<16xf32>,
    %swap3A_971 = vector.shape_cast %swap3A_970 : vector<16xf32> to vector<16xf32>
    %swap3A_972 = vector.shape_cast %add3A_968 : vector<16xf32> to vector<16xf32>
    tpu.vector_store %arg14[%swap3A_969], %swap3A_972 {strides = array<i32>} : memref<16xf32, #tpu.memory_space<vmem>>, vector<16xf32>,
    %broadcast_in_dim3A_973 = arith.constant 0 : i32
    %broadcast_in_dim3A_974 = vector.broadcast %broadcast_in_dim3A_973 : i32 to vector<16xi32>
    %swap3A_975 = arith.constant 0 : index
    %swap3A_976 = tpu.vector_load %arg15[%swap3A_975] {strides = array<i32>} : memref<16xi32, #tpu.memory_space<vmem>>, vector<16xi32>,
    %swap3A_977 = vector.shape_cast %swap3A_976 : vector<16xi32> to vector<16xi32>
    %swap3A_978 = vector.shape_cast %broadcast_in_dim3A_974 : vector<16xi32> to vector<16xi32>
    tpu.vector_store %arg15[%swap3A_975], %swap3A_978 {strides = array<i32>} : memref<16xi32, #tpu.memory_space<vmem>>, vector<16xi32>,
    %eq3A_979 = arith.constant 1 : i32
    %eq3A_980 = arith.cmpi eq, %arg1, %eq3A_979 : i32
    %convert_element_type3A_981 = arith.extui %eq3A_980 : i1 to i32
    %cond3A_982 = arith.constant 0 : i32
    %cond3A_983 = arith.cmpi ne, %convert_element_type3A_981, %cond3A_982 : i32
    scf.if %cond3A_983 {
      %broadcast_in_dim3A_1254 = arith.constant 0.000000e+00 : f32
      %broadcast_in_dim3A_1255 = vector.broadcast %broadcast_in_dim3A_1254 : f32 to vector<16xf32>
      %swap3A_1256 = arith.constant 0 : index
      %swap3A_1257 = tpu.vector_load %arg16[%swap3A_1256] {strides = array<i32>} : memref<16xf32, #tpu.memory_space<vmem>>, vector<16xf32>,
      %swap3A_1258 = vector.shape_cast %swap3A_1257 : vector<16xf32> to vector<16xf32>
      %swap3A_1259 = vector.shape_cast %broadcast_in_dim3A_1255 : vector<16xf32> to vector<16xf32>
      tpu.vector_store %arg16[%swap3A_1256], %swap3A_1259 {strides = array<i32>} : memref<16xf32, #tpu.memory_space<vmem>>, vector<16xf32>,
      "tpu.region"() ({
        %run_scoped3A = tpu.sem_alloc : memref<!tpu.dma_semaphore, #tpu.memory_space<semaphore_mem>>
        tpu.enqueue_dma source(%arg16 : memref<16xf32, #tpu.memory_space<vmem>>) target(%arg11 : memref<16xf32, #tpu.memory_space<vmem_shared>>) target_semaphore(%run_scoped3A : memref<!tpu.dma_semaphore, #tpu.memory_space<semaphore_mem>>)
        tpu.wait_dma2 semaphore(%run_scoped3A : memref<!tpu.dma_semaphore, #tpu.memory_space<semaphore_mem>>) src(%arg16 : memref<16xf32, #tpu.memory_space<vmem>>) dst(%arg11 : memref<16xf32, #tpu.memory_space<vmem_shared>>)
        tpu.yield
      }) : () -> ()
    } else {
    }
    %barrier3A = arith.constant 0 : index
    tpu.barrier barrier_id(%barrier3A)
    "tpu.region"() ({
      %run_scoped3A = tpu.sem_alloc : memref<!tpu.dma_semaphore, #tpu.memory_space<semaphore_mem>>
      %dma_start3A_1254 = arith.constant 0 : i32
      %dma_start3A_1255 = tpu.memref_slice %arg11[%dma_start3A_1254] : memref<16xf32, #tpu.memory_space<vmem_shared>> -> memref<16xf32, #tpu.memory_space<vmem_shared>>
      tpu.enqueue_indirect_dma source(%arg14 : memref<16xf32, #tpu.memory_space<vmem>>) target(%dma_start3A_1255 : memref<16xf32, #tpu.memory_space<vmem_shared>>) offsets(%arg15 : memref<16xi32, #tpu.memory_space<vmem>>) semaphore(%run_scoped3A : memref<!tpu.dma_semaphore, #tpu.memory_space<semaphore_mem>>) {add = true}
      %dma_wait3A_1256 = arith.constant 0 : i32
      %dma_wait3A_1257 = tpu.memref_slice %arg11[%dma_wait3A_1256] : memref<16xf32, #tpu.memory_space<vmem_shared>> -> memref<16xf32, #tpu.memory_space<vmem_shared>>
      tpu.wait_indirect_dma semaphore(%run_scoped3A : memref<!tpu.dma_semaphore, #tpu.memory_space<semaphore_mem>>) src(%arg14 : memref<16xf32, #tpu.memory_space<vmem>>) dst(%dma_wait3A_1257 : memref<16xf32, #tpu.memory_space<vmem_shared>>)
      tpu.yield
    }) : () -> ()
    %multiple_of3A = arith.constant 0 : i32
    %multiple_of3A_984 = tpu.assume_multiple %multiple_of3A, 8 : i32
    %mul3A_985 = arith.constant 1024 : i32
    %mul3A_986 = arith.muli %arg1, %mul3A_985 : i32
    %add3A_987 = arith.constant 0 : i32
    %add3A_988 = arith.addi %mul3A_986, %add3A_987 : i32
    %multiple_of3A_989 = tpu.assume_multiple %add3A_988, 128 : i32
    %dma_start3A = tpu.memref_slice %arg3[%multiple_of3A_984, %multiple_of3A_989] : memref<200x16384xi32, #tpu.memory_space<hbm>> -> memref<8x128xi32, #tpu.memory_space<hbm>>
    %dma_start3A_990 = tpu.memref_slice %arg3[%multiple_of3A_984, %multiple_of3A_989] : memref<200x16384xi32, #tpu.memory_space<hbm>> -> memref<8x128xi32, #tpu.memory_space<hbm>>
    tpu.enqueue_dma source(%dma_start3A_990 : memref<8x128xi32, #tpu.memory_space<hbm>>) target(%arg17 : memref<8x128xi32, #tpu.memory_space<vmem>>) target_semaphore(%arg49 : memref<!tpu.dma_semaphore, #tpu.memory_space<semaphore_mem>>)
    %mul3A_991 = arith.constant 1024 : i32
    %mul3A_992 = arith.muli %arg1, %mul3A_991 : i32
    %add3A_993 = arith.constant 128 : i32
    %add3A_994 = arith.addi %mul3A_992, %add3A_993 : i32
    %multiple_of3A_995 = tpu.assume_multiple %add3A_994, 128 : i32
    %dma_start3A_996 = tpu.memref_slice %arg3[%multiple_of3A_984, %multiple_of3A_995] : memref<200x16384xi32, #tpu.memory_space<hbm>> -> memref<8x128xi32, #tpu.memory_space<hbm>>
    %dma_start3A_997 = tpu.memref_slice %arg3[%multiple_of3A_984, %multiple_of3A_995] : memref<200x16384xi32, #tpu.memory_space<hbm>> -> memref<8x128xi32, #tpu.memory_space<hbm>>
    tpu.enqueue_dma source(%dma_start3A_997 : memref<8x128xi32, #tpu.memory_space<hbm>>) target(%arg18 : memref<8x128xi32, #tpu.memory_space<vmem>>) target_semaphore(%arg49 : memref<!tpu.dma_semaphore, #tpu.memory_space<semaphore_mem>>)
    %mul3A_998 = arith.constant 1024 : i32
    %mul3A_999 = arith.muli %arg1, %mul3A_998 : i32
    %add3A_1000 = arith.constant 256 : i32
    %add3A_1001 = arith.addi %mul3A_999, %add3A_1000 : i32
    %multiple_of3A_1002 = tpu.assume_multiple %add3A_1001, 128 : i32
    %dma_start3A_1003 = tpu.memref_slice %arg3[%multiple_of3A_984, %multiple_of3A_1002] : memref<200x16384xi32, #tpu.memory_space<hbm>> -> memref<8x128xi32, #tpu.memory_space<hbm>>
    %dma_start3A_1004 = tpu.memref_slice %arg3[%multiple_of3A_984, %multiple_of3A_1002] : memref<200x16384xi32, #tpu.memory_space<hbm>> -> memref<8x128xi32, #tpu.memory_space<hbm>>
    tpu.enqueue_dma source(%dma_start3A_1004 : memref<8x128xi32, #tpu.memory_space<hbm>>) target(%arg19 : memref<8x128xi32, #tpu.memory_space<vmem>>) target_semaphore(%arg49 : memref<!tpu.dma_semaphore, #tpu.memory_space<semaphore_mem>>)
    %mul3A_1005 = arith.constant 1024 : i32
    %mul3A_1006 = arith.muli %arg1, %mul3A_1005 : i32
    %add3A_1007 = arith.constant 384 : i32
    %add3A_1008 = arith.addi %mul3A_1006, %add3A_1007 : i32
    %multiple_of3A_1009 = tpu.assume_multiple %add3A_1008, 128 : i32
    %dma_start3A_1010 = tpu.memref_slice %arg3[%multiple_of3A_984, %multiple_of3A_1009] : memref<200x16384xi32, #tpu.memory_space<hbm>> -> memref<8x128xi32, #tpu.memory_space<hbm>>
    %dma_start3A_1011 = tpu.memref_slice %arg3[%multiple_of3A_984, %multiple_of3A_1009] : memref<200x16384xi32, #tpu.memory_space<hbm>> -> memref<8x128xi32, #tpu.memory_space<hbm>>
    tpu.enqueue_dma source(%dma_start3A_1011 : memref<8x128xi32, #tpu.memory_space<hbm>>) target(%arg20 : memref<8x128xi32, #tpu.memory_space<vmem>>) target_semaphore(%arg49 : memref<!tpu.dma_semaphore, #tpu.memory_space<semaphore_mem>>)
    %mul3A_1012 = arith.constant 1024 : i32
    %mul3A_1013 = arith.muli %arg1, %mul3A_1012 : i32
    %add3A_1014 = arith.constant 512 : i32
    %add3A_1015 = arith.addi %mul3A_1013, %add3A_1014 : i32
    %multiple_of3A_1016 = tpu.assume_multiple %add3A_1015, 128 : i32
    %dma_start3A_1017 = tpu.memref_slice %arg3[%multiple_of3A_984, %multiple_of3A_1016] : memref<200x16384xi32, #tpu.memory_space<hbm>> -> memref<8x128xi32, #tpu.memory_space<hbm>>
    %dma_start3A_1018 = tpu.memref_slice %arg3[%multiple_of3A_984, %multiple_of3A_1016] : memref<200x16384xi32, #tpu.memory_space<hbm>> -> memref<8x128xi32, #tpu.memory_space<hbm>>
    tpu.enqueue_dma source(%dma_start3A_1018 : memref<8x128xi32, #tpu.memory_space<hbm>>) target(%arg21 : memref<8x128xi32, #tpu.memory_space<vmem>>) target_semaphore(%arg49 : memref<!tpu.dma_semaphore, #tpu.memory_space<semaphore_mem>>)
    %mul3A_1019 = arith.constant 1024 : i32
    %mul3A_1020 = arith.muli %arg1, %mul3A_1019 : i32
    %add3A_1021 = arith.constant 640 : i32
    %add3A_1022 = arith.addi %mul3A_1020, %add3A_1021 : i32
    %multiple_of3A_1023 = tpu.assume_multiple %add3A_1022, 128 : i32
    %dma_start3A_1024 = tpu.memref_slice %arg3[%multiple_of3A_984, %multiple_of3A_1023] : memref<200x16384xi32, #tpu.memory_space<hbm>> -> memref<8x128xi32, #tpu.memory_space<hbm>>
    %dma_start3A_1025 = tpu.memref_slice %arg3[%multiple_of3A_984, %multiple_of3A_1023] : memref<200x16384xi32, #tpu.memory_space<hbm>> -> memref<8x128xi32, #tpu.memory_space<hbm>>
    tpu.enqueue_dma source(%dma_start3A_1025 : memref<8x128xi32, #tpu.memory_space<hbm>>) target(%arg22 : memref<8x128xi32, #tpu.memory_space<vmem>>) target_semaphore(%arg49 : memref<!tpu.dma_semaphore, #tpu.memory_space<semaphore_mem>>)
    %mul3A_1026 = arith.constant 1024 : i32
    %mul3A_1027 = arith.muli %arg1, %mul3A_1026 : i32
    %add3A_1028 = arith.constant 768 : i32
    %add3A_1029 = arith.addi %mul3A_1027, %add3A_1028 : i32
    %multiple_of3A_1030 = tpu.assume_multiple %add3A_1029, 128 : i32
    %dma_start3A_1031 = tpu.memref_slice %arg3[%multiple_of3A_984, %multiple_of3A_1030] : memref<200x16384xi32, #tpu.memory_space<hbm>> -> memref<8x128xi32, #tpu.memory_space<hbm>>
    %dma_start3A_1032 = tpu.memref_slice %arg3[%multiple_of3A_984, %multiple_of3A_1030] : memref<200x16384xi32, #tpu.memory_space<hbm>> -> memref<8x128xi32, #tpu.memory_space<hbm>>
    tpu.enqueue_dma source(%dma_start3A_1032 : memref<8x128xi32, #tpu.memory_space<hbm>>) target(%arg23 : memref<8x128xi32, #tpu.memory_space<vmem>>) target_semaphore(%arg49 : memref<!tpu.dma_semaphore, #tpu.memory_space<semaphore_mem>>)
    %mul3A_1033 = arith.constant 1024 : i32
    %mul3A_1034 = arith.muli %arg1, %mul3A_1033 : i32
    %add3A_1035 = arith.constant 896 : i32
    %add3A_1036 = arith.addi %mul3A_1034, %add3A_1035 : i32
    %multiple_of3A_1037 = tpu.assume_multiple %add3A_1036, 128 : i32
    %dma_start3A_1038 = tpu.memref_slice %arg3[%multiple_of3A_984, %multiple_of3A_1037] : memref<200x16384xi32, #tpu.memory_space<hbm>> -> memref<8x128xi32, #tpu.memory_space<hbm>>
    %dma_start3A_1039 = tpu.memref_slice %arg3[%multiple_of3A_984, %multiple_of3A_1037] : memref<200x16384xi32, #tpu.memory_space<hbm>> -> memref<8x128xi32, #tpu.memory_space<hbm>>
    tpu.enqueue_dma source(%dma_start3A_1039 : memref<8x128xi32, #tpu.memory_space<hbm>>) target(%arg24 : memref<8x128xi32, #tpu.memory_space<vmem>>) target_semaphore(%arg49 : memref<!tpu.dma_semaphore, #tpu.memory_space<semaphore_mem>>)
    %multiple_of3A_1040 = arith.constant 8 : i32
    %multiple_of3A_1041 = tpu.assume_multiple %multiple_of3A_1040, 8 : i32
    %mul3A_1042 = arith.constant 1024 : i32
    %mul3A_1043 = arith.muli %arg1, %mul3A_1042 : i32
    %add3A_1044 = arith.constant 0 : i32
    %add3A_1045 = arith.addi %mul3A_1043, %add3A_1044 : i32
    %multiple_of3A_1046 = tpu.assume_multiple %add3A_1045, 128 : i32
    %dma_start3A_1047 = tpu.memref_slice %arg3[%multiple_of3A_1041, %multiple_of3A_1046] : memref<200x16384xi32, #tpu.memory_space<hbm>> -> memref<8x128xi32, #tpu.memory_space<hbm>>
    %dma_start3A_1048 = tpu.memref_slice %arg3[%multiple_of3A_1041, %multiple_of3A_1046] : memref<200x16384xi32, #tpu.memory_space<hbm>> -> memref<8x128xi32, #tpu.memory_space<hbm>>
    tpu.enqueue_dma source(%dma_start3A_1048 : memref<8x128xi32, #tpu.memory_space<hbm>>) target(%arg25 : memref<8x128xi32, #tpu.memory_space<vmem>>) target_semaphore(%arg50 : memref<!tpu.dma_semaphore, #tpu.memory_space<semaphore_mem>>)
    %mul3A_1049 = arith.constant 1024 : i32
    %mul3A_1050 = arith.muli %arg1, %mul3A_1049 : i32
    %add3A_1051 = arith.constant 128 : i32
    %add3A_1052 = arith.addi %mul3A_1050, %add3A_1051 : i32
    %multiple_of3A_1053 = tpu.assume_multiple %add3A_1052, 128 : i32
    %dma_start3A_1054 = tpu.memref_slice %arg3[%multiple_of3A_1041, %multiple_of3A_1053] : memref<200x16384xi32, #tpu.memory_space<hbm>> -> memref<8x128xi32, #tpu.memory_space<hbm>>
    %dma_start3A_1055 = tpu.memref_slice %arg3[%multiple_of3A_1041, %multiple_of3A_1053] : memref<200x16384xi32, #tpu.memory_space<hbm>> -> memref<8x128xi32, #tpu.memory_space<hbm>>
    tpu.enqueue_dma source(%dma_start3A_1055 : memref<8x128xi32, #tpu.memory_space<hbm>>) target(%arg26 : memref<8x128xi32, #tpu.memory_space<vmem>>) target_semaphore(%arg50 : memref<!tpu.dma_semaphore, #tpu.memory_space<semaphore_mem>>)
    %mul3A_1056 = arith.constant 1024 : i32
    %mul3A_1057 = arith.muli %arg1, %mul3A_1056 : i32
    %add3A_1058 = arith.constant 256 : i32
    %add3A_1059 = arith.addi %mul3A_1057, %add3A_1058 : i32
    %multiple_of3A_1060 = tpu.assume_multiple %add3A_1059, 128 : i32
    %dma_start3A_1061 = tpu.memref_slice %arg3[%multiple_of3A_1041, %multiple_of3A_1060] : memref<200x16384xi32, #tpu.memory_space<hbm>> -> memref<8x128xi32, #tpu.memory_space<hbm>>
    %dma_start3A_1062 = tpu.memref_slice %arg3[%multiple_of3A_1041, %multiple_of3A_1060] : memref<200x16384xi32, #tpu.memory_space<hbm>> -> memref<8x128xi32, #tpu.memory_space<hbm>>
    tpu.enqueue_dma source(%dma_start3A_1062 : memref<8x128xi32, #tpu.memory_space<hbm>>) target(%arg27 : memref<8x128xi32, #tpu.memory_space<vmem>>) target_semaphore(%arg50 : memref<!tpu.dma_semaphore, #tpu.memory_space<semaphore_mem>>)
    %mul3A_1063 = arith.constant 1024 : i32
    %mul3A_1064 = arith.muli %arg1, %mul3A_1063 : i32
    %add3A_1065 = arith.constant 384 : i32
    %add3A_1066 = arith.addi %mul3A_1064, %add3A_1065 : i32
    %multiple_of3A_1067 = tpu.assume_multiple %add3A_1066, 128 : i32
    %dma_start3A_1068 = tpu.memref_slice %arg3[%multiple_of3A_1041, %multiple_of3A_1067] : memref<200x16384xi32, #tpu.memory_space<hbm>> -> memref<8x128xi32, #tpu.memory_space<hbm>>
    %dma_start3A_1069 = tpu.memref_slice %arg3[%multiple_of3A_1041, %multiple_of3A_1067] : memref<200x16384xi32, #tpu.memory_space<hbm>> -> memref<8x128xi32, #tpu.memory_space<hbm>>
    tpu.enqueue_dma source(%dma_start3A_1069 : memref<8x128xi32, #tpu.memory_space<hbm>>) target(%arg28 : memref<8x128xi32, #tpu.memory_space<vmem>>) target_semaphore(%arg50 : memref<!tpu.dma_semaphore, #tpu.memory_space<semaphore_mem>>)
    %mul3A_1070 = arith.constant 1024 : i32
    %mul3A_1071 = arith.muli %arg1, %mul3A_1070 : i32
    %add3A_1072 = arith.constant 512 : i32
    %add3A_1073 = arith.addi %mul3A_1071, %add3A_1072 : i32
    %multiple_of3A_1074 = tpu.assume_multiple %add3A_1073, 128 : i32
    %dma_start3A_1075 = tpu.memref_slice %arg3[%multiple_of3A_1041, %multiple_of3A_1074] : memref<200x16384xi32, #tpu.memory_space<hbm>> -> memref<8x128xi32, #tpu.memory_space<hbm>>
    %dma_start3A_1076 = tpu.memref_slice %arg3[%multiple_of3A_1041, %multiple_of3A_1074] : memref<200x16384xi32, #tpu.memory_space<hbm>> -> memref<8x128xi32, #tpu.memory_space<hbm>>
    tpu.enqueue_dma source(%dma_start3A_1076 : memref<8x128xi32, #tpu.memory_space<hbm>>) target(%arg29 : memref<8x128xi32, #tpu.memory_space<vmem>>) target_semaphore(%arg50 : memref<!tpu.dma_semaphore, #tpu.memory_space<semaphore_mem>>)
    %mul3A_1077 = arith.constant 1024 : i32
    %mul3A_1078 = arith.muli %arg1, %mul3A_1077 : i32
    %add3A_1079 = arith.constant 640 : i32
    %add3A_1080 = arith.addi %mul3A_1078, %add3A_1079 : i32
    %multiple_of3A_1081 = tpu.assume_multiple %add3A_1080, 128 : i32
    %dma_start3A_1082 = tpu.memref_slice %arg3[%multiple_of3A_1041, %multiple_of3A_1081] : memref<200x16384xi32, #tpu.memory_space<hbm>> -> memref<8x128xi32, #tpu.memory_space<hbm>>
    %dma_start3A_1083 = tpu.memref_slice %arg3[%multiple_of3A_1041, %multiple_of3A_1081] : memref<200x16384xi32, #tpu.memory_space<hbm>> -> memref<8x128xi32, #tpu.memory_space<hbm>>
    tpu.enqueue_dma source(%dma_start3A_1083 : memref<8x128xi32, #tpu.memory_space<hbm>>) target(%arg30 : memref<8x128xi32, #tpu.memory_space<vmem>>) target_semaphore(%arg50 : memref<!tpu.dma_semaphore, #tpu.memory_space<semaphore_mem>>)
    %mul3A_1084 = arith.constant 1024 : i32
    %mul3A_1085 = arith.muli %arg1, %mul3A_1084 : i32
    %add3A_1086 = arith.constant 768 : i32
    %add3A_1087 = arith.addi %mul3A_1085, %add3A_1086 : i32
    %multiple_of3A_1088 = tpu.assume_multiple %add3A_1087, 128 : i32
    %dma_start3A_1089 = tpu.memref_slice %arg3[%multiple_of3A_1041, %multiple_of3A_1088] : memref<200x16384xi32, #tpu.memory_space<hbm>> -> memref<8x128xi32, #tpu.memory_space<hbm>>
    %dma_start3A_1090 = tpu.memref_slice %arg3[%multiple_of3A_1041, %multiple_of3A_1088] : memref<200x16384xi32, #tpu.memory_space<hbm>> -> memref<8x128xi32, #tpu.memory_space<hbm>>
    tpu.enqueue_dma source(%dma_start3A_1090 : memref<8x128xi32, #tpu.memory_space<hbm>>) target(%arg31 : memref<8x128xi32, #tpu.memory_space<vmem>>) target_semaphore(%arg50 : memref<!tpu.dma_semaphore, #tpu.memory_space<semaphore_mem>>)
    %mul3A_1091 = arith.constant 1024 : i32
    %mul3A_1092 = arith.muli %arg1, %mul3A_1091 : i32
    %add3A_1093 = arith.constant 896 : i32
    %add3A_1094 = arith.addi %mul3A_1092, %add3A_1093 : i32
    %multiple_of3A_1095 = tpu.assume_multiple %add3A_1094, 128 : i32
    %dma_start3A_1096 = tpu.memref_slice %arg3[%multiple_of3A_1041, %multiple_of3A_1095] : memref<200x16384xi32, #tpu.memory_space<hbm>> -> memref<8x128xi32, #tpu.memory_space<hbm>>
    %dma_start3A_1097 = tpu.memref_slice %arg3[%multiple_of3A_1041, %multiple_of3A_1095] : memref<200x16384xi32, #tpu.memory_space<hbm>> -> memref<8x128xi32, #tpu.memory_space<hbm>>
    tpu.enqueue_dma source(%dma_start3A_1097 : memref<8x128xi32, #tpu.memory_space<hbm>>) target(%arg32 : memref<8x128xi32, #tpu.memory_space<vmem>>) target_semaphore(%arg50 : memref<!tpu.dma_semaphore, #tpu.memory_space<semaphore_mem>>)
    %scan3A = arith.constant 0 : i32
    %scan3A_1098 = arith.constant 0 : i32
    %scan3A_1099 = arith.constant 12 : i32
    %scan3A_1100 = arith.addi %scan3A_1098, %scan3A_1099 : i32
    %scan3A_1101 = arith.constant 1 : i32
    scf.for %scan3A_1254 = %scan3A_1098 to %scan3A_1100 step %scan3A_1101  : i32 {
      %mul3A_1255 = arith.constant 2 : i32
      %mul3A_1256 = arith.muli %scan3A_1254, %mul3A_1255 : i32
      %add3A_1257 = arith.constant 0 : i32
      %add3A_1258 = arith.addi %mul3A_1256, %add3A_1257 : i32
      %ge3A = arith.constant 1 : i32
      %ge3A_1259 = arith.cmpi sge, %scan3A_1254, %ge3A : i32
      %lt3A = arith.constant 23 : i32
      %lt3A_1260 = arith.cmpi slt, %add3A_1258, %lt3A : i32
      %dma_wait3A_1261 = arith.constant 0 : i32
      %dma_wait3A_1262 = arith.constant 0 : i32
      %dma_wait3A_1263 = tpu.memref_slice %arg3[%dma_wait3A_1261, %dma_wait3A_1262] : memref<200x16384xi32, #tpu.memory_space<hbm>> -> memref<8x128xi32, #tpu.memory_space<hbm>>
      %dma_wait3A_1264 = arith.constant 0 : i32
      %dma_wait3A_1265 = arith.constant 0 : i32
      %dma_wait3A_1266 = tpu.memref_slice %arg3[%dma_wait3A_1264, %dma_wait3A_1265] : memref<200x16384xi32, #tpu.memory_space<hbm>> -> memref<8x128xi32, #tpu.memory_space<hbm>>
      tpu.wait_dma2 semaphore(%arg49 : memref<!tpu.dma_semaphore, #tpu.memory_space<semaphore_mem>>) src(%dma_wait3A_1266 : memref<8x128xi32, #tpu.memory_space<hbm>>) dst(%arg17 : memref<8x128xi32, #tpu.memory_space<vmem>>)
      %dma_wait3A_1267 = arith.constant 0 : i32
      %dma_wait3A_1268 = arith.constant 0 : i32
      %dma_wait3A_1269 = tpu.memref_slice %arg3[%dma_wait3A_1267, %dma_wait3A_1268] : memref<200x16384xi32, #tpu.memory_space<hbm>> -> memref<8x128xi32, #tpu.memory_space<hbm>>
      %dma_wait3A_1270 = arith.constant 0 : i32
      %dma_wait3A_1271 = arith.constant 0 : i32
      %dma_wait3A_1272 = tpu.memref_slice %arg3[%dma_wait3A_1270, %dma_wait3A_1271] : memref<200x16384xi32, #tpu.memory_space<hbm>> -> memref<8x128xi32, #tpu.memory_space<hbm>>
      tpu.wait_dma2 semaphore(%arg49 : memref<!tpu.dma_semaphore, #tpu.memory_space<semaphore_mem>>) src(%dma_wait3A_1272 : memref<8x128xi32, #tpu.memory_space<hbm>>) dst(%arg18 : memref<8x128xi32, #tpu.memory_space<vmem>>)
      %dma_wait3A_1273 = arith.constant 0 : i32
      %dma_wait3A_1274 = arith.constant 0 : i32
      %dma_wait3A_1275 = tpu.memref_slice %arg3[%dma_wait3A_1273, %dma_wait3A_1274] : memref<200x16384xi32, #tpu.memory_space<hbm>> -> memref<8x128xi32, #tpu.memory_space<hbm>>
      %dma_wait3A_1276 = arith.constant 0 : i32
      %dma_wait3A_1277 = arith.constant 0 : i32
      %dma_wait3A_1278 = tpu.memref_slice %arg3[%dma_wait3A_1276, %dma_wait3A_1277] : memref<200x16384xi32, #tpu.memory_space<hbm>> -> memref<8x128xi32, #tpu.memory_space<hbm>>
      tpu.wait_dma2 semaphore(%arg49 : memref<!tpu.dma_semaphore, #tpu.memory_space<semaphore_mem>>) src(%dma_wait3A_1278 : memref<8x128xi32, #tpu.memory_space<hbm>>) dst(%arg19 : memref<8x128xi32, #tpu.memory_space<vmem>>)
      %dma_wait3A_1279 = arith.constant 0 : i32
      %dma_wait3A_1280 = arith.constant 0 : i32
      %dma_wait3A_1281 = tpu.memref_slice %arg3[%dma_wait3A_1279, %dma_wait3A_1280] : memref<200x16384xi32, #tpu.memory_space<hbm>> -> memref<8x128xi32, #tpu.memory_space<hbm>>
      %dma_wait3A_1282 = arith.constant 0 : i32
      %dma_wait3A_1283 = arith.constant 0 : i32
      %dma_wait3A_1284 = tpu.memref_slice %arg3[%dma_wait3A_1282, %dma_wait3A_1283] : memref<200x16384xi32, #tpu.memory_space<hbm>> -> memref<8x128xi32, #tpu.memory_space<hbm>>
      tpu.wait_dma2 semaphore(%arg49 : memref<!tpu.dma_semaphore, #tpu.memory_space<semaphore_mem>>) src(%dma_wait3A_1284 : memref<8x128xi32, #tpu.memory_space<hbm>>) dst(%arg20 : memref<8x128xi32, #tpu.memory_space<vmem>>)
      %dma_wait3A_1285 = arith.constant 0 : i32
      %dma_wait3A_1286 = arith.constant 0 : i32
      %dma_wait3A_1287 = tpu.memref_slice %arg3[%dma_wait3A_1285, %dma_wait3A_1286] : memref<200x16384xi32, #tpu.memory_space<hbm>> -> memref<8x128xi32, #tpu.memory_space<hbm>>
      %dma_wait3A_1288 = arith.constant 0 : i32
      %dma_wait3A_1289 = arith.constant 0 : i32
      %dma_wait3A_1290 = tpu.memref_slice %arg3[%dma_wait3A_1288, %dma_wait3A_1289] : memref<200x16384xi32, #tpu.memory_space<hbm>> -> memref<8x128xi32, #tpu.memory_space<hbm>>
      tpu.wait_dma2 semaphore(%arg49 : memref<!tpu.dma_semaphore, #tpu.memory_space<semaphore_mem>>) src(%dma_wait3A_1290 : memref<8x128xi32, #tpu.memory_space<hbm>>) dst(%arg21 : memref<8x128xi32, #tpu.memory_space<vmem>>)
      %dma_wait3A_1291 = arith.constant 0 : i32
      %dma_wait3A_1292 = arith.constant 0 : i32
      %dma_wait3A_1293 = tpu.memref_slice %arg3[%dma_wait3A_1291, %dma_wait3A_1292] : memref<200x16384xi32, #tpu.memory_space<hbm>> -> memref<8x128xi32, #tpu.memory_space<hbm>>
      %dma_wait3A_1294 = arith.constant 0 : i32
      %dma_wait3A_1295 = arith.constant 0 : i32
      %dma_wait3A_1296 = tpu.memref_slice %arg3[%dma_wait3A_1294, %dma_wait3A_1295] : memref<200x16384xi32, #tpu.memory_space<hbm>> -> memref<8x128xi32, #tpu.memory_space<hbm>>
      tpu.wait_dma2 semaphore(%arg49 : memref<!tpu.dma_semaphore, #tpu.memory_space<semaphore_mem>>) src(%dma_wait3A_1296 : memref<8x128xi32, #tpu.memory_space<hbm>>) dst(%arg22 : memref<8x128xi32, #tpu.memory_space<vmem>>)
      %dma_wait3A_1297 = arith.constant 0 : i32
      %dma_wait3A_1298 = arith.constant 0 : i32
      %dma_wait3A_1299 = tpu.memref_slice %arg3[%dma_wait3A_1297, %dma_wait3A_1298] : memref<200x16384xi32, #tpu.memory_space<hbm>> -> memref<8x128xi32, #tpu.memory_space<hbm>>
      %dma_wait3A_1300 = arith.constant 0 : i32
      %dma_wait3A_1301 = arith.constant 0 : i32
      %dma_wait3A_1302 = tpu.memref_slice %arg3[%dma_wait3A_1300, %dma_wait3A_1301] : memref<200x16384xi32, #tpu.memory_space<hbm>> -> memref<8x128xi32, #tpu.memory_space<hbm>>
      tpu.wait_dma2 semaphore(%arg49 : memref<!tpu.dma_semaphore, #tpu.memory_space<semaphore_mem>>) src(%dma_wait3A_1302 : memref<8x128xi32, #tpu.memory_space<hbm>>) dst(%arg23 : memref<8x128xi32, #tpu.memory_space<vmem>>)
      %dma_wait3A_1303 = arith.constant 0 : i32
      %dma_wait3A_1304 = arith.constant 0 : i32
      %dma_wait3A_1305 = tpu.memref_slice %arg3[%dma_wait3A_1303, %dma_wait3A_1304] : memref<200x16384xi32, #tpu.memory_space<hbm>> -> memref<8x128xi32, #tpu.memory_space<hbm>>
      %dma_wait3A_1306 = arith.constant 0 : i32
      %dma_wait3A_1307 = arith.constant 0 : i32
      %dma_wait3A_1308 = tpu.memref_slice %arg3[%dma_wait3A_1306, %dma_wait3A_1307] : memref<200x16384xi32, #tpu.memory_space<hbm>> -> memref<8x128xi32, #tpu.memory_space<hbm>>
      tpu.wait_dma2 semaphore(%arg49 : memref<!tpu.dma_semaphore, #tpu.memory_space<semaphore_mem>>) src(%dma_wait3A_1308 : memref<8x128xi32, #tpu.memory_space<hbm>>) dst(%arg24 : memref<8x128xi32, #tpu.memory_space<vmem>>)
      %convert_element_type3A_1309 = arith.extui %ge3A_1259 : i1 to i32
      %cond3A_1310 = arith.constant 0 : i32
      %cond3A_1311 = arith.cmpi ne, %convert_element_type3A_1309, %cond3A_1310 : i32
      scf.if %cond3A_1311 {
        %dma_wait3A_1421 = arith.constant 0 : i32
        %dma_wait3A_1422 = tpu.memref_slice %arg10[%dma_wait3A_1421] : memref<1000000xf32, #tpu.memory_space<vmem_shared>> -> memref<1000000xf32, #tpu.memory_space<vmem_shared>>
        tpu.wait_indirect_dma semaphore(%arg51 : memref<!tpu.dma_semaphore, #tpu.memory_space<semaphore_mem>>) src(%arg13 : memref<1024xf32, #tpu.memory_space<vmem>>) dst(%dma_wait3A_1422 : memref<1000000xf32, #tpu.memory_space<vmem_shared>>)
        %dma_wait3A_1423 = arith.constant 0 : i32
        %dma_wait3A_1424 = tpu.memref_slice %arg10[%dma_wait3A_1423] : memref<1000000xf32, #tpu.memory_space<vmem_shared>> -> memref<1000000xf32, #tpu.memory_space<vmem_shared>>
        tpu.wait_indirect_dma semaphore(%arg51 : memref<!tpu.dma_semaphore, #tpu.memory_space<semaphore_mem>>) src(%arg13 : memref<1024xf32, #tpu.memory_space<vmem>>) dst(%dma_wait3A_1424 : memref<1000000xf32, #tpu.memory_space<vmem_shared>>)
        %dma_wait3A_1425 = arith.constant 0 : i32
        %dma_wait3A_1426 = tpu.memref_slice %arg10[%dma_wait3A_1425] : memref<1000000xf32, #tpu.memory_space<vmem_shared>> -> memref<1000000xf32, #tpu.memory_space<vmem_shared>>
        tpu.wait_indirect_dma semaphore(%arg51 : memref<!tpu.dma_semaphore, #tpu.memory_space<semaphore_mem>>) src(%arg13 : memref<1024xf32, #tpu.memory_space<vmem>>) dst(%dma_wait3A_1426 : memref<1000000xf32, #tpu.memory_space<vmem_shared>>)
        %dma_wait3A_1427 = arith.constant 0 : i32
        %dma_wait3A_1428 = tpu.memref_slice %arg10[%dma_wait3A_1427] : memref<1000000xf32, #tpu.memory_space<vmem_shared>> -> memref<1000000xf32, #tpu.memory_space<vmem_shared>>
        tpu.wait_indirect_dma semaphore(%arg51 : memref<!tpu.dma_semaphore, #tpu.memory_space<semaphore_mem>>) src(%arg13 : memref<1024xf32, #tpu.memory_space<vmem>>) dst(%dma_wait3A_1428 : memref<1000000xf32, #tpu.memory_space<vmem_shared>>)
        %dma_wait3A_1429 = arith.constant 0 : i32
        %dma_wait3A_1430 = tpu.memref_slice %arg10[%dma_wait3A_1429] : memref<1000000xf32, #tpu.memory_space<vmem_shared>> -> memref<1000000xf32, #tpu.memory_space<vmem_shared>>
        tpu.wait_indirect_dma semaphore(%arg51 : memref<!tpu.dma_semaphore, #tpu.memory_space<semaphore_mem>>) src(%arg13 : memref<1024xf32, #tpu.memory_space<vmem>>) dst(%dma_wait3A_1430 : memref<1000000xf32, #tpu.memory_space<vmem_shared>>)
        %dma_wait3A_1431 = arith.constant 0 : i32
        %dma_wait3A_1432 = tpu.memref_slice %arg10[%dma_wait3A_1431] : memref<1000000xf32, #tpu.memory_space<vmem_shared>> -> memref<1000000xf32, #tpu.memory_space<vmem_shared>>
        tpu.wait_indirect_dma semaphore(%arg51 : memref<!tpu.dma_semaphore, #tpu.memory_space<semaphore_mem>>) src(%arg13 : memref<1024xf32, #tpu.memory_space<vmem>>) dst(%dma_wait3A_1432 : memref<1000000xf32, #tpu.memory_space<vmem_shared>>)
        %dma_wait3A_1433 = arith.constant 0 : i32
        %dma_wait3A_1434 = tpu.memref_slice %arg10[%dma_wait3A_1433] : memref<1000000xf32, #tpu.memory_space<vmem_shared>> -> memref<1000000xf32, #tpu.memory_space<vmem_shared>>
        tpu.wait_indirect_dma semaphore(%arg51 : memref<!tpu.dma_semaphore, #tpu.memory_space<semaphore_mem>>) src(%arg13 : memref<1024xf32, #tpu.memory_space<vmem>>) dst(%dma_wait3A_1434 : memref<1000000xf32, #tpu.memory_space<vmem_shared>>)
        %dma_wait3A_1435 = arith.constant 0 : i32
        %dma_wait3A_1436 = tpu.memref_slice %arg10[%dma_wait3A_1435] : memref<1000000xf32, #tpu.memory_space<vmem_shared>> -> memref<1000000xf32, #tpu.memory_space<vmem_shared>>
        tpu.wait_indirect_dma semaphore(%arg51 : memref<!tpu.dma_semaphore, #tpu.memory_space<semaphore_mem>>) src(%arg13 : memref<1024xf32, #tpu.memory_space<vmem>>) dst(%dma_wait3A_1436 : memref<1000000xf32, #tpu.memory_space<vmem_shared>>)
      } else {
      }
      %scan3A_1312 = arith.constant 0 : i32
      %scan3A_1313 = arith.constant 0 : i32
      %scan3A_1314 = arith.constant 8 : i32
      %scan3A_1315 = arith.addi %scan3A_1313, %scan3A_1314 : i32
      %scan3A_1316 = arith.constant 1 : i32
      scf.for %scan3A_1421 = %scan3A_1313 to %scan3A_1315 step %scan3A_1316  : i32 {
        %mul3A_1422 = arith.constant 16 : i32
        %mul3A_1423 = arith.muli %scan3A_1421, %mul3A_1422 : i32
        %get3A_1424 = arith.constant 0 : i32
        %get3A_1425 = arith.index_cast %get3A_1424 : i32 to index
        %get3A_1426 = arith.index_cast %mul3A_1423 : i32 to index
        %get3A_1427 = tpu.vector_load %arg17[%get3A_1425, %get3A_1426] {strides = array<i32>} : memref<8x128xi32, #tpu.memory_space<vmem>>, vector<1x16xi32>,
        %get3A_1428 = vector.shape_cast %get3A_1427 : vector<1x16xi32> to vector<16xi32>
        %mul3A_1429 = arith.constant 16 : i32
        %mul3A_1430 = arith.muli %scan3A_1421, %mul3A_1429 : i32
        %add3A_1431 = arith.constant 0 : i32
        %add3A_1432 = arith.addi %add3A_1431, %mul3A_1430 : i32
        %swap3A_1433 = arith.index_cast %add3A_1432 : i32 to index
        %swap3A_1434 = tpu.vector_load %arg33[%swap3A_1433] {strides = array<i32>} : memref<1024xi32, #tpu.memory_space<vmem>>, vector<16xi32>,
        %swap3A_1435 = vector.shape_cast %swap3A_1434 : vector<16xi32> to vector<16xi32>
        %swap3A_1436 = vector.shape_cast %get3A_1428 : vector<16xi32> to vector<16xi32>
        tpu.vector_store %arg33[%swap3A_1433], %swap3A_1436 {strides = array<i32>} : memref<1024xi32, #tpu.memory_space<vmem>>, vector<16xi32>,
        %mul3A_1437 = arith.constant 16 : i32
        %mul3A_1438 = arith.muli %scan3A_1421, %mul3A_1437 : i32
        %get3A_1439 = arith.constant 0 : i32
        %get3A_1440 = arith.index_cast %get3A_1439 : i32 to index
        %get3A_1441 = arith.index_cast %mul3A_1438 : i32 to index
        %get3A_1442 = tpu.vector_load %arg18[%get3A_1440, %get3A_1441] {strides = array<i32>} : memref<8x128xi32, #tpu.memory_space<vmem>>, vector<1x16xi32>,
        %get3A_1443 = vector.shape_cast %get3A_1442 : vector<1x16xi32> to vector<16xi32>
        %mul3A_1444 = arith.constant 16 : i32
        %mul3A_1445 = arith.muli %scan3A_1421, %mul3A_1444 : i32
        %add3A_1446 = arith.constant 128 : i32
        %add3A_1447 = arith.addi %add3A_1446, %mul3A_1445 : i32
        %swap3A_1448 = arith.index_cast %add3A_1447 : i32 to index
        %swap3A_1449 = tpu.vector_load %arg33[%swap3A_1448] {strides = array<i32>} : memref<1024xi32, #tpu.memory_space<vmem>>, vector<16xi32>,
        %swap3A_1450 = vector.shape_cast %swap3A_1449 : vector<16xi32> to vector<16xi32>
        %swap3A_1451 = vector.shape_cast %get3A_1443 : vector<16xi32> to vector<16xi32>
        tpu.vector_store %arg33[%swap3A_1448], %swap3A_1451 {strides = array<i32>} : memref<1024xi32, #tpu.memory_space<vmem>>, vector<16xi32>,
        %mul3A_1452 = arith.constant 16 : i32
        %mul3A_1453 = arith.muli %scan3A_1421, %mul3A_1452 : i32
        %get3A_1454 = arith.constant 0 : i32
        %get3A_1455 = arith.index_cast %get3A_1454 : i32 to index
        %get3A_1456 = arith.index_cast %mul3A_1453 : i32 to index
        %get3A_1457 = tpu.vector_load %arg19[%get3A_1455, %get3A_1456] {strides = array<i32>} : memref<8x128xi32, #tpu.memory_space<vmem>>, vector<1x16xi32>,
        %get3A_1458 = vector.shape_cast %get3A_1457 : vector<1x16xi32> to vector<16xi32>
        %mul3A_1459 = arith.constant 16 : i32
        %mul3A_1460 = arith.muli %scan3A_1421, %mul3A_1459 : i32
        %add3A_1461 = arith.constant 256 : i32
        %add3A_1462 = arith.addi %add3A_1461, %mul3A_1460 : i32
        %swap3A_1463 = arith.index_cast %add3A_1462 : i32 to index
        %swap3A_1464 = tpu.vector_load %arg33[%swap3A_1463] {strides = array<i32>} : memref<1024xi32, #tpu.memory_space<vmem>>, vector<16xi32>,
        %swap3A_1465 = vector.shape_cast %swap3A_1464 : vector<16xi32> to vector<16xi32>
        %swap3A_1466 = vector.shape_cast %get3A_1458 : vector<16xi32> to vector<16xi32>
        tpu.vector_store %arg33[%swap3A_1463], %swap3A_1466 {strides = array<i32>} : memref<1024xi32, #tpu.memory_space<vmem>>, vector<16xi32>,
        %mul3A_1467 = arith.constant 16 : i32
        %mul3A_1468 = arith.muli %scan3A_1421, %mul3A_1467 : i32
        %get3A_1469 = arith.constant 0 : i32
        %get3A_1470 = arith.index_cast %get3A_1469 : i32 to index
        %get3A_1471 = arith.index_cast %mul3A_1468 : i32 to index
        %get3A_1472 = tpu.vector_load %arg20[%get3A_1470, %get3A_1471] {strides = array<i32>} : memref<8x128xi32, #tpu.memory_space<vmem>>, vector<1x16xi32>,
        %get3A_1473 = vector.shape_cast %get3A_1472 : vector<1x16xi32> to vector<16xi32>
        %mul3A_1474 = arith.constant 16 : i32
        %mul3A_1475 = arith.muli %scan3A_1421, %mul3A_1474 : i32
        %add3A_1476 = arith.constant 384 : i32
        %add3A_1477 = arith.addi %add3A_1476, %mul3A_1475 : i32
        %swap3A_1478 = arith.index_cast %add3A_1477 : i32 to index
        %swap3A_1479 = tpu.vector_load %arg33[%swap3A_1478] {strides = array<i32>} : memref<1024xi32, #tpu.memory_space<vmem>>, vector<16xi32>,
        %swap3A_1480 = vector.shape_cast %swap3A_1479 : vector<16xi32> to vector<16xi32>
        %swap3A_1481 = vector.shape_cast %get3A_1473 : vector<16xi32> to vector<16xi32>
        tpu.vector_store %arg33[%swap3A_1478], %swap3A_1481 {strides = array<i32>} : memref<1024xi32, #tpu.memory_space<vmem>>, vector<16xi32>,
        %mul3A_1482 = arith.constant 16 : i32
        %mul3A_1483 = arith.muli %scan3A_1421, %mul3A_1482 : i32
        %get3A_1484 = arith.constant 0 : i32
        %get3A_1485 = arith.index_cast %get3A_1484 : i32 to index
        %get3A_1486 = arith.index_cast %mul3A_1483 : i32 to index
        %get3A_1487 = tpu.vector_load %arg21[%get3A_1485, %get3A_1486] {strides = array<i32>} : memref<8x128xi32, #tpu.memory_space<vmem>>, vector<1x16xi32>,
        %get3A_1488 = vector.shape_cast %get3A_1487 : vector<1x16xi32> to vector<16xi32>
        %mul3A_1489 = arith.constant 16 : i32
        %mul3A_1490 = arith.muli %scan3A_1421, %mul3A_1489 : i32
        %add3A_1491 = arith.constant 512 : i32
        %add3A_1492 = arith.addi %add3A_1491, %mul3A_1490 : i32
        %swap3A_1493 = arith.index_cast %add3A_1492 : i32 to index
        %swap3A_1494 = tpu.vector_load %arg33[%swap3A_1493] {strides = array<i32>} : memref<1024xi32, #tpu.memory_space<vmem>>, vector<16xi32>,
        %swap3A_1495 = vector.shape_cast %swap3A_1494 : vector<16xi32> to vector<16xi32>
        %swap3A_1496 = vector.shape_cast %get3A_1488 : vector<16xi32> to vector<16xi32>
        tpu.vector_store %arg33[%swap3A_1493], %swap3A_1496 {strides = array<i32>} : memref<1024xi32, #tpu.memory_space<vmem>>, vector<16xi32>,
        %mul3A_1497 = arith.constant 16 : i32
        %mul3A_1498 = arith.muli %scan3A_1421, %mul3A_1497 : i32
        %get3A_1499 = arith.constant 0 : i32
        %get3A_1500 = arith.index_cast %get3A_1499 : i32 to index
        %get3A_1501 = arith.index_cast %mul3A_1498 : i32 to index
        %get3A_1502 = tpu.vector_load %arg22[%get3A_1500, %get3A_1501] {strides = array<i32>} : memref<8x128xi32, #tpu.memory_space<vmem>>, vector<1x16xi32>,
        %get3A_1503 = vector.shape_cast %get3A_1502 : vector<1x16xi32> to vector<16xi32>
        %mul3A_1504 = arith.constant 16 : i32
        %mul3A_1505 = arith.muli %scan3A_1421, %mul3A_1504 : i32
        %add3A_1506 = arith.constant 640 : i32
        %add3A_1507 = arith.addi %add3A_1506, %mul3A_1505 : i32
        %swap3A_1508 = arith.index_cast %add3A_1507 : i32 to index
        %swap3A_1509 = tpu.vector_load %arg33[%swap3A_1508] {strides = array<i32>} : memref<1024xi32, #tpu.memory_space<vmem>>, vector<16xi32>,
        %swap3A_1510 = vector.shape_cast %swap3A_1509 : vector<16xi32> to vector<16xi32>
        %swap3A_1511 = vector.shape_cast %get3A_1503 : vector<16xi32> to vector<16xi32>
        tpu.vector_store %arg33[%swap3A_1508], %swap3A_1511 {strides = array<i32>} : memref<1024xi32, #tpu.memory_space<vmem>>, vector<16xi32>,
        %mul3A_1512 = arith.constant 16 : i32
        %mul3A_1513 = arith.muli %scan3A_1421, %mul3A_1512 : i32
        %get3A_1514 = arith.constant 0 : i32
        %get3A_1515 = arith.index_cast %get3A_1514 : i32 to index
        %get3A_1516 = arith.index_cast %mul3A_1513 : i32 to index
        %get3A_1517 = tpu.vector_load %arg23[%get3A_1515, %get3A_1516] {strides = array<i32>} : memref<8x128xi32, #tpu.memory_space<vmem>>, vector<1x16xi32>,
        %get3A_1518 = vector.shape_cast %get3A_1517 : vector<1x16xi32> to vector<16xi32>
        %mul3A_1519 = arith.constant 16 : i32
        %mul3A_1520 = arith.muli %scan3A_1421, %mul3A_1519 : i32
        %add3A_1521 = arith.constant 768 : i32
        %add3A_1522 = arith.addi %add3A_1521, %mul3A_1520 : i32
        %swap3A_1523 = arith.index_cast %add3A_1522 : i32 to index
        %swap3A_1524 = tpu.vector_load %arg33[%swap3A_1523] {strides = array<i32>} : memref<1024xi32, #tpu.memory_space<vmem>>, vector<16xi32>,
        %swap3A_1525 = vector.shape_cast %swap3A_1524 : vector<16xi32> to vector<16xi32>
        %swap3A_1526 = vector.shape_cast %get3A_1518 : vector<16xi32> to vector<16xi32>
        tpu.vector_store %arg33[%swap3A_1523], %swap3A_1526 {strides = array<i32>} : memref<1024xi32, #tpu.memory_space<vmem>>, vector<16xi32>,
        %mul3A_1527 = arith.constant 16 : i32
        %mul3A_1528 = arith.muli %scan3A_1421, %mul3A_1527 : i32
        %get3A_1529 = arith.constant 0 : i32
        %get3A_1530 = arith.index_cast %get3A_1529 : i32 to index
        %get3A_1531 = arith.index_cast %mul3A_1528 : i32 to index
        %get3A_1532 = tpu.vector_load %arg24[%get3A_1530, %get3A_1531] {strides = array<i32>} : memref<8x128xi32, #tpu.memory_space<vmem>>, vector<1x16xi32>,
        %get3A_1533 = vector.shape_cast %get3A_1532 : vector<1x16xi32> to vector<16xi32>
        %mul3A_1534 = arith.constant 16 : i32
        %mul3A_1535 = arith.muli %scan3A_1421, %mul3A_1534 : i32
        %add3A_1536 = arith.constant 896 : i32
        %add3A_1537 = arith.addi %add3A_1536, %mul3A_1535 : i32
        %swap3A_1538 = arith.index_cast %add3A_1537 : i32 to index
        %swap3A_1539 = tpu.vector_load %arg33[%swap3A_1538] {strides = array<i32>} : memref<1024xi32, #tpu.memory_space<vmem>>, vector<16xi32>,
        %swap3A_1540 = vector.shape_cast %swap3A_1539 : vector<16xi32> to vector<16xi32>
        %swap3A_1541 = vector.shape_cast %get3A_1533 : vector<16xi32> to vector<16xi32>
        tpu.vector_store %arg33[%swap3A_1538], %swap3A_1541 {strides = array<i32>} : memref<1024xi32, #tpu.memory_space<vmem>>, vector<16xi32>,
        %mul3A_1542 = arith.constant 16 : i32
        %mul3A_1543 = arith.muli %scan3A_1421, %mul3A_1542 : i32
        %get3A_1544 = arith.constant 1 : i32
        %get3A_1545 = arith.index_cast %get3A_1544 : i32 to index
        %get3A_1546 = arith.index_cast %mul3A_1543 : i32 to index
        %get3A_1547 = tpu.vector_load %arg17[%get3A_1545, %get3A_1546] {strides = array<i32>} : memref<8x128xi32, #tpu.memory_space<vmem>>, vector<1x16xi32>,
        %get3A_1548 = vector.shape_cast %get3A_1547 : vector<1x16xi32> to vector<16xi32>
        %mul3A_1549 = arith.constant 16 : i32
        %mul3A_1550 = arith.muli %scan3A_1421, %mul3A_1549 : i32
        %add3A_1551 = arith.constant 0 : i32
        %add3A_1552 = arith.addi %add3A_1551, %mul3A_1550 : i32
        %swap3A_1553 = arith.index_cast %add3A_1552 : i32 to index
        %swap3A_1554 = tpu.vector_load %arg34[%swap3A_1553] {strides = array<i32>} : memref<1024xi32, #tpu.memory_space<vmem>>, vector<16xi32>,
        %swap3A_1555 = vector.shape_cast %swap3A_1554 : vector<16xi32> to vector<16xi32>
        %swap3A_1556 = vector.shape_cast %get3A_1548 : vector<16xi32> to vector<16xi32>
        tpu.vector_store %arg34[%swap3A_1553], %swap3A_1556 {strides = array<i32>} : memref<1024xi32, #tpu.memory_space<vmem>>, vector<16xi32>,
        %mul3A_1557 = arith.constant 16 : i32
        %mul3A_1558 = arith.muli %scan3A_1421, %mul3A_1557 : i32
        %get3A_1559 = arith.constant 1 : i32
        %get3A_1560 = arith.index_cast %get3A_1559 : i32 to index
        %get3A_1561 = arith.index_cast %mul3A_1558 : i32 to index
        %get3A_1562 = tpu.vector_load %arg18[%get3A_1560, %get3A_1561] {strides = array<i32>} : memref<8x128xi32, #tpu.memory_space<vmem>>, vector<1x16xi32>,
        %get3A_1563 = vector.shape_cast %get3A_1562 : vector<1x16xi32> to vector<16xi32>
        %mul3A_1564 = arith.constant 16 : i32
        %mul3A_1565 = arith.muli %scan3A_1421, %mul3A_1564 : i32
        %add3A_1566 = arith.constant 128 : i32
        %add3A_1567 = arith.addi %add3A_1566, %mul3A_1565 : i32
        %swap3A_1568 = arith.index_cast %add3A_1567 : i32 to index
        %swap3A_1569 = tpu.vector_load %arg34[%swap3A_1568] {strides = array<i32>} : memref<1024xi32, #tpu.memory_space<vmem>>, vector<16xi32>,
        %swap3A_1570 = vector.shape_cast %swap3A_1569 : vector<16xi32> to vector<16xi32>
        %swap3A_1571 = vector.shape_cast %get3A_1563 : vector<16xi32> to vector<16xi32>
        tpu.vector_store %arg34[%swap3A_1568], %swap3A_1571 {strides = array<i32>} : memref<1024xi32, #tpu.memory_space<vmem>>, vector<16xi32>,
        %mul3A_1572 = arith.constant 16 : i32
        %mul3A_1573 = arith.muli %scan3A_1421, %mul3A_1572 : i32
        %get3A_1574 = arith.constant 1 : i32
        %get3A_1575 = arith.index_cast %get3A_1574 : i32 to index
        %get3A_1576 = arith.index_cast %mul3A_1573 : i32 to index
        %get3A_1577 = tpu.vector_load %arg19[%get3A_1575, %get3A_1576] {strides = array<i32>} : memref<8x128xi32, #tpu.memory_space<vmem>>, vector<1x16xi32>,
        %get3A_1578 = vector.shape_cast %get3A_1577 : vector<1x16xi32> to vector<16xi32>
        %mul3A_1579 = arith.constant 16 : i32
        %mul3A_1580 = arith.muli %scan3A_1421, %mul3A_1579 : i32
        %add3A_1581 = arith.constant 256 : i32
        %add3A_1582 = arith.addi %add3A_1581, %mul3A_1580 : i32
        %swap3A_1583 = arith.index_cast %add3A_1582 : i32 to index
        %swap3A_1584 = tpu.vector_load %arg34[%swap3A_1583] {strides = array<i32>} : memref<1024xi32, #tpu.memory_space<vmem>>, vector<16xi32>,
        %swap3A_1585 = vector.shape_cast %swap3A_1584 : vector<16xi32> to vector<16xi32>
        %swap3A_1586 = vector.shape_cast %get3A_1578 : vector<16xi32> to vector<16xi32>
        tpu.vector_store %arg34[%swap3A_1583], %swap3A_1586 {strides = array<i32>} : memref<1024xi32, #tpu.memory_space<vmem>>, vector<16xi32>,
        %mul3A_1587 = arith.constant 16 : i32
        %mul3A_1588 = arith.muli %scan3A_1421, %mul3A_1587 : i32
        %get3A_1589 = arith.constant 1 : i32
        %get3A_1590 = arith.index_cast %get3A_1589 : i32 to index
        %get3A_1591 = arith.index_cast %mul3A_1588 : i32 to index
        %get3A_1592 = tpu.vector_load %arg20[%get3A_1590, %get3A_1591] {strides = array<i32>} : memref<8x128xi32, #tpu.memory_space<vmem>>, vector<1x16xi32>,
        %get3A_1593 = vector.shape_cast %get3A_1592 : vector<1x16xi32> to vector<16xi32>
        %mul3A_1594 = arith.constant 16 : i32
        %mul3A_1595 = arith.muli %scan3A_1421, %mul3A_1594 : i32
        %add3A_1596 = arith.constant 384 : i32
        %add3A_1597 = arith.addi %add3A_1596, %mul3A_1595 : i32
        %swap3A_1598 = arith.index_cast %add3A_1597 : i32 to index
        %swap3A_1599 = tpu.vector_load %arg34[%swap3A_1598] {strides = array<i32>} : memref<1024xi32, #tpu.memory_space<vmem>>, vector<16xi32>,
        %swap3A_1600 = vector.shape_cast %swap3A_1599 : vector<16xi32> to vector<16xi32>
        %swap3A_1601 = vector.shape_cast %get3A_1593 : vector<16xi32> to vector<16xi32>
        tpu.vector_store %arg34[%swap3A_1598], %swap3A_1601 {strides = array<i32>} : memref<1024xi32, #tpu.memory_space<vmem>>, vector<16xi32>,
        %mul3A_1602 = arith.constant 16 : i32
        %mul3A_1603 = arith.muli %scan3A_1421, %mul3A_1602 : i32
        %get3A_1604 = arith.constant 1 : i32
        %get3A_1605 = arith.index_cast %get3A_1604 : i32 to index
        %get3A_1606 = arith.index_cast %mul3A_1603 : i32 to index
        %get3A_1607 = tpu.vector_load %arg21[%get3A_1605, %get3A_1606] {strides = array<i32>} : memref<8x128xi32, #tpu.memory_space<vmem>>, vector<1x16xi32>,
        %get3A_1608 = vector.shape_cast %get3A_1607 : vector<1x16xi32> to vector<16xi32>
        %mul3A_1609 = arith.constant 16 : i32
        %mul3A_1610 = arith.muli %scan3A_1421, %mul3A_1609 : i32
        %add3A_1611 = arith.constant 512 : i32
        %add3A_1612 = arith.addi %add3A_1611, %mul3A_1610 : i32
        %swap3A_1613 = arith.index_cast %add3A_1612 : i32 to index
        %swap3A_1614 = tpu.vector_load %arg34[%swap3A_1613] {strides = array<i32>} : memref<1024xi32, #tpu.memory_space<vmem>>, vector<16xi32>,
        %swap3A_1615 = vector.shape_cast %swap3A_1614 : vector<16xi32> to vector<16xi32>
        %swap3A_1616 = vector.shape_cast %get3A_1608 : vector<16xi32> to vector<16xi32>
        tpu.vector_store %arg34[%swap3A_1613], %swap3A_1616 {strides = array<i32>} : memref<1024xi32, #tpu.memory_space<vmem>>, vector<16xi32>,
        %mul3A_1617 = arith.constant 16 : i32
        %mul3A_1618 = arith.muli %scan3A_1421, %mul3A_1617 : i32
        %get3A_1619 = arith.constant 1 : i32
        %get3A_1620 = arith.index_cast %get3A_1619 : i32 to index
        %get3A_1621 = arith.index_cast %mul3A_1618 : i32 to index
        %get3A_1622 = tpu.vector_load %arg22[%get3A_1620, %get3A_1621] {strides = array<i32>} : memref<8x128xi32, #tpu.memory_space<vmem>>, vector<1x16xi32>,
        %get3A_1623 = vector.shape_cast %get3A_1622 : vector<1x16xi32> to vector<16xi32>
        %mul3A_1624 = arith.constant 16 : i32
        %mul3A_1625 = arith.muli %scan3A_1421, %mul3A_1624 : i32
        %add3A_1626 = arith.constant 640 : i32
        %add3A_1627 = arith.addi %add3A_1626, %mul3A_1625 : i32
        %swap3A_1628 = arith.index_cast %add3A_1627 : i32 to index
        %swap3A_1629 = tpu.vector_load %arg34[%swap3A_1628] {strides = array<i32>} : memref<1024xi32, #tpu.memory_space<vmem>>, vector<16xi32>,
        %swap3A_1630 = vector.shape_cast %swap3A_1629 : vector<16xi32> to vector<16xi32>
        %swap3A_1631 = vector.shape_cast %get3A_1623 : vector<16xi32> to vector<16xi32>
        tpu.vector_store %arg34[%swap3A_1628], %swap3A_1631 {strides = array<i32>} : memref<1024xi32, #tpu.memory_space<vmem>>, vector<16xi32>,
        %mul3A_1632 = arith.constant 16 : i32
        %mul3A_1633 = arith.muli %scan3A_1421, %mul3A_1632 : i32
        %get3A_1634 = arith.constant 1 : i32
        %get3A_1635 = arith.index_cast %get3A_1634 : i32 to index
        %get3A_1636 = arith.index_cast %mul3A_1633 : i32 to index
        %get3A_1637 = tpu.vector_load %arg23[%get3A_1635, %get3A_1636] {strides = array<i32>} : memref<8x128xi32, #tpu.memory_space<vmem>>, vector<1x16xi32>,
        %get3A_1638 = vector.shape_cast %get3A_1637 : vector<1x16xi32> to vector<16xi32>
        %mul3A_1639 = arith.constant 16 : i32
        %mul3A_1640 = arith.muli %scan3A_1421, %mul3A_1639 : i32
        %add3A_1641 = arith.constant 768 : i32
        %add3A_1642 = arith.addi %add3A_1641, %mul3A_1640 : i32
        %swap3A_1643 = arith.index_cast %add3A_1642 : i32 to index
        %swap3A_1644 = tpu.vector_load %arg34[%swap3A_1643] {strides = array<i32>} : memref<1024xi32, #tpu.memory_space<vmem>>, vector<16xi32>,
        %swap3A_1645 = vector.shape_cast %swap3A_1644 : vector<16xi32> to vector<16xi32>
        %swap3A_1646 = vector.shape_cast %get3A_1638 : vector<16xi32> to vector<16xi32>
        tpu.vector_store %arg34[%swap3A_1643], %swap3A_1646 {strides = array<i32>} : memref<1024xi32, #tpu.memory_space<vmem>>, vector<16xi32>,
        %mul3A_1647 = arith.constant 16 : i32
        %mul3A_1648 = arith.muli %scan3A_1421, %mul3A_1647 : i32
        %get3A_1649 = arith.constant 1 : i32
        %get3A_1650 = arith.index_cast %get3A_1649 : i32 to index
        %get3A_1651 = arith.index_cast %mul3A_1648 : i32 to index
        %get3A_1652 = tpu.vector_load %arg24[%get3A_1650, %get3A_1651] {strides = array<i32>} : memref<8x128xi32, #tpu.memory_space<vmem>>, vector<1x16xi32>,
        %get3A_1653 = vector.shape_cast %get3A_1652 : vector<1x16xi32> to vector<16xi32>
        %mul3A_1654 = arith.constant 16 : i32
        %mul3A_1655 = arith.muli %scan3A_1421, %mul3A_1654 : i32
        %add3A_1656 = arith.constant 896 : i32
        %add3A_1657 = arith.addi %add3A_1656, %mul3A_1655 : i32
        %swap3A_1658 = arith.index_cast %add3A_1657 : i32 to index
        %swap3A_1659 = tpu.vector_load %arg34[%swap3A_1658] {strides = array<i32>} : memref<1024xi32, #tpu.memory_space<vmem>>, vector<16xi32>,
        %swap3A_1660 = vector.shape_cast %swap3A_1659 : vector<16xi32> to vector<16xi32>
        %swap3A_1661 = vector.shape_cast %get3A_1653 : vector<16xi32> to vector<16xi32>
        tpu.vector_store %arg34[%swap3A_1658], %swap3A_1661 {strides = array<i32>} : memref<1024xi32, #tpu.memory_space<vmem>>, vector<16xi32>,
        %mul3A_1662 = arith.constant 16 : i32
        %mul3A_1663 = arith.muli %scan3A_1421, %mul3A_1662 : i32
        %get3A_1664 = arith.constant 2 : i32
        %get3A_1665 = arith.index_cast %get3A_1664 : i32 to index
        %get3A_1666 = arith.index_cast %mul3A_1663 : i32 to index
        %get3A_1667 = tpu.vector_load %arg17[%get3A_1665, %get3A_1666] {strides = array<i32>} : memref<8x128xi32, #tpu.memory_space<vmem>>, vector<1x16xi32>,
        %get3A_1668 = vector.shape_cast %get3A_1667 : vector<1x16xi32> to vector<16xi32>
        %mul3A_1669 = arith.constant 16 : i32
        %mul3A_1670 = arith.muli %scan3A_1421, %mul3A_1669 : i32
        %add3A_1671 = arith.constant 0 : i32
        %add3A_1672 = arith.addi %add3A_1671, %mul3A_1670 : i32
        %swap3A_1673 = arith.index_cast %add3A_1672 : i32 to index
        %swap3A_1674 = tpu.vector_load %arg35[%swap3A_1673] {strides = array<i32>} : memref<1024xi32, #tpu.memory_space<vmem>>, vector<16xi32>,
        %swap3A_1675 = vector.shape_cast %swap3A_1674 : vector<16xi32> to vector<16xi32>
        %swap3A_1676 = vector.shape_cast %get3A_1668 : vector<16xi32> to vector<16xi32>
        tpu.vector_store %arg35[%swap3A_1673], %swap3A_1676 {strides = array<i32>} : memref<1024xi32, #tpu.memory_space<vmem>>, vector<16xi32>,
        %mul3A_1677 = arith.constant 16 : i32
        %mul3A_1678 = arith.muli %scan3A_1421, %mul3A_1677 : i32
        %get3A_1679 = arith.constant 2 : i32
        %get3A_1680 = arith.index_cast %get3A_1679 : i32 to index
        %get3A_1681 = arith.index_cast %mul3A_1678 : i32 to index
        %get3A_1682 = tpu.vector_load %arg18[%get3A_1680, %get3A_1681] {strides = array<i32>} : memref<8x128xi32, #tpu.memory_space<vmem>>, vector<1x16xi32>,
        %get3A_1683 = vector.shape_cast %get3A_1682 : vector<1x16xi32> to vector<16xi32>
        %mul3A_1684 = arith.constant 16 : i32
        %mul3A_1685 = arith.muli %scan3A_1421, %mul3A_1684 : i32
        %add3A_1686 = arith.constant 128 : i32
        %add3A_1687 = arith.addi %add3A_1686, %mul3A_1685 : i32
        %swap3A_1688 = arith.index_cast %add3A_1687 : i32 to index
        %swap3A_1689 = tpu.vector_load %arg35[%swap3A_1688] {strides = array<i32>} : memref<1024xi32, #tpu.memory_space<vmem>>, vector<16xi32>,
        %swap3A_1690 = vector.shape_cast %swap3A_1689 : vector<16xi32> to vector<16xi32>
        %swap3A_1691 = vector.shape_cast %get3A_1683 : vector<16xi32> to vector<16xi32>
        tpu.vector_store %arg35[%swap3A_1688], %swap3A_1691 {strides = array<i32>} : memref<1024xi32, #tpu.memory_space<vmem>>, vector<16xi32>,
        %mul3A_1692 = arith.constant 16 : i32
        %mul3A_1693 = arith.muli %scan3A_1421, %mul3A_1692 : i32
        %get3A_1694 = arith.constant 2 : i32
        %get3A_1695 = arith.index_cast %get3A_1694 : i32 to index
        %get3A_1696 = arith.index_cast %mul3A_1693 : i32 to index
        %get3A_1697 = tpu.vector_load %arg19[%get3A_1695, %get3A_1696] {strides = array<i32>} : memref<8x128xi32, #tpu.memory_space<vmem>>, vector<1x16xi32>,
        %get3A_1698 = vector.shape_cast %get3A_1697 : vector<1x16xi32> to vector<16xi32>
        %mul3A_1699 = arith.constant 16 : i32
        %mul3A_1700 = arith.muli %scan3A_1421, %mul3A_1699 : i32
        %add3A_1701 = arith.constant 256 : i32
        %add3A_1702 = arith.addi %add3A_1701, %mul3A_1700 : i32
        %swap3A_1703 = arith.index_cast %add3A_1702 : i32 to index
        %swap3A_1704 = tpu.vector_load %arg35[%swap3A_1703] {strides = array<i32>} : memref<1024xi32, #tpu.memory_space<vmem>>, vector<16xi32>,
        %swap3A_1705 = vector.shape_cast %swap3A_1704 : vector<16xi32> to vector<16xi32>
        %swap3A_1706 = vector.shape_cast %get3A_1698 : vector<16xi32> to vector<16xi32>
        tpu.vector_store %arg35[%swap3A_1703], %swap3A_1706 {strides = array<i32>} : memref<1024xi32, #tpu.memory_space<vmem>>, vector<16xi32>,
        %mul3A_1707 = arith.constant 16 : i32
        %mul3A_1708 = arith.muli %scan3A_1421, %mul3A_1707 : i32
        %get3A_1709 = arith.constant 2 : i32
        %get3A_1710 = arith.index_cast %get3A_1709 : i32 to index
        %get3A_1711 = arith.index_cast %mul3A_1708 : i32 to index
        %get3A_1712 = tpu.vector_load %arg20[%get3A_1710, %get3A_1711] {strides = array<i32>} : memref<8x128xi32, #tpu.memory_space<vmem>>, vector<1x16xi32>,
        %get3A_1713 = vector.shape_cast %get3A_1712 : vector<1x16xi32> to vector<16xi32>
        %mul3A_1714 = arith.constant 16 : i32
        %mul3A_1715 = arith.muli %scan3A_1421, %mul3A_1714 : i32
        %add3A_1716 = arith.constant 384 : i32
        %add3A_1717 = arith.addi %add3A_1716, %mul3A_1715 : i32
        %swap3A_1718 = arith.index_cast %add3A_1717 : i32 to index
        %swap3A_1719 = tpu.vector_load %arg35[%swap3A_1718] {strides = array<i32>} : memref<1024xi32, #tpu.memory_space<vmem>>, vector<16xi32>,
        %swap3A_1720 = vector.shape_cast %swap3A_1719 : vector<16xi32> to vector<16xi32>
        %swap3A_1721 = vector.shape_cast %get3A_1713 : vector<16xi32> to vector<16xi32>
        tpu.vector_store %arg35[%swap3A_1718], %swap3A_1721 {strides = array<i32>} : memref<1024xi32, #tpu.memory_space<vmem>>, vector<16xi32>,
        %mul3A_1722 = arith.constant 16 : i32
        %mul3A_1723 = arith.muli %scan3A_1421, %mul3A_1722 : i32
        %get3A_1724 = arith.constant 2 : i32
        %get3A_1725 = arith.index_cast %get3A_1724 : i32 to index
        %get3A_1726 = arith.index_cast %mul3A_1723 : i32 to index
        %get3A_1727 = tpu.vector_load %arg21[%get3A_1725, %get3A_1726] {strides = array<i32>} : memref<8x128xi32, #tpu.memory_space<vmem>>, vector<1x16xi32>,
        %get3A_1728 = vector.shape_cast %get3A_1727 : vector<1x16xi32> to vector<16xi32>
        %mul3A_1729 = arith.constant 16 : i32
        %mul3A_1730 = arith.muli %scan3A_1421, %mul3A_1729 : i32
        %add3A_1731 = arith.constant 512 : i32
        %add3A_1732 = arith.addi %add3A_1731, %mul3A_1730 : i32
        %swap3A_1733 = arith.index_cast %add3A_1732 : i32 to index
        %swap3A_1734 = tpu.vector_load %arg35[%swap3A_1733] {strides = array<i32>} : memref<1024xi32, #tpu.memory_space<vmem>>, vector<16xi32>,
        %swap3A_1735 = vector.shape_cast %swap3A_1734 : vector<16xi32> to vector<16xi32>
        %swap3A_1736 = vector.shape_cast %get3A_1728 : vector<16xi32> to vector<16xi32>
        tpu.vector_store %arg35[%swap3A_1733], %swap3A_1736 {strides = array<i32>} : memref<1024xi32, #tpu.memory_space<vmem>>, vector<16xi32>,
        %mul3A_1737 = arith.constant 16 : i32
        %mul3A_1738 = arith.muli %scan3A_1421, %mul3A_1737 : i32
        %get3A_1739 = arith.constant 2 : i32
        %get3A_1740 = arith.index_cast %get3A_1739 : i32 to index
        %get3A_1741 = arith.index_cast %mul3A_1738 : i32 to index
        %get3A_1742 = tpu.vector_load %arg22[%get3A_1740, %get3A_1741] {strides = array<i32>} : memref<8x128xi32, #tpu.memory_space<vmem>>, vector<1x16xi32>,
        %get3A_1743 = vector.shape_cast %get3A_1742 : vector<1x16xi32> to vector<16xi32>
        %mul3A_1744 = arith.constant 16 : i32
        %mul3A_1745 = arith.muli %scan3A_1421, %mul3A_1744 : i32
        %add3A_1746 = arith.constant 640 : i32
        %add3A_1747 = arith.addi %add3A_1746, %mul3A_1745 : i32
        %swap3A_1748 = arith.index_cast %add3A_1747 : i32 to index
        %swap3A_1749 = tpu.vector_load %arg35[%swap3A_1748] {strides = array<i32>} : memref<1024xi32, #tpu.memory_space<vmem>>, vector<16xi32>,
        %swap3A_1750 = vector.shape_cast %swap3A_1749 : vector<16xi32> to vector<16xi32>
        %swap3A_1751 = vector.shape_cast %get3A_1743 : vector<16xi32> to vector<16xi32>
        tpu.vector_store %arg35[%swap3A_1748], %swap3A_1751 {strides = array<i32>} : memref<1024xi32, #tpu.memory_space<vmem>>, vector<16xi32>,
        %mul3A_1752 = arith.constant 16 : i32
        %mul3A_1753 = arith.muli %scan3A_1421, %mul3A_1752 : i32
        %get3A_1754 = arith.constant 2 : i32
        %get3A_1755 = arith.index_cast %get3A_1754 : i32 to index
        %get3A_1756 = arith.index_cast %mul3A_1753 : i32 to index
        %get3A_1757 = tpu.vector_load %arg23[%get3A_1755, %get3A_1756] {strides = array<i32>} : memref<8x128xi32, #tpu.memory_space<vmem>>, vector<1x16xi32>,
        %get3A_1758 = vector.shape_cast %get3A_1757 : vector<1x16xi32> to vector<16xi32>
        %mul3A_1759 = arith.constant 16 : i32
        %mul3A_1760 = arith.muli %scan3A_1421, %mul3A_1759 : i32
        %add3A_1761 = arith.constant 768 : i32
        %add3A_1762 = arith.addi %add3A_1761, %mul3A_1760 : i32
        %swap3A_1763 = arith.index_cast %add3A_1762 : i32 to index
        %swap3A_1764 = tpu.vector_load %arg35[%swap3A_1763] {strides = array<i32>} : memref<1024xi32, #tpu.memory_space<vmem>>, vector<16xi32>,
        %swap3A_1765 = vector.shape_cast %swap3A_1764 : vector<16xi32> to vector<16xi32>
        %swap3A_1766 = vector.shape_cast %get3A_1758 : vector<16xi32> to vector<16xi32>
        tpu.vector_store %arg35[%swap3A_1763], %swap3A_1766 {strides = array<i32>} : memref<1024xi32, #tpu.memory_space<vmem>>, vector<16xi32>,
        %mul3A_1767 = arith.constant 16 : i32
        %mul3A_1768 = arith.muli %scan3A_1421, %mul3A_1767 : i32
        %get3A_1769 = arith.constant 2 : i32
        %get3A_1770 = arith.index_cast %get3A_1769 : i32 to index
        %get3A_1771 = arith.index_cast %mul3A_1768 : i32 to index
        %get3A_1772 = tpu.vector_load %arg24[%get3A_1770, %get3A_1771] {strides = array<i32>} : memref<8x128xi32, #tpu.memory_space<vmem>>, vector<1x16xi32>,
        %get3A_1773 = vector.shape_cast %get3A_1772 : vector<1x16xi32> to vector<16xi32>
        %mul3A_1774 = arith.constant 16 : i32
        %mul3A_1775 = arith.muli %scan3A_1421, %mul3A_1774 : i32
        %add3A_1776 = arith.constant 896 : i32
        %add3A_1777 = arith.addi %add3A_1776, %mul3A_1775 : i32
        %swap3A_1778 = arith.index_cast %add3A_1777 : i32 to index
        %swap3A_1779 = tpu.vector_load %arg35[%swap3A_1778] {strides = array<i32>} : memref<1024xi32, #tpu.memory_space<vmem>>, vector<16xi32>,
        %swap3A_1780 = vector.shape_cast %swap3A_1779 : vector<16xi32> to vector<16xi32>
        %swap3A_1781 = vector.shape_cast %get3A_1773 : vector<16xi32> to vector<16xi32>
        tpu.vector_store %arg35[%swap3A_1778], %swap3A_1781 {strides = array<i32>} : memref<1024xi32, #tpu.memory_space<vmem>>, vector<16xi32>,
        %mul3A_1782 = arith.constant 16 : i32
        %mul3A_1783 = arith.muli %scan3A_1421, %mul3A_1782 : i32
        %get3A_1784 = arith.constant 3 : i32
        %get3A_1785 = arith.index_cast %get3A_1784 : i32 to index
        %get3A_1786 = arith.index_cast %mul3A_1783 : i32 to index
        %get3A_1787 = tpu.vector_load %arg17[%get3A_1785, %get3A_1786] {strides = array<i32>} : memref<8x128xi32, #tpu.memory_space<vmem>>, vector<1x16xi32>,
        %get3A_1788 = vector.shape_cast %get3A_1787 : vector<1x16xi32> to vector<16xi32>
        %mul3A_1789 = arith.constant 16 : i32
        %mul3A_1790 = arith.muli %scan3A_1421, %mul3A_1789 : i32
        %add3A_1791 = arith.constant 0 : i32
        %add3A_1792 = arith.addi %add3A_1791, %mul3A_1790 : i32
        %swap3A_1793 = arith.index_cast %add3A_1792 : i32 to index
        %swap3A_1794 = tpu.vector_load %arg36[%swap3A_1793] {strides = array<i32>} : memref<1024xi32, #tpu.memory_space<vmem>>, vector<16xi32>,
        %swap3A_1795 = vector.shape_cast %swap3A_1794 : vector<16xi32> to vector<16xi32>
        %swap3A_1796 = vector.shape_cast %get3A_1788 : vector<16xi32> to vector<16xi32>
        tpu.vector_store %arg36[%swap3A_1793], %swap3A_1796 {strides = array<i32>} : memref<1024xi32, #tpu.memory_space<vmem>>, vector<16xi32>,
        %mul3A_1797 = arith.constant 16 : i32
        %mul3A_1798 = arith.muli %scan3A_1421, %mul3A_1797 : i32
        %get3A_1799 = arith.constant 3 : i32
        %get3A_1800 = arith.index_cast %get3A_1799 : i32 to index
        %get3A_1801 = arith.index_cast %mul3A_1798 : i32 to index
        %get3A_1802 = tpu.vector_load %arg18[%get3A_1800, %get3A_1801] {strides = array<i32>} : memref<8x128xi32, #tpu.memory_space<vmem>>, vector<1x16xi32>,
        %get3A_1803 = vector.shape_cast %get3A_1802 : vector<1x16xi32> to vector<16xi32>
        %mul3A_1804 = arith.constant 16 : i32
        %mul3A_1805 = arith.muli %scan3A_1421, %mul3A_1804 : i32
        %add3A_1806 = arith.constant 128 : i32
        %add3A_1807 = arith.addi %add3A_1806, %mul3A_1805 : i32
        %swap3A_1808 = arith.index_cast %add3A_1807 : i32 to index
        %swap3A_1809 = tpu.vector_load %arg36[%swap3A_1808] {strides = array<i32>} : memref<1024xi32, #tpu.memory_space<vmem>>, vector<16xi32>,
        %swap3A_1810 = vector.shape_cast %swap3A_1809 : vector<16xi32> to vector<16xi32>
        %swap3A_1811 = vector.shape_cast %get3A_1803 : vector<16xi32> to vector<16xi32>
        tpu.vector_store %arg36[%swap3A_1808], %swap3A_1811 {strides = array<i32>} : memref<1024xi32, #tpu.memory_space<vmem>>, vector<16xi32>,
        %mul3A_1812 = arith.constant 16 : i32
        %mul3A_1813 = arith.muli %scan3A_1421, %mul3A_1812 : i32
        %get3A_1814 = arith.constant 3 : i32
        %get3A_1815 = arith.index_cast %get3A_1814 : i32 to index
        %get3A_1816 = arith.index_cast %mul3A_1813 : i32 to index
        %get3A_1817 = tpu.vector_load %arg19[%get3A_1815, %get3A_1816] {strides = array<i32>} : memref<8x128xi32, #tpu.memory_space<vmem>>, vector<1x16xi32>,
        %get3A_1818 = vector.shape_cast %get3A_1817 : vector<1x16xi32> to vector<16xi32>
        %mul3A_1819 = arith.constant 16 : i32
        %mul3A_1820 = arith.muli %scan3A_1421, %mul3A_1819 : i32
        %add3A_1821 = arith.constant 256 : i32
        %add3A_1822 = arith.addi %add3A_1821, %mul3A_1820 : i32
        %swap3A_1823 = arith.index_cast %add3A_1822 : i32 to index
        %swap3A_1824 = tpu.vector_load %arg36[%swap3A_1823] {strides = array<i32>} : memref<1024xi32, #tpu.memory_space<vmem>>, vector<16xi32>,
        %swap3A_1825 = vector.shape_cast %swap3A_1824 : vector<16xi32> to vector<16xi32>
        %swap3A_1826 = vector.shape_cast %get3A_1818 : vector<16xi32> to vector<16xi32>
        tpu.vector_store %arg36[%swap3A_1823], %swap3A_1826 {strides = array<i32>} : memref<1024xi32, #tpu.memory_space<vmem>>, vector<16xi32>,
        %mul3A_1827 = arith.constant 16 : i32
        %mul3A_1828 = arith.muli %scan3A_1421, %mul3A_1827 : i32
        %get3A_1829 = arith.constant 3 : i32
        %get3A_1830 = arith.index_cast %get3A_1829 : i32 to index
        %get3A_1831 = arith.index_cast %mul3A_1828 : i32 to index
        %get3A_1832 = tpu.vector_load %arg20[%get3A_1830, %get3A_1831] {strides = array<i32>} : memref<8x128xi32, #tpu.memory_space<vmem>>, vector<1x16xi32>,
        %get3A_1833 = vector.shape_cast %get3A_1832 : vector<1x16xi32> to vector<16xi32>
        %mul3A_1834 = arith.constant 16 : i32
        %mul3A_1835 = arith.muli %scan3A_1421, %mul3A_1834 : i32
        %add3A_1836 = arith.constant 384 : i32
        %add3A_1837 = arith.addi %add3A_1836, %mul3A_1835 : i32
        %swap3A_1838 = arith.index_cast %add3A_1837 : i32 to index
        %swap3A_1839 = tpu.vector_load %arg36[%swap3A_1838] {strides = array<i32>} : memref<1024xi32, #tpu.memory_space<vmem>>, vector<16xi32>,
        %swap3A_1840 = vector.shape_cast %swap3A_1839 : vector<16xi32> to vector<16xi32>
        %swap3A_1841 = vector.shape_cast %get3A_1833 : vector<16xi32> to vector<16xi32>
        tpu.vector_store %arg36[%swap3A_1838], %swap3A_1841 {strides = array<i32>} : memref<1024xi32, #tpu.memory_space<vmem>>, vector<16xi32>,
        %mul3A_1842 = arith.constant 16 : i32
        %mul3A_1843 = arith.muli %scan3A_1421, %mul3A_1842 : i32
        %get3A_1844 = arith.constant 3 : i32
        %get3A_1845 = arith.index_cast %get3A_1844 : i32 to index
        %get3A_1846 = arith.index_cast %mul3A_1843 : i32 to index
        %get3A_1847 = tpu.vector_load %arg21[%get3A_1845, %get3A_1846] {strides = array<i32>} : memref<8x128xi32, #tpu.memory_space<vmem>>, vector<1x16xi32>,
        %get3A_1848 = vector.shape_cast %get3A_1847 : vector<1x16xi32> to vector<16xi32>
        %mul3A_1849 = arith.constant 16 : i32
        %mul3A_1850 = arith.muli %scan3A_1421, %mul3A_1849 : i32
        %add3A_1851 = arith.constant 512 : i32
        %add3A_1852 = arith.addi %add3A_1851, %mul3A_1850 : i32
        %swap3A_1853 = arith.index_cast %add3A_1852 : i32 to index
        %swap3A_1854 = tpu.vector_load %arg36[%swap3A_1853] {strides = array<i32>} : memref<1024xi32, #tpu.memory_space<vmem>>, vector<16xi32>,
        %swap3A_1855 = vector.shape_cast %swap3A_1854 : vector<16xi32> to vector<16xi32>
        %swap3A_1856 = vector.shape_cast %get3A_1848 : vector<16xi32> to vector<16xi32>
        tpu.vector_store %arg36[%swap3A_1853], %swap3A_1856 {strides = array<i32>} : memref<1024xi32, #tpu.memory_space<vmem>>, vector<16xi32>,
        %mul3A_1857 = arith.constant 16 : i32
        %mul3A_1858 = arith.muli %scan3A_1421, %mul3A_1857 : i32
        %get3A_1859 = arith.constant 3 : i32
        %get3A_1860 = arith.index_cast %get3A_1859 : i32 to index
        %get3A_1861 = arith.index_cast %mul3A_1858 : i32 to index
        %get3A_1862 = tpu.vector_load %arg22[%get3A_1860, %get3A_1861] {strides = array<i32>} : memref<8x128xi32, #tpu.memory_space<vmem>>, vector<1x16xi32>,
        %get3A_1863 = vector.shape_cast %get3A_1862 : vector<1x16xi32> to vector<16xi32>
        %mul3A_1864 = arith.constant 16 : i32
        %mul3A_1865 = arith.muli %scan3A_1421, %mul3A_1864 : i32
        %add3A_1866 = arith.constant 640 : i32
        %add3A_1867 = arith.addi %add3A_1866, %mul3A_1865 : i32
        %swap3A_1868 = arith.index_cast %add3A_1867 : i32 to index
        %swap3A_1869 = tpu.vector_load %arg36[%swap3A_1868] {strides = array<i32>} : memref<1024xi32, #tpu.memory_space<vmem>>, vector<16xi32>,
        %swap3A_1870 = vector.shape_cast %swap3A_1869 : vector<16xi32> to vector<16xi32>
        %swap3A_1871 = vector.shape_cast %get3A_1863 : vector<16xi32> to vector<16xi32>
        tpu.vector_store %arg36[%swap3A_1868], %swap3A_1871 {strides = array<i32>} : memref<1024xi32, #tpu.memory_space<vmem>>, vector<16xi32>,
        %mul3A_1872 = arith.constant 16 : i32
        %mul3A_1873 = arith.muli %scan3A_1421, %mul3A_1872 : i32
        %get3A_1874 = arith.constant 3 : i32
        %get3A_1875 = arith.index_cast %get3A_1874 : i32 to index
        %get3A_1876 = arith.index_cast %mul3A_1873 : i32 to index
        %get3A_1877 = tpu.vector_load %arg23[%get3A_1875, %get3A_1876] {strides = array<i32>} : memref<8x128xi32, #tpu.memory_space<vmem>>, vector<1x16xi32>,
        %get3A_1878 = vector.shape_cast %get3A_1877 : vector<1x16xi32> to vector<16xi32>
        %mul3A_1879 = arith.constant 16 : i32
        %mul3A_1880 = arith.muli %scan3A_1421, %mul3A_1879 : i32
        %add3A_1881 = arith.constant 768 : i32
        %add3A_1882 = arith.addi %add3A_1881, %mul3A_1880 : i32
        %swap3A_1883 = arith.index_cast %add3A_1882 : i32 to index
        %swap3A_1884 = tpu.vector_load %arg36[%swap3A_1883] {strides = array<i32>} : memref<1024xi32, #tpu.memory_space<vmem>>, vector<16xi32>,
        %swap3A_1885 = vector.shape_cast %swap3A_1884 : vector<16xi32> to vector<16xi32>
        %swap3A_1886 = vector.shape_cast %get3A_1878 : vector<16xi32> to vector<16xi32>
        tpu.vector_store %arg36[%swap3A_1883], %swap3A_1886 {strides = array<i32>} : memref<1024xi32, #tpu.memory_space<vmem>>, vector<16xi32>,
        %mul3A_1887 = arith.constant 16 : i32
        %mul3A_1888 = arith.muli %scan3A_1421, %mul3A_1887 : i32
        %get3A_1889 = arith.constant 3 : i32
        %get3A_1890 = arith.index_cast %get3A_1889 : i32 to index
        %get3A_1891 = arith.index_cast %mul3A_1888 : i32 to index
        %get3A_1892 = tpu.vector_load %arg24[%get3A_1890, %get3A_1891] {strides = array<i32>} : memref<8x128xi32, #tpu.memory_space<vmem>>, vector<1x16xi32>,
        %get3A_1893 = vector.shape_cast %get3A_1892 : vector<1x16xi32> to vector<16xi32>
        %mul3A_1894 = arith.constant 16 : i32
        %mul3A_1895 = arith.muli %scan3A_1421, %mul3A_1894 : i32
        %add3A_1896 = arith.constant 896 : i32
        %add3A_1897 = arith.addi %add3A_1896, %mul3A_1895 : i32
        %swap3A_1898 = arith.index_cast %add3A_1897 : i32 to index
        %swap3A_1899 = tpu.vector_load %arg36[%swap3A_1898] {strides = array<i32>} : memref<1024xi32, #tpu.memory_space<vmem>>, vector<16xi32>,
        %swap3A_1900 = vector.shape_cast %swap3A_1899 : vector<16xi32> to vector<16xi32>
        %swap3A_1901 = vector.shape_cast %get3A_1893 : vector<16xi32> to vector<16xi32>
        tpu.vector_store %arg36[%swap3A_1898], %swap3A_1901 {strides = array<i32>} : memref<1024xi32, #tpu.memory_space<vmem>>, vector<16xi32>,
        %mul3A_1902 = arith.constant 16 : i32
        %mul3A_1903 = arith.muli %scan3A_1421, %mul3A_1902 : i32
        %get3A_1904 = arith.constant 4 : i32
        %get3A_1905 = arith.index_cast %get3A_1904 : i32 to index
        %get3A_1906 = arith.index_cast %mul3A_1903 : i32 to index
        %get3A_1907 = tpu.vector_load %arg17[%get3A_1905, %get3A_1906] {strides = array<i32>} : memref<8x128xi32, #tpu.memory_space<vmem>>, vector<1x16xi32>,
        %get3A_1908 = vector.shape_cast %get3A_1907 : vector<1x16xi32> to vector<16xi32>
        %mul3A_1909 = arith.constant 16 : i32
        %mul3A_1910 = arith.muli %scan3A_1421, %mul3A_1909 : i32
        %add3A_1911 = arith.constant 0 : i32
        %add3A_1912 = arith.addi %add3A_1911, %mul3A_1910 : i32
        %swap3A_1913 = arith.index_cast %add3A_1912 : i32 to index
        %swap3A_1914 = tpu.vector_load %arg37[%swap3A_1913] {strides = array<i32>} : memref<1024xi32, #tpu.memory_space<vmem>>, vector<16xi32>,
        %swap3A_1915 = vector.shape_cast %swap3A_1914 : vector<16xi32> to vector<16xi32>
        %swap3A_1916 = vector.shape_cast %get3A_1908 : vector<16xi32> to vector<16xi32>
        tpu.vector_store %arg37[%swap3A_1913], %swap3A_1916 {strides = array<i32>} : memref<1024xi32, #tpu.memory_space<vmem>>, vector<16xi32>,
        %mul3A_1917 = arith.constant 16 : i32
        %mul3A_1918 = arith.muli %scan3A_1421, %mul3A_1917 : i32
        %get3A_1919 = arith.constant 4 : i32
        %get3A_1920 = arith.index_cast %get3A_1919 : i32 to index
        %get3A_1921 = arith.index_cast %mul3A_1918 : i32 to index
        %get3A_1922 = tpu.vector_load %arg18[%get3A_1920, %get3A_1921] {strides = array<i32>} : memref<8x128xi32, #tpu.memory_space<vmem>>, vector<1x16xi32>,
        %get3A_1923 = vector.shape_cast %get3A_1922 : vector<1x16xi32> to vector<16xi32>
        %mul3A_1924 = arith.constant 16 : i32
        %mul3A_1925 = arith.muli %scan3A_1421, %mul3A_1924 : i32
        %add3A_1926 = arith.constant 128 : i32
        %add3A_1927 = arith.addi %add3A_1926, %mul3A_1925 : i32
        %swap3A_1928 = arith.index_cast %add3A_1927 : i32 to index
        %swap3A_1929 = tpu.vector_load %arg37[%swap3A_1928] {strides = array<i32>} : memref<1024xi32, #tpu.memory_space<vmem>>, vector<16xi32>,
        %swap3A_1930 = vector.shape_cast %swap3A_1929 : vector<16xi32> to vector<16xi32>
        %swap3A_1931 = vector.shape_cast %get3A_1923 : vector<16xi32> to vector<16xi32>
        tpu.vector_store %arg37[%swap3A_1928], %swap3A_1931 {strides = array<i32>} : memref<1024xi32, #tpu.memory_space<vmem>>, vector<16xi32>,
        %mul3A_1932 = arith.constant 16 : i32
        %mul3A_1933 = arith.muli %scan3A_1421, %mul3A_1932 : i32
        %get3A_1934 = arith.constant 4 : i32
        %get3A_1935 = arith.index_cast %get3A_1934 : i32 to index
        %get3A_1936 = arith.index_cast %mul3A_1933 : i32 to index
        %get3A_1937 = tpu.vector_load %arg19[%get3A_1935, %get3A_1936] {strides = array<i32>} : memref<8x128xi32, #tpu.memory_space<vmem>>, vector<1x16xi32>,
        %get3A_1938 = vector.shape_cast %get3A_1937 : vector<1x16xi32> to vector<16xi32>
        %mul3A_1939 = arith.constant 16 : i32
        %mul3A_1940 = arith.muli %scan3A_1421, %mul3A_1939 : i32
        %add3A_1941 = arith.constant 256 : i32
        %add3A_1942 = arith.addi %add3A_1941, %mul3A_1940 : i32
        %swap3A_1943 = arith.index_cast %add3A_1942 : i32 to index
        %swap3A_1944 = tpu.vector_load %arg37[%swap3A_1943] {strides = array<i32>} : memref<1024xi32, #tpu.memory_space<vmem>>, vector<16xi32>,
        %swap3A_1945 = vector.shape_cast %swap3A_1944 : vector<16xi32> to vector<16xi32>
        %swap3A_1946 = vector.shape_cast %get3A_1938 : vector<16xi32> to vector<16xi32>
        tpu.vector_store %arg37[%swap3A_1943], %swap3A_1946 {strides = array<i32>} : memref<1024xi32, #tpu.memory_space<vmem>>, vector<16xi32>,
        %mul3A_1947 = arith.constant 16 : i32
        %mul3A_1948 = arith.muli %scan3A_1421, %mul3A_1947 : i32
        %get3A_1949 = arith.constant 4 : i32
        %get3A_1950 = arith.index_cast %get3A_1949 : i32 to index
        %get3A_1951 = arith.index_cast %mul3A_1948 : i32 to index
        %get3A_1952 = tpu.vector_load %arg20[%get3A_1950, %get3A_1951] {strides = array<i32>} : memref<8x128xi32, #tpu.memory_space<vmem>>, vector<1x16xi32>,
        %get3A_1953 = vector.shape_cast %get3A_1952 : vector<1x16xi32> to vector<16xi32>
        %mul3A_1954 = arith.constant 16 : i32
        %mul3A_1955 = arith.muli %scan3A_1421, %mul3A_1954 : i32
        %add3A_1956 = arith.constant 384 : i32
        %add3A_1957 = arith.addi %add3A_1956, %mul3A_1955 : i32
        %swap3A_1958 = arith.index_cast %add3A_1957 : i32 to index
        %swap3A_1959 = tpu.vector_load %arg37[%swap3A_1958] {strides = array<i32>} : memref<1024xi32, #tpu.memory_space<vmem>>, vector<16xi32>,
        %swap3A_1960 = vector.shape_cast %swap3A_1959 : vector<16xi32> to vector<16xi32>
        %swap3A_1961 = vector.shape_cast %get3A_1953 : vector<16xi32> to vector<16xi32>
        tpu.vector_store %arg37[%swap3A_1958], %swap3A_1961 {strides = array<i32>} : memref<1024xi32, #tpu.memory_space<vmem>>, vector<16xi32>,
        %mul3A_1962 = arith.constant 16 : i32
        %mul3A_1963 = arith.muli %scan3A_1421, %mul3A_1962 : i32
        %get3A_1964 = arith.constant 4 : i32
        %get3A_1965 = arith.index_cast %get3A_1964 : i32 to index
        %get3A_1966 = arith.index_cast %mul3A_1963 : i32 to index
        %get3A_1967 = tpu.vector_load %arg21[%get3A_1965, %get3A_1966] {strides = array<i32>} : memref<8x128xi32, #tpu.memory_space<vmem>>, vector<1x16xi32>,
        %get3A_1968 = vector.shape_cast %get3A_1967 : vector<1x16xi32> to vector<16xi32>
        %mul3A_1969 = arith.constant 16 : i32
        %mul3A_1970 = arith.muli %scan3A_1421, %mul3A_1969 : i32
        %add3A_1971 = arith.constant 512 : i32
        %add3A_1972 = arith.addi %add3A_1971, %mul3A_1970 : i32
        %swap3A_1973 = arith.index_cast %add3A_1972 : i32 to index
        %swap3A_1974 = tpu.vector_load %arg37[%swap3A_1973] {strides = array<i32>} : memref<1024xi32, #tpu.memory_space<vmem>>, vector<16xi32>,
        %swap3A_1975 = vector.shape_cast %swap3A_1974 : vector<16xi32> to vector<16xi32>
        %swap3A_1976 = vector.shape_cast %get3A_1968 : vector<16xi32> to vector<16xi32>
        tpu.vector_store %arg37[%swap3A_1973], %swap3A_1976 {strides = array<i32>} : memref<1024xi32, #tpu.memory_space<vmem>>, vector<16xi32>,
        %mul3A_1977 = arith.constant 16 : i32
        %mul3A_1978 = arith.muli %scan3A_1421, %mul3A_1977 : i32
        %get3A_1979 = arith.constant 4 : i32
        %get3A_1980 = arith.index_cast %get3A_1979 : i32 to index
        %get3A_1981 = arith.index_cast %mul3A_1978 : i32 to index
        %get3A_1982 = tpu.vector_load %arg22[%get3A_1980, %get3A_1981] {strides = array<i32>} : memref<8x128xi32, #tpu.memory_space<vmem>>, vector<1x16xi32>,
        %get3A_1983 = vector.shape_cast %get3A_1982 : vector<1x16xi32> to vector<16xi32>
        %mul3A_1984 = arith.constant 16 : i32
        %mul3A_1985 = arith.muli %scan3A_1421, %mul3A_1984 : i32
        %add3A_1986 = arith.constant 640 : i32
        %add3A_1987 = arith.addi %add3A_1986, %mul3A_1985 : i32
        %swap3A_1988 = arith.index_cast %add3A_1987 : i32 to index
        %swap3A_1989 = tpu.vector_load %arg37[%swap3A_1988] {strides = array<i32>} : memref<1024xi32, #tpu.memory_space<vmem>>, vector<16xi32>,
        %swap3A_1990 = vector.shape_cast %swap3A_1989 : vector<16xi32> to vector<16xi32>
        %swap3A_1991 = vector.shape_cast %get3A_1983 : vector<16xi32> to vector<16xi32>
        tpu.vector_store %arg37[%swap3A_1988], %swap3A_1991 {strides = array<i32>} : memref<1024xi32, #tpu.memory_space<vmem>>, vector<16xi32>,
        %mul3A_1992 = arith.constant 16 : i32
        %mul3A_1993 = arith.muli %scan3A_1421, %mul3A_1992 : i32
        %get3A_1994 = arith.constant 4 : i32
        %get3A_1995 = arith.index_cast %get3A_1994 : i32 to index
        %get3A_1996 = arith.index_cast %mul3A_1993 : i32 to index
        %get3A_1997 = tpu.vector_load %arg23[%get3A_1995, %get3A_1996] {strides = array<i32>} : memref<8x128xi32, #tpu.memory_space<vmem>>, vector<1x16xi32>,
        %get3A_1998 = vector.shape_cast %get3A_1997 : vector<1x16xi32> to vector<16xi32>
        %mul3A_1999 = arith.constant 16 : i32
        %mul3A_2000 = arith.muli %scan3A_1421, %mul3A_1999 : i32
        %add3A_2001 = arith.constant 768 : i32
        %add3A_2002 = arith.addi %add3A_2001, %mul3A_2000 : i32
        %swap3A_2003 = arith.index_cast %add3A_2002 : i32 to index
        %swap3A_2004 = tpu.vector_load %arg37[%swap3A_2003] {strides = array<i32>} : memref<1024xi32, #tpu.memory_space<vmem>>, vector<16xi32>,
        %swap3A_2005 = vector.shape_cast %swap3A_2004 : vector<16xi32> to vector<16xi32>
        %swap3A_2006 = vector.shape_cast %get3A_1998 : vector<16xi32> to vector<16xi32>
        tpu.vector_store %arg37[%swap3A_2003], %swap3A_2006 {strides = array<i32>} : memref<1024xi32, #tpu.memory_space<vmem>>, vector<16xi32>,
        %mul3A_2007 = arith.constant 16 : i32
        %mul3A_2008 = arith.muli %scan3A_1421, %mul3A_2007 : i32
        %get3A_2009 = arith.constant 4 : i32
        %get3A_2010 = arith.index_cast %get3A_2009 : i32 to index
        %get3A_2011 = arith.index_cast %mul3A_2008 : i32 to index
        %get3A_2012 = tpu.vector_load %arg24[%get3A_2010, %get3A_2011] {strides = array<i32>} : memref<8x128xi32, #tpu.memory_space<vmem>>, vector<1x16xi32>,
        %get3A_2013 = vector.shape_cast %get3A_2012 : vector<1x16xi32> to vector<16xi32>
        %mul3A_2014 = arith.constant 16 : i32
        %mul3A_2015 = arith.muli %scan3A_1421, %mul3A_2014 : i32
        %add3A_2016 = arith.constant 896 : i32
        %add3A_2017 = arith.addi %add3A_2016, %mul3A_2015 : i32
        %swap3A_2018 = arith.index_cast %add3A_2017 : i32 to index
        %swap3A_2019 = tpu.vector_load %arg37[%swap3A_2018] {strides = array<i32>} : memref<1024xi32, #tpu.memory_space<vmem>>, vector<16xi32>,
        %swap3A_2020 = vector.shape_cast %swap3A_2019 : vector<16xi32> to vector<16xi32>
        %swap3A_2021 = vector.shape_cast %get3A_2013 : vector<16xi32> to vector<16xi32>
        tpu.vector_store %arg37[%swap3A_2018], %swap3A_2021 {strides = array<i32>} : memref<1024xi32, #tpu.memory_space<vmem>>, vector<16xi32>,
        %mul3A_2022 = arith.constant 16 : i32
        %mul3A_2023 = arith.muli %scan3A_1421, %mul3A_2022 : i32
        %get3A_2024 = arith.constant 5 : i32
        %get3A_2025 = arith.index_cast %get3A_2024 : i32 to index
        %get3A_2026 = arith.index_cast %mul3A_2023 : i32 to index
        %get3A_2027 = tpu.vector_load %arg17[%get3A_2025, %get3A_2026] {strides = array<i32>} : memref<8x128xi32, #tpu.memory_space<vmem>>, vector<1x16xi32>,
        %get3A_2028 = vector.shape_cast %get3A_2027 : vector<1x16xi32> to vector<16xi32>
        %mul3A_2029 = arith.constant 16 : i32
        %mul3A_2030 = arith.muli %scan3A_1421, %mul3A_2029 : i32
        %add3A_2031 = arith.constant 0 : i32
        %add3A_2032 = arith.addi %add3A_2031, %mul3A_2030 : i32
        %swap3A_2033 = arith.index_cast %add3A_2032 : i32 to index
        %swap3A_2034 = tpu.vector_load %arg38[%swap3A_2033] {strides = array<i32>} : memref<1024xi32, #tpu.memory_space<vmem>>, vector<16xi32>,
        %swap3A_2035 = vector.shape_cast %swap3A_2034 : vector<16xi32> to vector<16xi32>
        %swap3A_2036 = vector.shape_cast %get3A_2028 : vector<16xi32> to vector<16xi32>
        tpu.vector_store %arg38[%swap3A_2033], %swap3A_2036 {strides = array<i32>} : memref<1024xi32, #tpu.memory_space<vmem>>, vector<16xi32>,
        %mul3A_2037 = arith.constant 16 : i32
        %mul3A_2038 = arith.muli %scan3A_1421, %mul3A_2037 : i32
        %get3A_2039 = arith.constant 5 : i32
        %get3A_2040 = arith.index_cast %get3A_2039 : i32 to index
        %get3A_2041 = arith.index_cast %mul3A_2038 : i32 to index
        %get3A_2042 = tpu.vector_load %arg18[%get3A_2040, %get3A_2041] {strides = array<i32>} : memref<8x128xi32, #tpu.memory_space<vmem>>, vector<1x16xi32>,
        %get3A_2043 = vector.shape_cast %get3A_2042 : vector<1x16xi32> to vector<16xi32>
        %mul3A_2044 = arith.constant 16 : i32
        %mul3A_2045 = arith.muli %scan3A_1421, %mul3A_2044 : i32
        %add3A_2046 = arith.constant 128 : i32
        %add3A_2047 = arith.addi %add3A_2046, %mul3A_2045 : i32
        %swap3A_2048 = arith.index_cast %add3A_2047 : i32 to index
        %swap3A_2049 = tpu.vector_load %arg38[%swap3A_2048] {strides = array<i32>} : memref<1024xi32, #tpu.memory_space<vmem>>, vector<16xi32>,
        %swap3A_2050 = vector.shape_cast %swap3A_2049 : vector<16xi32> to vector<16xi32>
        %swap3A_2051 = vector.shape_cast %get3A_2043 : vector<16xi32> to vector<16xi32>
        tpu.vector_store %arg38[%swap3A_2048], %swap3A_2051 {strides = array<i32>} : memref<1024xi32, #tpu.memory_space<vmem>>, vector<16xi32>,
        %mul3A_2052 = arith.constant 16 : i32
        %mul3A_2053 = arith.muli %scan3A_1421, %mul3A_2052 : i32
        %get3A_2054 = arith.constant 5 : i32
        %get3A_2055 = arith.index_cast %get3A_2054 : i32 to index
        %get3A_2056 = arith.index_cast %mul3A_2053 : i32 to index
        %get3A_2057 = tpu.vector_load %arg19[%get3A_2055, %get3A_2056] {strides = array<i32>} : memref<8x128xi32, #tpu.memory_space<vmem>>, vector<1x16xi32>,
        %get3A_2058 = vector.shape_cast %get3A_2057 : vector<1x16xi32> to vector<16xi32>
        %mul3A_2059 = arith.constant 16 : i32
        %mul3A_2060 = arith.muli %scan3A_1421, %mul3A_2059 : i32
        %add3A_2061 = arith.constant 256 : i32
        %add3A_2062 = arith.addi %add3A_2061, %mul3A_2060 : i32
        %swap3A_2063 = arith.index_cast %add3A_2062 : i32 to index
        %swap3A_2064 = tpu.vector_load %arg38[%swap3A_2063] {strides = array<i32>} : memref<1024xi32, #tpu.memory_space<vmem>>, vector<16xi32>,
        %swap3A_2065 = vector.shape_cast %swap3A_2064 : vector<16xi32> to vector<16xi32>
        %swap3A_2066 = vector.shape_cast %get3A_2058 : vector<16xi32> to vector<16xi32>
        tpu.vector_store %arg38[%swap3A_2063], %swap3A_2066 {strides = array<i32>} : memref<1024xi32, #tpu.memory_space<vmem>>, vector<16xi32>,
        %mul3A_2067 = arith.constant 16 : i32
        %mul3A_2068 = arith.muli %scan3A_1421, %mul3A_2067 : i32
        %get3A_2069 = arith.constant 5 : i32
        %get3A_2070 = arith.index_cast %get3A_2069 : i32 to index
        %get3A_2071 = arith.index_cast %mul3A_2068 : i32 to index
        %get3A_2072 = tpu.vector_load %arg20[%get3A_2070, %get3A_2071] {strides = array<i32>} : memref<8x128xi32, #tpu.memory_space<vmem>>, vector<1x16xi32>,
        %get3A_2073 = vector.shape_cast %get3A_2072 : vector<1x16xi32> to vector<16xi32>
        %mul3A_2074 = arith.constant 16 : i32
        %mul3A_2075 = arith.muli %scan3A_1421, %mul3A_2074 : i32
        %add3A_2076 = arith.constant 384 : i32
        %add3A_2077 = arith.addi %add3A_2076, %mul3A_2075 : i32
        %swap3A_2078 = arith.index_cast %add3A_2077 : i32 to index
        %swap3A_2079 = tpu.vector_load %arg38[%swap3A_2078] {strides = array<i32>} : memref<1024xi32, #tpu.memory_space<vmem>>, vector<16xi32>,
        %swap3A_2080 = vector.shape_cast %swap3A_2079 : vector<16xi32> to vector<16xi32>
        %swap3A_2081 = vector.shape_cast %get3A_2073 : vector<16xi32> to vector<16xi32>
        tpu.vector_store %arg38[%swap3A_2078], %swap3A_2081 {strides = array<i32>} : memref<1024xi32, #tpu.memory_space<vmem>>, vector<16xi32>,
        %mul3A_2082 = arith.constant 16 : i32
        %mul3A_2083 = arith.muli %scan3A_1421, %mul3A_2082 : i32
        %get3A_2084 = arith.constant 5 : i32
        %get3A_2085 = arith.index_cast %get3A_2084 : i32 to index
        %get3A_2086 = arith.index_cast %mul3A_2083 : i32 to index
        %get3A_2087 = tpu.vector_load %arg21[%get3A_2085, %get3A_2086] {strides = array<i32>} : memref<8x128xi32, #tpu.memory_space<vmem>>, vector<1x16xi32>,
        %get3A_2088 = vector.shape_cast %get3A_2087 : vector<1x16xi32> to vector<16xi32>
        %mul3A_2089 = arith.constant 16 : i32
        %mul3A_2090 = arith.muli %scan3A_1421, %mul3A_2089 : i32
        %add3A_2091 = arith.constant 512 : i32
        %add3A_2092 = arith.addi %add3A_2091, %mul3A_2090 : i32
        %swap3A_2093 = arith.index_cast %add3A_2092 : i32 to index
        %swap3A_2094 = tpu.vector_load %arg38[%swap3A_2093] {strides = array<i32>} : memref<1024xi32, #tpu.memory_space<vmem>>, vector<16xi32>,
        %swap3A_2095 = vector.shape_cast %swap3A_2094 : vector<16xi32> to vector<16xi32>
        %swap3A_2096 = vector.shape_cast %get3A_2088 : vector<16xi32> to vector<16xi32>
        tpu.vector_store %arg38[%swap3A_2093], %swap3A_2096 {strides = array<i32>} : memref<1024xi32, #tpu.memory_space<vmem>>, vector<16xi32>,
        %mul3A_2097 = arith.constant 16 : i32
        %mul3A_2098 = arith.muli %scan3A_1421, %mul3A_2097 : i32
        %get3A_2099 = arith.constant 5 : i32
        %get3A_2100 = arith.index_cast %get3A_2099 : i32 to index
        %get3A_2101 = arith.index_cast %mul3A_2098 : i32 to index
        %get3A_2102 = tpu.vector_load %arg22[%get3A_2100, %get3A_2101] {strides = array<i32>} : memref<8x128xi32, #tpu.memory_space<vmem>>, vector<1x16xi32>,
        %get3A_2103 = vector.shape_cast %get3A_2102 : vector<1x16xi32> to vector<16xi32>
        %mul3A_2104 = arith.constant 16 : i32
        %mul3A_2105 = arith.muli %scan3A_1421, %mul3A_2104 : i32
        %add3A_2106 = arith.constant 640 : i32
        %add3A_2107 = arith.addi %add3A_2106, %mul3A_2105 : i32
        %swap3A_2108 = arith.index_cast %add3A_2107 : i32 to index
        %swap3A_2109 = tpu.vector_load %arg38[%swap3A_2108] {strides = array<i32>} : memref<1024xi32, #tpu.memory_space<vmem>>, vector<16xi32>,
        %swap3A_2110 = vector.shape_cast %swap3A_2109 : vector<16xi32> to vector<16xi32>
        %swap3A_2111 = vector.shape_cast %get3A_2103 : vector<16xi32> to vector<16xi32>
        tpu.vector_store %arg38[%swap3A_2108], %swap3A_2111 {strides = array<i32>} : memref<1024xi32, #tpu.memory_space<vmem>>, vector<16xi32>,
        %mul3A_2112 = arith.constant 16 : i32
        %mul3A_2113 = arith.muli %scan3A_1421, %mul3A_2112 : i32
        %get3A_2114 = arith.constant 5 : i32
        %get3A_2115 = arith.index_cast %get3A_2114 : i32 to index
        %get3A_2116 = arith.index_cast %mul3A_2113 : i32 to index
        %get3A_2117 = tpu.vector_load %arg23[%get3A_2115, %get3A_2116] {strides = array<i32>} : memref<8x128xi32, #tpu.memory_space<vmem>>, vector<1x16xi32>,
        %get3A_2118 = vector.shape_cast %get3A_2117 : vector<1x16xi32> to vector<16xi32>
        %mul3A_2119 = arith.constant 16 : i32
        %mul3A_2120 = arith.muli %scan3A_1421, %mul3A_2119 : i32
        %add3A_2121 = arith.constant 768 : i32
        %add3A_2122 = arith.addi %add3A_2121, %mul3A_2120 : i32
        %swap3A_2123 = arith.index_cast %add3A_2122 : i32 to index
        %swap3A_2124 = tpu.vector_load %arg38[%swap3A_2123] {strides = array<i32>} : memref<1024xi32, #tpu.memory_space<vmem>>, vector<16xi32>,
        %swap3A_2125 = vector.shape_cast %swap3A_2124 : vector<16xi32> to vector<16xi32>
        %swap3A_2126 = vector.shape_cast %get3A_2118 : vector<16xi32> to vector<16xi32>
        tpu.vector_store %arg38[%swap3A_2123], %swap3A_2126 {strides = array<i32>} : memref<1024xi32, #tpu.memory_space<vmem>>, vector<16xi32>,
        %mul3A_2127 = arith.constant 16 : i32
        %mul3A_2128 = arith.muli %scan3A_1421, %mul3A_2127 : i32
        %get3A_2129 = arith.constant 5 : i32
        %get3A_2130 = arith.index_cast %get3A_2129 : i32 to index
        %get3A_2131 = arith.index_cast %mul3A_2128 : i32 to index
        %get3A_2132 = tpu.vector_load %arg24[%get3A_2130, %get3A_2131] {strides = array<i32>} : memref<8x128xi32, #tpu.memory_space<vmem>>, vector<1x16xi32>,
        %get3A_2133 = vector.shape_cast %get3A_2132 : vector<1x16xi32> to vector<16xi32>
        %mul3A_2134 = arith.constant 16 : i32
        %mul3A_2135 = arith.muli %scan3A_1421, %mul3A_2134 : i32
        %add3A_2136 = arith.constant 896 : i32
        %add3A_2137 = arith.addi %add3A_2136, %mul3A_2135 : i32
        %swap3A_2138 = arith.index_cast %add3A_2137 : i32 to index
        %swap3A_2139 = tpu.vector_load %arg38[%swap3A_2138] {strides = array<i32>} : memref<1024xi32, #tpu.memory_space<vmem>>, vector<16xi32>,
        %swap3A_2140 = vector.shape_cast %swap3A_2139 : vector<16xi32> to vector<16xi32>
        %swap3A_2141 = vector.shape_cast %get3A_2133 : vector<16xi32> to vector<16xi32>
        tpu.vector_store %arg38[%swap3A_2138], %swap3A_2141 {strides = array<i32>} : memref<1024xi32, #tpu.memory_space<vmem>>, vector<16xi32>,
        %mul3A_2142 = arith.constant 16 : i32
        %mul3A_2143 = arith.muli %scan3A_1421, %mul3A_2142 : i32
        %get3A_2144 = arith.constant 6 : i32
        %get3A_2145 = arith.index_cast %get3A_2144 : i32 to index
        %get3A_2146 = arith.index_cast %mul3A_2143 : i32 to index
        %get3A_2147 = tpu.vector_load %arg17[%get3A_2145, %get3A_2146] {strides = array<i32>} : memref<8x128xi32, #tpu.memory_space<vmem>>, vector<1x16xi32>,
        %get3A_2148 = vector.shape_cast %get3A_2147 : vector<1x16xi32> to vector<16xi32>
        %mul3A_2149 = arith.constant 16 : i32
        %mul3A_2150 = arith.muli %scan3A_1421, %mul3A_2149 : i32
        %add3A_2151 = arith.constant 0 : i32
        %add3A_2152 = arith.addi %add3A_2151, %mul3A_2150 : i32
        %swap3A_2153 = arith.index_cast %add3A_2152 : i32 to index
        %swap3A_2154 = tpu.vector_load %arg39[%swap3A_2153] {strides = array<i32>} : memref<1024xi32, #tpu.memory_space<vmem>>, vector<16xi32>,
        %swap3A_2155 = vector.shape_cast %swap3A_2154 : vector<16xi32> to vector<16xi32>
        %swap3A_2156 = vector.shape_cast %get3A_2148 : vector<16xi32> to vector<16xi32>
        tpu.vector_store %arg39[%swap3A_2153], %swap3A_2156 {strides = array<i32>} : memref<1024xi32, #tpu.memory_space<vmem>>, vector<16xi32>,
        %mul3A_2157 = arith.constant 16 : i32
        %mul3A_2158 = arith.muli %scan3A_1421, %mul3A_2157 : i32
        %get3A_2159 = arith.constant 6 : i32
        %get3A_2160 = arith.index_cast %get3A_2159 : i32 to index
        %get3A_2161 = arith.index_cast %mul3A_2158 : i32 to index
        %get3A_2162 = tpu.vector_load %arg18[%get3A_2160, %get3A_2161] {strides = array<i32>} : memref<8x128xi32, #tpu.memory_space<vmem>>, vector<1x16xi32>,
        %get3A_2163 = vector.shape_cast %get3A_2162 : vector<1x16xi32> to vector<16xi32>
        %mul3A_2164 = arith.constant 16 : i32
        %mul3A_2165 = arith.muli %scan3A_1421, %mul3A_2164 : i32
        %add3A_2166 = arith.constant 128 : i32
        %add3A_2167 = arith.addi %add3A_2166, %mul3A_2165 : i32
        %swap3A_2168 = arith.index_cast %add3A_2167 : i32 to index
        %swap3A_2169 = tpu.vector_load %arg39[%swap3A_2168] {strides = array<i32>} : memref<1024xi32, #tpu.memory_space<vmem>>, vector<16xi32>,
        %swap3A_2170 = vector.shape_cast %swap3A_2169 : vector<16xi32> to vector<16xi32>
        %swap3A_2171 = vector.shape_cast %get3A_2163 : vector<16xi32> to vector<16xi32>
        tpu.vector_store %arg39[%swap3A_2168], %swap3A_2171 {strides = array<i32>} : memref<1024xi32, #tpu.memory_space<vmem>>, vector<16xi32>,
        %mul3A_2172 = arith.constant 16 : i32
        %mul3A_2173 = arith.muli %scan3A_1421, %mul3A_2172 : i32
        %get3A_2174 = arith.constant 6 : i32
        %get3A_2175 = arith.index_cast %get3A_2174 : i32 to index
        %get3A_2176 = arith.index_cast %mul3A_2173 : i32 to index
        %get3A_2177 = tpu.vector_load %arg19[%get3A_2175, %get3A_2176] {strides = array<i32>} : memref<8x128xi32, #tpu.memory_space<vmem>>, vector<1x16xi32>,
        %get3A_2178 = vector.shape_cast %get3A_2177 : vector<1x16xi32> to vector<16xi32>
        %mul3A_2179 = arith.constant 16 : i32
        %mul3A_2180 = arith.muli %scan3A_1421, %mul3A_2179 : i32
        %add3A_2181 = arith.constant 256 : i32
        %add3A_2182 = arith.addi %add3A_2181, %mul3A_2180 : i32
        %swap3A_2183 = arith.index_cast %add3A_2182 : i32 to index
        %swap3A_2184 = tpu.vector_load %arg39[%swap3A_2183] {strides = array<i32>} : memref<1024xi32, #tpu.memory_space<vmem>>, vector<16xi32>,
        %swap3A_2185 = vector.shape_cast %swap3A_2184 : vector<16xi32> to vector<16xi32>
        %swap3A_2186 = vector.shape_cast %get3A_2178 : vector<16xi32> to vector<16xi32>
        tpu.vector_store %arg39[%swap3A_2183], %swap3A_2186 {strides = array<i32>} : memref<1024xi32, #tpu.memory_space<vmem>>, vector<16xi32>,
        %mul3A_2187 = arith.constant 16 : i32
        %mul3A_2188 = arith.muli %scan3A_1421, %mul3A_2187 : i32
        %get3A_2189 = arith.constant 6 : i32
        %get3A_2190 = arith.index_cast %get3A_2189 : i32 to index
        %get3A_2191 = arith.index_cast %mul3A_2188 : i32 to index
        %get3A_2192 = tpu.vector_load %arg20[%get3A_2190, %get3A_2191] {strides = array<i32>} : memref<8x128xi32, #tpu.memory_space<vmem>>, vector<1x16xi32>,
        %get3A_2193 = vector.shape_cast %get3A_2192 : vector<1x16xi32> to vector<16xi32>
        %mul3A_2194 = arith.constant 16 : i32
        %mul3A_2195 = arith.muli %scan3A_1421, %mul3A_2194 : i32
        %add3A_2196 = arith.constant 384 : i32
        %add3A_2197 = arith.addi %add3A_2196, %mul3A_2195 : i32
        %swap3A_2198 = arith.index_cast %add3A_2197 : i32 to index
        %swap3A_2199 = tpu.vector_load %arg39[%swap3A_2198] {strides = array<i32>} : memref<1024xi32, #tpu.memory_space<vmem>>, vector<16xi32>,
        %swap3A_2200 = vector.shape_cast %swap3A_2199 : vector<16xi32> to vector<16xi32>
        %swap3A_2201 = vector.shape_cast %get3A_2193 : vector<16xi32> to vector<16xi32>
        tpu.vector_store %arg39[%swap3A_2198], %swap3A_2201 {strides = array<i32>} : memref<1024xi32, #tpu.memory_space<vmem>>, vector<16xi32>,
        %mul3A_2202 = arith.constant 16 : i32
        %mul3A_2203 = arith.muli %scan3A_1421, %mul3A_2202 : i32
        %get3A_2204 = arith.constant 6 : i32
        %get3A_2205 = arith.index_cast %get3A_2204 : i32 to index
        %get3A_2206 = arith.index_cast %mul3A_2203 : i32 to index
        %get3A_2207 = tpu.vector_load %arg21[%get3A_2205, %get3A_2206] {strides = array<i32>} : memref<8x128xi32, #tpu.memory_space<vmem>>, vector<1x16xi32>,
        %get3A_2208 = vector.shape_cast %get3A_2207 : vector<1x16xi32> to vector<16xi32>
        %mul3A_2209 = arith.constant 16 : i32
        %mul3A_2210 = arith.muli %scan3A_1421, %mul3A_2209 : i32
        %add3A_2211 = arith.constant 512 : i32
        %add3A_2212 = arith.addi %add3A_2211, %mul3A_2210 : i32
        %swap3A_2213 = arith.index_cast %add3A_2212 : i32 to index
        %swap3A_2214 = tpu.vector_load %arg39[%swap3A_2213] {strides = array<i32>} : memref<1024xi32, #tpu.memory_space<vmem>>, vector<16xi32>,
        %swap3A_2215 = vector.shape_cast %swap3A_2214 : vector<16xi32> to vector<16xi32>
        %swap3A_2216 = vector.shape_cast %get3A_2208 : vector<16xi32> to vector<16xi32>
        tpu.vector_store %arg39[%swap3A_2213], %swap3A_2216 {strides = array<i32>} : memref<1024xi32, #tpu.memory_space<vmem>>, vector<16xi32>,
        %mul3A_2217 = arith.constant 16 : i32
        %mul3A_2218 = arith.muli %scan3A_1421, %mul3A_2217 : i32
        %get3A_2219 = arith.constant 6 : i32
        %get3A_2220 = arith.index_cast %get3A_2219 : i32 to index
        %get3A_2221 = arith.index_cast %mul3A_2218 : i32 to index
        %get3A_2222 = tpu.vector_load %arg22[%get3A_2220, %get3A_2221] {strides = array<i32>} : memref<8x128xi32, #tpu.memory_space<vmem>>, vector<1x16xi32>,
        %get3A_2223 = vector.shape_cast %get3A_2222 : vector<1x16xi32> to vector<16xi32>
        %mul3A_2224 = arith.constant 16 : i32
        %mul3A_2225 = arith.muli %scan3A_1421, %mul3A_2224 : i32
        %add3A_2226 = arith.constant 640 : i32
        %add3A_2227 = arith.addi %add3A_2226, %mul3A_2225 : i32
        %swap3A_2228 = arith.index_cast %add3A_2227 : i32 to index
        %swap3A_2229 = tpu.vector_load %arg39[%swap3A_2228] {strides = array<i32>} : memref<1024xi32, #tpu.memory_space<vmem>>, vector<16xi32>,
        %swap3A_2230 = vector.shape_cast %swap3A_2229 : vector<16xi32> to vector<16xi32>
        %swap3A_2231 = vector.shape_cast %get3A_2223 : vector<16xi32> to vector<16xi32>
        tpu.vector_store %arg39[%swap3A_2228], %swap3A_2231 {strides = array<i32>} : memref<1024xi32, #tpu.memory_space<vmem>>, vector<16xi32>,
        %mul3A_2232 = arith.constant 16 : i32
        %mul3A_2233 = arith.muli %scan3A_1421, %mul3A_2232 : i32
        %get3A_2234 = arith.constant 6 : i32
        %get3A_2235 = arith.index_cast %get3A_2234 : i32 to index
        %get3A_2236 = arith.index_cast %mul3A_2233 : i32 to index
        %get3A_2237 = tpu.vector_load %arg23[%get3A_2235, %get3A_2236] {strides = array<i32>} : memref<8x128xi32, #tpu.memory_space<vmem>>, vector<1x16xi32>,
        %get3A_2238 = vector.shape_cast %get3A_2237 : vector<1x16xi32> to vector<16xi32>
        %mul3A_2239 = arith.constant 16 : i32
        %mul3A_2240 = arith.muli %scan3A_1421, %mul3A_2239 : i32
        %add3A_2241 = arith.constant 768 : i32
        %add3A_2242 = arith.addi %add3A_2241, %mul3A_2240 : i32
        %swap3A_2243 = arith.index_cast %add3A_2242 : i32 to index
        %swap3A_2244 = tpu.vector_load %arg39[%swap3A_2243] {strides = array<i32>} : memref<1024xi32, #tpu.memory_space<vmem>>, vector<16xi32>,
        %swap3A_2245 = vector.shape_cast %swap3A_2244 : vector<16xi32> to vector<16xi32>
        %swap3A_2246 = vector.shape_cast %get3A_2238 : vector<16xi32> to vector<16xi32>
        tpu.vector_store %arg39[%swap3A_2243], %swap3A_2246 {strides = array<i32>} : memref<1024xi32, #tpu.memory_space<vmem>>, vector<16xi32>,
        %mul3A_2247 = arith.constant 16 : i32
        %mul3A_2248 = arith.muli %scan3A_1421, %mul3A_2247 : i32
        %get3A_2249 = arith.constant 6 : i32
        %get3A_2250 = arith.index_cast %get3A_2249 : i32 to index
        %get3A_2251 = arith.index_cast %mul3A_2248 : i32 to index
        %get3A_2252 = tpu.vector_load %arg24[%get3A_2250, %get3A_2251] {strides = array<i32>} : memref<8x128xi32, #tpu.memory_space<vmem>>, vector<1x16xi32>,
        %get3A_2253 = vector.shape_cast %get3A_2252 : vector<1x16xi32> to vector<16xi32>
        %mul3A_2254 = arith.constant 16 : i32
        %mul3A_2255 = arith.muli %scan3A_1421, %mul3A_2254 : i32
        %add3A_2256 = arith.constant 896 : i32
        %add3A_2257 = arith.addi %add3A_2256, %mul3A_2255 : i32
        %swap3A_2258 = arith.index_cast %add3A_2257 : i32 to index
        %swap3A_2259 = tpu.vector_load %arg39[%swap3A_2258] {strides = array<i32>} : memref<1024xi32, #tpu.memory_space<vmem>>, vector<16xi32>,
        %swap3A_2260 = vector.shape_cast %swap3A_2259 : vector<16xi32> to vector<16xi32>
        %swap3A_2261 = vector.shape_cast %get3A_2253 : vector<16xi32> to vector<16xi32>
        tpu.vector_store %arg39[%swap3A_2258], %swap3A_2261 {strides = array<i32>} : memref<1024xi32, #tpu.memory_space<vmem>>, vector<16xi32>,
        %mul3A_2262 = arith.constant 16 : i32
        %mul3A_2263 = arith.muli %scan3A_1421, %mul3A_2262 : i32
        %get3A_2264 = arith.constant 7 : i32
        %get3A_2265 = arith.index_cast %get3A_2264 : i32 to index
        %get3A_2266 = arith.index_cast %mul3A_2263 : i32 to index
        %get3A_2267 = tpu.vector_load %arg17[%get3A_2265, %get3A_2266] {strides = array<i32>} : memref<8x128xi32, #tpu.memory_space<vmem>>, vector<1x16xi32>,
        %get3A_2268 = vector.shape_cast %get3A_2267 : vector<1x16xi32> to vector<16xi32>
        %mul3A_2269 = arith.constant 16 : i32
        %mul3A_2270 = arith.muli %scan3A_1421, %mul3A_2269 : i32
        %add3A_2271 = arith.constant 0 : i32
        %add3A_2272 = arith.addi %add3A_2271, %mul3A_2270 : i32
        %swap3A_2273 = arith.index_cast %add3A_2272 : i32 to index
        %swap3A_2274 = tpu.vector_load %arg40[%swap3A_2273] {strides = array<i32>} : memref<1024xi32, #tpu.memory_space<vmem>>, vector<16xi32>,
        %swap3A_2275 = vector.shape_cast %swap3A_2274 : vector<16xi32> to vector<16xi32>
        %swap3A_2276 = vector.shape_cast %get3A_2268 : vector<16xi32> to vector<16xi32>
        tpu.vector_store %arg40[%swap3A_2273], %swap3A_2276 {strides = array<i32>} : memref<1024xi32, #tpu.memory_space<vmem>>, vector<16xi32>,
        %mul3A_2277 = arith.constant 16 : i32
        %mul3A_2278 = arith.muli %scan3A_1421, %mul3A_2277 : i32
        %get3A_2279 = arith.constant 7 : i32
        %get3A_2280 = arith.index_cast %get3A_2279 : i32 to index
        %get3A_2281 = arith.index_cast %mul3A_2278 : i32 to index
        %get3A_2282 = tpu.vector_load %arg18[%get3A_2280, %get3A_2281] {strides = array<i32>} : memref<8x128xi32, #tpu.memory_space<vmem>>, vector<1x16xi32>,
        %get3A_2283 = vector.shape_cast %get3A_2282 : vector<1x16xi32> to vector<16xi32>
        %mul3A_2284 = arith.constant 16 : i32
        %mul3A_2285 = arith.muli %scan3A_1421, %mul3A_2284 : i32
        %add3A_2286 = arith.constant 128 : i32
        %add3A_2287 = arith.addi %add3A_2286, %mul3A_2285 : i32
        %swap3A_2288 = arith.index_cast %add3A_2287 : i32 to index
        %swap3A_2289 = tpu.vector_load %arg40[%swap3A_2288] {strides = array<i32>} : memref<1024xi32, #tpu.memory_space<vmem>>, vector<16xi32>,
        %swap3A_2290 = vector.shape_cast %swap3A_2289 : vector<16xi32> to vector<16xi32>
        %swap3A_2291 = vector.shape_cast %get3A_2283 : vector<16xi32> to vector<16xi32>
        tpu.vector_store %arg40[%swap3A_2288], %swap3A_2291 {strides = array<i32>} : memref<1024xi32, #tpu.memory_space<vmem>>, vector<16xi32>,
        %mul3A_2292 = arith.constant 16 : i32
        %mul3A_2293 = arith.muli %scan3A_1421, %mul3A_2292 : i32
        %get3A_2294 = arith.constant 7 : i32
        %get3A_2295 = arith.index_cast %get3A_2294 : i32 to index
        %get3A_2296 = arith.index_cast %mul3A_2293 : i32 to index
        %get3A_2297 = tpu.vector_load %arg19[%get3A_2295, %get3A_2296] {strides = array<i32>} : memref<8x128xi32, #tpu.memory_space<vmem>>, vector<1x16xi32>,
        %get3A_2298 = vector.shape_cast %get3A_2297 : vector<1x16xi32> to vector<16xi32>
        %mul3A_2299 = arith.constant 16 : i32
        %mul3A_2300 = arith.muli %scan3A_1421, %mul3A_2299 : i32
        %add3A_2301 = arith.constant 256 : i32
        %add3A_2302 = arith.addi %add3A_2301, %mul3A_2300 : i32
        %swap3A_2303 = arith.index_cast %add3A_2302 : i32 to index
        %swap3A_2304 = tpu.vector_load %arg40[%swap3A_2303] {strides = array<i32>} : memref<1024xi32, #tpu.memory_space<vmem>>, vector<16xi32>,
        %swap3A_2305 = vector.shape_cast %swap3A_2304 : vector<16xi32> to vector<16xi32>
        %swap3A_2306 = vector.shape_cast %get3A_2298 : vector<16xi32> to vector<16xi32>
        tpu.vector_store %arg40[%swap3A_2303], %swap3A_2306 {strides = array<i32>} : memref<1024xi32, #tpu.memory_space<vmem>>, vector<16xi32>,
        %mul3A_2307 = arith.constant 16 : i32
        %mul3A_2308 = arith.muli %scan3A_1421, %mul3A_2307 : i32
        %get3A_2309 = arith.constant 7 : i32
        %get3A_2310 = arith.index_cast %get3A_2309 : i32 to index
        %get3A_2311 = arith.index_cast %mul3A_2308 : i32 to index
        %get3A_2312 = tpu.vector_load %arg20[%get3A_2310, %get3A_2311] {strides = array<i32>} : memref<8x128xi32, #tpu.memory_space<vmem>>, vector<1x16xi32>,
        %get3A_2313 = vector.shape_cast %get3A_2312 : vector<1x16xi32> to vector<16xi32>
        %mul3A_2314 = arith.constant 16 : i32
        %mul3A_2315 = arith.muli %scan3A_1421, %mul3A_2314 : i32
        %add3A_2316 = arith.constant 384 : i32
        %add3A_2317 = arith.addi %add3A_2316, %mul3A_2315 : i32
        %swap3A_2318 = arith.index_cast %add3A_2317 : i32 to index
        %swap3A_2319 = tpu.vector_load %arg40[%swap3A_2318] {strides = array<i32>} : memref<1024xi32, #tpu.memory_space<vmem>>, vector<16xi32>,
        %swap3A_2320 = vector.shape_cast %swap3A_2319 : vector<16xi32> to vector<16xi32>
        %swap3A_2321 = vector.shape_cast %get3A_2313 : vector<16xi32> to vector<16xi32>
        tpu.vector_store %arg40[%swap3A_2318], %swap3A_2321 {strides = array<i32>} : memref<1024xi32, #tpu.memory_space<vmem>>, vector<16xi32>,
        %mul3A_2322 = arith.constant 16 : i32
        %mul3A_2323 = arith.muli %scan3A_1421, %mul3A_2322 : i32
        %get3A_2324 = arith.constant 7 : i32
        %get3A_2325 = arith.index_cast %get3A_2324 : i32 to index
        %get3A_2326 = arith.index_cast %mul3A_2323 : i32 to index
        %get3A_2327 = tpu.vector_load %arg21[%get3A_2325, %get3A_2326] {strides = array<i32>} : memref<8x128xi32, #tpu.memory_space<vmem>>, vector<1x16xi32>,
        %get3A_2328 = vector.shape_cast %get3A_2327 : vector<1x16xi32> to vector<16xi32>
        %mul3A_2329 = arith.constant 16 : i32
        %mul3A_2330 = arith.muli %scan3A_1421, %mul3A_2329 : i32
        %add3A_2331 = arith.constant 512 : i32
        %add3A_2332 = arith.addi %add3A_2331, %mul3A_2330 : i32
        %swap3A_2333 = arith.index_cast %add3A_2332 : i32 to index
        %swap3A_2334 = tpu.vector_load %arg40[%swap3A_2333] {strides = array<i32>} : memref<1024xi32, #tpu.memory_space<vmem>>, vector<16xi32>,
        %swap3A_2335 = vector.shape_cast %swap3A_2334 : vector<16xi32> to vector<16xi32>
        %swap3A_2336 = vector.shape_cast %get3A_2328 : vector<16xi32> to vector<16xi32>
        tpu.vector_store %arg40[%swap3A_2333], %swap3A_2336 {strides = array<i32>} : memref<1024xi32, #tpu.memory_space<vmem>>, vector<16xi32>,
        %mul3A_2337 = arith.constant 16 : i32
        %mul3A_2338 = arith.muli %scan3A_1421, %mul3A_2337 : i32
        %get3A_2339 = arith.constant 7 : i32
        %get3A_2340 = arith.index_cast %get3A_2339 : i32 to index
        %get3A_2341 = arith.index_cast %mul3A_2338 : i32 to index
        %get3A_2342 = tpu.vector_load %arg22[%get3A_2340, %get3A_2341] {strides = array<i32>} : memref<8x128xi32, #tpu.memory_space<vmem>>, vector<1x16xi32>,
        %get3A_2343 = vector.shape_cast %get3A_2342 : vector<1x16xi32> to vector<16xi32>
        %mul3A_2344 = arith.constant 16 : i32
        %mul3A_2345 = arith.muli %scan3A_1421, %mul3A_2344 : i32
        %add3A_2346 = arith.constant 640 : i32
        %add3A_2347 = arith.addi %add3A_2346, %mul3A_2345 : i32
        %swap3A_2348 = arith.index_cast %add3A_2347 : i32 to index
        %swap3A_2349 = tpu.vector_load %arg40[%swap3A_2348] {strides = array<i32>} : memref<1024xi32, #tpu.memory_space<vmem>>, vector<16xi32>,
        %swap3A_2350 = vector.shape_cast %swap3A_2349 : vector<16xi32> to vector<16xi32>
        %swap3A_2351 = vector.shape_cast %get3A_2343 : vector<16xi32> to vector<16xi32>
        tpu.vector_store %arg40[%swap3A_2348], %swap3A_2351 {strides = array<i32>} : memref<1024xi32, #tpu.memory_space<vmem>>, vector<16xi32>,
        %mul3A_2352 = arith.constant 16 : i32
        %mul3A_2353 = arith.muli %scan3A_1421, %mul3A_2352 : i32
        %get3A_2354 = arith.constant 7 : i32
        %get3A_2355 = arith.index_cast %get3A_2354 : i32 to index
        %get3A_2356 = arith.index_cast %mul3A_2353 : i32 to index
        %get3A_2357 = tpu.vector_load %arg23[%get3A_2355, %get3A_2356] {strides = array<i32>} : memref<8x128xi32, #tpu.memory_space<vmem>>, vector<1x16xi32>,
        %get3A_2358 = vector.shape_cast %get3A_2357 : vector<1x16xi32> to vector<16xi32>
        %mul3A_2359 = arith.constant 16 : i32
        %mul3A_2360 = arith.muli %scan3A_1421, %mul3A_2359 : i32
        %add3A_2361 = arith.constant 768 : i32
        %add3A_2362 = arith.addi %add3A_2361, %mul3A_2360 : i32
        %swap3A_2363 = arith.index_cast %add3A_2362 : i32 to index
        %swap3A_2364 = tpu.vector_load %arg40[%swap3A_2363] {strides = array<i32>} : memref<1024xi32, #tpu.memory_space<vmem>>, vector<16xi32>,
        %swap3A_2365 = vector.shape_cast %swap3A_2364 : vector<16xi32> to vector<16xi32>
        %swap3A_2366 = vector.shape_cast %get3A_2358 : vector<16xi32> to vector<16xi32>
        tpu.vector_store %arg40[%swap3A_2363], %swap3A_2366 {strides = array<i32>} : memref<1024xi32, #tpu.memory_space<vmem>>, vector<16xi32>,
        %mul3A_2367 = arith.constant 16 : i32
        %mul3A_2368 = arith.muli %scan3A_1421, %mul3A_2367 : i32
        %get3A_2369 = arith.constant 7 : i32
        %get3A_2370 = arith.index_cast %get3A_2369 : i32 to index
        %get3A_2371 = arith.index_cast %mul3A_2368 : i32 to index
        %get3A_2372 = tpu.vector_load %arg24[%get3A_2370, %get3A_2371] {strides = array<i32>} : memref<8x128xi32, #tpu.memory_space<vmem>>, vector<1x16xi32>,
        %get3A_2373 = vector.shape_cast %get3A_2372 : vector<1x16xi32> to vector<16xi32>
        %mul3A_2374 = arith.constant 16 : i32
        %mul3A_2375 = arith.muli %scan3A_1421, %mul3A_2374 : i32
        %add3A_2376 = arith.constant 896 : i32
        %add3A_2377 = arith.addi %add3A_2376, %mul3A_2375 : i32
        %swap3A_2378 = arith.index_cast %add3A_2377 : i32 to index
        %swap3A_2379 = tpu.vector_load %arg40[%swap3A_2378] {strides = array<i32>} : memref<1024xi32, #tpu.memory_space<vmem>>, vector<16xi32>,
        %swap3A_2380 = vector.shape_cast %swap3A_2379 : vector<16xi32> to vector<16xi32>
        %swap3A_2381 = vector.shape_cast %get3A_2373 : vector<16xi32> to vector<16xi32>
        tpu.vector_store %arg40[%swap3A_2378], %swap3A_2381 {strides = array<i32>} : memref<1024xi32, #tpu.memory_space<vmem>>, vector<16xi32>,
      }
      %scan3A_1317 = arith.constant 8 : i32
      %dma_start3A_1318 = arith.constant 0 : i32
      %dma_start3A_1319 = tpu.memref_slice %arg10[%dma_start3A_1318] : memref<1000000xf32, #tpu.memory_space<vmem_shared>> -> memref<1000000xf32, #tpu.memory_space<vmem_shared>>
      tpu.enqueue_indirect_dma source(%arg13 : memref<1024xf32, #tpu.memory_space<vmem>>) target(%dma_start3A_1319 : memref<1000000xf32, #tpu.memory_space<vmem_shared>>) offsets(%arg33 : memref<1024xi32, #tpu.memory_space<vmem>>) semaphore(%arg51 : memref<!tpu.dma_semaphore, #tpu.memory_space<semaphore_mem>>) {add = true}
      %dma_start3A_1320 = arith.constant 0 : i32
      %dma_start3A_1321 = tpu.memref_slice %arg10[%dma_start3A_1320] : memref<1000000xf32, #tpu.memory_space<vmem_shared>> -> memref<1000000xf32, #tpu.memory_space<vmem_shared>>
      tpu.enqueue_indirect_dma source(%arg13 : memref<1024xf32, #tpu.memory_space<vmem>>) target(%dma_start3A_1321 : memref<1000000xf32, #tpu.memory_space<vmem_shared>>) offsets(%arg34 : memref<1024xi32, #tpu.memory_space<vmem>>) semaphore(%arg51 : memref<!tpu.dma_semaphore, #tpu.memory_space<semaphore_mem>>) {add = true}
      %dma_start3A_1322 = arith.constant 0 : i32
      %dma_start3A_1323 = tpu.memref_slice %arg10[%dma_start3A_1322] : memref<1000000xf32, #tpu.memory_space<vmem_shared>> -> memref<1000000xf32, #tpu.memory_space<vmem_shared>>
      tpu.enqueue_indirect_dma source(%arg13 : memref<1024xf32, #tpu.memory_space<vmem>>) target(%dma_start3A_1323 : memref<1000000xf32, #tpu.memory_space<vmem_shared>>) offsets(%arg35 : memref<1024xi32, #tpu.memory_space<vmem>>) semaphore(%arg51 : memref<!tpu.dma_semaphore, #tpu.memory_space<semaphore_mem>>) {add = true}
      %dma_start3A_1324 = arith.constant 0 : i32
      %dma_start3A_1325 = tpu.memref_slice %arg10[%dma_start3A_1324] : memref<1000000xf32, #tpu.memory_space<vmem_shared>> -> memref<1000000xf32, #tpu.memory_space<vmem_shared>>
      tpu.enqueue_indirect_dma source(%arg13 : memref<1024xf32, #tpu.memory_space<vmem>>) target(%dma_start3A_1325 : memref<1000000xf32, #tpu.memory_space<vmem_shared>>) offsets(%arg36 : memref<1024xi32, #tpu.memory_space<vmem>>) semaphore(%arg51 : memref<!tpu.dma_semaphore, #tpu.memory_space<semaphore_mem>>) {add = true}
      %dma_start3A_1326 = arith.constant 0 : i32
      %dma_start3A_1327 = tpu.memref_slice %arg10[%dma_start3A_1326] : memref<1000000xf32, #tpu.memory_space<vmem_shared>> -> memref<1000000xf32, #tpu.memory_space<vmem_shared>>
      tpu.enqueue_indirect_dma source(%arg13 : memref<1024xf32, #tpu.memory_space<vmem>>) target(%dma_start3A_1327 : memref<1000000xf32, #tpu.memory_space<vmem_shared>>) offsets(%arg37 : memref<1024xi32, #tpu.memory_space<vmem>>) semaphore(%arg51 : memref<!tpu.dma_semaphore, #tpu.memory_space<semaphore_mem>>) {add = true}
      %dma_start3A_1328 = arith.constant 0 : i32
      %dma_start3A_1329 = tpu.memref_slice %arg10[%dma_start3A_1328] : memref<1000000xf32, #tpu.memory_space<vmem_shared>> -> memref<1000000xf32, #tpu.memory_space<vmem_shared>>
      tpu.enqueue_indirect_dma source(%arg13 : memref<1024xf32, #tpu.memory_space<vmem>>) target(%dma_start3A_1329 : memref<1000000xf32, #tpu.memory_space<vmem_shared>>) offsets(%arg38 : memref<1024xi32, #tpu.memory_space<vmem>>) semaphore(%arg51 : memref<!tpu.dma_semaphore, #tpu.memory_space<semaphore_mem>>) {add = true}
      %dma_start3A_1330 = arith.constant 0 : i32
      %dma_start3A_1331 = tpu.memref_slice %arg10[%dma_start3A_1330] : memref<1000000xf32, #tpu.memory_space<vmem_shared>> -> memref<1000000xf32, #tpu.memory_space<vmem_shared>>
      tpu.enqueue_indirect_dma source(%arg13 : memref<1024xf32, #tpu.memory_space<vmem>>) target(%dma_start3A_1331 : memref<1000000xf32, #tpu.memory_space<vmem_shared>>) offsets(%arg39 : memref<1024xi32, #tpu.memory_space<vmem>>) semaphore(%arg51 : memref<!tpu.dma_semaphore, #tpu.memory_space<semaphore_mem>>) {add = true}
      %dma_start3A_1332 = arith.constant 0 : i32
      %dma_start3A_1333 = tpu.memref_slice %arg10[%dma_start3A_1332] : memref<1000000xf32, #tpu.memory_space<vmem_shared>> -> memref<1000000xf32, #tpu.memory_space<vmem_shared>>
      tpu.enqueue_indirect_dma source(%arg13 : memref<1024xf32, #tpu.memory_space<vmem>>) target(%dma_start3A_1333 : memref<1000000xf32, #tpu.memory_space<vmem_shared>>) offsets(%arg40 : memref<1024xi32, #tpu.memory_space<vmem>>) semaphore(%arg51 : memref<!tpu.dma_semaphore, #tpu.memory_space<semaphore_mem>>) {add = true}
      %convert_element_type3A_1334 = arith.extui %lt3A_1260 : i1 to i32
      %cond3A_1335 = arith.constant 0 : i32
      %cond3A_1336 = arith.cmpi ne, %convert_element_type3A_1334, %cond3A_1335 : i32
      scf.if %cond3A_1336 {
        %add3A_1421 = arith.constant 2 : i32
        %add3A_1422 = arith.addi %add3A_1258, %add3A_1421 : i32
        %mul3A_1423 = arith.constant 8 : i32
        %mul3A_1424 = arith.muli %add3A_1422, %mul3A_1423 : i32
        %multiple_of3A_1425 = tpu.assume_multiple %mul3A_1424, 8 : i32
        %mul3A_1426 = arith.constant 1024 : i32
        %mul3A_1427 = arith.muli %arg1, %mul3A_1426 : i32
        %add3A_1428 = arith.constant 0 : i32
        %add3A_1429 = arith.addi %mul3A_1427, %add3A_1428 : i32
        %multiple_of3A_1430 = tpu.assume_multiple %add3A_1429, 128 : i32
        %dma_start3A_1431 = tpu.memref_slice %arg3[%multiple_of3A_1425, %multiple_of3A_1430] : memref<200x16384xi32, #tpu.memory_space<hbm>> -> memref<8x128xi32, #tpu.memory_space<hbm>>
        %dma_start3A_1432 = tpu.memref_slice %arg3[%multiple_of3A_1425, %multiple_of3A_1430] : memref<200x16384xi32, #tpu.memory_space<hbm>> -> memref<8x128xi32, #tpu.memory_space<hbm>>
        tpu.enqueue_dma source(%dma_start3A_1432 : memref<8x128xi32, #tpu.memory_space<hbm>>) target(%arg17 : memref<8x128xi32, #tpu.memory_space<vmem>>) target_semaphore(%arg49 : memref<!tpu.dma_semaphore, #tpu.memory_space<semaphore_mem>>)
        %mul3A_1433 = arith.constant 1024 : i32
        %mul3A_1434 = arith.muli %arg1, %mul3A_1433 : i32
        %add3A_1435 = arith.constant 128 : i32
        %add3A_1436 = arith.addi %mul3A_1434, %add3A_1435 : i32
        %multiple_of3A_1437 = tpu.assume_multiple %add3A_1436, 128 : i32
        %dma_start3A_1438 = tpu.memref_slice %arg3[%multiple_of3A_1425, %multiple_of3A_1437] : memref<200x16384xi32, #tpu.memory_space<hbm>> -> memref<8x128xi32, #tpu.memory_space<hbm>>
        %dma_start3A_1439 = tpu.memref_slice %arg3[%multiple_of3A_1425, %multiple_of3A_1437] : memref<200x16384xi32, #tpu.memory_space<hbm>> -> memref<8x128xi32, #tpu.memory_space<hbm>>
        tpu.enqueue_dma source(%dma_start3A_1439 : memref<8x128xi32, #tpu.memory_space<hbm>>) target(%arg18 : memref<8x128xi32, #tpu.memory_space<vmem>>) target_semaphore(%arg49 : memref<!tpu.dma_semaphore, #tpu.memory_space<semaphore_mem>>)
        %mul3A_1440 = arith.constant 1024 : i32
        %mul3A_1441 = arith.muli %arg1, %mul3A_1440 : i32
        %add3A_1442 = arith.constant 256 : i32
        %add3A_1443 = arith.addi %mul3A_1441, %add3A_1442 : i32
        %multiple_of3A_1444 = tpu.assume_multiple %add3A_1443, 128 : i32
        %dma_start3A_1445 = tpu.memref_slice %arg3[%multiple_of3A_1425, %multiple_of3A_1444] : memref<200x16384xi32, #tpu.memory_space<hbm>> -> memref<8x128xi32, #tpu.memory_space<hbm>>
        %dma_start3A_1446 = tpu.memref_slice %arg3[%multiple_of3A_1425, %multiple_of3A_1444] : memref<200x16384xi32, #tpu.memory_space<hbm>> -> memref<8x128xi32, #tpu.memory_space<hbm>>
        tpu.enqueue_dma source(%dma_start3A_1446 : memref<8x128xi32, #tpu.memory_space<hbm>>) target(%arg19 : memref<8x128xi32, #tpu.memory_space<vmem>>) target_semaphore(%arg49 : memref<!tpu.dma_semaphore, #tpu.memory_space<semaphore_mem>>)
        %mul3A_1447 = arith.constant 1024 : i32
        %mul3A_1448 = arith.muli %arg1, %mul3A_1447 : i32
        %add3A_1449 = arith.constant 384 : i32
        %add3A_1450 = arith.addi %mul3A_1448, %add3A_1449 : i32
        %multiple_of3A_1451 = tpu.assume_multiple %add3A_1450, 128 : i32
        %dma_start3A_1452 = tpu.memref_slice %arg3[%multiple_of3A_1425, %multiple_of3A_1451] : memref<200x16384xi32, #tpu.memory_space<hbm>> -> memref<8x128xi32, #tpu.memory_space<hbm>>
        %dma_start3A_1453 = tpu.memref_slice %arg3[%multiple_of3A_1425, %multiple_of3A_1451] : memref<200x16384xi32, #tpu.memory_space<hbm>> -> memref<8x128xi32, #tpu.memory_space<hbm>>
        tpu.enqueue_dma source(%dma_start3A_1453 : memref<8x128xi32, #tpu.memory_space<hbm>>) target(%arg20 : memref<8x128xi32, #tpu.memory_space<vmem>>) target_semaphore(%arg49 : memref<!tpu.dma_semaphore, #tpu.memory_space<semaphore_mem>>)
        %mul3A_1454 = arith.constant 1024 : i32
        %mul3A_1455 = arith.muli %arg1, %mul3A_1454 : i32
        %add3A_1456 = arith.constant 512 : i32
        %add3A_1457 = arith.addi %mul3A_1455, %add3A_1456 : i32
        %multiple_of3A_1458 = tpu.assume_multiple %add3A_1457, 128 : i32
        %dma_start3A_1459 = tpu.memref_slice %arg3[%multiple_of3A_1425, %multiple_of3A_1458] : memref<200x16384xi32, #tpu.memory_space<hbm>> -> memref<8x128xi32, #tpu.memory_space<hbm>>
        %dma_start3A_1460 = tpu.memref_slice %arg3[%multiple_of3A_1425, %multiple_of3A_1458] : memref<200x16384xi32, #tpu.memory_space<hbm>> -> memref<8x128xi32, #tpu.memory_space<hbm>>
        tpu.enqueue_dma source(%dma_start3A_1460 : memref<8x128xi32, #tpu.memory_space<hbm>>) target(%arg21 : memref<8x128xi32, #tpu.memory_space<vmem>>) target_semaphore(%arg49 : memref<!tpu.dma_semaphore, #tpu.memory_space<semaphore_mem>>)
        %mul3A_1461 = arith.constant 1024 : i32
        %mul3A_1462 = arith.muli %arg1, %mul3A_1461 : i32
        %add3A_1463 = arith.constant 640 : i32
        %add3A_1464 = arith.addi %mul3A_1462, %add3A_1463 : i32
        %multiple_of3A_1465 = tpu.assume_multiple %add3A_1464, 128 : i32
        %dma_start3A_1466 = tpu.memref_slice %arg3[%multiple_of3A_1425, %multiple_of3A_1465] : memref<200x16384xi32, #tpu.memory_space<hbm>> -> memref<8x128xi32, #tpu.memory_space<hbm>>
        %dma_start3A_1467 = tpu.memref_slice %arg3[%multiple_of3A_1425, %multiple_of3A_1465] : memref<200x16384xi32, #tpu.memory_space<hbm>> -> memref<8x128xi32, #tpu.memory_space<hbm>>
        tpu.enqueue_dma source(%dma_start3A_1467 : memref<8x128xi32, #tpu.memory_space<hbm>>) target(%arg22 : memref<8x128xi32, #tpu.memory_space<vmem>>) target_semaphore(%arg49 : memref<!tpu.dma_semaphore, #tpu.memory_space<semaphore_mem>>)
        %mul3A_1468 = arith.constant 1024 : i32
        %mul3A_1469 = arith.muli %arg1, %mul3A_1468 : i32
        %add3A_1470 = arith.constant 768 : i32
        %add3A_1471 = arith.addi %mul3A_1469, %add3A_1470 : i32
        %multiple_of3A_1472 = tpu.assume_multiple %add3A_1471, 128 : i32
        %dma_start3A_1473 = tpu.memref_slice %arg3[%multiple_of3A_1425, %multiple_of3A_1472] : memref<200x16384xi32, #tpu.memory_space<hbm>> -> memref<8x128xi32, #tpu.memory_space<hbm>>
        %dma_start3A_1474 = tpu.memref_slice %arg3[%multiple_of3A_1425, %multiple_of3A_1472] : memref<200x16384xi32, #tpu.memory_space<hbm>> -> memref<8x128xi32, #tpu.memory_space<hbm>>
        tpu.enqueue_dma source(%dma_start3A_1474 : memref<8x128xi32, #tpu.memory_space<hbm>>) target(%arg23 : memref<8x128xi32, #tpu.memory_space<vmem>>) target_semaphore(%arg49 : memref<!tpu.dma_semaphore, #tpu.memory_space<semaphore_mem>>)
        %mul3A_1475 = arith.constant 1024 : i32
        %mul3A_1476 = arith.muli %arg1, %mul3A_1475 : i32
        %add3A_1477 = arith.constant 896 : i32
        %add3A_1478 = arith.addi %mul3A_1476, %add3A_1477 : i32
        %multiple_of3A_1479 = tpu.assume_multiple %add3A_1478, 128 : i32
        %dma_start3A_1480 = tpu.memref_slice %arg3[%multiple_of3A_1425, %multiple_of3A_1479] : memref<200x16384xi32, #tpu.memory_space<hbm>> -> memref<8x128xi32, #tpu.memory_space<hbm>>
        %dma_start3A_1481 = tpu.memref_slice %arg3[%multiple_of3A_1425, %multiple_of3A_1479] : memref<200x16384xi32, #tpu.memory_space<hbm>> -> memref<8x128xi32, #tpu.memory_space<hbm>>
        tpu.enqueue_dma source(%dma_start3A_1481 : memref<8x128xi32, #tpu.memory_space<hbm>>) target(%arg24 : memref<8x128xi32, #tpu.memory_space<vmem>>) target_semaphore(%arg49 : memref<!tpu.dma_semaphore, #tpu.memory_space<semaphore_mem>>)
      } else {
      }
      %mul3A_1337 = arith.constant 2 : i32
      %mul3A_1338 = arith.muli %scan3A_1254, %mul3A_1337 : i32
      %add3A_1339 = arith.constant 1 : i32
      %add3A_1340 = arith.addi %mul3A_1338, %add3A_1339 : i32
      %ge3A_1341 = arith.constant 1 : i32
      %ge3A_1342 = arith.cmpi sge, %scan3A_1254, %ge3A_1341 : i32
      %lt3A_1343 = arith.constant 23 : i32
      %lt3A_1344 = arith.cmpi slt, %add3A_1340, %lt3A_1343 : i32
      %dma_wait3A_1345 = arith.constant 0 : i32
      %dma_wait3A_1346 = arith.constant 0 : i32
      %dma_wait3A_1347 = tpu.memref_slice %arg3[%dma_wait3A_1345, %dma_wait3A_1346] : memref<200x16384xi32, #tpu.memory_space<hbm>> -> memref<8x128xi32, #tpu.memory_space<hbm>>
      %dma_wait3A_1348 = arith.constant 0 : i32
      %dma_wait3A_1349 = arith.constant 0 : i32
      %dma_wait3A_1350 = tpu.memref_slice %arg3[%dma_wait3A_1348, %dma_wait3A_1349] : memref<200x16384xi32, #tpu.memory_space<hbm>> -> memref<8x128xi32, #tpu.memory_space<hbm>>
      tpu.wait_dma2 semaphore(%arg50 : memref<!tpu.dma_semaphore, #tpu.memory_space<semaphore_mem>>) src(%dma_wait3A_1350 : memref<8x128xi32, #tpu.memory_space<hbm>>) dst(%arg25 : memref<8x128xi32, #tpu.memory_space<vmem>>)
      %dma_wait3A_1351 = arith.constant 0 : i32
      %dma_wait3A_1352 = arith.constant 0 : i32
      %dma_wait3A_1353 = tpu.memref_slice %arg3[%dma_wait3A_1351, %dma_wait3A_1352] : memref<200x16384xi32, #tpu.memory_space<hbm>> -> memref<8x128xi32, #tpu.memory_space<hbm>>
      %dma_wait3A_1354 = arith.constant 0 : i32
      %dma_wait3A_1355 = arith.constant 0 : i32
      %dma_wait3A_1356 = tpu.memref_slice %arg3[%dma_wait3A_1354, %dma_wait3A_1355] : memref<200x16384xi32, #tpu.memory_space<hbm>> -> memref<8x128xi32, #tpu.memory_space<hbm>>
      tpu.wait_dma2 semaphore(%arg50 : memref<!tpu.dma_semaphore, #tpu.memory_space<semaphore_mem>>) src(%dma_wait3A_1356 : memref<8x128xi32, #tpu.memory_space<hbm>>) dst(%arg26 : memref<8x128xi32, #tpu.memory_space<vmem>>)
      %dma_wait3A_1357 = arith.constant 0 : i32
      %dma_wait3A_1358 = arith.constant 0 : i32
      %dma_wait3A_1359 = tpu.memref_slice %arg3[%dma_wait3A_1357, %dma_wait3A_1358] : memref<200x16384xi32, #tpu.memory_space<hbm>> -> memref<8x128xi32, #tpu.memory_space<hbm>>
      %dma_wait3A_1360 = arith.constant 0 : i32
      %dma_wait3A_1361 = arith.constant 0 : i32
      %dma_wait3A_1362 = tpu.memref_slice %arg3[%dma_wait3A_1360, %dma_wait3A_1361] : memref<200x16384xi32, #tpu.memory_space<hbm>> -> memref<8x128xi32, #tpu.memory_space<hbm>>
      tpu.wait_dma2 semaphore(%arg50 : memref<!tpu.dma_semaphore, #tpu.memory_space<semaphore_mem>>) src(%dma_wait3A_1362 : memref<8x128xi32, #tpu.memory_space<hbm>>) dst(%arg27 : memref<8x128xi32, #tpu.memory_space<vmem>>)
      %dma_wait3A_1363 = arith.constant 0 : i32
      %dma_wait3A_1364 = arith.constant 0 : i32
      %dma_wait3A_1365 = tpu.memref_slice %arg3[%dma_wait3A_1363, %dma_wait3A_1364] : memref<200x16384xi32, #tpu.memory_space<hbm>> -> memref<8x128xi32, #tpu.memory_space<hbm>>
      %dma_wait3A_1366 = arith.constant 0 : i32
      %dma_wait3A_1367 = arith.constant 0 : i32
      %dma_wait3A_1368 = tpu.memref_slice %arg3[%dma_wait3A_1366, %dma_wait3A_1367] : memref<200x16384xi32, #tpu.memory_space<hbm>> -> memref<8x128xi32, #tpu.memory_space<hbm>>
      tpu.wait_dma2 semaphore(%arg50 : memref<!tpu.dma_semaphore, #tpu.memory_space<semaphore_mem>>) src(%dma_wait3A_1368 : memref<8x128xi32, #tpu.memory_space<hbm>>) dst(%arg28 : memref<8x128xi32, #tpu.memory_space<vmem>>)
      %dma_wait3A_1369 = arith.constant 0 : i32
      %dma_wait3A_1370 = arith.constant 0 : i32
      %dma_wait3A_1371 = tpu.memref_slice %arg3[%dma_wait3A_1369, %dma_wait3A_1370] : memref<200x16384xi32, #tpu.memory_space<hbm>> -> memref<8x128xi32, #tpu.memory_space<hbm>>
      %dma_wait3A_1372 = arith.constant 0 : i32
      %dma_wait3A_1373 = arith.constant 0 : i32
      %dma_wait3A_1374 = tpu.memref_slice %arg3[%dma_wait3A_1372, %dma_wait3A_1373] : memref<200x16384xi32, #tpu.memory_space<hbm>> -> memref<8x128xi32, #tpu.memory_space<hbm>>
      tpu.wait_dma2 semaphore(%arg50 : memref<!tpu.dma_semaphore, #tpu.memory_space<semaphore_mem>>) src(%dma_wait3A_1374 : memref<8x128xi32, #tpu.memory_space<hbm>>) dst(%arg29 : memref<8x128xi32, #tpu.memory_space<vmem>>)
      %dma_wait3A_1375 = arith.constant 0 : i32
      %dma_wait3A_1376 = arith.constant 0 : i32
      %dma_wait3A_1377 = tpu.memref_slice %arg3[%dma_wait3A_1375, %dma_wait3A_1376] : memref<200x16384xi32, #tpu.memory_space<hbm>> -> memref<8x128xi32, #tpu.memory_space<hbm>>
      %dma_wait3A_1378 = arith.constant 0 : i32
      %dma_wait3A_1379 = arith.constant 0 : i32
      %dma_wait3A_1380 = tpu.memref_slice %arg3[%dma_wait3A_1378, %dma_wait3A_1379] : memref<200x16384xi32, #tpu.memory_space<hbm>> -> memref<8x128xi32, #tpu.memory_space<hbm>>
      tpu.wait_dma2 semaphore(%arg50 : memref<!tpu.dma_semaphore, #tpu.memory_space<semaphore_mem>>) src(%dma_wait3A_1380 : memref<8x128xi32, #tpu.memory_space<hbm>>) dst(%arg30 : memref<8x128xi32, #tpu.memory_space<vmem>>)
      %dma_wait3A_1381 = arith.constant 0 : i32
      %dma_wait3A_1382 = arith.constant 0 : i32
      %dma_wait3A_1383 = tpu.memref_slice %arg3[%dma_wait3A_1381, %dma_wait3A_1382] : memref<200x16384xi32, #tpu.memory_space<hbm>> -> memref<8x128xi32, #tpu.memory_space<hbm>>
      %dma_wait3A_1384 = arith.constant 0 : i32
      %dma_wait3A_1385 = arith.constant 0 : i32
      %dma_wait3A_1386 = tpu.memref_slice %arg3[%dma_wait3A_1384, %dma_wait3A_1385] : memref<200x16384xi32, #tpu.memory_space<hbm>> -> memref<8x128xi32, #tpu.memory_space<hbm>>
      tpu.wait_dma2 semaphore(%arg50 : memref<!tpu.dma_semaphore, #tpu.memory_space<semaphore_mem>>) src(%dma_wait3A_1386 : memref<8x128xi32, #tpu.memory_space<hbm>>) dst(%arg31 : memref<8x128xi32, #tpu.memory_space<vmem>>)
      %dma_wait3A_1387 = arith.constant 0 : i32
      %dma_wait3A_1388 = arith.constant 0 : i32
      %dma_wait3A_1389 = tpu.memref_slice %arg3[%dma_wait3A_1387, %dma_wait3A_1388] : memref<200x16384xi32, #tpu.memory_space<hbm>> -> memref<8x128xi32, #tpu.memory_space<hbm>>
      %dma_wait3A_1390 = arith.constant 0 : i32
      %dma_wait3A_1391 = arith.constant 0 : i32
      %dma_wait3A_1392 = tpu.memref_slice %arg3[%dma_wait3A_1390, %dma_wait3A_1391] : memref<200x16384xi32, #tpu.memory_space<hbm>> -> memref<8x128xi32, #tpu.memory_space<hbm>>
      tpu.wait_dma2 semaphore(%arg50 : memref<!tpu.dma_semaphore, #tpu.memory_space<semaphore_mem>>) src(%dma_wait3A_1392 : memref<8x128xi32, #tpu.memory_space<hbm>>) dst(%arg32 : memref<8x128xi32, #tpu.memory_space<vmem>>)
      %convert_element_type3A_1393 = arith.extui %ge3A_1342 : i1 to i32
      %cond3A_1394 = arith.constant 0 : i32
      %cond3A_1395 = arith.cmpi ne, %convert_element_type3A_1393, %cond3A_1394 : i32
      scf.if %cond3A_1395 {
        %dma_wait3A_1421 = arith.constant 0 : i32
        %dma_wait3A_1422 = tpu.memref_slice %arg10[%dma_wait3A_1421] : memref<1000000xf32, #tpu.memory_space<vmem_shared>> -> memref<1000000xf32, #tpu.memory_space<vmem_shared>>
        tpu.wait_indirect_dma semaphore(%arg52 : memref<!tpu.dma_semaphore, #tpu.memory_space<semaphore_mem>>) src(%arg13 : memref<1024xf32, #tpu.memory_space<vmem>>) dst(%dma_wait3A_1422 : memref<1000000xf32, #tpu.memory_space<vmem_shared>>)
        %dma_wait3A_1423 = arith.constant 0 : i32
        %dma_wait3A_1424 = tpu.memref_slice %arg10[%dma_wait3A_1423] : memref<1000000xf32, #tpu.memory_space<vmem_shared>> -> memref<1000000xf32, #tpu.memory_space<vmem_shared>>
        tpu.wait_indirect_dma semaphore(%arg52 : memref<!tpu.dma_semaphore, #tpu.memory_space<semaphore_mem>>) src(%arg13 : memref<1024xf32, #tpu.memory_space<vmem>>) dst(%dma_wait3A_1424 : memref<1000000xf32, #tpu.memory_space<vmem_shared>>)
        %dma_wait3A_1425 = arith.constant 0 : i32
        %dma_wait3A_1426 = tpu.memref_slice %arg10[%dma_wait3A_1425] : memref<1000000xf32, #tpu.memory_space<vmem_shared>> -> memref<1000000xf32, #tpu.memory_space<vmem_shared>>
        tpu.wait_indirect_dma semaphore(%arg52 : memref<!tpu.dma_semaphore, #tpu.memory_space<semaphore_mem>>) src(%arg13 : memref<1024xf32, #tpu.memory_space<vmem>>) dst(%dma_wait3A_1426 : memref<1000000xf32, #tpu.memory_space<vmem_shared>>)
        %dma_wait3A_1427 = arith.constant 0 : i32
        %dma_wait3A_1428 = tpu.memref_slice %arg10[%dma_wait3A_1427] : memref<1000000xf32, #tpu.memory_space<vmem_shared>> -> memref<1000000xf32, #tpu.memory_space<vmem_shared>>
        tpu.wait_indirect_dma semaphore(%arg52 : memref<!tpu.dma_semaphore, #tpu.memory_space<semaphore_mem>>) src(%arg13 : memref<1024xf32, #tpu.memory_space<vmem>>) dst(%dma_wait3A_1428 : memref<1000000xf32, #tpu.memory_space<vmem_shared>>)
        %dma_wait3A_1429 = arith.constant 0 : i32
        %dma_wait3A_1430 = tpu.memref_slice %arg10[%dma_wait3A_1429] : memref<1000000xf32, #tpu.memory_space<vmem_shared>> -> memref<1000000xf32, #tpu.memory_space<vmem_shared>>
        tpu.wait_indirect_dma semaphore(%arg52 : memref<!tpu.dma_semaphore, #tpu.memory_space<semaphore_mem>>) src(%arg13 : memref<1024xf32, #tpu.memory_space<vmem>>) dst(%dma_wait3A_1430 : memref<1000000xf32, #tpu.memory_space<vmem_shared>>)
        %dma_wait3A_1431 = arith.constant 0 : i32
        %dma_wait3A_1432 = tpu.memref_slice %arg10[%dma_wait3A_1431] : memref<1000000xf32, #tpu.memory_space<vmem_shared>> -> memref<1000000xf32, #tpu.memory_space<vmem_shared>>
        tpu.wait_indirect_dma semaphore(%arg52 : memref<!tpu.dma_semaphore, #tpu.memory_space<semaphore_mem>>) src(%arg13 : memref<1024xf32, #tpu.memory_space<vmem>>) dst(%dma_wait3A_1432 : memref<1000000xf32, #tpu.memory_space<vmem_shared>>)
        %dma_wait3A_1433 = arith.constant 0 : i32
        %dma_wait3A_1434 = tpu.memref_slice %arg10[%dma_wait3A_1433] : memref<1000000xf32, #tpu.memory_space<vmem_shared>> -> memref<1000000xf32, #tpu.memory_space<vmem_shared>>
        tpu.wait_indirect_dma semaphore(%arg52 : memref<!tpu.dma_semaphore, #tpu.memory_space<semaphore_mem>>) src(%arg13 : memref<1024xf32, #tpu.memory_space<vmem>>) dst(%dma_wait3A_1434 : memref<1000000xf32, #tpu.memory_space<vmem_shared>>)
        %dma_wait3A_1435 = arith.constant 0 : i32
        %dma_wait3A_1436 = tpu.memref_slice %arg10[%dma_wait3A_1435] : memref<1000000xf32, #tpu.memory_space<vmem_shared>> -> memref<1000000xf32, #tpu.memory_space<vmem_shared>>
        tpu.wait_indirect_dma semaphore(%arg52 : memref<!tpu.dma_semaphore, #tpu.memory_space<semaphore_mem>>) src(%arg13 : memref<1024xf32, #tpu.memory_space<vmem>>) dst(%dma_wait3A_1436 : memref<1000000xf32, #tpu.memory_space<vmem_shared>>)
      } else {
      }
      %scan3A_1396 = arith.constant 0 : i32
      %scan3A_1397 = arith.constant 0 : i32
      %scan3A_1398 = arith.constant 8 : i32
      %scan3A_1399 = arith.addi %scan3A_1397, %scan3A_1398 : i32
      %scan3A_1400 = arith.constant 1 : i32
      scf.for %scan3A_1421 = %scan3A_1397 to %scan3A_1399 step %scan3A_1400  : i32 {
        %mul3A_1422 = arith.constant 16 : i32
        %mul3A_1423 = arith.muli %scan3A_1421, %mul3A_1422 : i32
        %get3A_1424 = arith.constant 0 : i32
        %get3A_1425 = arith.index_cast %get3A_1424 : i32 to index
        %get3A_1426 = arith.index_cast %mul3A_1423 : i32 to index
        %get3A_1427 = tpu.vector_load %arg25[%get3A_1425, %get3A_1426] {strides = array<i32>} : memref<8x128xi32, #tpu.memory_space<vmem>>, vector<1x16xi32>,
        %get3A_1428 = vector.shape_cast %get3A_1427 : vector<1x16xi32> to vector<16xi32>
        %mul3A_1429 = arith.constant 16 : i32
        %mul3A_1430 = arith.muli %scan3A_1421, %mul3A_1429 : i32
        %add3A_1431 = arith.constant 0 : i32
        %add3A_1432 = arith.addi %add3A_1431, %mul3A_1430 : i32
        %swap3A_1433 = arith.index_cast %add3A_1432 : i32 to index
        %swap3A_1434 = tpu.vector_load %arg41[%swap3A_1433] {strides = array<i32>} : memref<1024xi32, #tpu.memory_space<vmem>>, vector<16xi32>,
        %swap3A_1435 = vector.shape_cast %swap3A_1434 : vector<16xi32> to vector<16xi32>
        %swap3A_1436 = vector.shape_cast %get3A_1428 : vector<16xi32> to vector<16xi32>
        tpu.vector_store %arg41[%swap3A_1433], %swap3A_1436 {strides = array<i32>} : memref<1024xi32, #tpu.memory_space<vmem>>, vector<16xi32>,
        %mul3A_1437 = arith.constant 16 : i32
        %mul3A_1438 = arith.muli %scan3A_1421, %mul3A_1437 : i32
        %get3A_1439 = arith.constant 0 : i32
        %get3A_1440 = arith.index_cast %get3A_1439 : i32 to index
        %get3A_1441 = arith.index_cast %mul3A_1438 : i32 to index
        %get3A_1442 = tpu.vector_load %arg26[%get3A_1440, %get3A_1441] {strides = array<i32>} : memref<8x128xi32, #tpu.memory_space<vmem>>, vector<1x16xi32>,
        %get3A_1443 = vector.shape_cast %get3A_1442 : vector<1x16xi32> to vector<16xi32>
        %mul3A_1444 = arith.constant 16 : i32
        %mul3A_1445 = arith.muli %scan3A_1421, %mul3A_1444 : i32
        %add3A_1446 = arith.constant 128 : i32
        %add3A_1447 = arith.addi %add3A_1446, %mul3A_1445 : i32
        %swap3A_1448 = arith.index_cast %add3A_1447 : i32 to index
        %swap3A_1449 = tpu.vector_load %arg41[%swap3A_1448] {strides = array<i32>} : memref<1024xi32, #tpu.memory_space<vmem>>, vector<16xi32>,
        %swap3A_1450 = vector.shape_cast %swap3A_1449 : vector<16xi32> to vector<16xi32>
        %swap3A_1451 = vector.shape_cast %get3A_1443 : vector<16xi32> to vector<16xi32>
        tpu.vector_store %arg41[%swap3A_1448], %swap3A_1451 {strides = array<i32>} : memref<1024xi32, #tpu.memory_space<vmem>>, vector<16xi32>,
        %mul3A_1452 = arith.constant 16 : i32
        %mul3A_1453 = arith.muli %scan3A_1421, %mul3A_1452 : i32
        %get3A_1454 = arith.constant 0 : i32
        %get3A_1455 = arith.index_cast %get3A_1454 : i32 to index
        %get3A_1456 = arith.index_cast %mul3A_1453 : i32 to index
        %get3A_1457 = tpu.vector_load %arg27[%get3A_1455, %get3A_1456] {strides = array<i32>} : memref<8x128xi32, #tpu.memory_space<vmem>>, vector<1x16xi32>,
        %get3A_1458 = vector.shape_cast %get3A_1457 : vector<1x16xi32> to vector<16xi32>
        %mul3A_1459 = arith.constant 16 : i32
        %mul3A_1460 = arith.muli %scan3A_1421, %mul3A_1459 : i32
        %add3A_1461 = arith.constant 256 : i32
        %add3A_1462 = arith.addi %add3A_1461, %mul3A_1460 : i32
        %swap3A_1463 = arith.index_cast %add3A_1462 : i32 to index
        %swap3A_1464 = tpu.vector_load %arg41[%swap3A_1463] {strides = array<i32>} : memref<1024xi32, #tpu.memory_space<vmem>>, vector<16xi32>,
        %swap3A_1465 = vector.shape_cast %swap3A_1464 : vector<16xi32> to vector<16xi32>
        %swap3A_1466 = vector.shape_cast %get3A_1458 : vector<16xi32> to vector<16xi32>
        tpu.vector_store %arg41[%swap3A_1463], %swap3A_1466 {strides = array<i32>} : memref<1024xi32, #tpu.memory_space<vmem>>, vector<16xi32>,
        %mul3A_1467 = arith.constant 16 : i32
        %mul3A_1468 = arith.muli %scan3A_1421, %mul3A_1467 : i32
        %get3A_1469 = arith.constant 0 : i32
        %get3A_1470 = arith.index_cast %get3A_1469 : i32 to index
        %get3A_1471 = arith.index_cast %mul3A_1468 : i32 to index
        %get3A_1472 = tpu.vector_load %arg28[%get3A_1470, %get3A_1471] {strides = array<i32>} : memref<8x128xi32, #tpu.memory_space<vmem>>, vector<1x16xi32>,
        %get3A_1473 = vector.shape_cast %get3A_1472 : vector<1x16xi32> to vector<16xi32>
        %mul3A_1474 = arith.constant 16 : i32
        %mul3A_1475 = arith.muli %scan3A_1421, %mul3A_1474 : i32
        %add3A_1476 = arith.constant 384 : i32
        %add3A_1477 = arith.addi %add3A_1476, %mul3A_1475 : i32
        %swap3A_1478 = arith.index_cast %add3A_1477 : i32 to index
        %swap3A_1479 = tpu.vector_load %arg41[%swap3A_1478] {strides = array<i32>} : memref<1024xi32, #tpu.memory_space<vmem>>, vector<16xi32>,
        %swap3A_1480 = vector.shape_cast %swap3A_1479 : vector<16xi32> to vector<16xi32>
        %swap3A_1481 = vector.shape_cast %get3A_1473 : vector<16xi32> to vector<16xi32>
        tpu.vector_store %arg41[%swap3A_1478], %swap3A_1481 {strides = array<i32>} : memref<1024xi32, #tpu.memory_space<vmem>>, vector<16xi32>,
        %mul3A_1482 = arith.constant 16 : i32
        %mul3A_1483 = arith.muli %scan3A_1421, %mul3A_1482 : i32
        %get3A_1484 = arith.constant 0 : i32
        %get3A_1485 = arith.index_cast %get3A_1484 : i32 to index
        %get3A_1486 = arith.index_cast %mul3A_1483 : i32 to index
        %get3A_1487 = tpu.vector_load %arg29[%get3A_1485, %get3A_1486] {strides = array<i32>} : memref<8x128xi32, #tpu.memory_space<vmem>>, vector<1x16xi32>,
        %get3A_1488 = vector.shape_cast %get3A_1487 : vector<1x16xi32> to vector<16xi32>
        %mul3A_1489 = arith.constant 16 : i32
        %mul3A_1490 = arith.muli %scan3A_1421, %mul3A_1489 : i32
        %add3A_1491 = arith.constant 512 : i32
        %add3A_1492 = arith.addi %add3A_1491, %mul3A_1490 : i32
        %swap3A_1493 = arith.index_cast %add3A_1492 : i32 to index
        %swap3A_1494 = tpu.vector_load %arg41[%swap3A_1493] {strides = array<i32>} : memref<1024xi32, #tpu.memory_space<vmem>>, vector<16xi32>,
        %swap3A_1495 = vector.shape_cast %swap3A_1494 : vector<16xi32> to vector<16xi32>
        %swap3A_1496 = vector.shape_cast %get3A_1488 : vector<16xi32> to vector<16xi32>
        tpu.vector_store %arg41[%swap3A_1493], %swap3A_1496 {strides = array<i32>} : memref<1024xi32, #tpu.memory_space<vmem>>, vector<16xi32>,
        %mul3A_1497 = arith.constant 16 : i32
        %mul3A_1498 = arith.muli %scan3A_1421, %mul3A_1497 : i32
        %get3A_1499 = arith.constant 0 : i32
        %get3A_1500 = arith.index_cast %get3A_1499 : i32 to index
        %get3A_1501 = arith.index_cast %mul3A_1498 : i32 to index
        %get3A_1502 = tpu.vector_load %arg30[%get3A_1500, %get3A_1501] {strides = array<i32>} : memref<8x128xi32, #tpu.memory_space<vmem>>, vector<1x16xi32>,
        %get3A_1503 = vector.shape_cast %get3A_1502 : vector<1x16xi32> to vector<16xi32>
        %mul3A_1504 = arith.constant 16 : i32
        %mul3A_1505 = arith.muli %scan3A_1421, %mul3A_1504 : i32
        %add3A_1506 = arith.constant 640 : i32
        %add3A_1507 = arith.addi %add3A_1506, %mul3A_1505 : i32
        %swap3A_1508 = arith.index_cast %add3A_1507 : i32 to index
        %swap3A_1509 = tpu.vector_load %arg41[%swap3A_1508] {strides = array<i32>} : memref<1024xi32, #tpu.memory_space<vmem>>, vector<16xi32>,
        %swap3A_1510 = vector.shape_cast %swap3A_1509 : vector<16xi32> to vector<16xi32>
        %swap3A_1511 = vector.shape_cast %get3A_1503 : vector<16xi32> to vector<16xi32>
        tpu.vector_store %arg41[%swap3A_1508], %swap3A_1511 {strides = array<i32>} : memref<1024xi32, #tpu.memory_space<vmem>>, vector<16xi32>,
        %mul3A_1512 = arith.constant 16 : i32
        %mul3A_1513 = arith.muli %scan3A_1421, %mul3A_1512 : i32
        %get3A_1514 = arith.constant 0 : i32
        %get3A_1515 = arith.index_cast %get3A_1514 : i32 to index
        %get3A_1516 = arith.index_cast %mul3A_1513 : i32 to index
        %get3A_1517 = tpu.vector_load %arg31[%get3A_1515, %get3A_1516] {strides = array<i32>} : memref<8x128xi32, #tpu.memory_space<vmem>>, vector<1x16xi32>,
        %get3A_1518 = vector.shape_cast %get3A_1517 : vector<1x16xi32> to vector<16xi32>
        %mul3A_1519 = arith.constant 16 : i32
        %mul3A_1520 = arith.muli %scan3A_1421, %mul3A_1519 : i32
        %add3A_1521 = arith.constant 768 : i32
        %add3A_1522 = arith.addi %add3A_1521, %mul3A_1520 : i32
        %swap3A_1523 = arith.index_cast %add3A_1522 : i32 to index
        %swap3A_1524 = tpu.vector_load %arg41[%swap3A_1523] {strides = array<i32>} : memref<1024xi32, #tpu.memory_space<vmem>>, vector<16xi32>,
        %swap3A_1525 = vector.shape_cast %swap3A_1524 : vector<16xi32> to vector<16xi32>
        %swap3A_1526 = vector.shape_cast %get3A_1518 : vector<16xi32> to vector<16xi32>
        tpu.vector_store %arg41[%swap3A_1523], %swap3A_1526 {strides = array<i32>} : memref<1024xi32, #tpu.memory_space<vmem>>, vector<16xi32>,
        %mul3A_1527 = arith.constant 16 : i32
        %mul3A_1528 = arith.muli %scan3A_1421, %mul3A_1527 : i32
        %get3A_1529 = arith.constant 0 : i32
        %get3A_1530 = arith.index_cast %get3A_1529 : i32 to index
        %get3A_1531 = arith.index_cast %mul3A_1528 : i32 to index
        %get3A_1532 = tpu.vector_load %arg32[%get3A_1530, %get3A_1531] {strides = array<i32>} : memref<8x128xi32, #tpu.memory_space<vmem>>, vector<1x16xi32>,
        %get3A_1533 = vector.shape_cast %get3A_1532 : vector<1x16xi32> to vector<16xi32>
        %mul3A_1534 = arith.constant 16 : i32
        %mul3A_1535 = arith.muli %scan3A_1421, %mul3A_1534 : i32
        %add3A_1536 = arith.constant 896 : i32
        %add3A_1537 = arith.addi %add3A_1536, %mul3A_1535 : i32
        %swap3A_1538 = arith.index_cast %add3A_1537 : i32 to index
        %swap3A_1539 = tpu.vector_load %arg41[%swap3A_1538] {strides = array<i32>} : memref<1024xi32, #tpu.memory_space<vmem>>, vector<16xi32>,
        %swap3A_1540 = vector.shape_cast %swap3A_1539 : vector<16xi32> to vector<16xi32>
        %swap3A_1541 = vector.shape_cast %get3A_1533 : vector<16xi32> to vector<16xi32>
        tpu.vector_store %arg41[%swap3A_1538], %swap3A_1541 {strides = array<i32>} : memref<1024xi32, #tpu.memory_space<vmem>>, vector<16xi32>,
        %mul3A_1542 = arith.constant 16 : i32
        %mul3A_1543 = arith.muli %scan3A_1421, %mul3A_1542 : i32
        %get3A_1544 = arith.constant 1 : i32
        %get3A_1545 = arith.index_cast %get3A_1544 : i32 to index
        %get3A_1546 = arith.index_cast %mul3A_1543 : i32 to index
        %get3A_1547 = tpu.vector_load %arg25[%get3A_1545, %get3A_1546] {strides = array<i32>} : memref<8x128xi32, #tpu.memory_space<vmem>>, vector<1x16xi32>,
        %get3A_1548 = vector.shape_cast %get3A_1547 : vector<1x16xi32> to vector<16xi32>
        %mul3A_1549 = arith.constant 16 : i32
        %mul3A_1550 = arith.muli %scan3A_1421, %mul3A_1549 : i32
        %add3A_1551 = arith.constant 0 : i32
        %add3A_1552 = arith.addi %add3A_1551, %mul3A_1550 : i32
        %swap3A_1553 = arith.index_cast %add3A_1552 : i32 to index
        %swap3A_1554 = tpu.vector_load %arg42[%swap3A_1553] {strides = array<i32>} : memref<1024xi32, #tpu.memory_space<vmem>>, vector<16xi32>,
        %swap3A_1555 = vector.shape_cast %swap3A_1554 : vector<16xi32> to vector<16xi32>
        %swap3A_1556 = vector.shape_cast %get3A_1548 : vector<16xi32> to vector<16xi32>
        tpu.vector_store %arg42[%swap3A_1553], %swap3A_1556 {strides = array<i32>} : memref<1024xi32, #tpu.memory_space<vmem>>, vector<16xi32>,
        %mul3A_1557 = arith.constant 16 : i32
        %mul3A_1558 = arith.muli %scan3A_1421, %mul3A_1557 : i32
        %get3A_1559 = arith.constant 1 : i32
        %get3A_1560 = arith.index_cast %get3A_1559 : i32 to index
        %get3A_1561 = arith.index_cast %mul3A_1558 : i32 to index
        %get3A_1562 = tpu.vector_load %arg26[%get3A_1560, %get3A_1561] {strides = array<i32>} : memref<8x128xi32, #tpu.memory_space<vmem>>, vector<1x16xi32>,
        %get3A_1563 = vector.shape_cast %get3A_1562 : vector<1x16xi32> to vector<16xi32>
        %mul3A_1564 = arith.constant 16 : i32
        %mul3A_1565 = arith.muli %scan3A_1421, %mul3A_1564 : i32
        %add3A_1566 = arith.constant 128 : i32
        %add3A_1567 = arith.addi %add3A_1566, %mul3A_1565 : i32
        %swap3A_1568 = arith.index_cast %add3A_1567 : i32 to index
        %swap3A_1569 = tpu.vector_load %arg42[%swap3A_1568] {strides = array<i32>} : memref<1024xi32, #tpu.memory_space<vmem>>, vector<16xi32>,
        %swap3A_1570 = vector.shape_cast %swap3A_1569 : vector<16xi32> to vector<16xi32>
        %swap3A_1571 = vector.shape_cast %get3A_1563 : vector<16xi32> to vector<16xi32>
        tpu.vector_store %arg42[%swap3A_1568], %swap3A_1571 {strides = array<i32>} : memref<1024xi32, #tpu.memory_space<vmem>>, vector<16xi32>,
        %mul3A_1572 = arith.constant 16 : i32
        %mul3A_1573 = arith.muli %scan3A_1421, %mul3A_1572 : i32
        %get3A_1574 = arith.constant 1 : i32
        %get3A_1575 = arith.index_cast %get3A_1574 : i32 to index
        %get3A_1576 = arith.index_cast %mul3A_1573 : i32 to index
        %get3A_1577 = tpu.vector_load %arg27[%get3A_1575, %get3A_1576] {strides = array<i32>} : memref<8x128xi32, #tpu.memory_space<vmem>>, vector<1x16xi32>,
        %get3A_1578 = vector.shape_cast %get3A_1577 : vector<1x16xi32> to vector<16xi32>
        %mul3A_1579 = arith.constant 16 : i32
        %mul3A_1580 = arith.muli %scan3A_1421, %mul3A_1579 : i32
        %add3A_1581 = arith.constant 256 : i32
        %add3A_1582 = arith.addi %add3A_1581, %mul3A_1580 : i32
        %swap3A_1583 = arith.index_cast %add3A_1582 : i32 to index
        %swap3A_1584 = tpu.vector_load %arg42[%swap3A_1583] {strides = array<i32>} : memref<1024xi32, #tpu.memory_space<vmem>>, vector<16xi32>,
        %swap3A_1585 = vector.shape_cast %swap3A_1584 : vector<16xi32> to vector<16xi32>
        %swap3A_1586 = vector.shape_cast %get3A_1578 : vector<16xi32> to vector<16xi32>
        tpu.vector_store %arg42[%swap3A_1583], %swap3A_1586 {strides = array<i32>} : memref<1024xi32, #tpu.memory_space<vmem>>, vector<16xi32>,
        %mul3A_1587 = arith.constant 16 : i32
        %mul3A_1588 = arith.muli %scan3A_1421, %mul3A_1587 : i32
        %get3A_1589 = arith.constant 1 : i32
        %get3A_1590 = arith.index_cast %get3A_1589 : i32 to index
        %get3A_1591 = arith.index_cast %mul3A_1588 : i32 to index
        %get3A_1592 = tpu.vector_load %arg28[%get3A_1590, %get3A_1591] {strides = array<i32>} : memref<8x128xi32, #tpu.memory_space<vmem>>, vector<1x16xi32>,
        %get3A_1593 = vector.shape_cast %get3A_1592 : vector<1x16xi32> to vector<16xi32>
        %mul3A_1594 = arith.constant 16 : i32
        %mul3A_1595 = arith.muli %scan3A_1421, %mul3A_1594 : i32
        %add3A_1596 = arith.constant 384 : i32
        %add3A_1597 = arith.addi %add3A_1596, %mul3A_1595 : i32
        %swap3A_1598 = arith.index_cast %add3A_1597 : i32 to index
        %swap3A_1599 = tpu.vector_load %arg42[%swap3A_1598] {strides = array<i32>} : memref<1024xi32, #tpu.memory_space<vmem>>, vector<16xi32>,
        %swap3A_1600 = vector.shape_cast %swap3A_1599 : vector<16xi32> to vector<16xi32>
        %swap3A_1601 = vector.shape_cast %get3A_1593 : vector<16xi32> to vector<16xi32>
        tpu.vector_store %arg42[%swap3A_1598], %swap3A_1601 {strides = array<i32>} : memref<1024xi32, #tpu.memory_space<vmem>>, vector<16xi32>,
        %mul3A_1602 = arith.constant 16 : i32
        %mul3A_1603 = arith.muli %scan3A_1421, %mul3A_1602 : i32
        %get3A_1604 = arith.constant 1 : i32
        %get3A_1605 = arith.index_cast %get3A_1604 : i32 to index
        %get3A_1606 = arith.index_cast %mul3A_1603 : i32 to index
        %get3A_1607 = tpu.vector_load %arg29[%get3A_1605, %get3A_1606] {strides = array<i32>} : memref<8x128xi32, #tpu.memory_space<vmem>>, vector<1x16xi32>,
        %get3A_1608 = vector.shape_cast %get3A_1607 : vector<1x16xi32> to vector<16xi32>
        %mul3A_1609 = arith.constant 16 : i32
        %mul3A_1610 = arith.muli %scan3A_1421, %mul3A_1609 : i32
        %add3A_1611 = arith.constant 512 : i32
        %add3A_1612 = arith.addi %add3A_1611, %mul3A_1610 : i32
        %swap3A_1613 = arith.index_cast %add3A_1612 : i32 to index
        %swap3A_1614 = tpu.vector_load %arg42[%swap3A_1613] {strides = array<i32>} : memref<1024xi32, #tpu.memory_space<vmem>>, vector<16xi32>,
        %swap3A_1615 = vector.shape_cast %swap3A_1614 : vector<16xi32> to vector<16xi32>
        %swap3A_1616 = vector.shape_cast %get3A_1608 : vector<16xi32> to vector<16xi32>
        tpu.vector_store %arg42[%swap3A_1613], %swap3A_1616 {strides = array<i32>} : memref<1024xi32, #tpu.memory_space<vmem>>, vector<16xi32>,
        %mul3A_1617 = arith.constant 16 : i32
        %mul3A_1618 = arith.muli %scan3A_1421, %mul3A_1617 : i32
        %get3A_1619 = arith.constant 1 : i32
        %get3A_1620 = arith.index_cast %get3A_1619 : i32 to index
        %get3A_1621 = arith.index_cast %mul3A_1618 : i32 to index
        %get3A_1622 = tpu.vector_load %arg30[%get3A_1620, %get3A_1621] {strides = array<i32>} : memref<8x128xi32, #tpu.memory_space<vmem>>, vector<1x16xi32>,
        %get3A_1623 = vector.shape_cast %get3A_1622 : vector<1x16xi32> to vector<16xi32>
        %mul3A_1624 = arith.constant 16 : i32
        %mul3A_1625 = arith.muli %scan3A_1421, %mul3A_1624 : i32
        %add3A_1626 = arith.constant 640 : i32
        %add3A_1627 = arith.addi %add3A_1626, %mul3A_1625 : i32
        %swap3A_1628 = arith.index_cast %add3A_1627 : i32 to index
        %swap3A_1629 = tpu.vector_load %arg42[%swap3A_1628] {strides = array<i32>} : memref<1024xi32, #tpu.memory_space<vmem>>, vector<16xi32>,
        %swap3A_1630 = vector.shape_cast %swap3A_1629 : vector<16xi32> to vector<16xi32>
        %swap3A_1631 = vector.shape_cast %get3A_1623 : vector<16xi32> to vector<16xi32>
        tpu.vector_store %arg42[%swap3A_1628], %swap3A_1631 {strides = array<i32>} : memref<1024xi32, #tpu.memory_space<vmem>>, vector<16xi32>,
        %mul3A_1632 = arith.constant 16 : i32
        %mul3A_1633 = arith.muli %scan3A_1421, %mul3A_1632 : i32
        %get3A_1634 = arith.constant 1 : i32
        %get3A_1635 = arith.index_cast %get3A_1634 : i32 to index
        %get3A_1636 = arith.index_cast %mul3A_1633 : i32 to index
        %get3A_1637 = tpu.vector_load %arg31[%get3A_1635, %get3A_1636] {strides = array<i32>} : memref<8x128xi32, #tpu.memory_space<vmem>>, vector<1x16xi32>,
        %get3A_1638 = vector.shape_cast %get3A_1637 : vector<1x16xi32> to vector<16xi32>
        %mul3A_1639 = arith.constant 16 : i32
        %mul3A_1640 = arith.muli %scan3A_1421, %mul3A_1639 : i32
        %add3A_1641 = arith.constant 768 : i32
        %add3A_1642 = arith.addi %add3A_1641, %mul3A_1640 : i32
        %swap3A_1643 = arith.index_cast %add3A_1642 : i32 to index
        %swap3A_1644 = tpu.vector_load %arg42[%swap3A_1643] {strides = array<i32>} : memref<1024xi32, #tpu.memory_space<vmem>>, vector<16xi32>,
        %swap3A_1645 = vector.shape_cast %swap3A_1644 : vector<16xi32> to vector<16xi32>
        %swap3A_1646 = vector.shape_cast %get3A_1638 : vector<16xi32> to vector<16xi32>
        tpu.vector_store %arg42[%swap3A_1643], %swap3A_1646 {strides = array<i32>} : memref<1024xi32, #tpu.memory_space<vmem>>, vector<16xi32>,
        %mul3A_1647 = arith.constant 16 : i32
        %mul3A_1648 = arith.muli %scan3A_1421, %mul3A_1647 : i32
        %get3A_1649 = arith.constant 1 : i32
        %get3A_1650 = arith.index_cast %get3A_1649 : i32 to index
        %get3A_1651 = arith.index_cast %mul3A_1648 : i32 to index
        %get3A_1652 = tpu.vector_load %arg32[%get3A_1650, %get3A_1651] {strides = array<i32>} : memref<8x128xi32, #tpu.memory_space<vmem>>, vector<1x16xi32>,
        %get3A_1653 = vector.shape_cast %get3A_1652 : vector<1x16xi32> to vector<16xi32>
        %mul3A_1654 = arith.constant 16 : i32
        %mul3A_1655 = arith.muli %scan3A_1421, %mul3A_1654 : i32
        %add3A_1656 = arith.constant 896 : i32
        %add3A_1657 = arith.addi %add3A_1656, %mul3A_1655 : i32
        %swap3A_1658 = arith.index_cast %add3A_1657 : i32 to index
        %swap3A_1659 = tpu.vector_load %arg42[%swap3A_1658] {strides = array<i32>} : memref<1024xi32, #tpu.memory_space<vmem>>, vector<16xi32>,
        %swap3A_1660 = vector.shape_cast %swap3A_1659 : vector<16xi32> to vector<16xi32>
        %swap3A_1661 = vector.shape_cast %get3A_1653 : vector<16xi32> to vector<16xi32>
        tpu.vector_store %arg42[%swap3A_1658], %swap3A_1661 {strides = array<i32>} : memref<1024xi32, #tpu.memory_space<vmem>>, vector<16xi32>,
        %mul3A_1662 = arith.constant 16 : i32
        %mul3A_1663 = arith.muli %scan3A_1421, %mul3A_1662 : i32
        %get3A_1664 = arith.constant 2 : i32
        %get3A_1665 = arith.index_cast %get3A_1664 : i32 to index
        %get3A_1666 = arith.index_cast %mul3A_1663 : i32 to index
        %get3A_1667 = tpu.vector_load %arg25[%get3A_1665, %get3A_1666] {strides = array<i32>} : memref<8x128xi32, #tpu.memory_space<vmem>>, vector<1x16xi32>,
        %get3A_1668 = vector.shape_cast %get3A_1667 : vector<1x16xi32> to vector<16xi32>
        %mul3A_1669 = arith.constant 16 : i32
        %mul3A_1670 = arith.muli %scan3A_1421, %mul3A_1669 : i32
        %add3A_1671 = arith.constant 0 : i32
        %add3A_1672 = arith.addi %add3A_1671, %mul3A_1670 : i32
        %swap3A_1673 = arith.index_cast %add3A_1672 : i32 to index
        %swap3A_1674 = tpu.vector_load %arg43[%swap3A_1673] {strides = array<i32>} : memref<1024xi32, #tpu.memory_space<vmem>>, vector<16xi32>,
        %swap3A_1675 = vector.shape_cast %swap3A_1674 : vector<16xi32> to vector<16xi32>
        %swap3A_1676 = vector.shape_cast %get3A_1668 : vector<16xi32> to vector<16xi32>
        tpu.vector_store %arg43[%swap3A_1673], %swap3A_1676 {strides = array<i32>} : memref<1024xi32, #tpu.memory_space<vmem>>, vector<16xi32>,
        %mul3A_1677 = arith.constant 16 : i32
        %mul3A_1678 = arith.muli %scan3A_1421, %mul3A_1677 : i32
        %get3A_1679 = arith.constant 2 : i32
        %get3A_1680 = arith.index_cast %get3A_1679 : i32 to index
        %get3A_1681 = arith.index_cast %mul3A_1678 : i32 to index
        %get3A_1682 = tpu.vector_load %arg26[%get3A_1680, %get3A_1681] {strides = array<i32>} : memref<8x128xi32, #tpu.memory_space<vmem>>, vector<1x16xi32>,
        %get3A_1683 = vector.shape_cast %get3A_1682 : vector<1x16xi32> to vector<16xi32>
        %mul3A_1684 = arith.constant 16 : i32
        %mul3A_1685 = arith.muli %scan3A_1421, %mul3A_1684 : i32
        %add3A_1686 = arith.constant 128 : i32
        %add3A_1687 = arith.addi %add3A_1686, %mul3A_1685 : i32
        %swap3A_1688 = arith.index_cast %add3A_1687 : i32 to index
        %swap3A_1689 = tpu.vector_load %arg43[%swap3A_1688] {strides = array<i32>} : memref<1024xi32, #tpu.memory_space<vmem>>, vector<16xi32>,
        %swap3A_1690 = vector.shape_cast %swap3A_1689 : vector<16xi32> to vector<16xi32>
        %swap3A_1691 = vector.shape_cast %get3A_1683 : vector<16xi32> to vector<16xi32>
        tpu.vector_store %arg43[%swap3A_1688], %swap3A_1691 {strides = array<i32>} : memref<1024xi32, #tpu.memory_space<vmem>>, vector<16xi32>,
        %mul3A_1692 = arith.constant 16 : i32
        %mul3A_1693 = arith.muli %scan3A_1421, %mul3A_1692 : i32
        %get3A_1694 = arith.constant 2 : i32
        %get3A_1695 = arith.index_cast %get3A_1694 : i32 to index
        %get3A_1696 = arith.index_cast %mul3A_1693 : i32 to index
        %get3A_1697 = tpu.vector_load %arg27[%get3A_1695, %get3A_1696] {strides = array<i32>} : memref<8x128xi32, #tpu.memory_space<vmem>>, vector<1x16xi32>,
        %get3A_1698 = vector.shape_cast %get3A_1697 : vector<1x16xi32> to vector<16xi32>
        %mul3A_1699 = arith.constant 16 : i32
        %mul3A_1700 = arith.muli %scan3A_1421, %mul3A_1699 : i32
        %add3A_1701 = arith.constant 256 : i32
        %add3A_1702 = arith.addi %add3A_1701, %mul3A_1700 : i32
        %swap3A_1703 = arith.index_cast %add3A_1702 : i32 to index
        %swap3A_1704 = tpu.vector_load %arg43[%swap3A_1703] {strides = array<i32>} : memref<1024xi32, #tpu.memory_space<vmem>>, vector<16xi32>,
        %swap3A_1705 = vector.shape_cast %swap3A_1704 : vector<16xi32> to vector<16xi32>
        %swap3A_1706 = vector.shape_cast %get3A_1698 : vector<16xi32> to vector<16xi32>
        tpu.vector_store %arg43[%swap3A_1703], %swap3A_1706 {strides = array<i32>} : memref<1024xi32, #tpu.memory_space<vmem>>, vector<16xi32>,
        %mul3A_1707 = arith.constant 16 : i32
        %mul3A_1708 = arith.muli %scan3A_1421, %mul3A_1707 : i32
        %get3A_1709 = arith.constant 2 : i32
        %get3A_1710 = arith.index_cast %get3A_1709 : i32 to index
        %get3A_1711 = arith.index_cast %mul3A_1708 : i32 to index
        %get3A_1712 = tpu.vector_load %arg28[%get3A_1710, %get3A_1711] {strides = array<i32>} : memref<8x128xi32, #tpu.memory_space<vmem>>, vector<1x16xi32>,
        %get3A_1713 = vector.shape_cast %get3A_1712 : vector<1x16xi32> to vector<16xi32>
        %mul3A_1714 = arith.constant 16 : i32
        %mul3A_1715 = arith.muli %scan3A_1421, %mul3A_1714 : i32
        %add3A_1716 = arith.constant 384 : i32
        %add3A_1717 = arith.addi %add3A_1716, %mul3A_1715 : i32
        %swap3A_1718 = arith.index_cast %add3A_1717 : i32 to index
        %swap3A_1719 = tpu.vector_load %arg43[%swap3A_1718] {strides = array<i32>} : memref<1024xi32, #tpu.memory_space<vmem>>, vector<16xi32>,
        %swap3A_1720 = vector.shape_cast %swap3A_1719 : vector<16xi32> to vector<16xi32>
        %swap3A_1721 = vector.shape_cast %get3A_1713 : vector<16xi32> to vector<16xi32>
        tpu.vector_store %arg43[%swap3A_1718], %swap3A_1721 {strides = array<i32>} : memref<1024xi32, #tpu.memory_space<vmem>>, vector<16xi32>,
        %mul3A_1722 = arith.constant 16 : i32
        %mul3A_1723 = arith.muli %scan3A_1421, %mul3A_1722 : i32
        %get3A_1724 = arith.constant 2 : i32
        %get3A_1725 = arith.index_cast %get3A_1724 : i32 to index
        %get3A_1726 = arith.index_cast %mul3A_1723 : i32 to index
        %get3A_1727 = tpu.vector_load %arg29[%get3A_1725, %get3A_1726] {strides = array<i32>} : memref<8x128xi32, #tpu.memory_space<vmem>>, vector<1x16xi32>,
        %get3A_1728 = vector.shape_cast %get3A_1727 : vector<1x16xi32> to vector<16xi32>
        %mul3A_1729 = arith.constant 16 : i32
        %mul3A_1730 = arith.muli %scan3A_1421, %mul3A_1729 : i32
        %add3A_1731 = arith.constant 512 : i32
        %add3A_1732 = arith.addi %add3A_1731, %mul3A_1730 : i32
        %swap3A_1733 = arith.index_cast %add3A_1732 : i32 to index
        %swap3A_1734 = tpu.vector_load %arg43[%swap3A_1733] {strides = array<i32>} : memref<1024xi32, #tpu.memory_space<vmem>>, vector<16xi32>,
        %swap3A_1735 = vector.shape_cast %swap3A_1734 : vector<16xi32> to vector<16xi32>
        %swap3A_1736 = vector.shape_cast %get3A_1728 : vector<16xi32> to vector<16xi32>
        tpu.vector_store %arg43[%swap3A_1733], %swap3A_1736 {strides = array<i32>} : memref<1024xi32, #tpu.memory_space<vmem>>, vector<16xi32>,
        %mul3A_1737 = arith.constant 16 : i32
        %mul3A_1738 = arith.muli %scan3A_1421, %mul3A_1737 : i32
        %get3A_1739 = arith.constant 2 : i32
        %get3A_1740 = arith.index_cast %get3A_1739 : i32 to index
        %get3A_1741 = arith.index_cast %mul3A_1738 : i32 to index
        %get3A_1742 = tpu.vector_load %arg30[%get3A_1740, %get3A_1741] {strides = array<i32>} : memref<8x128xi32, #tpu.memory_space<vmem>>, vector<1x16xi32>,
        %get3A_1743 = vector.shape_cast %get3A_1742 : vector<1x16xi32> to vector<16xi32>
        %mul3A_1744 = arith.constant 16 : i32
        %mul3A_1745 = arith.muli %scan3A_1421, %mul3A_1744 : i32
        %add3A_1746 = arith.constant 640 : i32
        %add3A_1747 = arith.addi %add3A_1746, %mul3A_1745 : i32
        %swap3A_1748 = arith.index_cast %add3A_1747 : i32 to index
        %swap3A_1749 = tpu.vector_load %arg43[%swap3A_1748] {strides = array<i32>} : memref<1024xi32, #tpu.memory_space<vmem>>, vector<16xi32>,
        %swap3A_1750 = vector.shape_cast %swap3A_1749 : vector<16xi32> to vector<16xi32>
        %swap3A_1751 = vector.shape_cast %get3A_1743 : vector<16xi32> to vector<16xi32>
        tpu.vector_store %arg43[%swap3A_1748], %swap3A_1751 {strides = array<i32>} : memref<1024xi32, #tpu.memory_space<vmem>>, vector<16xi32>,
        %mul3A_1752 = arith.constant 16 : i32
        %mul3A_1753 = arith.muli %scan3A_1421, %mul3A_1752 : i32
        %get3A_1754 = arith.constant 2 : i32
        %get3A_1755 = arith.index_cast %get3A_1754 : i32 to index
        %get3A_1756 = arith.index_cast %mul3A_1753 : i32 to index
        %get3A_1757 = tpu.vector_load %arg31[%get3A_1755, %get3A_1756] {strides = array<i32>} : memref<8x128xi32, #tpu.memory_space<vmem>>, vector<1x16xi32>,
        %get3A_1758 = vector.shape_cast %get3A_1757 : vector<1x16xi32> to vector<16xi32>
        %mul3A_1759 = arith.constant 16 : i32
        %mul3A_1760 = arith.muli %scan3A_1421, %mul3A_1759 : i32
        %add3A_1761 = arith.constant 768 : i32
        %add3A_1762 = arith.addi %add3A_1761, %mul3A_1760 : i32
        %swap3A_1763 = arith.index_cast %add3A_1762 : i32 to index
        %swap3A_1764 = tpu.vector_load %arg43[%swap3A_1763] {strides = array<i32>} : memref<1024xi32, #tpu.memory_space<vmem>>, vector<16xi32>,
        %swap3A_1765 = vector.shape_cast %swap3A_1764 : vector<16xi32> to vector<16xi32>
        %swap3A_1766 = vector.shape_cast %get3A_1758 : vector<16xi32> to vector<16xi32>
        tpu.vector_store %arg43[%swap3A_1763], %swap3A_1766 {strides = array<i32>} : memref<1024xi32, #tpu.memory_space<vmem>>, vector<16xi32>,
        %mul3A_1767 = arith.constant 16 : i32
        %mul3A_1768 = arith.muli %scan3A_1421, %mul3A_1767 : i32
        %get3A_1769 = arith.constant 2 : i32
        %get3A_1770 = arith.index_cast %get3A_1769 : i32 to index
        %get3A_1771 = arith.index_cast %mul3A_1768 : i32 to index
        %get3A_1772 = tpu.vector_load %arg32[%get3A_1770, %get3A_1771] {strides = array<i32>} : memref<8x128xi32, #tpu.memory_space<vmem>>, vector<1x16xi32>,
        %get3A_1773 = vector.shape_cast %get3A_1772 : vector<1x16xi32> to vector<16xi32>
        %mul3A_1774 = arith.constant 16 : i32
        %mul3A_1775 = arith.muli %scan3A_1421, %mul3A_1774 : i32
        %add3A_1776 = arith.constant 896 : i32
        %add3A_1777 = arith.addi %add3A_1776, %mul3A_1775 : i32
        %swap3A_1778 = arith.index_cast %add3A_1777 : i32 to index
        %swap3A_1779 = tpu.vector_load %arg43[%swap3A_1778] {strides = array<i32>} : memref<1024xi32, #tpu.memory_space<vmem>>, vector<16xi32>,
        %swap3A_1780 = vector.shape_cast %swap3A_1779 : vector<16xi32> to vector<16xi32>
        %swap3A_1781 = vector.shape_cast %get3A_1773 : vector<16xi32> to vector<16xi32>
        tpu.vector_store %arg43[%swap3A_1778], %swap3A_1781 {strides = array<i32>} : memref<1024xi32, #tpu.memory_space<vmem>>, vector<16xi32>,
        %mul3A_1782 = arith.constant 16 : i32
        %mul3A_1783 = arith.muli %scan3A_1421, %mul3A_1782 : i32
        %get3A_1784 = arith.constant 3 : i32
        %get3A_1785 = arith.index_cast %get3A_1784 : i32 to index
        %get3A_1786 = arith.index_cast %mul3A_1783 : i32 to index
        %get3A_1787 = tpu.vector_load %arg25[%get3A_1785, %get3A_1786] {strides = array<i32>} : memref<8x128xi32, #tpu.memory_space<vmem>>, vector<1x16xi32>,
        %get3A_1788 = vector.shape_cast %get3A_1787 : vector<1x16xi32> to vector<16xi32>
        %mul3A_1789 = arith.constant 16 : i32
        %mul3A_1790 = arith.muli %scan3A_1421, %mul3A_1789 : i32
        %add3A_1791 = arith.constant 0 : i32
        %add3A_1792 = arith.addi %add3A_1791, %mul3A_1790 : i32
        %swap3A_1793 = arith.index_cast %add3A_1792 : i32 to index
        %swap3A_1794 = tpu.vector_load %arg44[%swap3A_1793] {strides = array<i32>} : memref<1024xi32, #tpu.memory_space<vmem>>, vector<16xi32>,
        %swap3A_1795 = vector.shape_cast %swap3A_1794 : vector<16xi32> to vector<16xi32>
        %swap3A_1796 = vector.shape_cast %get3A_1788 : vector<16xi32> to vector<16xi32>
        tpu.vector_store %arg44[%swap3A_1793], %swap3A_1796 {strides = array<i32>} : memref<1024xi32, #tpu.memory_space<vmem>>, vector<16xi32>,
        %mul3A_1797 = arith.constant 16 : i32
        %mul3A_1798 = arith.muli %scan3A_1421, %mul3A_1797 : i32
        %get3A_1799 = arith.constant 3 : i32
        %get3A_1800 = arith.index_cast %get3A_1799 : i32 to index
        %get3A_1801 = arith.index_cast %mul3A_1798 : i32 to index
        %get3A_1802 = tpu.vector_load %arg26[%get3A_1800, %get3A_1801] {strides = array<i32>} : memref<8x128xi32, #tpu.memory_space<vmem>>, vector<1x16xi32>,
        %get3A_1803 = vector.shape_cast %get3A_1802 : vector<1x16xi32> to vector<16xi32>
        %mul3A_1804 = arith.constant 16 : i32
        %mul3A_1805 = arith.muli %scan3A_1421, %mul3A_1804 : i32
        %add3A_1806 = arith.constant 128 : i32
        %add3A_1807 = arith.addi %add3A_1806, %mul3A_1805 : i32
        %swap3A_1808 = arith.index_cast %add3A_1807 : i32 to index
        %swap3A_1809 = tpu.vector_load %arg44[%swap3A_1808] {strides = array<i32>} : memref<1024xi32, #tpu.memory_space<vmem>>, vector<16xi32>,
        %swap3A_1810 = vector.shape_cast %swap3A_1809 : vector<16xi32> to vector<16xi32>
        %swap3A_1811 = vector.shape_cast %get3A_1803 : vector<16xi32> to vector<16xi32>
        tpu.vector_store %arg44[%swap3A_1808], %swap3A_1811 {strides = array<i32>} : memref<1024xi32, #tpu.memory_space<vmem>>, vector<16xi32>,
        %mul3A_1812 = arith.constant 16 : i32
        %mul3A_1813 = arith.muli %scan3A_1421, %mul3A_1812 : i32
        %get3A_1814 = arith.constant 3 : i32
        %get3A_1815 = arith.index_cast %get3A_1814 : i32 to index
        %get3A_1816 = arith.index_cast %mul3A_1813 : i32 to index
        %get3A_1817 = tpu.vector_load %arg27[%get3A_1815, %get3A_1816] {strides = array<i32>} : memref<8x128xi32, #tpu.memory_space<vmem>>, vector<1x16xi32>,
        %get3A_1818 = vector.shape_cast %get3A_1817 : vector<1x16xi32> to vector<16xi32>
        %mul3A_1819 = arith.constant 16 : i32
        %mul3A_1820 = arith.muli %scan3A_1421, %mul3A_1819 : i32
        %add3A_1821 = arith.constant 256 : i32
        %add3A_1822 = arith.addi %add3A_1821, %mul3A_1820 : i32
        %swap3A_1823 = arith.index_cast %add3A_1822 : i32 to index
        %swap3A_1824 = tpu.vector_load %arg44[%swap3A_1823] {strides = array<i32>} : memref<1024xi32, #tpu.memory_space<vmem>>, vector<16xi32>,
        %swap3A_1825 = vector.shape_cast %swap3A_1824 : vector<16xi32> to vector<16xi32>
        %swap3A_1826 = vector.shape_cast %get3A_1818 : vector<16xi32> to vector<16xi32>
        tpu.vector_store %arg44[%swap3A_1823], %swap3A_1826 {strides = array<i32>} : memref<1024xi32, #tpu.memory_space<vmem>>, vector<16xi32>,
        %mul3A_1827 = arith.constant 16 : i32
        %mul3A_1828 = arith.muli %scan3A_1421, %mul3A_1827 : i32
        %get3A_1829 = arith.constant 3 : i32
        %get3A_1830 = arith.index_cast %get3A_1829 : i32 to index
        %get3A_1831 = arith.index_cast %mul3A_1828 : i32 to index
        %get3A_1832 = tpu.vector_load %arg28[%get3A_1830, %get3A_1831] {strides = array<i32>} : memref<8x128xi32, #tpu.memory_space<vmem>>, vector<1x16xi32>,
        %get3A_1833 = vector.shape_cast %get3A_1832 : vector<1x16xi32> to vector<16xi32>
        %mul3A_1834 = arith.constant 16 : i32
        %mul3A_1835 = arith.muli %scan3A_1421, %mul3A_1834 : i32
        %add3A_1836 = arith.constant 384 : i32
        %add3A_1837 = arith.addi %add3A_1836, %mul3A_1835 : i32
        %swap3A_1838 = arith.index_cast %add3A_1837 : i32 to index
        %swap3A_1839 = tpu.vector_load %arg44[%swap3A_1838] {strides = array<i32>} : memref<1024xi32, #tpu.memory_space<vmem>>, vector<16xi32>,
        %swap3A_1840 = vector.shape_cast %swap3A_1839 : vector<16xi32> to vector<16xi32>
        %swap3A_1841 = vector.shape_cast %get3A_1833 : vector<16xi32> to vector<16xi32>
        tpu.vector_store %arg44[%swap3A_1838], %swap3A_1841 {strides = array<i32>} : memref<1024xi32, #tpu.memory_space<vmem>>, vector<16xi32>,
        %mul3A_1842 = arith.constant 16 : i32
        %mul3A_1843 = arith.muli %scan3A_1421, %mul3A_1842 : i32
        %get3A_1844 = arith.constant 3 : i32
        %get3A_1845 = arith.index_cast %get3A_1844 : i32 to index
        %get3A_1846 = arith.index_cast %mul3A_1843 : i32 to index
        %get3A_1847 = tpu.vector_load %arg29[%get3A_1845, %get3A_1846] {strides = array<i32>} : memref<8x128xi32, #tpu.memory_space<vmem>>, vector<1x16xi32>,
        %get3A_1848 = vector.shape_cast %get3A_1847 : vector<1x16xi32> to vector<16xi32>
        %mul3A_1849 = arith.constant 16 : i32
        %mul3A_1850 = arith.muli %scan3A_1421, %mul3A_1849 : i32
        %add3A_1851 = arith.constant 512 : i32
        %add3A_1852 = arith.addi %add3A_1851, %mul3A_1850 : i32
        %swap3A_1853 = arith.index_cast %add3A_1852 : i32 to index
        %swap3A_1854 = tpu.vector_load %arg44[%swap3A_1853] {strides = array<i32>} : memref<1024xi32, #tpu.memory_space<vmem>>, vector<16xi32>,
        %swap3A_1855 = vector.shape_cast %swap3A_1854 : vector<16xi32> to vector<16xi32>
        %swap3A_1856 = vector.shape_cast %get3A_1848 : vector<16xi32> to vector<16xi32>
        tpu.vector_store %arg44[%swap3A_1853], %swap3A_1856 {strides = array<i32>} : memref<1024xi32, #tpu.memory_space<vmem>>, vector<16xi32>,
        %mul3A_1857 = arith.constant 16 : i32
        %mul3A_1858 = arith.muli %scan3A_1421, %mul3A_1857 : i32
        %get3A_1859 = arith.constant 3 : i32
        %get3A_1860 = arith.index_cast %get3A_1859 : i32 to index
        %get3A_1861 = arith.index_cast %mul3A_1858 : i32 to index
        %get3A_1862 = tpu.vector_load %arg30[%get3A_1860, %get3A_1861] {strides = array<i32>} : memref<8x128xi32, #tpu.memory_space<vmem>>, vector<1x16xi32>,
        %get3A_1863 = vector.shape_cast %get3A_1862 : vector<1x16xi32> to vector<16xi32>
        %mul3A_1864 = arith.constant 16 : i32
        %mul3A_1865 = arith.muli %scan3A_1421, %mul3A_1864 : i32
        %add3A_1866 = arith.constant 640 : i32
        %add3A_1867 = arith.addi %add3A_1866, %mul3A_1865 : i32
        %swap3A_1868 = arith.index_cast %add3A_1867 : i32 to index
        %swap3A_1869 = tpu.vector_load %arg44[%swap3A_1868] {strides = array<i32>} : memref<1024xi32, #tpu.memory_space<vmem>>, vector<16xi32>,
        %swap3A_1870 = vector.shape_cast %swap3A_1869 : vector<16xi32> to vector<16xi32>
        %swap3A_1871 = vector.shape_cast %get3A_1863 : vector<16xi32> to vector<16xi32>
        tpu.vector_store %arg44[%swap3A_1868], %swap3A_1871 {strides = array<i32>} : memref<1024xi32, #tpu.memory_space<vmem>>, vector<16xi32>,
        %mul3A_1872 = arith.constant 16 : i32
        %mul3A_1873 = arith.muli %scan3A_1421, %mul3A_1872 : i32
        %get3A_1874 = arith.constant 3 : i32
        %get3A_1875 = arith.index_cast %get3A_1874 : i32 to index
        %get3A_1876 = arith.index_cast %mul3A_1873 : i32 to index
        %get3A_1877 = tpu.vector_load %arg31[%get3A_1875, %get3A_1876] {strides = array<i32>} : memref<8x128xi32, #tpu.memory_space<vmem>>, vector<1x16xi32>,
        %get3A_1878 = vector.shape_cast %get3A_1877 : vector<1x16xi32> to vector<16xi32>
        %mul3A_1879 = arith.constant 16 : i32
        %mul3A_1880 = arith.muli %scan3A_1421, %mul3A_1879 : i32
        %add3A_1881 = arith.constant 768 : i32
        %add3A_1882 = arith.addi %add3A_1881, %mul3A_1880 : i32
        %swap3A_1883 = arith.index_cast %add3A_1882 : i32 to index
        %swap3A_1884 = tpu.vector_load %arg44[%swap3A_1883] {strides = array<i32>} : memref<1024xi32, #tpu.memory_space<vmem>>, vector<16xi32>,
        %swap3A_1885 = vector.shape_cast %swap3A_1884 : vector<16xi32> to vector<16xi32>
        %swap3A_1886 = vector.shape_cast %get3A_1878 : vector<16xi32> to vector<16xi32>
        tpu.vector_store %arg44[%swap3A_1883], %swap3A_1886 {strides = array<i32>} : memref<1024xi32, #tpu.memory_space<vmem>>, vector<16xi32>,
        %mul3A_1887 = arith.constant 16 : i32
        %mul3A_1888 = arith.muli %scan3A_1421, %mul3A_1887 : i32
        %get3A_1889 = arith.constant 3 : i32
        %get3A_1890 = arith.index_cast %get3A_1889 : i32 to index
        %get3A_1891 = arith.index_cast %mul3A_1888 : i32 to index
        %get3A_1892 = tpu.vector_load %arg32[%get3A_1890, %get3A_1891] {strides = array<i32>} : memref<8x128xi32, #tpu.memory_space<vmem>>, vector<1x16xi32>,
        %get3A_1893 = vector.shape_cast %get3A_1892 : vector<1x16xi32> to vector<16xi32>
        %mul3A_1894 = arith.constant 16 : i32
        %mul3A_1895 = arith.muli %scan3A_1421, %mul3A_1894 : i32
        %add3A_1896 = arith.constant 896 : i32
        %add3A_1897 = arith.addi %add3A_1896, %mul3A_1895 : i32
        %swap3A_1898 = arith.index_cast %add3A_1897 : i32 to index
        %swap3A_1899 = tpu.vector_load %arg44[%swap3A_1898] {strides = array<i32>} : memref<1024xi32, #tpu.memory_space<vmem>>, vector<16xi32>,
        %swap3A_1900 = vector.shape_cast %swap3A_1899 : vector<16xi32> to vector<16xi32>
        %swap3A_1901 = vector.shape_cast %get3A_1893 : vector<16xi32> to vector<16xi32>
        tpu.vector_store %arg44[%swap3A_1898], %swap3A_1901 {strides = array<i32>} : memref<1024xi32, #tpu.memory_space<vmem>>, vector<16xi32>,
        %mul3A_1902 = arith.constant 16 : i32
        %mul3A_1903 = arith.muli %scan3A_1421, %mul3A_1902 : i32
        %get3A_1904 = arith.constant 4 : i32
        %get3A_1905 = arith.index_cast %get3A_1904 : i32 to index
        %get3A_1906 = arith.index_cast %mul3A_1903 : i32 to index
        %get3A_1907 = tpu.vector_load %arg25[%get3A_1905, %get3A_1906] {strides = array<i32>} : memref<8x128xi32, #tpu.memory_space<vmem>>, vector<1x16xi32>,
        %get3A_1908 = vector.shape_cast %get3A_1907 : vector<1x16xi32> to vector<16xi32>
        %mul3A_1909 = arith.constant 16 : i32
        %mul3A_1910 = arith.muli %scan3A_1421, %mul3A_1909 : i32
        %add3A_1911 = arith.constant 0 : i32
        %add3A_1912 = arith.addi %add3A_1911, %mul3A_1910 : i32
        %swap3A_1913 = arith.index_cast %add3A_1912 : i32 to index
        %swap3A_1914 = tpu.vector_load %arg45[%swap3A_1913] {strides = array<i32>} : memref<1024xi32, #tpu.memory_space<vmem>>, vector<16xi32>,
        %swap3A_1915 = vector.shape_cast %swap3A_1914 : vector<16xi32> to vector<16xi32>
        %swap3A_1916 = vector.shape_cast %get3A_1908 : vector<16xi32> to vector<16xi32>
        tpu.vector_store %arg45[%swap3A_1913], %swap3A_1916 {strides = array<i32>} : memref<1024xi32, #tpu.memory_space<vmem>>, vector<16xi32>,
        %mul3A_1917 = arith.constant 16 : i32
        %mul3A_1918 = arith.muli %scan3A_1421, %mul3A_1917 : i32
        %get3A_1919 = arith.constant 4 : i32
        %get3A_1920 = arith.index_cast %get3A_1919 : i32 to index
        %get3A_1921 = arith.index_cast %mul3A_1918 : i32 to index
        %get3A_1922 = tpu.vector_load %arg26[%get3A_1920, %get3A_1921] {strides = array<i32>} : memref<8x128xi32, #tpu.memory_space<vmem>>, vector<1x16xi32>,
        %get3A_1923 = vector.shape_cast %get3A_1922 : vector<1x16xi32> to vector<16xi32>
        %mul3A_1924 = arith.constant 16 : i32
        %mul3A_1925 = arith.muli %scan3A_1421, %mul3A_1924 : i32
        %add3A_1926 = arith.constant 128 : i32
        %add3A_1927 = arith.addi %add3A_1926, %mul3A_1925 : i32
        %swap3A_1928 = arith.index_cast %add3A_1927 : i32 to index
        %swap3A_1929 = tpu.vector_load %arg45[%swap3A_1928] {strides = array<i32>} : memref<1024xi32, #tpu.memory_space<vmem>>, vector<16xi32>,
        %swap3A_1930 = vector.shape_cast %swap3A_1929 : vector<16xi32> to vector<16xi32>
        %swap3A_1931 = vector.shape_cast %get3A_1923 : vector<16xi32> to vector<16xi32>
        tpu.vector_store %arg45[%swap3A_1928], %swap3A_1931 {strides = array<i32>} : memref<1024xi32, #tpu.memory_space<vmem>>, vector<16xi32>,
        %mul3A_1932 = arith.constant 16 : i32
        %mul3A_1933 = arith.muli %scan3A_1421, %mul3A_1932 : i32
        %get3A_1934 = arith.constant 4 : i32
        %get3A_1935 = arith.index_cast %get3A_1934 : i32 to index
        %get3A_1936 = arith.index_cast %mul3A_1933 : i32 to index
        %get3A_1937 = tpu.vector_load %arg27[%get3A_1935, %get3A_1936] {strides = array<i32>} : memref<8x128xi32, #tpu.memory_space<vmem>>, vector<1x16xi32>,
        %get3A_1938 = vector.shape_cast %get3A_1937 : vector<1x16xi32> to vector<16xi32>
        %mul3A_1939 = arith.constant 16 : i32
        %mul3A_1940 = arith.muli %scan3A_1421, %mul3A_1939 : i32
        %add3A_1941 = arith.constant 256 : i32
        %add3A_1942 = arith.addi %add3A_1941, %mul3A_1940 : i32
        %swap3A_1943 = arith.index_cast %add3A_1942 : i32 to index
        %swap3A_1944 = tpu.vector_load %arg45[%swap3A_1943] {strides = array<i32>} : memref<1024xi32, #tpu.memory_space<vmem>>, vector<16xi32>,
        %swap3A_1945 = vector.shape_cast %swap3A_1944 : vector<16xi32> to vector<16xi32>
        %swap3A_1946 = vector.shape_cast %get3A_1938 : vector<16xi32> to vector<16xi32>
        tpu.vector_store %arg45[%swap3A_1943], %swap3A_1946 {strides = array<i32>} : memref<1024xi32, #tpu.memory_space<vmem>>, vector<16xi32>,
        %mul3A_1947 = arith.constant 16 : i32
        %mul3A_1948 = arith.muli %scan3A_1421, %mul3A_1947 : i32
        %get3A_1949 = arith.constant 4 : i32
        %get3A_1950 = arith.index_cast %get3A_1949 : i32 to index
        %get3A_1951 = arith.index_cast %mul3A_1948 : i32 to index
        %get3A_1952 = tpu.vector_load %arg28[%get3A_1950, %get3A_1951] {strides = array<i32>} : memref<8x128xi32, #tpu.memory_space<vmem>>, vector<1x16xi32>,
        %get3A_1953 = vector.shape_cast %get3A_1952 : vector<1x16xi32> to vector<16xi32>
        %mul3A_1954 = arith.constant 16 : i32
        %mul3A_1955 = arith.muli %scan3A_1421, %mul3A_1954 : i32
        %add3A_1956 = arith.constant 384 : i32
        %add3A_1957 = arith.addi %add3A_1956, %mul3A_1955 : i32
        %swap3A_1958 = arith.index_cast %add3A_1957 : i32 to index
        %swap3A_1959 = tpu.vector_load %arg45[%swap3A_1958] {strides = array<i32>} : memref<1024xi32, #tpu.memory_space<vmem>>, vector<16xi32>,
        %swap3A_1960 = vector.shape_cast %swap3A_1959 : vector<16xi32> to vector<16xi32>
        %swap3A_1961 = vector.shape_cast %get3A_1953 : vector<16xi32> to vector<16xi32>
        tpu.vector_store %arg45[%swap3A_1958], %swap3A_1961 {strides = array<i32>} : memref<1024xi32, #tpu.memory_space<vmem>>, vector<16xi32>,
        %mul3A_1962 = arith.constant 16 : i32
        %mul3A_1963 = arith.muli %scan3A_1421, %mul3A_1962 : i32
        %get3A_1964 = arith.constant 4 : i32
        %get3A_1965 = arith.index_cast %get3A_1964 : i32 to index
        %get3A_1966 = arith.index_cast %mul3A_1963 : i32 to index
        %get3A_1967 = tpu.vector_load %arg29[%get3A_1965, %get3A_1966] {strides = array<i32>} : memref<8x128xi32, #tpu.memory_space<vmem>>, vector<1x16xi32>,
        %get3A_1968 = vector.shape_cast %get3A_1967 : vector<1x16xi32> to vector<16xi32>
        %mul3A_1969 = arith.constant 16 : i32
        %mul3A_1970 = arith.muli %scan3A_1421, %mul3A_1969 : i32
        %add3A_1971 = arith.constant 512 : i32
        %add3A_1972 = arith.addi %add3A_1971, %mul3A_1970 : i32
        %swap3A_1973 = arith.index_cast %add3A_1972 : i32 to index
        %swap3A_1974 = tpu.vector_load %arg45[%swap3A_1973] {strides = array<i32>} : memref<1024xi32, #tpu.memory_space<vmem>>, vector<16xi32>,
        %swap3A_1975 = vector.shape_cast %swap3A_1974 : vector<16xi32> to vector<16xi32>
        %swap3A_1976 = vector.shape_cast %get3A_1968 : vector<16xi32> to vector<16xi32>
        tpu.vector_store %arg45[%swap3A_1973], %swap3A_1976 {strides = array<i32>} : memref<1024xi32, #tpu.memory_space<vmem>>, vector<16xi32>,
        %mul3A_1977 = arith.constant 16 : i32
        %mul3A_1978 = arith.muli %scan3A_1421, %mul3A_1977 : i32
        %get3A_1979 = arith.constant 4 : i32
        %get3A_1980 = arith.index_cast %get3A_1979 : i32 to index
        %get3A_1981 = arith.index_cast %mul3A_1978 : i32 to index
        %get3A_1982 = tpu.vector_load %arg30[%get3A_1980, %get3A_1981] {strides = array<i32>} : memref<8x128xi32, #tpu.memory_space<vmem>>, vector<1x16xi32>,
        %get3A_1983 = vector.shape_cast %get3A_1982 : vector<1x16xi32> to vector<16xi32>
        %mul3A_1984 = arith.constant 16 : i32
        %mul3A_1985 = arith.muli %scan3A_1421, %mul3A_1984 : i32
        %add3A_1986 = arith.constant 640 : i32
        %add3A_1987 = arith.addi %add3A_1986, %mul3A_1985 : i32
        %swap3A_1988 = arith.index_cast %add3A_1987 : i32 to index
        %swap3A_1989 = tpu.vector_load %arg45[%swap3A_1988] {strides = array<i32>} : memref<1024xi32, #tpu.memory_space<vmem>>, vector<16xi32>,
        %swap3A_1990 = vector.shape_cast %swap3A_1989 : vector<16xi32> to vector<16xi32>
        %swap3A_1991 = vector.shape_cast %get3A_1983 : vector<16xi32> to vector<16xi32>
        tpu.vector_store %arg45[%swap3A_1988], %swap3A_1991 {strides = array<i32>} : memref<1024xi32, #tpu.memory_space<vmem>>, vector<16xi32>,
        %mul3A_1992 = arith.constant 16 : i32
        %mul3A_1993 = arith.muli %scan3A_1421, %mul3A_1992 : i32
        %get3A_1994 = arith.constant 4 : i32
        %get3A_1995 = arith.index_cast %get3A_1994 : i32 to index
        %get3A_1996 = arith.index_cast %mul3A_1993 : i32 to index
        %get3A_1997 = tpu.vector_load %arg31[%get3A_1995, %get3A_1996] {strides = array<i32>} : memref<8x128xi32, #tpu.memory_space<vmem>>, vector<1x16xi32>,
        %get3A_1998 = vector.shape_cast %get3A_1997 : vector<1x16xi32> to vector<16xi32>
        %mul3A_1999 = arith.constant 16 : i32
        %mul3A_2000 = arith.muli %scan3A_1421, %mul3A_1999 : i32
        %add3A_2001 = arith.constant 768 : i32
        %add3A_2002 = arith.addi %add3A_2001, %mul3A_2000 : i32
        %swap3A_2003 = arith.index_cast %add3A_2002 : i32 to index
        %swap3A_2004 = tpu.vector_load %arg45[%swap3A_2003] {strides = array<i32>} : memref<1024xi32, #tpu.memory_space<vmem>>, vector<16xi32>,
        %swap3A_2005 = vector.shape_cast %swap3A_2004 : vector<16xi32> to vector<16xi32>
        %swap3A_2006 = vector.shape_cast %get3A_1998 : vector<16xi32> to vector<16xi32>
        tpu.vector_store %arg45[%swap3A_2003], %swap3A_2006 {strides = array<i32>} : memref<1024xi32, #tpu.memory_space<vmem>>, vector<16xi32>,
        %mul3A_2007 = arith.constant 16 : i32
        %mul3A_2008 = arith.muli %scan3A_1421, %mul3A_2007 : i32
        %get3A_2009 = arith.constant 4 : i32
        %get3A_2010 = arith.index_cast %get3A_2009 : i32 to index
        %get3A_2011 = arith.index_cast %mul3A_2008 : i32 to index
        %get3A_2012 = tpu.vector_load %arg32[%get3A_2010, %get3A_2011] {strides = array<i32>} : memref<8x128xi32, #tpu.memory_space<vmem>>, vector<1x16xi32>,
        %get3A_2013 = vector.shape_cast %get3A_2012 : vector<1x16xi32> to vector<16xi32>
        %mul3A_2014 = arith.constant 16 : i32
        %mul3A_2015 = arith.muli %scan3A_1421, %mul3A_2014 : i32
        %add3A_2016 = arith.constant 896 : i32
        %add3A_2017 = arith.addi %add3A_2016, %mul3A_2015 : i32
        %swap3A_2018 = arith.index_cast %add3A_2017 : i32 to index
        %swap3A_2019 = tpu.vector_load %arg45[%swap3A_2018] {strides = array<i32>} : memref<1024xi32, #tpu.memory_space<vmem>>, vector<16xi32>,
        %swap3A_2020 = vector.shape_cast %swap3A_2019 : vector<16xi32> to vector<16xi32>
        %swap3A_2021 = vector.shape_cast %get3A_2013 : vector<16xi32> to vector<16xi32>
        tpu.vector_store %arg45[%swap3A_2018], %swap3A_2021 {strides = array<i32>} : memref<1024xi32, #tpu.memory_space<vmem>>, vector<16xi32>,
        %mul3A_2022 = arith.constant 16 : i32
        %mul3A_2023 = arith.muli %scan3A_1421, %mul3A_2022 : i32
        %get3A_2024 = arith.constant 5 : i32
        %get3A_2025 = arith.index_cast %get3A_2024 : i32 to index
        %get3A_2026 = arith.index_cast %mul3A_2023 : i32 to index
        %get3A_2027 = tpu.vector_load %arg25[%get3A_2025, %get3A_2026] {strides = array<i32>} : memref<8x128xi32, #tpu.memory_space<vmem>>, vector<1x16xi32>,
        %get3A_2028 = vector.shape_cast %get3A_2027 : vector<1x16xi32> to vector<16xi32>
        %mul3A_2029 = arith.constant 16 : i32
        %mul3A_2030 = arith.muli %scan3A_1421, %mul3A_2029 : i32
        %add3A_2031 = arith.constant 0 : i32
        %add3A_2032 = arith.addi %add3A_2031, %mul3A_2030 : i32
        %swap3A_2033 = arith.index_cast %add3A_2032 : i32 to index
        %swap3A_2034 = tpu.vector_load %arg46[%swap3A_2033] {strides = array<i32>} : memref<1024xi32, #tpu.memory_space<vmem>>, vector<16xi32>,
        %swap3A_2035 = vector.shape_cast %swap3A_2034 : vector<16xi32> to vector<16xi32>
        %swap3A_2036 = vector.shape_cast %get3A_2028 : vector<16xi32> to vector<16xi32>
        tpu.vector_store %arg46[%swap3A_2033], %swap3A_2036 {strides = array<i32>} : memref<1024xi32, #tpu.memory_space<vmem>>, vector<16xi32>,
        %mul3A_2037 = arith.constant 16 : i32
        %mul3A_2038 = arith.muli %scan3A_1421, %mul3A_2037 : i32
        %get3A_2039 = arith.constant 5 : i32
        %get3A_2040 = arith.index_cast %get3A_2039 : i32 to index
        %get3A_2041 = arith.index_cast %mul3A_2038 : i32 to index
        %get3A_2042 = tpu.vector_load %arg26[%get3A_2040, %get3A_2041] {strides = array<i32>} : memref<8x128xi32, #tpu.memory_space<vmem>>, vector<1x16xi32>,
        %get3A_2043 = vector.shape_cast %get3A_2042 : vector<1x16xi32> to vector<16xi32>
        %mul3A_2044 = arith.constant 16 : i32
        %mul3A_2045 = arith.muli %scan3A_1421, %mul3A_2044 : i32
        %add3A_2046 = arith.constant 128 : i32
        %add3A_2047 = arith.addi %add3A_2046, %mul3A_2045 : i32
        %swap3A_2048 = arith.index_cast %add3A_2047 : i32 to index
        %swap3A_2049 = tpu.vector_load %arg46[%swap3A_2048] {strides = array<i32>} : memref<1024xi32, #tpu.memory_space<vmem>>, vector<16xi32>,
        %swap3A_2050 = vector.shape_cast %swap3A_2049 : vector<16xi32> to vector<16xi32>
        %swap3A_2051 = vector.shape_cast %get3A_2043 : vector<16xi32> to vector<16xi32>
        tpu.vector_store %arg46[%swap3A_2048], %swap3A_2051 {strides = array<i32>} : memref<1024xi32, #tpu.memory_space<vmem>>, vector<16xi32>,
        %mul3A_2052 = arith.constant 16 : i32
        %mul3A_2053 = arith.muli %scan3A_1421, %mul3A_2052 : i32
        %get3A_2054 = arith.constant 5 : i32
        %get3A_2055 = arith.index_cast %get3A_2054 : i32 to index
        %get3A_2056 = arith.index_cast %mul3A_2053 : i32 to index
        %get3A_2057 = tpu.vector_load %arg27[%get3A_2055, %get3A_2056] {strides = array<i32>} : memref<8x128xi32, #tpu.memory_space<vmem>>, vector<1x16xi32>,
        %get3A_2058 = vector.shape_cast %get3A_2057 : vector<1x16xi32> to vector<16xi32>
        %mul3A_2059 = arith.constant 16 : i32
        %mul3A_2060 = arith.muli %scan3A_1421, %mul3A_2059 : i32
        %add3A_2061 = arith.constant 256 : i32
        %add3A_2062 = arith.addi %add3A_2061, %mul3A_2060 : i32
        %swap3A_2063 = arith.index_cast %add3A_2062 : i32 to index
        %swap3A_2064 = tpu.vector_load %arg46[%swap3A_2063] {strides = array<i32>} : memref<1024xi32, #tpu.memory_space<vmem>>, vector<16xi32>,
        %swap3A_2065 = vector.shape_cast %swap3A_2064 : vector<16xi32> to vector<16xi32>
        %swap3A_2066 = vector.shape_cast %get3A_2058 : vector<16xi32> to vector<16xi32>
        tpu.vector_store %arg46[%swap3A_2063], %swap3A_2066 {strides = array<i32>} : memref<1024xi32, #tpu.memory_space<vmem>>, vector<16xi32>,
        %mul3A_2067 = arith.constant 16 : i32
        %mul3A_2068 = arith.muli %scan3A_1421, %mul3A_2067 : i32
        %get3A_2069 = arith.constant 5 : i32
        %get3A_2070 = arith.index_cast %get3A_2069 : i32 to index
        %get3A_2071 = arith.index_cast %mul3A_2068 : i32 to index
        %get3A_2072 = tpu.vector_load %arg28[%get3A_2070, %get3A_2071] {strides = array<i32>} : memref<8x128xi32, #tpu.memory_space<vmem>>, vector<1x16xi32>,
        %get3A_2073 = vector.shape_cast %get3A_2072 : vector<1x16xi32> to vector<16xi32>
        %mul3A_2074 = arith.constant 16 : i32
        %mul3A_2075 = arith.muli %scan3A_1421, %mul3A_2074 : i32
        %add3A_2076 = arith.constant 384 : i32
        %add3A_2077 = arith.addi %add3A_2076, %mul3A_2075 : i32
        %swap3A_2078 = arith.index_cast %add3A_2077 : i32 to index
        %swap3A_2079 = tpu.vector_load %arg46[%swap3A_2078] {strides = array<i32>} : memref<1024xi32, #tpu.memory_space<vmem>>, vector<16xi32>,
        %swap3A_2080 = vector.shape_cast %swap3A_2079 : vector<16xi32> to vector<16xi32>
        %swap3A_2081 = vector.shape_cast %get3A_2073 : vector<16xi32> to vector<16xi32>
        tpu.vector_store %arg46[%swap3A_2078], %swap3A_2081 {strides = array<i32>} : memref<1024xi32, #tpu.memory_space<vmem>>, vector<16xi32>,
        %mul3A_2082 = arith.constant 16 : i32
        %mul3A_2083 = arith.muli %scan3A_1421, %mul3A_2082 : i32
        %get3A_2084 = arith.constant 5 : i32
        %get3A_2085 = arith.index_cast %get3A_2084 : i32 to index
        %get3A_2086 = arith.index_cast %mul3A_2083 : i32 to index
        %get3A_2087 = tpu.vector_load %arg29[%get3A_2085, %get3A_2086] {strides = array<i32>} : memref<8x128xi32, #tpu.memory_space<vmem>>, vector<1x16xi32>,
        %get3A_2088 = vector.shape_cast %get3A_2087 : vector<1x16xi32> to vector<16xi32>
        %mul3A_2089 = arith.constant 16 : i32
        %mul3A_2090 = arith.muli %scan3A_1421, %mul3A_2089 : i32
        %add3A_2091 = arith.constant 512 : i32
        %add3A_2092 = arith.addi %add3A_2091, %mul3A_2090 : i32
        %swap3A_2093 = arith.index_cast %add3A_2092 : i32 to index
        %swap3A_2094 = tpu.vector_load %arg46[%swap3A_2093] {strides = array<i32>} : memref<1024xi32, #tpu.memory_space<vmem>>, vector<16xi32>,
        %swap3A_2095 = vector.shape_cast %swap3A_2094 : vector<16xi32> to vector<16xi32>
        %swap3A_2096 = vector.shape_cast %get3A_2088 : vector<16xi32> to vector<16xi32>
        tpu.vector_store %arg46[%swap3A_2093], %swap3A_2096 {strides = array<i32>} : memref<1024xi32, #tpu.memory_space<vmem>>, vector<16xi32>,
        %mul3A_2097 = arith.constant 16 : i32
        %mul3A_2098 = arith.muli %scan3A_1421, %mul3A_2097 : i32
        %get3A_2099 = arith.constant 5 : i32
        %get3A_2100 = arith.index_cast %get3A_2099 : i32 to index
        %get3A_2101 = arith.index_cast %mul3A_2098 : i32 to index
        %get3A_2102 = tpu.vector_load %arg30[%get3A_2100, %get3A_2101] {strides = array<i32>} : memref<8x128xi32, #tpu.memory_space<vmem>>, vector<1x16xi32>,
        %get3A_2103 = vector.shape_cast %get3A_2102 : vector<1x16xi32> to vector<16xi32>
        %mul3A_2104 = arith.constant 16 : i32
        %mul3A_2105 = arith.muli %scan3A_1421, %mul3A_2104 : i32
        %add3A_2106 = arith.constant 640 : i32
        %add3A_2107 = arith.addi %add3A_2106, %mul3A_2105 : i32
        %swap3A_2108 = arith.index_cast %add3A_2107 : i32 to index
        %swap3A_2109 = tpu.vector_load %arg46[%swap3A_2108] {strides = array<i32>} : memref<1024xi32, #tpu.memory_space<vmem>>, vector<16xi32>,
        %swap3A_2110 = vector.shape_cast %swap3A_2109 : vector<16xi32> to vector<16xi32>
        %swap3A_2111 = vector.shape_cast %get3A_2103 : vector<16xi32> to vector<16xi32>
        tpu.vector_store %arg46[%swap3A_2108], %swap3A_2111 {strides = array<i32>} : memref<1024xi32, #tpu.memory_space<vmem>>, vector<16xi32>,
        %mul3A_2112 = arith.constant 16 : i32
        %mul3A_2113 = arith.muli %scan3A_1421, %mul3A_2112 : i32
        %get3A_2114 = arith.constant 5 : i32
        %get3A_2115 = arith.index_cast %get3A_2114 : i32 to index
        %get3A_2116 = arith.index_cast %mul3A_2113 : i32 to index
        %get3A_2117 = tpu.vector_load %arg31[%get3A_2115, %get3A_2116] {strides = array<i32>} : memref<8x128xi32, #tpu.memory_space<vmem>>, vector<1x16xi32>,
        %get3A_2118 = vector.shape_cast %get3A_2117 : vector<1x16xi32> to vector<16xi32>
        %mul3A_2119 = arith.constant 16 : i32
        %mul3A_2120 = arith.muli %scan3A_1421, %mul3A_2119 : i32
        %add3A_2121 = arith.constant 768 : i32
        %add3A_2122 = arith.addi %add3A_2121, %mul3A_2120 : i32
        %swap3A_2123 = arith.index_cast %add3A_2122 : i32 to index
        %swap3A_2124 = tpu.vector_load %arg46[%swap3A_2123] {strides = array<i32>} : memref<1024xi32, #tpu.memory_space<vmem>>, vector<16xi32>,
        %swap3A_2125 = vector.shape_cast %swap3A_2124 : vector<16xi32> to vector<16xi32>
        %swap3A_2126 = vector.shape_cast %get3A_2118 : vector<16xi32> to vector<16xi32>
        tpu.vector_store %arg46[%swap3A_2123], %swap3A_2126 {strides = array<i32>} : memref<1024xi32, #tpu.memory_space<vmem>>, vector<16xi32>,
        %mul3A_2127 = arith.constant 16 : i32
        %mul3A_2128 = arith.muli %scan3A_1421, %mul3A_2127 : i32
        %get3A_2129 = arith.constant 5 : i32
        %get3A_2130 = arith.index_cast %get3A_2129 : i32 to index
        %get3A_2131 = arith.index_cast %mul3A_2128 : i32 to index
        %get3A_2132 = tpu.vector_load %arg32[%get3A_2130, %get3A_2131] {strides = array<i32>} : memref<8x128xi32, #tpu.memory_space<vmem>>, vector<1x16xi32>,
        %get3A_2133 = vector.shape_cast %get3A_2132 : vector<1x16xi32> to vector<16xi32>
        %mul3A_2134 = arith.constant 16 : i32
        %mul3A_2135 = arith.muli %scan3A_1421, %mul3A_2134 : i32
        %add3A_2136 = arith.constant 896 : i32
        %add3A_2137 = arith.addi %add3A_2136, %mul3A_2135 : i32
        %swap3A_2138 = arith.index_cast %add3A_2137 : i32 to index
        %swap3A_2139 = tpu.vector_load %arg46[%swap3A_2138] {strides = array<i32>} : memref<1024xi32, #tpu.memory_space<vmem>>, vector<16xi32>,
        %swap3A_2140 = vector.shape_cast %swap3A_2139 : vector<16xi32> to vector<16xi32>
        %swap3A_2141 = vector.shape_cast %get3A_2133 : vector<16xi32> to vector<16xi32>
        tpu.vector_store %arg46[%swap3A_2138], %swap3A_2141 {strides = array<i32>} : memref<1024xi32, #tpu.memory_space<vmem>>, vector<16xi32>,
        %mul3A_2142 = arith.constant 16 : i32
        %mul3A_2143 = arith.muli %scan3A_1421, %mul3A_2142 : i32
        %get3A_2144 = arith.constant 6 : i32
        %get3A_2145 = arith.index_cast %get3A_2144 : i32 to index
        %get3A_2146 = arith.index_cast %mul3A_2143 : i32 to index
        %get3A_2147 = tpu.vector_load %arg25[%get3A_2145, %get3A_2146] {strides = array<i32>} : memref<8x128xi32, #tpu.memory_space<vmem>>, vector<1x16xi32>,
        %get3A_2148 = vector.shape_cast %get3A_2147 : vector<1x16xi32> to vector<16xi32>
        %mul3A_2149 = arith.constant 16 : i32
        %mul3A_2150 = arith.muli %scan3A_1421, %mul3A_2149 : i32
        %add3A_2151 = arith.constant 0 : i32
        %add3A_2152 = arith.addi %add3A_2151, %mul3A_2150 : i32
        %swap3A_2153 = arith.index_cast %add3A_2152 : i32 to index
        %swap3A_2154 = tpu.vector_load %arg47[%swap3A_2153] {strides = array<i32>} : memref<1024xi32, #tpu.memory_space<vmem>>, vector<16xi32>,
        %swap3A_2155 = vector.shape_cast %swap3A_2154 : vector<16xi32> to vector<16xi32>
        %swap3A_2156 = vector.shape_cast %get3A_2148 : vector<16xi32> to vector<16xi32>
        tpu.vector_store %arg47[%swap3A_2153], %swap3A_2156 {strides = array<i32>} : memref<1024xi32, #tpu.memory_space<vmem>>, vector<16xi32>,
        %mul3A_2157 = arith.constant 16 : i32
        %mul3A_2158 = arith.muli %scan3A_1421, %mul3A_2157 : i32
        %get3A_2159 = arith.constant 6 : i32
        %get3A_2160 = arith.index_cast %get3A_2159 : i32 to index
        %get3A_2161 = arith.index_cast %mul3A_2158 : i32 to index
        %get3A_2162 = tpu.vector_load %arg26[%get3A_2160, %get3A_2161] {strides = array<i32>} : memref<8x128xi32, #tpu.memory_space<vmem>>, vector<1x16xi32>,
        %get3A_2163 = vector.shape_cast %get3A_2162 : vector<1x16xi32> to vector<16xi32>
        %mul3A_2164 = arith.constant 16 : i32
        %mul3A_2165 = arith.muli %scan3A_1421, %mul3A_2164 : i32
        %add3A_2166 = arith.constant 128 : i32
        %add3A_2167 = arith.addi %add3A_2166, %mul3A_2165 : i32
        %swap3A_2168 = arith.index_cast %add3A_2167 : i32 to index
        %swap3A_2169 = tpu.vector_load %arg47[%swap3A_2168] {strides = array<i32>} : memref<1024xi32, #tpu.memory_space<vmem>>, vector<16xi32>,
        %swap3A_2170 = vector.shape_cast %swap3A_2169 : vector<16xi32> to vector<16xi32>
        %swap3A_2171 = vector.shape_cast %get3A_2163 : vector<16xi32> to vector<16xi32>
        tpu.vector_store %arg47[%swap3A_2168], %swap3A_2171 {strides = array<i32>} : memref<1024xi32, #tpu.memory_space<vmem>>, vector<16xi32>,
        %mul3A_2172 = arith.constant 16 : i32
        %mul3A_2173 = arith.muli %scan3A_1421, %mul3A_2172 : i32
        %get3A_2174 = arith.constant 6 : i32
        %get3A_2175 = arith.index_cast %get3A_2174 : i32 to index
        %get3A_2176 = arith.index_cast %mul3A_2173 : i32 to index
        %get3A_2177 = tpu.vector_load %arg27[%get3A_2175, %get3A_2176] {strides = array<i32>} : memref<8x128xi32, #tpu.memory_space<vmem>>, vector<1x16xi32>,
        %get3A_2178 = vector.shape_cast %get3A_2177 : vector<1x16xi32> to vector<16xi32>
        %mul3A_2179 = arith.constant 16 : i32
        %mul3A_2180 = arith.muli %scan3A_1421, %mul3A_2179 : i32
        %add3A_2181 = arith.constant 256 : i32
        %add3A_2182 = arith.addi %add3A_2181, %mul3A_2180 : i32
        %swap3A_2183 = arith.index_cast %add3A_2182 : i32 to index
        %swap3A_2184 = tpu.vector_load %arg47[%swap3A_2183] {strides = array<i32>} : memref<1024xi32, #tpu.memory_space<vmem>>, vector<16xi32>,
        %swap3A_2185 = vector.shape_cast %swap3A_2184 : vector<16xi32> to vector<16xi32>
        %swap3A_2186 = vector.shape_cast %get3A_2178 : vector<16xi32> to vector<16xi32>
        tpu.vector_store %arg47[%swap3A_2183], %swap3A_2186 {strides = array<i32>} : memref<1024xi32, #tpu.memory_space<vmem>>, vector<16xi32>,
        %mul3A_2187 = arith.constant 16 : i32
        %mul3A_2188 = arith.muli %scan3A_1421, %mul3A_2187 : i32
        %get3A_2189 = arith.constant 6 : i32
        %get3A_2190 = arith.index_cast %get3A_2189 : i32 to index
        %get3A_2191 = arith.index_cast %mul3A_2188 : i32 to index
        %get3A_2192 = tpu.vector_load %arg28[%get3A_2190, %get3A_2191] {strides = array<i32>} : memref<8x128xi32, #tpu.memory_space<vmem>>, vector<1x16xi32>,
        %get3A_2193 = vector.shape_cast %get3A_2192 : vector<1x16xi32> to vector<16xi32>
        %mul3A_2194 = arith.constant 16 : i32
        %mul3A_2195 = arith.muli %scan3A_1421, %mul3A_2194 : i32
        %add3A_2196 = arith.constant 384 : i32
        %add3A_2197 = arith.addi %add3A_2196, %mul3A_2195 : i32
        %swap3A_2198 = arith.index_cast %add3A_2197 : i32 to index
        %swap3A_2199 = tpu.vector_load %arg47[%swap3A_2198] {strides = array<i32>} : memref<1024xi32, #tpu.memory_space<vmem>>, vector<16xi32>,
        %swap3A_2200 = vector.shape_cast %swap3A_2199 : vector<16xi32> to vector<16xi32>
        %swap3A_2201 = vector.shape_cast %get3A_2193 : vector<16xi32> to vector<16xi32>
        tpu.vector_store %arg47[%swap3A_2198], %swap3A_2201 {strides = array<i32>} : memref<1024xi32, #tpu.memory_space<vmem>>, vector<16xi32>,
        %mul3A_2202 = arith.constant 16 : i32
        %mul3A_2203 = arith.muli %scan3A_1421, %mul3A_2202 : i32
        %get3A_2204 = arith.constant 6 : i32
        %get3A_2205 = arith.index_cast %get3A_2204 : i32 to index
        %get3A_2206 = arith.index_cast %mul3A_2203 : i32 to index
        %get3A_2207 = tpu.vector_load %arg29[%get3A_2205, %get3A_2206] {strides = array<i32>} : memref<8x128xi32, #tpu.memory_space<vmem>>, vector<1x16xi32>,
        %get3A_2208 = vector.shape_cast %get3A_2207 : vector<1x16xi32> to vector<16xi32>
        %mul3A_2209 = arith.constant 16 : i32
        %mul3A_2210 = arith.muli %scan3A_1421, %mul3A_2209 : i32
        %add3A_2211 = arith.constant 512 : i32
        %add3A_2212 = arith.addi %add3A_2211, %mul3A_2210 : i32
        %swap3A_2213 = arith.index_cast %add3A_2212 : i32 to index
        %swap3A_2214 = tpu.vector_load %arg47[%swap3A_2213] {strides = array<i32>} : memref<1024xi32, #tpu.memory_space<vmem>>, vector<16xi32>,
        %swap3A_2215 = vector.shape_cast %swap3A_2214 : vector<16xi32> to vector<16xi32>
        %swap3A_2216 = vector.shape_cast %get3A_2208 : vector<16xi32> to vector<16xi32>
        tpu.vector_store %arg47[%swap3A_2213], %swap3A_2216 {strides = array<i32>} : memref<1024xi32, #tpu.memory_space<vmem>>, vector<16xi32>,
        %mul3A_2217 = arith.constant 16 : i32
        %mul3A_2218 = arith.muli %scan3A_1421, %mul3A_2217 : i32
        %get3A_2219 = arith.constant 6 : i32
        %get3A_2220 = arith.index_cast %get3A_2219 : i32 to index
        %get3A_2221 = arith.index_cast %mul3A_2218 : i32 to index
        %get3A_2222 = tpu.vector_load %arg30[%get3A_2220, %get3A_2221] {strides = array<i32>} : memref<8x128xi32, #tpu.memory_space<vmem>>, vector<1x16xi32>,
        %get3A_2223 = vector.shape_cast %get3A_2222 : vector<1x16xi32> to vector<16xi32>
        %mul3A_2224 = arith.constant 16 : i32
        %mul3A_2225 = arith.muli %scan3A_1421, %mul3A_2224 : i32
        %add3A_2226 = arith.constant 640 : i32
        %add3A_2227 = arith.addi %add3A_2226, %mul3A_2225 : i32
        %swap3A_2228 = arith.index_cast %add3A_2227 : i32 to index
        %swap3A_2229 = tpu.vector_load %arg47[%swap3A_2228] {strides = array<i32>} : memref<1024xi32, #tpu.memory_space<vmem>>, vector<16xi32>,
        %swap3A_2230 = vector.shape_cast %swap3A_2229 : vector<16xi32> to vector<16xi32>
        %swap3A_2231 = vector.shape_cast %get3A_2223 : vector<16xi32> to vector<16xi32>
        tpu.vector_store %arg47[%swap3A_2228], %swap3A_2231 {strides = array<i32>} : memref<1024xi32, #tpu.memory_space<vmem>>, vector<16xi32>,
        %mul3A_2232 = arith.constant 16 : i32
        %mul3A_2233 = arith.muli %scan3A_1421, %mul3A_2232 : i32
        %get3A_2234 = arith.constant 6 : i32
        %get3A_2235 = arith.index_cast %get3A_2234 : i32 to index
        %get3A_2236 = arith.index_cast %mul3A_2233 : i32 to index
        %get3A_2237 = tpu.vector_load %arg31[%get3A_2235, %get3A_2236] {strides = array<i32>} : memref<8x128xi32, #tpu.memory_space<vmem>>, vector<1x16xi32>,
        %get3A_2238 = vector.shape_cast %get3A_2237 : vector<1x16xi32> to vector<16xi32>
        %mul3A_2239 = arith.constant 16 : i32
        %mul3A_2240 = arith.muli %scan3A_1421, %mul3A_2239 : i32
        %add3A_2241 = arith.constant 768 : i32
        %add3A_2242 = arith.addi %add3A_2241, %mul3A_2240 : i32
        %swap3A_2243 = arith.index_cast %add3A_2242 : i32 to index
        %swap3A_2244 = tpu.vector_load %arg47[%swap3A_2243] {strides = array<i32>} : memref<1024xi32, #tpu.memory_space<vmem>>, vector<16xi32>,
        %swap3A_2245 = vector.shape_cast %swap3A_2244 : vector<16xi32> to vector<16xi32>
        %swap3A_2246 = vector.shape_cast %get3A_2238 : vector<16xi32> to vector<16xi32>
        tpu.vector_store %arg47[%swap3A_2243], %swap3A_2246 {strides = array<i32>} : memref<1024xi32, #tpu.memory_space<vmem>>, vector<16xi32>,
        %mul3A_2247 = arith.constant 16 : i32
        %mul3A_2248 = arith.muli %scan3A_1421, %mul3A_2247 : i32
        %get3A_2249 = arith.constant 6 : i32
        %get3A_2250 = arith.index_cast %get3A_2249 : i32 to index
        %get3A_2251 = arith.index_cast %mul3A_2248 : i32 to index
        %get3A_2252 = tpu.vector_load %arg32[%get3A_2250, %get3A_2251] {strides = array<i32>} : memref<8x128xi32, #tpu.memory_space<vmem>>, vector<1x16xi32>,
        %get3A_2253 = vector.shape_cast %get3A_2252 : vector<1x16xi32> to vector<16xi32>
        %mul3A_2254 = arith.constant 16 : i32
        %mul3A_2255 = arith.muli %scan3A_1421, %mul3A_2254 : i32
        %add3A_2256 = arith.constant 896 : i32
        %add3A_2257 = arith.addi %add3A_2256, %mul3A_2255 : i32
        %swap3A_2258 = arith.index_cast %add3A_2257 : i32 to index
        %swap3A_2259 = tpu.vector_load %arg47[%swap3A_2258] {strides = array<i32>} : memref<1024xi32, #tpu.memory_space<vmem>>, vector<16xi32>,
        %swap3A_2260 = vector.shape_cast %swap3A_2259 : vector<16xi32> to vector<16xi32>
        %swap3A_2261 = vector.shape_cast %get3A_2253 : vector<16xi32> to vector<16xi32>
        tpu.vector_store %arg47[%swap3A_2258], %swap3A_2261 {strides = array<i32>} : memref<1024xi32, #tpu.memory_space<vmem>>, vector<16xi32>,
        %mul3A_2262 = arith.constant 16 : i32
        %mul3A_2263 = arith.muli %scan3A_1421, %mul3A_2262 : i32
        %get3A_2264 = arith.constant 7 : i32
        %get3A_2265 = arith.index_cast %get3A_2264 : i32 to index
        %get3A_2266 = arith.index_cast %mul3A_2263 : i32 to index
        %get3A_2267 = tpu.vector_load %arg25[%get3A_2265, %get3A_2266] {strides = array<i32>} : memref<8x128xi32, #tpu.memory_space<vmem>>, vector<1x16xi32>,
        %get3A_2268 = vector.shape_cast %get3A_2267 : vector<1x16xi32> to vector<16xi32>
        %mul3A_2269 = arith.constant 16 : i32
        %mul3A_2270 = arith.muli %scan3A_1421, %mul3A_2269 : i32
        %add3A_2271 = arith.constant 0 : i32
        %add3A_2272 = arith.addi %add3A_2271, %mul3A_2270 : i32
        %swap3A_2273 = arith.index_cast %add3A_2272 : i32 to index
        %swap3A_2274 = tpu.vector_load %arg48[%swap3A_2273] {strides = array<i32>} : memref<1024xi32, #tpu.memory_space<vmem>>, vector<16xi32>,
        %swap3A_2275 = vector.shape_cast %swap3A_2274 : vector<16xi32> to vector<16xi32>
        %swap3A_2276 = vector.shape_cast %get3A_2268 : vector<16xi32> to vector<16xi32>
        tpu.vector_store %arg48[%swap3A_2273], %swap3A_2276 {strides = array<i32>} : memref<1024xi32, #tpu.memory_space<vmem>>, vector<16xi32>,
        %mul3A_2277 = arith.constant 16 : i32
        %mul3A_2278 = arith.muli %scan3A_1421, %mul3A_2277 : i32
        %get3A_2279 = arith.constant 7 : i32
        %get3A_2280 = arith.index_cast %get3A_2279 : i32 to index
        %get3A_2281 = arith.index_cast %mul3A_2278 : i32 to index
        %get3A_2282 = tpu.vector_load %arg26[%get3A_2280, %get3A_2281] {strides = array<i32>} : memref<8x128xi32, #tpu.memory_space<vmem>>, vector<1x16xi32>,
        %get3A_2283 = vector.shape_cast %get3A_2282 : vector<1x16xi32> to vector<16xi32>
        %mul3A_2284 = arith.constant 16 : i32
        %mul3A_2285 = arith.muli %scan3A_1421, %mul3A_2284 : i32
        %add3A_2286 = arith.constant 128 : i32
        %add3A_2287 = arith.addi %add3A_2286, %mul3A_2285 : i32
        %swap3A_2288 = arith.index_cast %add3A_2287 : i32 to index
        %swap3A_2289 = tpu.vector_load %arg48[%swap3A_2288] {strides = array<i32>} : memref<1024xi32, #tpu.memory_space<vmem>>, vector<16xi32>,
        %swap3A_2290 = vector.shape_cast %swap3A_2289 : vector<16xi32> to vector<16xi32>
        %swap3A_2291 = vector.shape_cast %get3A_2283 : vector<16xi32> to vector<16xi32>
        tpu.vector_store %arg48[%swap3A_2288], %swap3A_2291 {strides = array<i32>} : memref<1024xi32, #tpu.memory_space<vmem>>, vector<16xi32>,
        %mul3A_2292 = arith.constant 16 : i32
        %mul3A_2293 = arith.muli %scan3A_1421, %mul3A_2292 : i32
        %get3A_2294 = arith.constant 7 : i32
        %get3A_2295 = arith.index_cast %get3A_2294 : i32 to index
        %get3A_2296 = arith.index_cast %mul3A_2293 : i32 to index
        %get3A_2297 = tpu.vector_load %arg27[%get3A_2295, %get3A_2296] {strides = array<i32>} : memref<8x128xi32, #tpu.memory_space<vmem>>, vector<1x16xi32>,
        %get3A_2298 = vector.shape_cast %get3A_2297 : vector<1x16xi32> to vector<16xi32>
        %mul3A_2299 = arith.constant 16 : i32
        %mul3A_2300 = arith.muli %scan3A_1421, %mul3A_2299 : i32
        %add3A_2301 = arith.constant 256 : i32
        %add3A_2302 = arith.addi %add3A_2301, %mul3A_2300 : i32
        %swap3A_2303 = arith.index_cast %add3A_2302 : i32 to index
        %swap3A_2304 = tpu.vector_load %arg48[%swap3A_2303] {strides = array<i32>} : memref<1024xi32, #tpu.memory_space<vmem>>, vector<16xi32>,
        %swap3A_2305 = vector.shape_cast %swap3A_2304 : vector<16xi32> to vector<16xi32>
        %swap3A_2306 = vector.shape_cast %get3A_2298 : vector<16xi32> to vector<16xi32>
        tpu.vector_store %arg48[%swap3A_2303], %swap3A_2306 {strides = array<i32>} : memref<1024xi32, #tpu.memory_space<vmem>>, vector<16xi32>,
        %mul3A_2307 = arith.constant 16 : i32
        %mul3A_2308 = arith.muli %scan3A_1421, %mul3A_2307 : i32
        %get3A_2309 = arith.constant 7 : i32
        %get3A_2310 = arith.index_cast %get3A_2309 : i32 to index
        %get3A_2311 = arith.index_cast %mul3A_2308 : i32 to index
        %get3A_2312 = tpu.vector_load %arg28[%get3A_2310, %get3A_2311] {strides = array<i32>} : memref<8x128xi32, #tpu.memory_space<vmem>>, vector<1x16xi32>,
        %get3A_2313 = vector.shape_cast %get3A_2312 : vector<1x16xi32> to vector<16xi32>
        %mul3A_2314 = arith.constant 16 : i32
        %mul3A_2315 = arith.muli %scan3A_1421, %mul3A_2314 : i32
        %add3A_2316 = arith.constant 384 : i32
        %add3A_2317 = arith.addi %add3A_2316, %mul3A_2315 : i32
        %swap3A_2318 = arith.index_cast %add3A_2317 : i32 to index
        %swap3A_2319 = tpu.vector_load %arg48[%swap3A_2318] {strides = array<i32>} : memref<1024xi32, #tpu.memory_space<vmem>>, vector<16xi32>,
        %swap3A_2320 = vector.shape_cast %swap3A_2319 : vector<16xi32> to vector<16xi32>
        %swap3A_2321 = vector.shape_cast %get3A_2313 : vector<16xi32> to vector<16xi32>
        tpu.vector_store %arg48[%swap3A_2318], %swap3A_2321 {strides = array<i32>} : memref<1024xi32, #tpu.memory_space<vmem>>, vector<16xi32>,
        %mul3A_2322 = arith.constant 16 : i32
        %mul3A_2323 = arith.muli %scan3A_1421, %mul3A_2322 : i32
        %get3A_2324 = arith.constant 7 : i32
        %get3A_2325 = arith.index_cast %get3A_2324 : i32 to index
        %get3A_2326 = arith.index_cast %mul3A_2323 : i32 to index
        %get3A_2327 = tpu.vector_load %arg29[%get3A_2325, %get3A_2326] {strides = array<i32>} : memref<8x128xi32, #tpu.memory_space<vmem>>, vector<1x16xi32>,
        %get3A_2328 = vector.shape_cast %get3A_2327 : vector<1x16xi32> to vector<16xi32>
        %mul3A_2329 = arith.constant 16 : i32
        %mul3A_2330 = arith.muli %scan3A_1421, %mul3A_2329 : i32
        %add3A_2331 = arith.constant 512 : i32
        %add3A_2332 = arith.addi %add3A_2331, %mul3A_2330 : i32
        %swap3A_2333 = arith.index_cast %add3A_2332 : i32 to index
        %swap3A_2334 = tpu.vector_load %arg48[%swap3A_2333] {strides = array<i32>} : memref<1024xi32, #tpu.memory_space<vmem>>, vector<16xi32>,
        %swap3A_2335 = vector.shape_cast %swap3A_2334 : vector<16xi32> to vector<16xi32>
        %swap3A_2336 = vector.shape_cast %get3A_2328 : vector<16xi32> to vector<16xi32>
        tpu.vector_store %arg48[%swap3A_2333], %swap3A_2336 {strides = array<i32>} : memref<1024xi32, #tpu.memory_space<vmem>>, vector<16xi32>,
        %mul3A_2337 = arith.constant 16 : i32
        %mul3A_2338 = arith.muli %scan3A_1421, %mul3A_2337 : i32
        %get3A_2339 = arith.constant 7 : i32
        %get3A_2340 = arith.index_cast %get3A_2339 : i32 to index
        %get3A_2341 = arith.index_cast %mul3A_2338 : i32 to index
        %get3A_2342 = tpu.vector_load %arg30[%get3A_2340, %get3A_2341] {strides = array<i32>} : memref<8x128xi32, #tpu.memory_space<vmem>>, vector<1x16xi32>,
        %get3A_2343 = vector.shape_cast %get3A_2342 : vector<1x16xi32> to vector<16xi32>
        %mul3A_2344 = arith.constant 16 : i32
        %mul3A_2345 = arith.muli %scan3A_1421, %mul3A_2344 : i32
        %add3A_2346 = arith.constant 640 : i32
        %add3A_2347 = arith.addi %add3A_2346, %mul3A_2345 : i32
        %swap3A_2348 = arith.index_cast %add3A_2347 : i32 to index
        %swap3A_2349 = tpu.vector_load %arg48[%swap3A_2348] {strides = array<i32>} : memref<1024xi32, #tpu.memory_space<vmem>>, vector<16xi32>,
        %swap3A_2350 = vector.shape_cast %swap3A_2349 : vector<16xi32> to vector<16xi32>
        %swap3A_2351 = vector.shape_cast %get3A_2343 : vector<16xi32> to vector<16xi32>
        tpu.vector_store %arg48[%swap3A_2348], %swap3A_2351 {strides = array<i32>} : memref<1024xi32, #tpu.memory_space<vmem>>, vector<16xi32>,
        %mul3A_2352 = arith.constant 16 : i32
        %mul3A_2353 = arith.muli %scan3A_1421, %mul3A_2352 : i32
        %get3A_2354 = arith.constant 7 : i32
        %get3A_2355 = arith.index_cast %get3A_2354 : i32 to index
        %get3A_2356 = arith.index_cast %mul3A_2353 : i32 to index
        %get3A_2357 = tpu.vector_load %arg31[%get3A_2355, %get3A_2356] {strides = array<i32>} : memref<8x128xi32, #tpu.memory_space<vmem>>, vector<1x16xi32>,
        %get3A_2358 = vector.shape_cast %get3A_2357 : vector<1x16xi32> to vector<16xi32>
        %mul3A_2359 = arith.constant 16 : i32
        %mul3A_2360 = arith.muli %scan3A_1421, %mul3A_2359 : i32
        %add3A_2361 = arith.constant 768 : i32
        %add3A_2362 = arith.addi %add3A_2361, %mul3A_2360 : i32
        %swap3A_2363 = arith.index_cast %add3A_2362 : i32 to index
        %swap3A_2364 = tpu.vector_load %arg48[%swap3A_2363] {strides = array<i32>} : memref<1024xi32, #tpu.memory_space<vmem>>, vector<16xi32>,
        %swap3A_2365 = vector.shape_cast %swap3A_2364 : vector<16xi32> to vector<16xi32>
        %swap3A_2366 = vector.shape_cast %get3A_2358 : vector<16xi32> to vector<16xi32>
        tpu.vector_store %arg48[%swap3A_2363], %swap3A_2366 {strides = array<i32>} : memref<1024xi32, #tpu.memory_space<vmem>>, vector<16xi32>,
        %mul3A_2367 = arith.constant 16 : i32
        %mul3A_2368 = arith.muli %scan3A_1421, %mul3A_2367 : i32
        %get3A_2369 = arith.constant 7 : i32
        %get3A_2370 = arith.index_cast %get3A_2369 : i32 to index
        %get3A_2371 = arith.index_cast %mul3A_2368 : i32 to index
        %get3A_2372 = tpu.vector_load %arg32[%get3A_2370, %get3A_2371] {strides = array<i32>} : memref<8x128xi32, #tpu.memory_space<vmem>>, vector<1x16xi32>,
        %get3A_2373 = vector.shape_cast %get3A_2372 : vector<1x16xi32> to vector<16xi32>
        %mul3A_2374 = arith.constant 16 : i32
        %mul3A_2375 = arith.muli %scan3A_1421, %mul3A_2374 : i32
        %add3A_2376 = arith.constant 896 : i32
        %add3A_2377 = arith.addi %add3A_2376, %mul3A_2375 : i32
        %swap3A_2378 = arith.index_cast %add3A_2377 : i32 to index
        %swap3A_2379 = tpu.vector_load %arg48[%swap3A_2378] {strides = array<i32>} : memref<1024xi32, #tpu.memory_space<vmem>>, vector<16xi32>,
        %swap3A_2380 = vector.shape_cast %swap3A_2379 : vector<16xi32> to vector<16xi32>
        %swap3A_2381 = vector.shape_cast %get3A_2373 : vector<16xi32> to vector<16xi32>
        tpu.vector_store %arg48[%swap3A_2378], %swap3A_2381 {strides = array<i32>} : memref<1024xi32, #tpu.memory_space<vmem>>, vector<16xi32>,
      }
      %scan3A_1401 = arith.constant 8 : i32
      %dma_start3A_1402 = arith.constant 0 : i32
      %dma_start3A_1403 = tpu.memref_slice %arg10[%dma_start3A_1402] : memref<1000000xf32, #tpu.memory_space<vmem_shared>> -> memref<1000000xf32, #tpu.memory_space<vmem_shared>>
      tpu.enqueue_indirect_dma source(%arg13 : memref<1024xf32, #tpu.memory_space<vmem>>) target(%dma_start3A_1403 : memref<1000000xf32, #tpu.memory_space<vmem_shared>>) offsets(%arg41 : memref<1024xi32, #tpu.memory_space<vmem>>) semaphore(%arg52 : memref<!tpu.dma_semaphore, #tpu.memory_space<semaphore_mem>>) {add = true}
      %dma_start3A_1404 = arith.constant 0 : i32
      %dma_start3A_1405 = tpu.memref_slice %arg10[%dma_start3A_1404] : memref<1000000xf32, #tpu.memory_space<vmem_shared>> -> memref<1000000xf32, #tpu.memory_space<vmem_shared>>
      tpu.enqueue_indirect_dma source(%arg13 : memref<1024xf32, #tpu.memory_space<vmem>>) target(%dma_start3A_1405 : memref<1000000xf32, #tpu.memory_space<vmem_shared>>) offsets(%arg42 : memref<1024xi32, #tpu.memory_space<vmem>>) semaphore(%arg52 : memref<!tpu.dma_semaphore, #tpu.memory_space<semaphore_mem>>) {add = true}
      %dma_start3A_1406 = arith.constant 0 : i32
      %dma_start3A_1407 = tpu.memref_slice %arg10[%dma_start3A_1406] : memref<1000000xf32, #tpu.memory_space<vmem_shared>> -> memref<1000000xf32, #tpu.memory_space<vmem_shared>>
      tpu.enqueue_indirect_dma source(%arg13 : memref<1024xf32, #tpu.memory_space<vmem>>) target(%dma_start3A_1407 : memref<1000000xf32, #tpu.memory_space<vmem_shared>>) offsets(%arg43 : memref<1024xi32, #tpu.memory_space<vmem>>) semaphore(%arg52 : memref<!tpu.dma_semaphore, #tpu.memory_space<semaphore_mem>>) {add = true}
      %dma_start3A_1408 = arith.constant 0 : i32
      %dma_start3A_1409 = tpu.memref_slice %arg10[%dma_start3A_1408] : memref<1000000xf32, #tpu.memory_space<vmem_shared>> -> memref<1000000xf32, #tpu.memory_space<vmem_shared>>
      tpu.enqueue_indirect_dma source(%arg13 : memref<1024xf32, #tpu.memory_space<vmem>>) target(%dma_start3A_1409 : memref<1000000xf32, #tpu.memory_space<vmem_shared>>) offsets(%arg44 : memref<1024xi32, #tpu.memory_space<vmem>>) semaphore(%arg52 : memref<!tpu.dma_semaphore, #tpu.memory_space<semaphore_mem>>) {add = true}
      %dma_start3A_1410 = arith.constant 0 : i32
      %dma_start3A_1411 = tpu.memref_slice %arg10[%dma_start3A_1410] : memref<1000000xf32, #tpu.memory_space<vmem_shared>> -> memref<1000000xf32, #tpu.memory_space<vmem_shared>>
      tpu.enqueue_indirect_dma source(%arg13 : memref<1024xf32, #tpu.memory_space<vmem>>) target(%dma_start3A_1411 : memref<1000000xf32, #tpu.memory_space<vmem_shared>>) offsets(%arg45 : memref<1024xi32, #tpu.memory_space<vmem>>) semaphore(%arg52 : memref<!tpu.dma_semaphore, #tpu.memory_space<semaphore_mem>>) {add = true}
      %dma_start3A_1412 = arith.constant 0 : i32
      %dma_start3A_1413 = tpu.memref_slice %arg10[%dma_start3A_1412] : memref<1000000xf32, #tpu.memory_space<vmem_shared>> -> memref<1000000xf32, #tpu.memory_space<vmem_shared>>
      tpu.enqueue_indirect_dma source(%arg13 : memref<1024xf32, #tpu.memory_space<vmem>>) target(%dma_start3A_1413 : memref<1000000xf32, #tpu.memory_space<vmem_shared>>) offsets(%arg46 : memref<1024xi32, #tpu.memory_space<vmem>>) semaphore(%arg52 : memref<!tpu.dma_semaphore, #tpu.memory_space<semaphore_mem>>) {add = true}
      %dma_start3A_1414 = arith.constant 0 : i32
      %dma_start3A_1415 = tpu.memref_slice %arg10[%dma_start3A_1414] : memref<1000000xf32, #tpu.memory_space<vmem_shared>> -> memref<1000000xf32, #tpu.memory_space<vmem_shared>>
      tpu.enqueue_indirect_dma source(%arg13 : memref<1024xf32, #tpu.memory_space<vmem>>) target(%dma_start3A_1415 : memref<1000000xf32, #tpu.memory_space<vmem_shared>>) offsets(%arg47 : memref<1024xi32, #tpu.memory_space<vmem>>) semaphore(%arg52 : memref<!tpu.dma_semaphore, #tpu.memory_space<semaphore_mem>>) {add = true}
      %dma_start3A_1416 = arith.constant 0 : i32
      %dma_start3A_1417 = tpu.memref_slice %arg10[%dma_start3A_1416] : memref<1000000xf32, #tpu.memory_space<vmem_shared>> -> memref<1000000xf32, #tpu.memory_space<vmem_shared>>
      tpu.enqueue_indirect_dma source(%arg13 : memref<1024xf32, #tpu.memory_space<vmem>>) target(%dma_start3A_1417 : memref<1000000xf32, #tpu.memory_space<vmem_shared>>) offsets(%arg48 : memref<1024xi32, #tpu.memory_space<vmem>>) semaphore(%arg52 : memref<!tpu.dma_semaphore, #tpu.memory_space<semaphore_mem>>) {add = true}
      %convert_element_type3A_1418 = arith.extui %lt3A_1344 : i1 to i32
      %cond3A_1419 = arith.constant 0 : i32
      %cond3A_1420 = arith.cmpi ne, %convert_element_type3A_1418, %cond3A_1419 : i32
      scf.if %cond3A_1420 {
        %add3A_1421 = arith.constant 2 : i32
        %add3A_1422 = arith.addi %add3A_1340, %add3A_1421 : i32
        %mul3A_1423 = arith.constant 8 : i32
        %mul3A_1424 = arith.muli %add3A_1422, %mul3A_1423 : i32
        %multiple_of3A_1425 = tpu.assume_multiple %mul3A_1424, 8 : i32
        %mul3A_1426 = arith.constant 1024 : i32
        %mul3A_1427 = arith.muli %arg1, %mul3A_1426 : i32
        %add3A_1428 = arith.constant 0 : i32
        %add3A_1429 = arith.addi %mul3A_1427, %add3A_1428 : i32
        %multiple_of3A_1430 = tpu.assume_multiple %add3A_1429, 128 : i32
        %dma_start3A_1431 = tpu.memref_slice %arg3[%multiple_of3A_1425, %multiple_of3A_1430] : memref<200x16384xi32, #tpu.memory_space<hbm>> -> memref<8x128xi32, #tpu.memory_space<hbm>>
        %dma_start3A_1432 = tpu.memref_slice %arg3[%multiple_of3A_1425, %multiple_of3A_1430] : memref<200x16384xi32, #tpu.memory_space<hbm>> -> memref<8x128xi32, #tpu.memory_space<hbm>>
        tpu.enqueue_dma source(%dma_start3A_1432 : memref<8x128xi32, #tpu.memory_space<hbm>>) target(%arg25 : memref<8x128xi32, #tpu.memory_space<vmem>>) target_semaphore(%arg50 : memref<!tpu.dma_semaphore, #tpu.memory_space<semaphore_mem>>)
        %mul3A_1433 = arith.constant 1024 : i32
        %mul3A_1434 = arith.muli %arg1, %mul3A_1433 : i32
        %add3A_1435 = arith.constant 128 : i32
        %add3A_1436 = arith.addi %mul3A_1434, %add3A_1435 : i32
        %multiple_of3A_1437 = tpu.assume_multiple %add3A_1436, 128 : i32
        %dma_start3A_1438 = tpu.memref_slice %arg3[%multiple_of3A_1425, %multiple_of3A_1437] : memref<200x16384xi32, #tpu.memory_space<hbm>> -> memref<8x128xi32, #tpu.memory_space<hbm>>
        %dma_start3A_1439 = tpu.memref_slice %arg3[%multiple_of3A_1425, %multiple_of3A_1437] : memref<200x16384xi32, #tpu.memory_space<hbm>> -> memref<8x128xi32, #tpu.memory_space<hbm>>
        tpu.enqueue_dma source(%dma_start3A_1439 : memref<8x128xi32, #tpu.memory_space<hbm>>) target(%arg26 : memref<8x128xi32, #tpu.memory_space<vmem>>) target_semaphore(%arg50 : memref<!tpu.dma_semaphore, #tpu.memory_space<semaphore_mem>>)
        %mul3A_1440 = arith.constant 1024 : i32
        %mul3A_1441 = arith.muli %arg1, %mul3A_1440 : i32
        %add3A_1442 = arith.constant 256 : i32
        %add3A_1443 = arith.addi %mul3A_1441, %add3A_1442 : i32
        %multiple_of3A_1444 = tpu.assume_multiple %add3A_1443, 128 : i32
        %dma_start3A_1445 = tpu.memref_slice %arg3[%multiple_of3A_1425, %multiple_of3A_1444] : memref<200x16384xi32, #tpu.memory_space<hbm>> -> memref<8x128xi32, #tpu.memory_space<hbm>>
        %dma_start3A_1446 = tpu.memref_slice %arg3[%multiple_of3A_1425, %multiple_of3A_1444] : memref<200x16384xi32, #tpu.memory_space<hbm>> -> memref<8x128xi32, #tpu.memory_space<hbm>>
        tpu.enqueue_dma source(%dma_start3A_1446 : memref<8x128xi32, #tpu.memory_space<hbm>>) target(%arg27 : memref<8x128xi32, #tpu.memory_space<vmem>>) target_semaphore(%arg50 : memref<!tpu.dma_semaphore, #tpu.memory_space<semaphore_mem>>)
        %mul3A_1447 = arith.constant 1024 : i32
        %mul3A_1448 = arith.muli %arg1, %mul3A_1447 : i32
        %add3A_1449 = arith.constant 384 : i32
        %add3A_1450 = arith.addi %mul3A_1448, %add3A_1449 : i32
        %multiple_of3A_1451 = tpu.assume_multiple %add3A_1450, 128 : i32
        %dma_start3A_1452 = tpu.memref_slice %arg3[%multiple_of3A_1425, %multiple_of3A_1451] : memref<200x16384xi32, #tpu.memory_space<hbm>> -> memref<8x128xi32, #tpu.memory_space<hbm>>
        %dma_start3A_1453 = tpu.memref_slice %arg3[%multiple_of3A_1425, %multiple_of3A_1451] : memref<200x16384xi32, #tpu.memory_space<hbm>> -> memref<8x128xi32, #tpu.memory_space<hbm>>
        tpu.enqueue_dma source(%dma_start3A_1453 : memref<8x128xi32, #tpu.memory_space<hbm>>) target(%arg28 : memref<8x128xi32, #tpu.memory_space<vmem>>) target_semaphore(%arg50 : memref<!tpu.dma_semaphore, #tpu.memory_space<semaphore_mem>>)
        %mul3A_1454 = arith.constant 1024 : i32
        %mul3A_1455 = arith.muli %arg1, %mul3A_1454 : i32
        %add3A_1456 = arith.constant 512 : i32
        %add3A_1457 = arith.addi %mul3A_1455, %add3A_1456 : i32
        %multiple_of3A_1458 = tpu.assume_multiple %add3A_1457, 128 : i32
        %dma_start3A_1459 = tpu.memref_slice %arg3[%multiple_of3A_1425, %multiple_of3A_1458] : memref<200x16384xi32, #tpu.memory_space<hbm>> -> memref<8x128xi32, #tpu.memory_space<hbm>>
        %dma_start3A_1460 = tpu.memref_slice %arg3[%multiple_of3A_1425, %multiple_of3A_1458] : memref<200x16384xi32, #tpu.memory_space<hbm>> -> memref<8x128xi32, #tpu.memory_space<hbm>>
        tpu.enqueue_dma source(%dma_start3A_1460 : memref<8x128xi32, #tpu.memory_space<hbm>>) target(%arg29 : memref<8x128xi32, #tpu.memory_space<vmem>>) target_semaphore(%arg50 : memref<!tpu.dma_semaphore, #tpu.memory_space<semaphore_mem>>)
        %mul3A_1461 = arith.constant 1024 : i32
        %mul3A_1462 = arith.muli %arg1, %mul3A_1461 : i32
        %add3A_1463 = arith.constant 640 : i32
        %add3A_1464 = arith.addi %mul3A_1462, %add3A_1463 : i32
        %multiple_of3A_1465 = tpu.assume_multiple %add3A_1464, 128 : i32
        %dma_start3A_1466 = tpu.memref_slice %arg3[%multiple_of3A_1425, %multiple_of3A_1465] : memref<200x16384xi32, #tpu.memory_space<hbm>> -> memref<8x128xi32, #tpu.memory_space<hbm>>
        %dma_start3A_1467 = tpu.memref_slice %arg3[%multiple_of3A_1425, %multiple_of3A_1465] : memref<200x16384xi32, #tpu.memory_space<hbm>> -> memref<8x128xi32, #tpu.memory_space<hbm>>
        tpu.enqueue_dma source(%dma_start3A_1467 : memref<8x128xi32, #tpu.memory_space<hbm>>) target(%arg30 : memref<8x128xi32, #tpu.memory_space<vmem>>) target_semaphore(%arg50 : memref<!tpu.dma_semaphore, #tpu.memory_space<semaphore_mem>>)
        %mul3A_1468 = arith.constant 1024 : i32
        %mul3A_1469 = arith.muli %arg1, %mul3A_1468 : i32
        %add3A_1470 = arith.constant 768 : i32
        %add3A_1471 = arith.addi %mul3A_1469, %add3A_1470 : i32
        %multiple_of3A_1472 = tpu.assume_multiple %add3A_1471, 128 : i32
        %dma_start3A_1473 = tpu.memref_slice %arg3[%multiple_of3A_1425, %multiple_of3A_1472] : memref<200x16384xi32, #tpu.memory_space<hbm>> -> memref<8x128xi32, #tpu.memory_space<hbm>>
        %dma_start3A_1474 = tpu.memref_slice %arg3[%multiple_of3A_1425, %multiple_of3A_1472] : memref<200x16384xi32, #tpu.memory_space<hbm>> -> memref<8x128xi32, #tpu.memory_space<hbm>>
        tpu.enqueue_dma source(%dma_start3A_1474 : memref<8x128xi32, #tpu.memory_space<hbm>>) target(%arg31 : memref<8x128xi32, #tpu.memory_space<vmem>>) target_semaphore(%arg50 : memref<!tpu.dma_semaphore, #tpu.memory_space<semaphore_mem>>)
        %mul3A_1475 = arith.constant 1024 : i32
        %mul3A_1476 = arith.muli %arg1, %mul3A_1475 : i32
        %add3A_1477 = arith.constant 896 : i32
        %add3A_1478 = arith.addi %mul3A_1476, %add3A_1477 : i32
        %multiple_of3A_1479 = tpu.assume_multiple %add3A_1478, 128 : i32
        %dma_start3A_1480 = tpu.memref_slice %arg3[%multiple_of3A_1425, %multiple_of3A_1479] : memref<200x16384xi32, #tpu.memory_space<hbm>> -> memref<8x128xi32, #tpu.memory_space<hbm>>
        %dma_start3A_1481 = tpu.memref_slice %arg3[%multiple_of3A_1425, %multiple_of3A_1479] : memref<200x16384xi32, #tpu.memory_space<hbm>> -> memref<8x128xi32, #tpu.memory_space<hbm>>
        tpu.enqueue_dma source(%dma_start3A_1481 : memref<8x128xi32, #tpu.memory_space<hbm>>) target(%arg32 : memref<8x128xi32, #tpu.memory_space<vmem>>) target_semaphore(%arg50 : memref<!tpu.dma_semaphore, #tpu.memory_space<semaphore_mem>>)
      } else {
      }
    }
    %scan3A_1102 = arith.constant 12 : i32
    %dma_wait3A = arith.constant 0 : i32
    %dma_wait3A_1103 = arith.constant 0 : i32
    %dma_wait3A_1104 = tpu.memref_slice %arg3[%dma_wait3A, %dma_wait3A_1103] : memref<200x16384xi32, #tpu.memory_space<hbm>> -> memref<8x128xi32, #tpu.memory_space<hbm>>
    %dma_wait3A_1105 = arith.constant 0 : i32
    %dma_wait3A_1106 = arith.constant 0 : i32
    %dma_wait3A_1107 = tpu.memref_slice %arg3[%dma_wait3A_1105, %dma_wait3A_1106] : memref<200x16384xi32, #tpu.memory_space<hbm>> -> memref<8x128xi32, #tpu.memory_space<hbm>>
    tpu.wait_dma2 semaphore(%arg49 : memref<!tpu.dma_semaphore, #tpu.memory_space<semaphore_mem>>) src(%dma_wait3A_1107 : memref<8x128xi32, #tpu.memory_space<hbm>>) dst(%arg17 : memref<8x128xi32, #tpu.memory_space<vmem>>)
    %dma_wait3A_1108 = arith.constant 0 : i32
    %dma_wait3A_1109 = arith.constant 0 : i32
    %dma_wait3A_1110 = tpu.memref_slice %arg3[%dma_wait3A_1108, %dma_wait3A_1109] : memref<200x16384xi32, #tpu.memory_space<hbm>> -> memref<8x128xi32, #tpu.memory_space<hbm>>
    %dma_wait3A_1111 = arith.constant 0 : i32
    %dma_wait3A_1112 = arith.constant 0 : i32
    %dma_wait3A_1113 = tpu.memref_slice %arg3[%dma_wait3A_1111, %dma_wait3A_1112] : memref<200x16384xi32, #tpu.memory_space<hbm>> -> memref<8x128xi32, #tpu.memory_space<hbm>>
    tpu.wait_dma2 semaphore(%arg49 : memref<!tpu.dma_semaphore, #tpu.memory_space<semaphore_mem>>) src(%dma_wait3A_1113 : memref<8x128xi32, #tpu.memory_space<hbm>>) dst(%arg18 : memref<8x128xi32, #tpu.memory_space<vmem>>)
    %dma_wait3A_1114 = arith.constant 0 : i32
    %dma_wait3A_1115 = arith.constant 0 : i32
    %dma_wait3A_1116 = tpu.memref_slice %arg3[%dma_wait3A_1114, %dma_wait3A_1115] : memref<200x16384xi32, #tpu.memory_space<hbm>> -> memref<8x128xi32, #tpu.memory_space<hbm>>
    %dma_wait3A_1117 = arith.constant 0 : i32
    %dma_wait3A_1118 = arith.constant 0 : i32
    %dma_wait3A_1119 = tpu.memref_slice %arg3[%dma_wait3A_1117, %dma_wait3A_1118] : memref<200x16384xi32, #tpu.memory_space<hbm>> -> memref<8x128xi32, #tpu.memory_space<hbm>>
    tpu.wait_dma2 semaphore(%arg49 : memref<!tpu.dma_semaphore, #tpu.memory_space<semaphore_mem>>) src(%dma_wait3A_1119 : memref<8x128xi32, #tpu.memory_space<hbm>>) dst(%arg19 : memref<8x128xi32, #tpu.memory_space<vmem>>)
    %dma_wait3A_1120 = arith.constant 0 : i32
    %dma_wait3A_1121 = arith.constant 0 : i32
    %dma_wait3A_1122 = tpu.memref_slice %arg3[%dma_wait3A_1120, %dma_wait3A_1121] : memref<200x16384xi32, #tpu.memory_space<hbm>> -> memref<8x128xi32, #tpu.memory_space<hbm>>
    %dma_wait3A_1123 = arith.constant 0 : i32
    %dma_wait3A_1124 = arith.constant 0 : i32
    %dma_wait3A_1125 = tpu.memref_slice %arg3[%dma_wait3A_1123, %dma_wait3A_1124] : memref<200x16384xi32, #tpu.memory_space<hbm>> -> memref<8x128xi32, #tpu.memory_space<hbm>>
    tpu.wait_dma2 semaphore(%arg49 : memref<!tpu.dma_semaphore, #tpu.memory_space<semaphore_mem>>) src(%dma_wait3A_1125 : memref<8x128xi32, #tpu.memory_space<hbm>>) dst(%arg20 : memref<8x128xi32, #tpu.memory_space<vmem>>)
    %dma_wait3A_1126 = arith.constant 0 : i32
    %dma_wait3A_1127 = arith.constant 0 : i32
    %dma_wait3A_1128 = tpu.memref_slice %arg3[%dma_wait3A_1126, %dma_wait3A_1127] : memref<200x16384xi32, #tpu.memory_space<hbm>> -> memref<8x128xi32, #tpu.memory_space<hbm>>
    %dma_wait3A_1129 = arith.constant 0 : i32
    %dma_wait3A_1130 = arith.constant 0 : i32
    %dma_wait3A_1131 = tpu.memref_slice %arg3[%dma_wait3A_1129, %dma_wait3A_1130] : memref<200x16384xi32, #tpu.memory_space<hbm>> -> memref<8x128xi32, #tpu.memory_space<hbm>>
    tpu.wait_dma2 semaphore(%arg49 : memref<!tpu.dma_semaphore, #tpu.memory_space<semaphore_mem>>) src(%dma_wait3A_1131 : memref<8x128xi32, #tpu.memory_space<hbm>>) dst(%arg21 : memref<8x128xi32, #tpu.memory_space<vmem>>)
    %dma_wait3A_1132 = arith.constant 0 : i32
    %dma_wait3A_1133 = arith.constant 0 : i32
    %dma_wait3A_1134 = tpu.memref_slice %arg3[%dma_wait3A_1132, %dma_wait3A_1133] : memref<200x16384xi32, #tpu.memory_space<hbm>> -> memref<8x128xi32, #tpu.memory_space<hbm>>
    %dma_wait3A_1135 = arith.constant 0 : i32
    %dma_wait3A_1136 = arith.constant 0 : i32
    %dma_wait3A_1137 = tpu.memref_slice %arg3[%dma_wait3A_1135, %dma_wait3A_1136] : memref<200x16384xi32, #tpu.memory_space<hbm>> -> memref<8x128xi32, #tpu.memory_space<hbm>>
    tpu.wait_dma2 semaphore(%arg49 : memref<!tpu.dma_semaphore, #tpu.memory_space<semaphore_mem>>) src(%dma_wait3A_1137 : memref<8x128xi32, #tpu.memory_space<hbm>>) dst(%arg22 : memref<8x128xi32, #tpu.memory_space<vmem>>)
    %dma_wait3A_1138 = arith.constant 0 : i32
    %dma_wait3A_1139 = arith.constant 0 : i32
    %dma_wait3A_1140 = tpu.memref_slice %arg3[%dma_wait3A_1138, %dma_wait3A_1139] : memref<200x16384xi32, #tpu.memory_space<hbm>> -> memref<8x128xi32, #tpu.memory_space<hbm>>
    %dma_wait3A_1141 = arith.constant 0 : i32
    %dma_wait3A_1142 = arith.constant 0 : i32
    %dma_wait3A_1143 = tpu.memref_slice %arg3[%dma_wait3A_1141, %dma_wait3A_1142] : memref<200x16384xi32, #tpu.memory_space<hbm>> -> memref<8x128xi32, #tpu.memory_space<hbm>>
    tpu.wait_dma2 semaphore(%arg49 : memref<!tpu.dma_semaphore, #tpu.memory_space<semaphore_mem>>) src(%dma_wait3A_1143 : memref<8x128xi32, #tpu.memory_space<hbm>>) dst(%arg23 : memref<8x128xi32, #tpu.memory_space<vmem>>)
    %dma_wait3A_1144 = arith.constant 0 : i32
    %dma_wait3A_1145 = arith.constant 0 : i32
    %dma_wait3A_1146 = tpu.memref_slice %arg3[%dma_wait3A_1144, %dma_wait3A_1145] : memref<200x16384xi32, #tpu.memory_space<hbm>> -> memref<8x128xi32, #tpu.memory_space<hbm>>
    %dma_wait3A_1147 = arith.constant 0 : i32
    %dma_wait3A_1148 = arith.constant 0 : i32
    %dma_wait3A_1149 = tpu.memref_slice %arg3[%dma_wait3A_1147, %dma_wait3A_1148] : memref<200x16384xi32, #tpu.memory_space<hbm>> -> memref<8x128xi32, #tpu.memory_space<hbm>>
    tpu.wait_dma2 semaphore(%arg49 : memref<!tpu.dma_semaphore, #tpu.memory_space<semaphore_mem>>) src(%dma_wait3A_1149 : memref<8x128xi32, #tpu.memory_space<hbm>>) dst(%arg24 : memref<8x128xi32, #tpu.memory_space<vmem>>)
    %cond3A_1150 = arith.constant 1 : i32
    %dma_wait3A_1151 = arith.constant 0 : i32
    %dma_wait3A_1152 = tpu.memref_slice %arg10[%dma_wait3A_1151] : memref<1000000xf32, #tpu.memory_space<vmem_shared>> -> memref<1000000xf32, #tpu.memory_space<vmem_shared>>
    tpu.wait_indirect_dma semaphore(%arg51 : memref<!tpu.dma_semaphore, #tpu.memory_space<semaphore_mem>>) src(%arg13 : memref<1024xf32, #tpu.memory_space<vmem>>) dst(%dma_wait3A_1152 : memref<1000000xf32, #tpu.memory_space<vmem_shared>>)
    %dma_wait3A_1153 = arith.constant 0 : i32
    %dma_wait3A_1154 = tpu.memref_slice %arg10[%dma_wait3A_1153] : memref<1000000xf32, #tpu.memory_space<vmem_shared>> -> memref<1000000xf32, #tpu.memory_space<vmem_shared>>
    tpu.wait_indirect_dma semaphore(%arg51 : memref<!tpu.dma_semaphore, #tpu.memory_space<semaphore_mem>>) src(%arg13 : memref<1024xf32, #tpu.memory_space<vmem>>) dst(%dma_wait3A_1154 : memref<1000000xf32, #tpu.memory_space<vmem_shared>>)
    %dma_wait3A_1155 = arith.constant 0 : i32
    %dma_wait3A_1156 = tpu.memref_slice %arg10[%dma_wait3A_1155] : memref<1000000xf32, #tpu.memory_space<vmem_shared>> -> memref<1000000xf32, #tpu.memory_space<vmem_shared>>
    tpu.wait_indirect_dma semaphore(%arg51 : memref<!tpu.dma_semaphore, #tpu.memory_space<semaphore_mem>>) src(%arg13 : memref<1024xf32, #tpu.memory_space<vmem>>) dst(%dma_wait3A_1156 : memref<1000000xf32, #tpu.memory_space<vmem_shared>>)
    %dma_wait3A_1157 = arith.constant 0 : i32
    %dma_wait3A_1158 = tpu.memref_slice %arg10[%dma_wait3A_1157] : memref<1000000xf32, #tpu.memory_space<vmem_shared>> -> memref<1000000xf32, #tpu.memory_space<vmem_shared>>
    tpu.wait_indirect_dma semaphore(%arg51 : memref<!tpu.dma_semaphore, #tpu.memory_space<semaphore_mem>>) src(%arg13 : memref<1024xf32, #tpu.memory_space<vmem>>) dst(%dma_wait3A_1158 : memref<1000000xf32, #tpu.memory_space<vmem_shared>>)
    %dma_wait3A_1159 = arith.constant 0 : i32
    %dma_wait3A_1160 = tpu.memref_slice %arg10[%dma_wait3A_1159] : memref<1000000xf32, #tpu.memory_space<vmem_shared>> -> memref<1000000xf32, #tpu.memory_space<vmem_shared>>
    tpu.wait_indirect_dma semaphore(%arg51 : memref<!tpu.dma_semaphore, #tpu.memory_space<semaphore_mem>>) src(%arg13 : memref<1024xf32, #tpu.memory_space<vmem>>) dst(%dma_wait3A_1160 : memref<1000000xf32, #tpu.memory_space<vmem_shared>>)
    %dma_wait3A_1161 = arith.constant 0 : i32
    %dma_wait3A_1162 = tpu.memref_slice %arg10[%dma_wait3A_1161] : memref<1000000xf32, #tpu.memory_space<vmem_shared>> -> memref<1000000xf32, #tpu.memory_space<vmem_shared>>
    tpu.wait_indirect_dma semaphore(%arg51 : memref<!tpu.dma_semaphore, #tpu.memory_space<semaphore_mem>>) src(%arg13 : memref<1024xf32, #tpu.memory_space<vmem>>) dst(%dma_wait3A_1162 : memref<1000000xf32, #tpu.memory_space<vmem_shared>>)
    %dma_wait3A_1163 = arith.constant 0 : i32
    %dma_wait3A_1164 = tpu.memref_slice %arg10[%dma_wait3A_1163] : memref<1000000xf32, #tpu.memory_space<vmem_shared>> -> memref<1000000xf32, #tpu.memory_space<vmem_shared>>
    tpu.wait_indirect_dma semaphore(%arg51 : memref<!tpu.dma_semaphore, #tpu.memory_space<semaphore_mem>>) src(%arg13 : memref<1024xf32, #tpu.memory_space<vmem>>) dst(%dma_wait3A_1164 : memref<1000000xf32, #tpu.memory_space<vmem_shared>>)
    %dma_wait3A_1165 = arith.constant 0 : i32
    %dma_wait3A_1166 = tpu.memref_slice %arg10[%dma_wait3A_1165] : memref<1000000xf32, #tpu.memory_space<vmem_shared>> -> memref<1000000xf32, #tpu.memory_space<vmem_shared>>
    tpu.wait_indirect_dma semaphore(%arg51 : memref<!tpu.dma_semaphore, #tpu.memory_space<semaphore_mem>>) src(%arg13 : memref<1024xf32, #tpu.memory_space<vmem>>) dst(%dma_wait3A_1166 : memref<1000000xf32, #tpu.memory_space<vmem_shared>>)
    %scan3A_1167 = arith.constant 0 : i32
    %scan3A_1168 = arith.constant 0 : i32
    %scan3A_1169 = arith.constant 8 : i32
    %scan3A_1170 = arith.addi %scan3A_1168, %scan3A_1169 : i32
    %scan3A_1171 = arith.constant 1 : i32
    scf.for %scan3A_1254 = %scan3A_1168 to %scan3A_1170 step %scan3A_1171  : i32 {
      %mul3A_1255 = arith.constant 16 : i32
      %mul3A_1256 = arith.muli %scan3A_1254, %mul3A_1255 : i32
      %get3A_1257 = arith.constant 0 : i32
      %get3A_1258 = arith.index_cast %get3A_1257 : i32 to index
      %get3A_1259 = arith.index_cast %mul3A_1256 : i32 to index
      %get3A_1260 = tpu.vector_load %arg17[%get3A_1258, %get3A_1259] {strides = array<i32>} : memref<8x128xi32, #tpu.memory_space<vmem>>, vector<1x16xi32>,
      %get3A_1261 = vector.shape_cast %get3A_1260 : vector<1x16xi32> to vector<16xi32>
      %mul3A_1262 = arith.constant 16 : i32
      %mul3A_1263 = arith.muli %scan3A_1254, %mul3A_1262 : i32
      %add3A_1264 = arith.constant 0 : i32
      %add3A_1265 = arith.addi %add3A_1264, %mul3A_1263 : i32
      %swap3A_1266 = arith.index_cast %add3A_1265 : i32 to index
      %swap3A_1267 = tpu.vector_load %arg33[%swap3A_1266] {strides = array<i32>} : memref<1024xi32, #tpu.memory_space<vmem>>, vector<16xi32>,
      %swap3A_1268 = vector.shape_cast %swap3A_1267 : vector<16xi32> to vector<16xi32>
      %swap3A_1269 = vector.shape_cast %get3A_1261 : vector<16xi32> to vector<16xi32>
      tpu.vector_store %arg33[%swap3A_1266], %swap3A_1269 {strides = array<i32>} : memref<1024xi32, #tpu.memory_space<vmem>>, vector<16xi32>,
      %mul3A_1270 = arith.constant 16 : i32
      %mul3A_1271 = arith.muli %scan3A_1254, %mul3A_1270 : i32
      %get3A_1272 = arith.constant 0 : i32
      %get3A_1273 = arith.index_cast %get3A_1272 : i32 to index
      %get3A_1274 = arith.index_cast %mul3A_1271 : i32 to index
      %get3A_1275 = tpu.vector_load %arg18[%get3A_1273, %get3A_1274] {strides = array<i32>} : memref<8x128xi32, #tpu.memory_space<vmem>>, vector<1x16xi32>,
      %get3A_1276 = vector.shape_cast %get3A_1275 : vector<1x16xi32> to vector<16xi32>
      %mul3A_1277 = arith.constant 16 : i32
      %mul3A_1278 = arith.muli %scan3A_1254, %mul3A_1277 : i32
      %add3A_1279 = arith.constant 128 : i32
      %add3A_1280 = arith.addi %add3A_1279, %mul3A_1278 : i32
      %swap3A_1281 = arith.index_cast %add3A_1280 : i32 to index
      %swap3A_1282 = tpu.vector_load %arg33[%swap3A_1281] {strides = array<i32>} : memref<1024xi32, #tpu.memory_space<vmem>>, vector<16xi32>,
      %swap3A_1283 = vector.shape_cast %swap3A_1282 : vector<16xi32> to vector<16xi32>
      %swap3A_1284 = vector.shape_cast %get3A_1276 : vector<16xi32> to vector<16xi32>
      tpu.vector_store %arg33[%swap3A_1281], %swap3A_1284 {strides = array<i32>} : memref<1024xi32, #tpu.memory_space<vmem>>, vector<16xi32>,
      %mul3A_1285 = arith.constant 16 : i32
      %mul3A_1286 = arith.muli %scan3A_1254, %mul3A_1285 : i32
      %get3A_1287 = arith.constant 0 : i32
      %get3A_1288 = arith.index_cast %get3A_1287 : i32 to index
      %get3A_1289 = arith.index_cast %mul3A_1286 : i32 to index
      %get3A_1290 = tpu.vector_load %arg19[%get3A_1288, %get3A_1289] {strides = array<i32>} : memref<8x128xi32, #tpu.memory_space<vmem>>, vector<1x16xi32>,
      %get3A_1291 = vector.shape_cast %get3A_1290 : vector<1x16xi32> to vector<16xi32>
      %mul3A_1292 = arith.constant 16 : i32
      %mul3A_1293 = arith.muli %scan3A_1254, %mul3A_1292 : i32
      %add3A_1294 = arith.constant 256 : i32
      %add3A_1295 = arith.addi %add3A_1294, %mul3A_1293 : i32
      %swap3A_1296 = arith.index_cast %add3A_1295 : i32 to index
      %swap3A_1297 = tpu.vector_load %arg33[%swap3A_1296] {strides = array<i32>} : memref<1024xi32, #tpu.memory_space<vmem>>, vector<16xi32>,
      %swap3A_1298 = vector.shape_cast %swap3A_1297 : vector<16xi32> to vector<16xi32>
      %swap3A_1299 = vector.shape_cast %get3A_1291 : vector<16xi32> to vector<16xi32>
      tpu.vector_store %arg33[%swap3A_1296], %swap3A_1299 {strides = array<i32>} : memref<1024xi32, #tpu.memory_space<vmem>>, vector<16xi32>,
      %mul3A_1300 = arith.constant 16 : i32
      %mul3A_1301 = arith.muli %scan3A_1254, %mul3A_1300 : i32
      %get3A_1302 = arith.constant 0 : i32
      %get3A_1303 = arith.index_cast %get3A_1302 : i32 to index
      %get3A_1304 = arith.index_cast %mul3A_1301 : i32 to index
      %get3A_1305 = tpu.vector_load %arg20[%get3A_1303, %get3A_1304] {strides = array<i32>} : memref<8x128xi32, #tpu.memory_space<vmem>>, vector<1x16xi32>,
      %get3A_1306 = vector.shape_cast %get3A_1305 : vector<1x16xi32> to vector<16xi32>
      %mul3A_1307 = arith.constant 16 : i32
      %mul3A_1308 = arith.muli %scan3A_1254, %mul3A_1307 : i32
      %add3A_1309 = arith.constant 384 : i32
      %add3A_1310 = arith.addi %add3A_1309, %mul3A_1308 : i32
      %swap3A_1311 = arith.index_cast %add3A_1310 : i32 to index
      %swap3A_1312 = tpu.vector_load %arg33[%swap3A_1311] {strides = array<i32>} : memref<1024xi32, #tpu.memory_space<vmem>>, vector<16xi32>,
      %swap3A_1313 = vector.shape_cast %swap3A_1312 : vector<16xi32> to vector<16xi32>
      %swap3A_1314 = vector.shape_cast %get3A_1306 : vector<16xi32> to vector<16xi32>
      tpu.vector_store %arg33[%swap3A_1311], %swap3A_1314 {strides = array<i32>} : memref<1024xi32, #tpu.memory_space<vmem>>, vector<16xi32>,
      %mul3A_1315 = arith.constant 16 : i32
      %mul3A_1316 = arith.muli %scan3A_1254, %mul3A_1315 : i32
      %get3A_1317 = arith.constant 0 : i32
      %get3A_1318 = arith.index_cast %get3A_1317 : i32 to index
      %get3A_1319 = arith.index_cast %mul3A_1316 : i32 to index
      %get3A_1320 = tpu.vector_load %arg21[%get3A_1318, %get3A_1319] {strides = array<i32>} : memref<8x128xi32, #tpu.memory_space<vmem>>, vector<1x16xi32>,
      %get3A_1321 = vector.shape_cast %get3A_1320 : vector<1x16xi32> to vector<16xi32>
      %mul3A_1322 = arith.constant 16 : i32
      %mul3A_1323 = arith.muli %scan3A_1254, %mul3A_1322 : i32
      %add3A_1324 = arith.constant 512 : i32
      %add3A_1325 = arith.addi %add3A_1324, %mul3A_1323 : i32
      %swap3A_1326 = arith.index_cast %add3A_1325 : i32 to index
      %swap3A_1327 = tpu.vector_load %arg33[%swap3A_1326] {strides = array<i32>} : memref<1024xi32, #tpu.memory_space<vmem>>, vector<16xi32>,
      %swap3A_1328 = vector.shape_cast %swap3A_1327 : vector<16xi32> to vector<16xi32>
      %swap3A_1329 = vector.shape_cast %get3A_1321 : vector<16xi32> to vector<16xi32>
      tpu.vector_store %arg33[%swap3A_1326], %swap3A_1329 {strides = array<i32>} : memref<1024xi32, #tpu.memory_space<vmem>>, vector<16xi32>,
      %mul3A_1330 = arith.constant 16 : i32
      %mul3A_1331 = arith.muli %scan3A_1254, %mul3A_1330 : i32
      %get3A_1332 = arith.constant 0 : i32
      %get3A_1333 = arith.index_cast %get3A_1332 : i32 to index
      %get3A_1334 = arith.index_cast %mul3A_1331 : i32 to index
      %get3A_1335 = tpu.vector_load %arg22[%get3A_1333, %get3A_1334] {strides = array<i32>} : memref<8x128xi32, #tpu.memory_space<vmem>>, vector<1x16xi32>,
      %get3A_1336 = vector.shape_cast %get3A_1335 : vector<1x16xi32> to vector<16xi32>
      %mul3A_1337 = arith.constant 16 : i32
      %mul3A_1338 = arith.muli %scan3A_1254, %mul3A_1337 : i32
      %add3A_1339 = arith.constant 640 : i32
      %add3A_1340 = arith.addi %add3A_1339, %mul3A_1338 : i32
      %swap3A_1341 = arith.index_cast %add3A_1340 : i32 to index
      %swap3A_1342 = tpu.vector_load %arg33[%swap3A_1341] {strides = array<i32>} : memref<1024xi32, #tpu.memory_space<vmem>>, vector<16xi32>,
      %swap3A_1343 = vector.shape_cast %swap3A_1342 : vector<16xi32> to vector<16xi32>
      %swap3A_1344 = vector.shape_cast %get3A_1336 : vector<16xi32> to vector<16xi32>
      tpu.vector_store %arg33[%swap3A_1341], %swap3A_1344 {strides = array<i32>} : memref<1024xi32, #tpu.memory_space<vmem>>, vector<16xi32>,
      %mul3A_1345 = arith.constant 16 : i32
      %mul3A_1346 = arith.muli %scan3A_1254, %mul3A_1345 : i32
      %get3A_1347 = arith.constant 0 : i32
      %get3A_1348 = arith.index_cast %get3A_1347 : i32 to index
      %get3A_1349 = arith.index_cast %mul3A_1346 : i32 to index
      %get3A_1350 = tpu.vector_load %arg23[%get3A_1348, %get3A_1349] {strides = array<i32>} : memref<8x128xi32, #tpu.memory_space<vmem>>, vector<1x16xi32>,
      %get3A_1351 = vector.shape_cast %get3A_1350 : vector<1x16xi32> to vector<16xi32>
      %mul3A_1352 = arith.constant 16 : i32
      %mul3A_1353 = arith.muli %scan3A_1254, %mul3A_1352 : i32
      %add3A_1354 = arith.constant 768 : i32
      %add3A_1355 = arith.addi %add3A_1354, %mul3A_1353 : i32
      %swap3A_1356 = arith.index_cast %add3A_1355 : i32 to index
      %swap3A_1357 = tpu.vector_load %arg33[%swap3A_1356] {strides = array<i32>} : memref<1024xi32, #tpu.memory_space<vmem>>, vector<16xi32>,
      %swap3A_1358 = vector.shape_cast %swap3A_1357 : vector<16xi32> to vector<16xi32>
      %swap3A_1359 = vector.shape_cast %get3A_1351 : vector<16xi32> to vector<16xi32>
      tpu.vector_store %arg33[%swap3A_1356], %swap3A_1359 {strides = array<i32>} : memref<1024xi32, #tpu.memory_space<vmem>>, vector<16xi32>,
      %mul3A_1360 = arith.constant 16 : i32
      %mul3A_1361 = arith.muli %scan3A_1254, %mul3A_1360 : i32
      %get3A_1362 = arith.constant 0 : i32
      %get3A_1363 = arith.index_cast %get3A_1362 : i32 to index
      %get3A_1364 = arith.index_cast %mul3A_1361 : i32 to index
      %get3A_1365 = tpu.vector_load %arg24[%get3A_1363, %get3A_1364] {strides = array<i32>} : memref<8x128xi32, #tpu.memory_space<vmem>>, vector<1x16xi32>,
      %get3A_1366 = vector.shape_cast %get3A_1365 : vector<1x16xi32> to vector<16xi32>
      %mul3A_1367 = arith.constant 16 : i32
      %mul3A_1368 = arith.muli %scan3A_1254, %mul3A_1367 : i32
      %add3A_1369 = arith.constant 896 : i32
      %add3A_1370 = arith.addi %add3A_1369, %mul3A_1368 : i32
      %swap3A_1371 = arith.index_cast %add3A_1370 : i32 to index
      %swap3A_1372 = tpu.vector_load %arg33[%swap3A_1371] {strides = array<i32>} : memref<1024xi32, #tpu.memory_space<vmem>>, vector<16xi32>,
      %swap3A_1373 = vector.shape_cast %swap3A_1372 : vector<16xi32> to vector<16xi32>
      %swap3A_1374 = vector.shape_cast %get3A_1366 : vector<16xi32> to vector<16xi32>
      tpu.vector_store %arg33[%swap3A_1371], %swap3A_1374 {strides = array<i32>} : memref<1024xi32, #tpu.memory_space<vmem>>, vector<16xi32>,
      %mul3A_1375 = arith.constant 16 : i32
      %mul3A_1376 = arith.muli %scan3A_1254, %mul3A_1375 : i32
      %get3A_1377 = arith.constant 1 : i32
      %get3A_1378 = arith.index_cast %get3A_1377 : i32 to index
      %get3A_1379 = arith.index_cast %mul3A_1376 : i32 to index
      %get3A_1380 = tpu.vector_load %arg17[%get3A_1378, %get3A_1379] {strides = array<i32>} : memref<8x128xi32, #tpu.memory_space<vmem>>, vector<1x16xi32>,
      %get3A_1381 = vector.shape_cast %get3A_1380 : vector<1x16xi32> to vector<16xi32>
      %mul3A_1382 = arith.constant 16 : i32
      %mul3A_1383 = arith.muli %scan3A_1254, %mul3A_1382 : i32
      %add3A_1384 = arith.constant 0 : i32
      %add3A_1385 = arith.addi %add3A_1384, %mul3A_1383 : i32
      %swap3A_1386 = arith.index_cast %add3A_1385 : i32 to index
      %swap3A_1387 = tpu.vector_load %arg34[%swap3A_1386] {strides = array<i32>} : memref<1024xi32, #tpu.memory_space<vmem>>, vector<16xi32>,
      %swap3A_1388 = vector.shape_cast %swap3A_1387 : vector<16xi32> to vector<16xi32>
      %swap3A_1389 = vector.shape_cast %get3A_1381 : vector<16xi32> to vector<16xi32>
      tpu.vector_store %arg34[%swap3A_1386], %swap3A_1389 {strides = array<i32>} : memref<1024xi32, #tpu.memory_space<vmem>>, vector<16xi32>,
      %mul3A_1390 = arith.constant 16 : i32
      %mul3A_1391 = arith.muli %scan3A_1254, %mul3A_1390 : i32
      %get3A_1392 = arith.constant 1 : i32
      %get3A_1393 = arith.index_cast %get3A_1392 : i32 to index
      %get3A_1394 = arith.index_cast %mul3A_1391 : i32 to index
      %get3A_1395 = tpu.vector_load %arg18[%get3A_1393, %get3A_1394] {strides = array<i32>} : memref<8x128xi32, #tpu.memory_space<vmem>>, vector<1x16xi32>,
      %get3A_1396 = vector.shape_cast %get3A_1395 : vector<1x16xi32> to vector<16xi32>
      %mul3A_1397 = arith.constant 16 : i32
      %mul3A_1398 = arith.muli %scan3A_1254, %mul3A_1397 : i32
      %add3A_1399 = arith.constant 128 : i32
      %add3A_1400 = arith.addi %add3A_1399, %mul3A_1398 : i32
      %swap3A_1401 = arith.index_cast %add3A_1400 : i32 to index
      %swap3A_1402 = tpu.vector_load %arg34[%swap3A_1401] {strides = array<i32>} : memref<1024xi32, #tpu.memory_space<vmem>>, vector<16xi32>,
      %swap3A_1403 = vector.shape_cast %swap3A_1402 : vector<16xi32> to vector<16xi32>
      %swap3A_1404 = vector.shape_cast %get3A_1396 : vector<16xi32> to vector<16xi32>
      tpu.vector_store %arg34[%swap3A_1401], %swap3A_1404 {strides = array<i32>} : memref<1024xi32, #tpu.memory_space<vmem>>, vector<16xi32>,
      %mul3A_1405 = arith.constant 16 : i32
      %mul3A_1406 = arith.muli %scan3A_1254, %mul3A_1405 : i32
      %get3A_1407 = arith.constant 1 : i32
      %get3A_1408 = arith.index_cast %get3A_1407 : i32 to index
      %get3A_1409 = arith.index_cast %mul3A_1406 : i32 to index
      %get3A_1410 = tpu.vector_load %arg19[%get3A_1408, %get3A_1409] {strides = array<i32>} : memref<8x128xi32, #tpu.memory_space<vmem>>, vector<1x16xi32>,
      %get3A_1411 = vector.shape_cast %get3A_1410 : vector<1x16xi32> to vector<16xi32>
      %mul3A_1412 = arith.constant 16 : i32
      %mul3A_1413 = arith.muli %scan3A_1254, %mul3A_1412 : i32
      %add3A_1414 = arith.constant 256 : i32
      %add3A_1415 = arith.addi %add3A_1414, %mul3A_1413 : i32
      %swap3A_1416 = arith.index_cast %add3A_1415 : i32 to index
      %swap3A_1417 = tpu.vector_load %arg34[%swap3A_1416] {strides = array<i32>} : memref<1024xi32, #tpu.memory_space<vmem>>, vector<16xi32>,
      %swap3A_1418 = vector.shape_cast %swap3A_1417 : vector<16xi32> to vector<16xi32>
      %swap3A_1419 = vector.shape_cast %get3A_1411 : vector<16xi32> to vector<16xi32>
      tpu.vector_store %arg34[%swap3A_1416], %swap3A_1419 {strides = array<i32>} : memref<1024xi32, #tpu.memory_space<vmem>>, vector<16xi32>,
      %mul3A_1420 = arith.constant 16 : i32
      %mul3A_1421 = arith.muli %scan3A_1254, %mul3A_1420 : i32
      %get3A_1422 = arith.constant 1 : i32
      %get3A_1423 = arith.index_cast %get3A_1422 : i32 to index
      %get3A_1424 = arith.index_cast %mul3A_1421 : i32 to index
      %get3A_1425 = tpu.vector_load %arg20[%get3A_1423, %get3A_1424] {strides = array<i32>} : memref<8x128xi32, #tpu.memory_space<vmem>>, vector<1x16xi32>,
      %get3A_1426 = vector.shape_cast %get3A_1425 : vector<1x16xi32> to vector<16xi32>
      %mul3A_1427 = arith.constant 16 : i32
      %mul3A_1428 = arith.muli %scan3A_1254, %mul3A_1427 : i32
      %add3A_1429 = arith.constant 384 : i32
      %add3A_1430 = arith.addi %add3A_1429, %mul3A_1428 : i32
      %swap3A_1431 = arith.index_cast %add3A_1430 : i32 to index
      %swap3A_1432 = tpu.vector_load %arg34[%swap3A_1431] {strides = array<i32>} : memref<1024xi32, #tpu.memory_space<vmem>>, vector<16xi32>,
      %swap3A_1433 = vector.shape_cast %swap3A_1432 : vector<16xi32> to vector<16xi32>
      %swap3A_1434 = vector.shape_cast %get3A_1426 : vector<16xi32> to vector<16xi32>
      tpu.vector_store %arg34[%swap3A_1431], %swap3A_1434 {strides = array<i32>} : memref<1024xi32, #tpu.memory_space<vmem>>, vector<16xi32>,
      %mul3A_1435 = arith.constant 16 : i32
      %mul3A_1436 = arith.muli %scan3A_1254, %mul3A_1435 : i32
      %get3A_1437 = arith.constant 1 : i32
      %get3A_1438 = arith.index_cast %get3A_1437 : i32 to index
      %get3A_1439 = arith.index_cast %mul3A_1436 : i32 to index
      %get3A_1440 = tpu.vector_load %arg21[%get3A_1438, %get3A_1439] {strides = array<i32>} : memref<8x128xi32, #tpu.memory_space<vmem>>, vector<1x16xi32>,
      %get3A_1441 = vector.shape_cast %get3A_1440 : vector<1x16xi32> to vector<16xi32>
      %mul3A_1442 = arith.constant 16 : i32
      %mul3A_1443 = arith.muli %scan3A_1254, %mul3A_1442 : i32
      %add3A_1444 = arith.constant 512 : i32
      %add3A_1445 = arith.addi %add3A_1444, %mul3A_1443 : i32
      %swap3A_1446 = arith.index_cast %add3A_1445 : i32 to index
      %swap3A_1447 = tpu.vector_load %arg34[%swap3A_1446] {strides = array<i32>} : memref<1024xi32, #tpu.memory_space<vmem>>, vector<16xi32>,
      %swap3A_1448 = vector.shape_cast %swap3A_1447 : vector<16xi32> to vector<16xi32>
      %swap3A_1449 = vector.shape_cast %get3A_1441 : vector<16xi32> to vector<16xi32>
      tpu.vector_store %arg34[%swap3A_1446], %swap3A_1449 {strides = array<i32>} : memref<1024xi32, #tpu.memory_space<vmem>>, vector<16xi32>,
      %mul3A_1450 = arith.constant 16 : i32
      %mul3A_1451 = arith.muli %scan3A_1254, %mul3A_1450 : i32
      %get3A_1452 = arith.constant 1 : i32
      %get3A_1453 = arith.index_cast %get3A_1452 : i32 to index
      %get3A_1454 = arith.index_cast %mul3A_1451 : i32 to index
      %get3A_1455 = tpu.vector_load %arg22[%get3A_1453, %get3A_1454] {strides = array<i32>} : memref<8x128xi32, #tpu.memory_space<vmem>>, vector<1x16xi32>,
      %get3A_1456 = vector.shape_cast %get3A_1455 : vector<1x16xi32> to vector<16xi32>
      %mul3A_1457 = arith.constant 16 : i32
      %mul3A_1458 = arith.muli %scan3A_1254, %mul3A_1457 : i32
      %add3A_1459 = arith.constant 640 : i32
      %add3A_1460 = arith.addi %add3A_1459, %mul3A_1458 : i32
      %swap3A_1461 = arith.index_cast %add3A_1460 : i32 to index
      %swap3A_1462 = tpu.vector_load %arg34[%swap3A_1461] {strides = array<i32>} : memref<1024xi32, #tpu.memory_space<vmem>>, vector<16xi32>,
      %swap3A_1463 = vector.shape_cast %swap3A_1462 : vector<16xi32> to vector<16xi32>
      %swap3A_1464 = vector.shape_cast %get3A_1456 : vector<16xi32> to vector<16xi32>
      tpu.vector_store %arg34[%swap3A_1461], %swap3A_1464 {strides = array<i32>} : memref<1024xi32, #tpu.memory_space<vmem>>, vector<16xi32>,
      %mul3A_1465 = arith.constant 16 : i32
      %mul3A_1466 = arith.muli %scan3A_1254, %mul3A_1465 : i32
      %get3A_1467 = arith.constant 1 : i32
      %get3A_1468 = arith.index_cast %get3A_1467 : i32 to index
      %get3A_1469 = arith.index_cast %mul3A_1466 : i32 to index
      %get3A_1470 = tpu.vector_load %arg23[%get3A_1468, %get3A_1469] {strides = array<i32>} : memref<8x128xi32, #tpu.memory_space<vmem>>, vector<1x16xi32>,
      %get3A_1471 = vector.shape_cast %get3A_1470 : vector<1x16xi32> to vector<16xi32>
      %mul3A_1472 = arith.constant 16 : i32
      %mul3A_1473 = arith.muli %scan3A_1254, %mul3A_1472 : i32
      %add3A_1474 = arith.constant 768 : i32
      %add3A_1475 = arith.addi %add3A_1474, %mul3A_1473 : i32
      %swap3A_1476 = arith.index_cast %add3A_1475 : i32 to index
      %swap3A_1477 = tpu.vector_load %arg34[%swap3A_1476] {strides = array<i32>} : memref<1024xi32, #tpu.memory_space<vmem>>, vector<16xi32>,
      %swap3A_1478 = vector.shape_cast %swap3A_1477 : vector<16xi32> to vector<16xi32>
      %swap3A_1479 = vector.shape_cast %get3A_1471 : vector<16xi32> to vector<16xi32>
      tpu.vector_store %arg34[%swap3A_1476], %swap3A_1479 {strides = array<i32>} : memref<1024xi32, #tpu.memory_space<vmem>>, vector<16xi32>,
      %mul3A_1480 = arith.constant 16 : i32
      %mul3A_1481 = arith.muli %scan3A_1254, %mul3A_1480 : i32
      %get3A_1482 = arith.constant 1 : i32
      %get3A_1483 = arith.index_cast %get3A_1482 : i32 to index
      %get3A_1484 = arith.index_cast %mul3A_1481 : i32 to index
      %get3A_1485 = tpu.vector_load %arg24[%get3A_1483, %get3A_1484] {strides = array<i32>} : memref<8x128xi32, #tpu.memory_space<vmem>>, vector<1x16xi32>,
      %get3A_1486 = vector.shape_cast %get3A_1485 : vector<1x16xi32> to vector<16xi32>
      %mul3A_1487 = arith.constant 16 : i32
      %mul3A_1488 = arith.muli %scan3A_1254, %mul3A_1487 : i32
      %add3A_1489 = arith.constant 896 : i32
      %add3A_1490 = arith.addi %add3A_1489, %mul3A_1488 : i32
      %swap3A_1491 = arith.index_cast %add3A_1490 : i32 to index
      %swap3A_1492 = tpu.vector_load %arg34[%swap3A_1491] {strides = array<i32>} : memref<1024xi32, #tpu.memory_space<vmem>>, vector<16xi32>,
      %swap3A_1493 = vector.shape_cast %swap3A_1492 : vector<16xi32> to vector<16xi32>
      %swap3A_1494 = vector.shape_cast %get3A_1486 : vector<16xi32> to vector<16xi32>
      tpu.vector_store %arg34[%swap3A_1491], %swap3A_1494 {strides = array<i32>} : memref<1024xi32, #tpu.memory_space<vmem>>, vector<16xi32>,
      %mul3A_1495 = arith.constant 16 : i32
      %mul3A_1496 = arith.muli %scan3A_1254, %mul3A_1495 : i32
      %get3A_1497 = arith.constant 2 : i32
      %get3A_1498 = arith.index_cast %get3A_1497 : i32 to index
      %get3A_1499 = arith.index_cast %mul3A_1496 : i32 to index
      %get3A_1500 = tpu.vector_load %arg17[%get3A_1498, %get3A_1499] {strides = array<i32>} : memref<8x128xi32, #tpu.memory_space<vmem>>, vector<1x16xi32>,
      %get3A_1501 = vector.shape_cast %get3A_1500 : vector<1x16xi32> to vector<16xi32>
      %mul3A_1502 = arith.constant 16 : i32
      %mul3A_1503 = arith.muli %scan3A_1254, %mul3A_1502 : i32
      %add3A_1504 = arith.constant 0 : i32
      %add3A_1505 = arith.addi %add3A_1504, %mul3A_1503 : i32
      %swap3A_1506 = arith.index_cast %add3A_1505 : i32 to index
      %swap3A_1507 = tpu.vector_load %arg35[%swap3A_1506] {strides = array<i32>} : memref<1024xi32, #tpu.memory_space<vmem>>, vector<16xi32>,
      %swap3A_1508 = vector.shape_cast %swap3A_1507 : vector<16xi32> to vector<16xi32>
      %swap3A_1509 = vector.shape_cast %get3A_1501 : vector<16xi32> to vector<16xi32>
      tpu.vector_store %arg35[%swap3A_1506], %swap3A_1509 {strides = array<i32>} : memref<1024xi32, #tpu.memory_space<vmem>>, vector<16xi32>,
      %mul3A_1510 = arith.constant 16 : i32
      %mul3A_1511 = arith.muli %scan3A_1254, %mul3A_1510 : i32
      %get3A_1512 = arith.constant 2 : i32
      %get3A_1513 = arith.index_cast %get3A_1512 : i32 to index
      %get3A_1514 = arith.index_cast %mul3A_1511 : i32 to index
      %get3A_1515 = tpu.vector_load %arg18[%get3A_1513, %get3A_1514] {strides = array<i32>} : memref<8x128xi32, #tpu.memory_space<vmem>>, vector<1x16xi32>,
      %get3A_1516 = vector.shape_cast %get3A_1515 : vector<1x16xi32> to vector<16xi32>
      %mul3A_1517 = arith.constant 16 : i32
      %mul3A_1518 = arith.muli %scan3A_1254, %mul3A_1517 : i32
      %add3A_1519 = arith.constant 128 : i32
      %add3A_1520 = arith.addi %add3A_1519, %mul3A_1518 : i32
      %swap3A_1521 = arith.index_cast %add3A_1520 : i32 to index
      %swap3A_1522 = tpu.vector_load %arg35[%swap3A_1521] {strides = array<i32>} : memref<1024xi32, #tpu.memory_space<vmem>>, vector<16xi32>,
      %swap3A_1523 = vector.shape_cast %swap3A_1522 : vector<16xi32> to vector<16xi32>
      %swap3A_1524 = vector.shape_cast %get3A_1516 : vector<16xi32> to vector<16xi32>
      tpu.vector_store %arg35[%swap3A_1521], %swap3A_1524 {strides = array<i32>} : memref<1024xi32, #tpu.memory_space<vmem>>, vector<16xi32>,
      %mul3A_1525 = arith.constant 16 : i32
      %mul3A_1526 = arith.muli %scan3A_1254, %mul3A_1525 : i32
      %get3A_1527 = arith.constant 2 : i32
      %get3A_1528 = arith.index_cast %get3A_1527 : i32 to index
      %get3A_1529 = arith.index_cast %mul3A_1526 : i32 to index
      %get3A_1530 = tpu.vector_load %arg19[%get3A_1528, %get3A_1529] {strides = array<i32>} : memref<8x128xi32, #tpu.memory_space<vmem>>, vector<1x16xi32>,
      %get3A_1531 = vector.shape_cast %get3A_1530 : vector<1x16xi32> to vector<16xi32>
      %mul3A_1532 = arith.constant 16 : i32
      %mul3A_1533 = arith.muli %scan3A_1254, %mul3A_1532 : i32
      %add3A_1534 = arith.constant 256 : i32
      %add3A_1535 = arith.addi %add3A_1534, %mul3A_1533 : i32
      %swap3A_1536 = arith.index_cast %add3A_1535 : i32 to index
      %swap3A_1537 = tpu.vector_load %arg35[%swap3A_1536] {strides = array<i32>} : memref<1024xi32, #tpu.memory_space<vmem>>, vector<16xi32>,
      %swap3A_1538 = vector.shape_cast %swap3A_1537 : vector<16xi32> to vector<16xi32>
      %swap3A_1539 = vector.shape_cast %get3A_1531 : vector<16xi32> to vector<16xi32>
      tpu.vector_store %arg35[%swap3A_1536], %swap3A_1539 {strides = array<i32>} : memref<1024xi32, #tpu.memory_space<vmem>>, vector<16xi32>,
      %mul3A_1540 = arith.constant 16 : i32
      %mul3A_1541 = arith.muli %scan3A_1254, %mul3A_1540 : i32
      %get3A_1542 = arith.constant 2 : i32
      %get3A_1543 = arith.index_cast %get3A_1542 : i32 to index
      %get3A_1544 = arith.index_cast %mul3A_1541 : i32 to index
      %get3A_1545 = tpu.vector_load %arg20[%get3A_1543, %get3A_1544] {strides = array<i32>} : memref<8x128xi32, #tpu.memory_space<vmem>>, vector<1x16xi32>,
      %get3A_1546 = vector.shape_cast %get3A_1545 : vector<1x16xi32> to vector<16xi32>
      %mul3A_1547 = arith.constant 16 : i32
      %mul3A_1548 = arith.muli %scan3A_1254, %mul3A_1547 : i32
      %add3A_1549 = arith.constant 384 : i32
      %add3A_1550 = arith.addi %add3A_1549, %mul3A_1548 : i32
      %swap3A_1551 = arith.index_cast %add3A_1550 : i32 to index
      %swap3A_1552 = tpu.vector_load %arg35[%swap3A_1551] {strides = array<i32>} : memref<1024xi32, #tpu.memory_space<vmem>>, vector<16xi32>,
      %swap3A_1553 = vector.shape_cast %swap3A_1552 : vector<16xi32> to vector<16xi32>
      %swap3A_1554 = vector.shape_cast %get3A_1546 : vector<16xi32> to vector<16xi32>
      tpu.vector_store %arg35[%swap3A_1551], %swap3A_1554 {strides = array<i32>} : memref<1024xi32, #tpu.memory_space<vmem>>, vector<16xi32>,
      %mul3A_1555 = arith.constant 16 : i32
      %mul3A_1556 = arith.muli %scan3A_1254, %mul3A_1555 : i32
      %get3A_1557 = arith.constant 2 : i32
      %get3A_1558 = arith.index_cast %get3A_1557 : i32 to index
      %get3A_1559 = arith.index_cast %mul3A_1556 : i32 to index
      %get3A_1560 = tpu.vector_load %arg21[%get3A_1558, %get3A_1559] {strides = array<i32>} : memref<8x128xi32, #tpu.memory_space<vmem>>, vector<1x16xi32>,
      %get3A_1561 = vector.shape_cast %get3A_1560 : vector<1x16xi32> to vector<16xi32>
      %mul3A_1562 = arith.constant 16 : i32
      %mul3A_1563 = arith.muli %scan3A_1254, %mul3A_1562 : i32
      %add3A_1564 = arith.constant 512 : i32
      %add3A_1565 = arith.addi %add3A_1564, %mul3A_1563 : i32
      %swap3A_1566 = arith.index_cast %add3A_1565 : i32 to index
      %swap3A_1567 = tpu.vector_load %arg35[%swap3A_1566] {strides = array<i32>} : memref<1024xi32, #tpu.memory_space<vmem>>, vector<16xi32>,
      %swap3A_1568 = vector.shape_cast %swap3A_1567 : vector<16xi32> to vector<16xi32>
      %swap3A_1569 = vector.shape_cast %get3A_1561 : vector<16xi32> to vector<16xi32>
      tpu.vector_store %arg35[%swap3A_1566], %swap3A_1569 {strides = array<i32>} : memref<1024xi32, #tpu.memory_space<vmem>>, vector<16xi32>,
      %mul3A_1570 = arith.constant 16 : i32
      %mul3A_1571 = arith.muli %scan3A_1254, %mul3A_1570 : i32
      %get3A_1572 = arith.constant 2 : i32
      %get3A_1573 = arith.index_cast %get3A_1572 : i32 to index
      %get3A_1574 = arith.index_cast %mul3A_1571 : i32 to index
      %get3A_1575 = tpu.vector_load %arg22[%get3A_1573, %get3A_1574] {strides = array<i32>} : memref<8x128xi32, #tpu.memory_space<vmem>>, vector<1x16xi32>,
      %get3A_1576 = vector.shape_cast %get3A_1575 : vector<1x16xi32> to vector<16xi32>
      %mul3A_1577 = arith.constant 16 : i32
      %mul3A_1578 = arith.muli %scan3A_1254, %mul3A_1577 : i32
      %add3A_1579 = arith.constant 640 : i32
      %add3A_1580 = arith.addi %add3A_1579, %mul3A_1578 : i32
      %swap3A_1581 = arith.index_cast %add3A_1580 : i32 to index
      %swap3A_1582 = tpu.vector_load %arg35[%swap3A_1581] {strides = array<i32>} : memref<1024xi32, #tpu.memory_space<vmem>>, vector<16xi32>,
      %swap3A_1583 = vector.shape_cast %swap3A_1582 : vector<16xi32> to vector<16xi32>
      %swap3A_1584 = vector.shape_cast %get3A_1576 : vector<16xi32> to vector<16xi32>
      tpu.vector_store %arg35[%swap3A_1581], %swap3A_1584 {strides = array<i32>} : memref<1024xi32, #tpu.memory_space<vmem>>, vector<16xi32>,
      %mul3A_1585 = arith.constant 16 : i32
      %mul3A_1586 = arith.muli %scan3A_1254, %mul3A_1585 : i32
      %get3A_1587 = arith.constant 2 : i32
      %get3A_1588 = arith.index_cast %get3A_1587 : i32 to index
      %get3A_1589 = arith.index_cast %mul3A_1586 : i32 to index
      %get3A_1590 = tpu.vector_load %arg23[%get3A_1588, %get3A_1589] {strides = array<i32>} : memref<8x128xi32, #tpu.memory_space<vmem>>, vector<1x16xi32>,
      %get3A_1591 = vector.shape_cast %get3A_1590 : vector<1x16xi32> to vector<16xi32>
      %mul3A_1592 = arith.constant 16 : i32
      %mul3A_1593 = arith.muli %scan3A_1254, %mul3A_1592 : i32
      %add3A_1594 = arith.constant 768 : i32
      %add3A_1595 = arith.addi %add3A_1594, %mul3A_1593 : i32
      %swap3A_1596 = arith.index_cast %add3A_1595 : i32 to index
      %swap3A_1597 = tpu.vector_load %arg35[%swap3A_1596] {strides = array<i32>} : memref<1024xi32, #tpu.memory_space<vmem>>, vector<16xi32>,
      %swap3A_1598 = vector.shape_cast %swap3A_1597 : vector<16xi32> to vector<16xi32>
      %swap3A_1599 = vector.shape_cast %get3A_1591 : vector<16xi32> to vector<16xi32>
      tpu.vector_store %arg35[%swap3A_1596], %swap3A_1599 {strides = array<i32>} : memref<1024xi32, #tpu.memory_space<vmem>>, vector<16xi32>,
      %mul3A_1600 = arith.constant 16 : i32
      %mul3A_1601 = arith.muli %scan3A_1254, %mul3A_1600 : i32
      %get3A_1602 = arith.constant 2 : i32
      %get3A_1603 = arith.index_cast %get3A_1602 : i32 to index
      %get3A_1604 = arith.index_cast %mul3A_1601 : i32 to index
      %get3A_1605 = tpu.vector_load %arg24[%get3A_1603, %get3A_1604] {strides = array<i32>} : memref<8x128xi32, #tpu.memory_space<vmem>>, vector<1x16xi32>,
      %get3A_1606 = vector.shape_cast %get3A_1605 : vector<1x16xi32> to vector<16xi32>
      %mul3A_1607 = arith.constant 16 : i32
      %mul3A_1608 = arith.muli %scan3A_1254, %mul3A_1607 : i32
      %add3A_1609 = arith.constant 896 : i32
      %add3A_1610 = arith.addi %add3A_1609, %mul3A_1608 : i32
      %swap3A_1611 = arith.index_cast %add3A_1610 : i32 to index
      %swap3A_1612 = tpu.vector_load %arg35[%swap3A_1611] {strides = array<i32>} : memref<1024xi32, #tpu.memory_space<vmem>>, vector<16xi32>,
      %swap3A_1613 = vector.shape_cast %swap3A_1612 : vector<16xi32> to vector<16xi32>
      %swap3A_1614 = vector.shape_cast %get3A_1606 : vector<16xi32> to vector<16xi32>
      tpu.vector_store %arg35[%swap3A_1611], %swap3A_1614 {strides = array<i32>} : memref<1024xi32, #tpu.memory_space<vmem>>, vector<16xi32>,
      %mul3A_1615 = arith.constant 16 : i32
      %mul3A_1616 = arith.muli %scan3A_1254, %mul3A_1615 : i32
      %get3A_1617 = arith.constant 3 : i32
      %get3A_1618 = arith.index_cast %get3A_1617 : i32 to index
      %get3A_1619 = arith.index_cast %mul3A_1616 : i32 to index
      %get3A_1620 = tpu.vector_load %arg17[%get3A_1618, %get3A_1619] {strides = array<i32>} : memref<8x128xi32, #tpu.memory_space<vmem>>, vector<1x16xi32>,
      %get3A_1621 = vector.shape_cast %get3A_1620 : vector<1x16xi32> to vector<16xi32>
      %mul3A_1622 = arith.constant 16 : i32
      %mul3A_1623 = arith.muli %scan3A_1254, %mul3A_1622 : i32
      %add3A_1624 = arith.constant 0 : i32
      %add3A_1625 = arith.addi %add3A_1624, %mul3A_1623 : i32
      %swap3A_1626 = arith.index_cast %add3A_1625 : i32 to index
      %swap3A_1627 = tpu.vector_load %arg36[%swap3A_1626] {strides = array<i32>} : memref<1024xi32, #tpu.memory_space<vmem>>, vector<16xi32>,
      %swap3A_1628 = vector.shape_cast %swap3A_1627 : vector<16xi32> to vector<16xi32>
      %swap3A_1629 = vector.shape_cast %get3A_1621 : vector<16xi32> to vector<16xi32>
      tpu.vector_store %arg36[%swap3A_1626], %swap3A_1629 {strides = array<i32>} : memref<1024xi32, #tpu.memory_space<vmem>>, vector<16xi32>,
      %mul3A_1630 = arith.constant 16 : i32
      %mul3A_1631 = arith.muli %scan3A_1254, %mul3A_1630 : i32
      %get3A_1632 = arith.constant 3 : i32
      %get3A_1633 = arith.index_cast %get3A_1632 : i32 to index
      %get3A_1634 = arith.index_cast %mul3A_1631 : i32 to index
      %get3A_1635 = tpu.vector_load %arg18[%get3A_1633, %get3A_1634] {strides = array<i32>} : memref<8x128xi32, #tpu.memory_space<vmem>>, vector<1x16xi32>,
      %get3A_1636 = vector.shape_cast %get3A_1635 : vector<1x16xi32> to vector<16xi32>
      %mul3A_1637 = arith.constant 16 : i32
      %mul3A_1638 = arith.muli %scan3A_1254, %mul3A_1637 : i32
      %add3A_1639 = arith.constant 128 : i32
      %add3A_1640 = arith.addi %add3A_1639, %mul3A_1638 : i32
      %swap3A_1641 = arith.index_cast %add3A_1640 : i32 to index
      %swap3A_1642 = tpu.vector_load %arg36[%swap3A_1641] {strides = array<i32>} : memref<1024xi32, #tpu.memory_space<vmem>>, vector<16xi32>,
      %swap3A_1643 = vector.shape_cast %swap3A_1642 : vector<16xi32> to vector<16xi32>
      %swap3A_1644 = vector.shape_cast %get3A_1636 : vector<16xi32> to vector<16xi32>
      tpu.vector_store %arg36[%swap3A_1641], %swap3A_1644 {strides = array<i32>} : memref<1024xi32, #tpu.memory_space<vmem>>, vector<16xi32>,
      %mul3A_1645 = arith.constant 16 : i32
      %mul3A_1646 = arith.muli %scan3A_1254, %mul3A_1645 : i32
      %get3A_1647 = arith.constant 3 : i32
      %get3A_1648 = arith.index_cast %get3A_1647 : i32 to index
      %get3A_1649 = arith.index_cast %mul3A_1646 : i32 to index
      %get3A_1650 = tpu.vector_load %arg19[%get3A_1648, %get3A_1649] {strides = array<i32>} : memref<8x128xi32, #tpu.memory_space<vmem>>, vector<1x16xi32>,
      %get3A_1651 = vector.shape_cast %get3A_1650 : vector<1x16xi32> to vector<16xi32>
      %mul3A_1652 = arith.constant 16 : i32
      %mul3A_1653 = arith.muli %scan3A_1254, %mul3A_1652 : i32
      %add3A_1654 = arith.constant 256 : i32
      %add3A_1655 = arith.addi %add3A_1654, %mul3A_1653 : i32
      %swap3A_1656 = arith.index_cast %add3A_1655 : i32 to index
      %swap3A_1657 = tpu.vector_load %arg36[%swap3A_1656] {strides = array<i32>} : memref<1024xi32, #tpu.memory_space<vmem>>, vector<16xi32>,
      %swap3A_1658 = vector.shape_cast %swap3A_1657 : vector<16xi32> to vector<16xi32>
      %swap3A_1659 = vector.shape_cast %get3A_1651 : vector<16xi32> to vector<16xi32>
      tpu.vector_store %arg36[%swap3A_1656], %swap3A_1659 {strides = array<i32>} : memref<1024xi32, #tpu.memory_space<vmem>>, vector<16xi32>,
      %mul3A_1660 = arith.constant 16 : i32
      %mul3A_1661 = arith.muli %scan3A_1254, %mul3A_1660 : i32
      %get3A_1662 = arith.constant 3 : i32
      %get3A_1663 = arith.index_cast %get3A_1662 : i32 to index
      %get3A_1664 = arith.index_cast %mul3A_1661 : i32 to index
      %get3A_1665 = tpu.vector_load %arg20[%get3A_1663, %get3A_1664] {strides = array<i32>} : memref<8x128xi32, #tpu.memory_space<vmem>>, vector<1x16xi32>,
      %get3A_1666 = vector.shape_cast %get3A_1665 : vector<1x16xi32> to vector<16xi32>
      %mul3A_1667 = arith.constant 16 : i32
      %mul3A_1668 = arith.muli %scan3A_1254, %mul3A_1667 : i32
      %add3A_1669 = arith.constant 384 : i32
      %add3A_1670 = arith.addi %add3A_1669, %mul3A_1668 : i32
      %swap3A_1671 = arith.index_cast %add3A_1670 : i32 to index
      %swap3A_1672 = tpu.vector_load %arg36[%swap3A_1671] {strides = array<i32>} : memref<1024xi32, #tpu.memory_space<vmem>>, vector<16xi32>,
      %swap3A_1673 = vector.shape_cast %swap3A_1672 : vector<16xi32> to vector<16xi32>
      %swap3A_1674 = vector.shape_cast %get3A_1666 : vector<16xi32> to vector<16xi32>
      tpu.vector_store %arg36[%swap3A_1671], %swap3A_1674 {strides = array<i32>} : memref<1024xi32, #tpu.memory_space<vmem>>, vector<16xi32>,
      %mul3A_1675 = arith.constant 16 : i32
      %mul3A_1676 = arith.muli %scan3A_1254, %mul3A_1675 : i32
      %get3A_1677 = arith.constant 3 : i32
      %get3A_1678 = arith.index_cast %get3A_1677 : i32 to index
      %get3A_1679 = arith.index_cast %mul3A_1676 : i32 to index
      %get3A_1680 = tpu.vector_load %arg21[%get3A_1678, %get3A_1679] {strides = array<i32>} : memref<8x128xi32, #tpu.memory_space<vmem>>, vector<1x16xi32>,
      %get3A_1681 = vector.shape_cast %get3A_1680 : vector<1x16xi32> to vector<16xi32>
      %mul3A_1682 = arith.constant 16 : i32
      %mul3A_1683 = arith.muli %scan3A_1254, %mul3A_1682 : i32
      %add3A_1684 = arith.constant 512 : i32
      %add3A_1685 = arith.addi %add3A_1684, %mul3A_1683 : i32
      %swap3A_1686 = arith.index_cast %add3A_1685 : i32 to index
      %swap3A_1687 = tpu.vector_load %arg36[%swap3A_1686] {strides = array<i32>} : memref<1024xi32, #tpu.memory_space<vmem>>, vector<16xi32>,
      %swap3A_1688 = vector.shape_cast %swap3A_1687 : vector<16xi32> to vector<16xi32>
      %swap3A_1689 = vector.shape_cast %get3A_1681 : vector<16xi32> to vector<16xi32>
      tpu.vector_store %arg36[%swap3A_1686], %swap3A_1689 {strides = array<i32>} : memref<1024xi32, #tpu.memory_space<vmem>>, vector<16xi32>,
      %mul3A_1690 = arith.constant 16 : i32
      %mul3A_1691 = arith.muli %scan3A_1254, %mul3A_1690 : i32
      %get3A_1692 = arith.constant 3 : i32
      %get3A_1693 = arith.index_cast %get3A_1692 : i32 to index
      %get3A_1694 = arith.index_cast %mul3A_1691 : i32 to index
      %get3A_1695 = tpu.vector_load %arg22[%get3A_1693, %get3A_1694] {strides = array<i32>} : memref<8x128xi32, #tpu.memory_space<vmem>>, vector<1x16xi32>,
      %get3A_1696 = vector.shape_cast %get3A_1695 : vector<1x16xi32> to vector<16xi32>
      %mul3A_1697 = arith.constant 16 : i32
      %mul3A_1698 = arith.muli %scan3A_1254, %mul3A_1697 : i32
      %add3A_1699 = arith.constant 640 : i32
      %add3A_1700 = arith.addi %add3A_1699, %mul3A_1698 : i32
      %swap3A_1701 = arith.index_cast %add3A_1700 : i32 to index
      %swap3A_1702 = tpu.vector_load %arg36[%swap3A_1701] {strides = array<i32>} : memref<1024xi32, #tpu.memory_space<vmem>>, vector<16xi32>,
      %swap3A_1703 = vector.shape_cast %swap3A_1702 : vector<16xi32> to vector<16xi32>
      %swap3A_1704 = vector.shape_cast %get3A_1696 : vector<16xi32> to vector<16xi32>
      tpu.vector_store %arg36[%swap3A_1701], %swap3A_1704 {strides = array<i32>} : memref<1024xi32, #tpu.memory_space<vmem>>, vector<16xi32>,
      %mul3A_1705 = arith.constant 16 : i32
      %mul3A_1706 = arith.muli %scan3A_1254, %mul3A_1705 : i32
      %get3A_1707 = arith.constant 3 : i32
      %get3A_1708 = arith.index_cast %get3A_1707 : i32 to index
      %get3A_1709 = arith.index_cast %mul3A_1706 : i32 to index
      %get3A_1710 = tpu.vector_load %arg23[%get3A_1708, %get3A_1709] {strides = array<i32>} : memref<8x128xi32, #tpu.memory_space<vmem>>, vector<1x16xi32>,
      %get3A_1711 = vector.shape_cast %get3A_1710 : vector<1x16xi32> to vector<16xi32>
      %mul3A_1712 = arith.constant 16 : i32
      %mul3A_1713 = arith.muli %scan3A_1254, %mul3A_1712 : i32
      %add3A_1714 = arith.constant 768 : i32
      %add3A_1715 = arith.addi %add3A_1714, %mul3A_1713 : i32
      %swap3A_1716 = arith.index_cast %add3A_1715 : i32 to index
      %swap3A_1717 = tpu.vector_load %arg36[%swap3A_1716] {strides = array<i32>} : memref<1024xi32, #tpu.memory_space<vmem>>, vector<16xi32>,
      %swap3A_1718 = vector.shape_cast %swap3A_1717 : vector<16xi32> to vector<16xi32>
      %swap3A_1719 = vector.shape_cast %get3A_1711 : vector<16xi32> to vector<16xi32>
      tpu.vector_store %arg36[%swap3A_1716], %swap3A_1719 {strides = array<i32>} : memref<1024xi32, #tpu.memory_space<vmem>>, vector<16xi32>,
      %mul3A_1720 = arith.constant 16 : i32
      %mul3A_1721 = arith.muli %scan3A_1254, %mul3A_1720 : i32
      %get3A_1722 = arith.constant 3 : i32
      %get3A_1723 = arith.index_cast %get3A_1722 : i32 to index
      %get3A_1724 = arith.index_cast %mul3A_1721 : i32 to index
      %get3A_1725 = tpu.vector_load %arg24[%get3A_1723, %get3A_1724] {strides = array<i32>} : memref<8x128xi32, #tpu.memory_space<vmem>>, vector<1x16xi32>,
      %get3A_1726 = vector.shape_cast %get3A_1725 : vector<1x16xi32> to vector<16xi32>
      %mul3A_1727 = arith.constant 16 : i32
      %mul3A_1728 = arith.muli %scan3A_1254, %mul3A_1727 : i32
      %add3A_1729 = arith.constant 896 : i32
      %add3A_1730 = arith.addi %add3A_1729, %mul3A_1728 : i32
      %swap3A_1731 = arith.index_cast %add3A_1730 : i32 to index
      %swap3A_1732 = tpu.vector_load %arg36[%swap3A_1731] {strides = array<i32>} : memref<1024xi32, #tpu.memory_space<vmem>>, vector<16xi32>,
      %swap3A_1733 = vector.shape_cast %swap3A_1732 : vector<16xi32> to vector<16xi32>
      %swap3A_1734 = vector.shape_cast %get3A_1726 : vector<16xi32> to vector<16xi32>
      tpu.vector_store %arg36[%swap3A_1731], %swap3A_1734 {strides = array<i32>} : memref<1024xi32, #tpu.memory_space<vmem>>, vector<16xi32>,
      %mul3A_1735 = arith.constant 16 : i32
      %mul3A_1736 = arith.muli %scan3A_1254, %mul3A_1735 : i32
      %get3A_1737 = arith.constant 4 : i32
      %get3A_1738 = arith.index_cast %get3A_1737 : i32 to index
      %get3A_1739 = arith.index_cast %mul3A_1736 : i32 to index
      %get3A_1740 = tpu.vector_load %arg17[%get3A_1738, %get3A_1739] {strides = array<i32>} : memref<8x128xi32, #tpu.memory_space<vmem>>, vector<1x16xi32>,
      %get3A_1741 = vector.shape_cast %get3A_1740 : vector<1x16xi32> to vector<16xi32>
      %mul3A_1742 = arith.constant 16 : i32
      %mul3A_1743 = arith.muli %scan3A_1254, %mul3A_1742 : i32
      %add3A_1744 = arith.constant 0 : i32
      %add3A_1745 = arith.addi %add3A_1744, %mul3A_1743 : i32
      %swap3A_1746 = arith.index_cast %add3A_1745 : i32 to index
      %swap3A_1747 = tpu.vector_load %arg37[%swap3A_1746] {strides = array<i32>} : memref<1024xi32, #tpu.memory_space<vmem>>, vector<16xi32>,
      %swap3A_1748 = vector.shape_cast %swap3A_1747 : vector<16xi32> to vector<16xi32>
      %swap3A_1749 = vector.shape_cast %get3A_1741 : vector<16xi32> to vector<16xi32>
      tpu.vector_store %arg37[%swap3A_1746], %swap3A_1749 {strides = array<i32>} : memref<1024xi32, #tpu.memory_space<vmem>>, vector<16xi32>,
      %mul3A_1750 = arith.constant 16 : i32
      %mul3A_1751 = arith.muli %scan3A_1254, %mul3A_1750 : i32
      %get3A_1752 = arith.constant 4 : i32
      %get3A_1753 = arith.index_cast %get3A_1752 : i32 to index
      %get3A_1754 = arith.index_cast %mul3A_1751 : i32 to index
      %get3A_1755 = tpu.vector_load %arg18[%get3A_1753, %get3A_1754] {strides = array<i32>} : memref<8x128xi32, #tpu.memory_space<vmem>>, vector<1x16xi32>,
      %get3A_1756 = vector.shape_cast %get3A_1755 : vector<1x16xi32> to vector<16xi32>
      %mul3A_1757 = arith.constant 16 : i32
      %mul3A_1758 = arith.muli %scan3A_1254, %mul3A_1757 : i32
      %add3A_1759 = arith.constant 128 : i32
      %add3A_1760 = arith.addi %add3A_1759, %mul3A_1758 : i32
      %swap3A_1761 = arith.index_cast %add3A_1760 : i32 to index
      %swap3A_1762 = tpu.vector_load %arg37[%swap3A_1761] {strides = array<i32>} : memref<1024xi32, #tpu.memory_space<vmem>>, vector<16xi32>,
      %swap3A_1763 = vector.shape_cast %swap3A_1762 : vector<16xi32> to vector<16xi32>
      %swap3A_1764 = vector.shape_cast %get3A_1756 : vector<16xi32> to vector<16xi32>
      tpu.vector_store %arg37[%swap3A_1761], %swap3A_1764 {strides = array<i32>} : memref<1024xi32, #tpu.memory_space<vmem>>, vector<16xi32>,
      %mul3A_1765 = arith.constant 16 : i32
      %mul3A_1766 = arith.muli %scan3A_1254, %mul3A_1765 : i32
      %get3A_1767 = arith.constant 4 : i32
      %get3A_1768 = arith.index_cast %get3A_1767 : i32 to index
      %get3A_1769 = arith.index_cast %mul3A_1766 : i32 to index
      %get3A_1770 = tpu.vector_load %arg19[%get3A_1768, %get3A_1769] {strides = array<i32>} : memref<8x128xi32, #tpu.memory_space<vmem>>, vector<1x16xi32>,
      %get3A_1771 = vector.shape_cast %get3A_1770 : vector<1x16xi32> to vector<16xi32>
      %mul3A_1772 = arith.constant 16 : i32
      %mul3A_1773 = arith.muli %scan3A_1254, %mul3A_1772 : i32
      %add3A_1774 = arith.constant 256 : i32
      %add3A_1775 = arith.addi %add3A_1774, %mul3A_1773 : i32
      %swap3A_1776 = arith.index_cast %add3A_1775 : i32 to index
      %swap3A_1777 = tpu.vector_load %arg37[%swap3A_1776] {strides = array<i32>} : memref<1024xi32, #tpu.memory_space<vmem>>, vector<16xi32>,
      %swap3A_1778 = vector.shape_cast %swap3A_1777 : vector<16xi32> to vector<16xi32>
      %swap3A_1779 = vector.shape_cast %get3A_1771 : vector<16xi32> to vector<16xi32>
      tpu.vector_store %arg37[%swap3A_1776], %swap3A_1779 {strides = array<i32>} : memref<1024xi32, #tpu.memory_space<vmem>>, vector<16xi32>,
      %mul3A_1780 = arith.constant 16 : i32
      %mul3A_1781 = arith.muli %scan3A_1254, %mul3A_1780 : i32
      %get3A_1782 = arith.constant 4 : i32
      %get3A_1783 = arith.index_cast %get3A_1782 : i32 to index
      %get3A_1784 = arith.index_cast %mul3A_1781 : i32 to index
      %get3A_1785 = tpu.vector_load %arg20[%get3A_1783, %get3A_1784] {strides = array<i32>} : memref<8x128xi32, #tpu.memory_space<vmem>>, vector<1x16xi32>,
      %get3A_1786 = vector.shape_cast %get3A_1785 : vector<1x16xi32> to vector<16xi32>
      %mul3A_1787 = arith.constant 16 : i32
      %mul3A_1788 = arith.muli %scan3A_1254, %mul3A_1787 : i32
      %add3A_1789 = arith.constant 384 : i32
      %add3A_1790 = arith.addi %add3A_1789, %mul3A_1788 : i32
      %swap3A_1791 = arith.index_cast %add3A_1790 : i32 to index
      %swap3A_1792 = tpu.vector_load %arg37[%swap3A_1791] {strides = array<i32>} : memref<1024xi32, #tpu.memory_space<vmem>>, vector<16xi32>,
      %swap3A_1793 = vector.shape_cast %swap3A_1792 : vector<16xi32> to vector<16xi32>
      %swap3A_1794 = vector.shape_cast %get3A_1786 : vector<16xi32> to vector<16xi32>
      tpu.vector_store %arg37[%swap3A_1791], %swap3A_1794 {strides = array<i32>} : memref<1024xi32, #tpu.memory_space<vmem>>, vector<16xi32>,
      %mul3A_1795 = arith.constant 16 : i32
      %mul3A_1796 = arith.muli %scan3A_1254, %mul3A_1795 : i32
      %get3A_1797 = arith.constant 4 : i32
      %get3A_1798 = arith.index_cast %get3A_1797 : i32 to index
      %get3A_1799 = arith.index_cast %mul3A_1796 : i32 to index
      %get3A_1800 = tpu.vector_load %arg21[%get3A_1798, %get3A_1799] {strides = array<i32>} : memref<8x128xi32, #tpu.memory_space<vmem>>, vector<1x16xi32>,
      %get3A_1801 = vector.shape_cast %get3A_1800 : vector<1x16xi32> to vector<16xi32>
      %mul3A_1802 = arith.constant 16 : i32
      %mul3A_1803 = arith.muli %scan3A_1254, %mul3A_1802 : i32
      %add3A_1804 = arith.constant 512 : i32
      %add3A_1805 = arith.addi %add3A_1804, %mul3A_1803 : i32
      %swap3A_1806 = arith.index_cast %add3A_1805 : i32 to index
      %swap3A_1807 = tpu.vector_load %arg37[%swap3A_1806] {strides = array<i32>} : memref<1024xi32, #tpu.memory_space<vmem>>, vector<16xi32>,
      %swap3A_1808 = vector.shape_cast %swap3A_1807 : vector<16xi32> to vector<16xi32>
      %swap3A_1809 = vector.shape_cast %get3A_1801 : vector<16xi32> to vector<16xi32>
      tpu.vector_store %arg37[%swap3A_1806], %swap3A_1809 {strides = array<i32>} : memref<1024xi32, #tpu.memory_space<vmem>>, vector<16xi32>,
      %mul3A_1810 = arith.constant 16 : i32
      %mul3A_1811 = arith.muli %scan3A_1254, %mul3A_1810 : i32
      %get3A_1812 = arith.constant 4 : i32
      %get3A_1813 = arith.index_cast %get3A_1812 : i32 to index
      %get3A_1814 = arith.index_cast %mul3A_1811 : i32 to index
      %get3A_1815 = tpu.vector_load %arg22[%get3A_1813, %get3A_1814] {strides = array<i32>} : memref<8x128xi32, #tpu.memory_space<vmem>>, vector<1x16xi32>,
      %get3A_1816 = vector.shape_cast %get3A_1815 : vector<1x16xi32> to vector<16xi32>
      %mul3A_1817 = arith.constant 16 : i32
      %mul3A_1818 = arith.muli %scan3A_1254, %mul3A_1817 : i32
      %add3A_1819 = arith.constant 640 : i32
      %add3A_1820 = arith.addi %add3A_1819, %mul3A_1818 : i32
      %swap3A_1821 = arith.index_cast %add3A_1820 : i32 to index
      %swap3A_1822 = tpu.vector_load %arg37[%swap3A_1821] {strides = array<i32>} : memref<1024xi32, #tpu.memory_space<vmem>>, vector<16xi32>,
      %swap3A_1823 = vector.shape_cast %swap3A_1822 : vector<16xi32> to vector<16xi32>
      %swap3A_1824 = vector.shape_cast %get3A_1816 : vector<16xi32> to vector<16xi32>
      tpu.vector_store %arg37[%swap3A_1821], %swap3A_1824 {strides = array<i32>} : memref<1024xi32, #tpu.memory_space<vmem>>, vector<16xi32>,
      %mul3A_1825 = arith.constant 16 : i32
      %mul3A_1826 = arith.muli %scan3A_1254, %mul3A_1825 : i32
      %get3A_1827 = arith.constant 4 : i32
      %get3A_1828 = arith.index_cast %get3A_1827 : i32 to index
      %get3A_1829 = arith.index_cast %mul3A_1826 : i32 to index
      %get3A_1830 = tpu.vector_load %arg23[%get3A_1828, %get3A_1829] {strides = array<i32>} : memref<8x128xi32, #tpu.memory_space<vmem>>, vector<1x16xi32>,
      %get3A_1831 = vector.shape_cast %get3A_1830 : vector<1x16xi32> to vector<16xi32>
      %mul3A_1832 = arith.constant 16 : i32
      %mul3A_1833 = arith.muli %scan3A_1254, %mul3A_1832 : i32
      %add3A_1834 = arith.constant 768 : i32
      %add3A_1835 = arith.addi %add3A_1834, %mul3A_1833 : i32
      %swap3A_1836 = arith.index_cast %add3A_1835 : i32 to index
      %swap3A_1837 = tpu.vector_load %arg37[%swap3A_1836] {strides = array<i32>} : memref<1024xi32, #tpu.memory_space<vmem>>, vector<16xi32>,
      %swap3A_1838 = vector.shape_cast %swap3A_1837 : vector<16xi32> to vector<16xi32>
      %swap3A_1839 = vector.shape_cast %get3A_1831 : vector<16xi32> to vector<16xi32>
      tpu.vector_store %arg37[%swap3A_1836], %swap3A_1839 {strides = array<i32>} : memref<1024xi32, #tpu.memory_space<vmem>>, vector<16xi32>,
      %mul3A_1840 = arith.constant 16 : i32
      %mul3A_1841 = arith.muli %scan3A_1254, %mul3A_1840 : i32
      %get3A_1842 = arith.constant 4 : i32
      %get3A_1843 = arith.index_cast %get3A_1842 : i32 to index
      %get3A_1844 = arith.index_cast %mul3A_1841 : i32 to index
      %get3A_1845 = tpu.vector_load %arg24[%get3A_1843, %get3A_1844] {strides = array<i32>} : memref<8x128xi32, #tpu.memory_space<vmem>>, vector<1x16xi32>,
      %get3A_1846 = vector.shape_cast %get3A_1845 : vector<1x16xi32> to vector<16xi32>
      %mul3A_1847 = arith.constant 16 : i32
      %mul3A_1848 = arith.muli %scan3A_1254, %mul3A_1847 : i32
      %add3A_1849 = arith.constant 896 : i32
      %add3A_1850 = arith.addi %add3A_1849, %mul3A_1848 : i32
      %swap3A_1851 = arith.index_cast %add3A_1850 : i32 to index
      %swap3A_1852 = tpu.vector_load %arg37[%swap3A_1851] {strides = array<i32>} : memref<1024xi32, #tpu.memory_space<vmem>>, vector<16xi32>,
      %swap3A_1853 = vector.shape_cast %swap3A_1852 : vector<16xi32> to vector<16xi32>
      %swap3A_1854 = vector.shape_cast %get3A_1846 : vector<16xi32> to vector<16xi32>
      tpu.vector_store %arg37[%swap3A_1851], %swap3A_1854 {strides = array<i32>} : memref<1024xi32, #tpu.memory_space<vmem>>, vector<16xi32>,
      %mul3A_1855 = arith.constant 16 : i32
      %mul3A_1856 = arith.muli %scan3A_1254, %mul3A_1855 : i32
      %get3A_1857 = arith.constant 5 : i32
      %get3A_1858 = arith.index_cast %get3A_1857 : i32 to index
      %get3A_1859 = arith.index_cast %mul3A_1856 : i32 to index
      %get3A_1860 = tpu.vector_load %arg17[%get3A_1858, %get3A_1859] {strides = array<i32>} : memref<8x128xi32, #tpu.memory_space<vmem>>, vector<1x16xi32>,
      %get3A_1861 = vector.shape_cast %get3A_1860 : vector<1x16xi32> to vector<16xi32>
      %mul3A_1862 = arith.constant 16 : i32
      %mul3A_1863 = arith.muli %scan3A_1254, %mul3A_1862 : i32
      %add3A_1864 = arith.constant 0 : i32
      %add3A_1865 = arith.addi %add3A_1864, %mul3A_1863 : i32
      %swap3A_1866 = arith.index_cast %add3A_1865 : i32 to index
      %swap3A_1867 = tpu.vector_load %arg38[%swap3A_1866] {strides = array<i32>} : memref<1024xi32, #tpu.memory_space<vmem>>, vector<16xi32>,
      %swap3A_1868 = vector.shape_cast %swap3A_1867 : vector<16xi32> to vector<16xi32>
      %swap3A_1869 = vector.shape_cast %get3A_1861 : vector<16xi32> to vector<16xi32>
      tpu.vector_store %arg38[%swap3A_1866], %swap3A_1869 {strides = array<i32>} : memref<1024xi32, #tpu.memory_space<vmem>>, vector<16xi32>,
      %mul3A_1870 = arith.constant 16 : i32
      %mul3A_1871 = arith.muli %scan3A_1254, %mul3A_1870 : i32
      %get3A_1872 = arith.constant 5 : i32
      %get3A_1873 = arith.index_cast %get3A_1872 : i32 to index
      %get3A_1874 = arith.index_cast %mul3A_1871 : i32 to index
      %get3A_1875 = tpu.vector_load %arg18[%get3A_1873, %get3A_1874] {strides = array<i32>} : memref<8x128xi32, #tpu.memory_space<vmem>>, vector<1x16xi32>,
      %get3A_1876 = vector.shape_cast %get3A_1875 : vector<1x16xi32> to vector<16xi32>
      %mul3A_1877 = arith.constant 16 : i32
      %mul3A_1878 = arith.muli %scan3A_1254, %mul3A_1877 : i32
      %add3A_1879 = arith.constant 128 : i32
      %add3A_1880 = arith.addi %add3A_1879, %mul3A_1878 : i32
      %swap3A_1881 = arith.index_cast %add3A_1880 : i32 to index
      %swap3A_1882 = tpu.vector_load %arg38[%swap3A_1881] {strides = array<i32>} : memref<1024xi32, #tpu.memory_space<vmem>>, vector<16xi32>,
      %swap3A_1883 = vector.shape_cast %swap3A_1882 : vector<16xi32> to vector<16xi32>
      %swap3A_1884 = vector.shape_cast %get3A_1876 : vector<16xi32> to vector<16xi32>
      tpu.vector_store %arg38[%swap3A_1881], %swap3A_1884 {strides = array<i32>} : memref<1024xi32, #tpu.memory_space<vmem>>, vector<16xi32>,
      %mul3A_1885 = arith.constant 16 : i32
      %mul3A_1886 = arith.muli %scan3A_1254, %mul3A_1885 : i32
      %get3A_1887 = arith.constant 5 : i32
      %get3A_1888 = arith.index_cast %get3A_1887 : i32 to index
      %get3A_1889 = arith.index_cast %mul3A_1886 : i32 to index
      %get3A_1890 = tpu.vector_load %arg19[%get3A_1888, %get3A_1889] {strides = array<i32>} : memref<8x128xi32, #tpu.memory_space<vmem>>, vector<1x16xi32>,
      %get3A_1891 = vector.shape_cast %get3A_1890 : vector<1x16xi32> to vector<16xi32>
      %mul3A_1892 = arith.constant 16 : i32
      %mul3A_1893 = arith.muli %scan3A_1254, %mul3A_1892 : i32
      %add3A_1894 = arith.constant 256 : i32
      %add3A_1895 = arith.addi %add3A_1894, %mul3A_1893 : i32
      %swap3A_1896 = arith.index_cast %add3A_1895 : i32 to index
      %swap3A_1897 = tpu.vector_load %arg38[%swap3A_1896] {strides = array<i32>} : memref<1024xi32, #tpu.memory_space<vmem>>, vector<16xi32>,
      %swap3A_1898 = vector.shape_cast %swap3A_1897 : vector<16xi32> to vector<16xi32>
      %swap3A_1899 = vector.shape_cast %get3A_1891 : vector<16xi32> to vector<16xi32>
      tpu.vector_store %arg38[%swap3A_1896], %swap3A_1899 {strides = array<i32>} : memref<1024xi32, #tpu.memory_space<vmem>>, vector<16xi32>,
      %mul3A_1900 = arith.constant 16 : i32
      %mul3A_1901 = arith.muli %scan3A_1254, %mul3A_1900 : i32
      %get3A_1902 = arith.constant 5 : i32
      %get3A_1903 = arith.index_cast %get3A_1902 : i32 to index
      %get3A_1904 = arith.index_cast %mul3A_1901 : i32 to index
      %get3A_1905 = tpu.vector_load %arg20[%get3A_1903, %get3A_1904] {strides = array<i32>} : memref<8x128xi32, #tpu.memory_space<vmem>>, vector<1x16xi32>,
      %get3A_1906 = vector.shape_cast %get3A_1905 : vector<1x16xi32> to vector<16xi32>
      %mul3A_1907 = arith.constant 16 : i32
      %mul3A_1908 = arith.muli %scan3A_1254, %mul3A_1907 : i32
      %add3A_1909 = arith.constant 384 : i32
      %add3A_1910 = arith.addi %add3A_1909, %mul3A_1908 : i32
      %swap3A_1911 = arith.index_cast %add3A_1910 : i32 to index
      %swap3A_1912 = tpu.vector_load %arg38[%swap3A_1911] {strides = array<i32>} : memref<1024xi32, #tpu.memory_space<vmem>>, vector<16xi32>,
      %swap3A_1913 = vector.shape_cast %swap3A_1912 : vector<16xi32> to vector<16xi32>
      %swap3A_1914 = vector.shape_cast %get3A_1906 : vector<16xi32> to vector<16xi32>
      tpu.vector_store %arg38[%swap3A_1911], %swap3A_1914 {strides = array<i32>} : memref<1024xi32, #tpu.memory_space<vmem>>, vector<16xi32>,
      %mul3A_1915 = arith.constant 16 : i32
      %mul3A_1916 = arith.muli %scan3A_1254, %mul3A_1915 : i32
      %get3A_1917 = arith.constant 5 : i32
      %get3A_1918 = arith.index_cast %get3A_1917 : i32 to index
      %get3A_1919 = arith.index_cast %mul3A_1916 : i32 to index
      %get3A_1920 = tpu.vector_load %arg21[%get3A_1918, %get3A_1919] {strides = array<i32>} : memref<8x128xi32, #tpu.memory_space<vmem>>, vector<1x16xi32>,
      %get3A_1921 = vector.shape_cast %get3A_1920 : vector<1x16xi32> to vector<16xi32>
      %mul3A_1922 = arith.constant 16 : i32
      %mul3A_1923 = arith.muli %scan3A_1254, %mul3A_1922 : i32
      %add3A_1924 = arith.constant 512 : i32
      %add3A_1925 = arith.addi %add3A_1924, %mul3A_1923 : i32
      %swap3A_1926 = arith.index_cast %add3A_1925 : i32 to index
      %swap3A_1927 = tpu.vector_load %arg38[%swap3A_1926] {strides = array<i32>} : memref<1024xi32, #tpu.memory_space<vmem>>, vector<16xi32>,
      %swap3A_1928 = vector.shape_cast %swap3A_1927 : vector<16xi32> to vector<16xi32>
      %swap3A_1929 = vector.shape_cast %get3A_1921 : vector<16xi32> to vector<16xi32>
      tpu.vector_store %arg38[%swap3A_1926], %swap3A_1929 {strides = array<i32>} : memref<1024xi32, #tpu.memory_space<vmem>>, vector<16xi32>,
      %mul3A_1930 = arith.constant 16 : i32
      %mul3A_1931 = arith.muli %scan3A_1254, %mul3A_1930 : i32
      %get3A_1932 = arith.constant 5 : i32
      %get3A_1933 = arith.index_cast %get3A_1932 : i32 to index
      %get3A_1934 = arith.index_cast %mul3A_1931 : i32 to index
      %get3A_1935 = tpu.vector_load %arg22[%get3A_1933, %get3A_1934] {strides = array<i32>} : memref<8x128xi32, #tpu.memory_space<vmem>>, vector<1x16xi32>,
      %get3A_1936 = vector.shape_cast %get3A_1935 : vector<1x16xi32> to vector<16xi32>
      %mul3A_1937 = arith.constant 16 : i32
      %mul3A_1938 = arith.muli %scan3A_1254, %mul3A_1937 : i32
      %add3A_1939 = arith.constant 640 : i32
      %add3A_1940 = arith.addi %add3A_1939, %mul3A_1938 : i32
      %swap3A_1941 = arith.index_cast %add3A_1940 : i32 to index
      %swap3A_1942 = tpu.vector_load %arg38[%swap3A_1941] {strides = array<i32>} : memref<1024xi32, #tpu.memory_space<vmem>>, vector<16xi32>,
      %swap3A_1943 = vector.shape_cast %swap3A_1942 : vector<16xi32> to vector<16xi32>
      %swap3A_1944 = vector.shape_cast %get3A_1936 : vector<16xi32> to vector<16xi32>
      tpu.vector_store %arg38[%swap3A_1941], %swap3A_1944 {strides = array<i32>} : memref<1024xi32, #tpu.memory_space<vmem>>, vector<16xi32>,
      %mul3A_1945 = arith.constant 16 : i32
      %mul3A_1946 = arith.muli %scan3A_1254, %mul3A_1945 : i32
      %get3A_1947 = arith.constant 5 : i32
      %get3A_1948 = arith.index_cast %get3A_1947 : i32 to index
      %get3A_1949 = arith.index_cast %mul3A_1946 : i32 to index
      %get3A_1950 = tpu.vector_load %arg23[%get3A_1948, %get3A_1949] {strides = array<i32>} : memref<8x128xi32, #tpu.memory_space<vmem>>, vector<1x16xi32>,
      %get3A_1951 = vector.shape_cast %get3A_1950 : vector<1x16xi32> to vector<16xi32>
      %mul3A_1952 = arith.constant 16 : i32
      %mul3A_1953 = arith.muli %scan3A_1254, %mul3A_1952 : i32
      %add3A_1954 = arith.constant 768 : i32
      %add3A_1955 = arith.addi %add3A_1954, %mul3A_1953 : i32
      %swap3A_1956 = arith.index_cast %add3A_1955 : i32 to index
      %swap3A_1957 = tpu.vector_load %arg38[%swap3A_1956] {strides = array<i32>} : memref<1024xi32, #tpu.memory_space<vmem>>, vector<16xi32>,
      %swap3A_1958 = vector.shape_cast %swap3A_1957 : vector<16xi32> to vector<16xi32>
      %swap3A_1959 = vector.shape_cast %get3A_1951 : vector<16xi32> to vector<16xi32>
      tpu.vector_store %arg38[%swap3A_1956], %swap3A_1959 {strides = array<i32>} : memref<1024xi32, #tpu.memory_space<vmem>>, vector<16xi32>,
      %mul3A_1960 = arith.constant 16 : i32
      %mul3A_1961 = arith.muli %scan3A_1254, %mul3A_1960 : i32
      %get3A_1962 = arith.constant 5 : i32
      %get3A_1963 = arith.index_cast %get3A_1962 : i32 to index
      %get3A_1964 = arith.index_cast %mul3A_1961 : i32 to index
      %get3A_1965 = tpu.vector_load %arg24[%get3A_1963, %get3A_1964] {strides = array<i32>} : memref<8x128xi32, #tpu.memory_space<vmem>>, vector<1x16xi32>,
      %get3A_1966 = vector.shape_cast %get3A_1965 : vector<1x16xi32> to vector<16xi32>
      %mul3A_1967 = arith.constant 16 : i32
      %mul3A_1968 = arith.muli %scan3A_1254, %mul3A_1967 : i32
      %add3A_1969 = arith.constant 896 : i32
      %add3A_1970 = arith.addi %add3A_1969, %mul3A_1968 : i32
      %swap3A_1971 = arith.index_cast %add3A_1970 : i32 to index
      %swap3A_1972 = tpu.vector_load %arg38[%swap3A_1971] {strides = array<i32>} : memref<1024xi32, #tpu.memory_space<vmem>>, vector<16xi32>,
      %swap3A_1973 = vector.shape_cast %swap3A_1972 : vector<16xi32> to vector<16xi32>
      %swap3A_1974 = vector.shape_cast %get3A_1966 : vector<16xi32> to vector<16xi32>
      tpu.vector_store %arg38[%swap3A_1971], %swap3A_1974 {strides = array<i32>} : memref<1024xi32, #tpu.memory_space<vmem>>, vector<16xi32>,
      %mul3A_1975 = arith.constant 16 : i32
      %mul3A_1976 = arith.muli %scan3A_1254, %mul3A_1975 : i32
      %get3A_1977 = arith.constant 6 : i32
      %get3A_1978 = arith.index_cast %get3A_1977 : i32 to index
      %get3A_1979 = arith.index_cast %mul3A_1976 : i32 to index
      %get3A_1980 = tpu.vector_load %arg17[%get3A_1978, %get3A_1979] {strides = array<i32>} : memref<8x128xi32, #tpu.memory_space<vmem>>, vector<1x16xi32>,
      %get3A_1981 = vector.shape_cast %get3A_1980 : vector<1x16xi32> to vector<16xi32>
      %mul3A_1982 = arith.constant 16 : i32
      %mul3A_1983 = arith.muli %scan3A_1254, %mul3A_1982 : i32
      %add3A_1984 = arith.constant 0 : i32
      %add3A_1985 = arith.addi %add3A_1984, %mul3A_1983 : i32
      %swap3A_1986 = arith.index_cast %add3A_1985 : i32 to index
      %swap3A_1987 = tpu.vector_load %arg39[%swap3A_1986] {strides = array<i32>} : memref<1024xi32, #tpu.memory_space<vmem>>, vector<16xi32>,
      %swap3A_1988 = vector.shape_cast %swap3A_1987 : vector<16xi32> to vector<16xi32>
      %swap3A_1989 = vector.shape_cast %get3A_1981 : vector<16xi32> to vector<16xi32>
      tpu.vector_store %arg39[%swap3A_1986], %swap3A_1989 {strides = array<i32>} : memref<1024xi32, #tpu.memory_space<vmem>>, vector<16xi32>,
      %mul3A_1990 = arith.constant 16 : i32
      %mul3A_1991 = arith.muli %scan3A_1254, %mul3A_1990 : i32
      %get3A_1992 = arith.constant 6 : i32
      %get3A_1993 = arith.index_cast %get3A_1992 : i32 to index
      %get3A_1994 = arith.index_cast %mul3A_1991 : i32 to index
      %get3A_1995 = tpu.vector_load %arg18[%get3A_1993, %get3A_1994] {strides = array<i32>} : memref<8x128xi32, #tpu.memory_space<vmem>>, vector<1x16xi32>,
      %get3A_1996 = vector.shape_cast %get3A_1995 : vector<1x16xi32> to vector<16xi32>
      %mul3A_1997 = arith.constant 16 : i32
      %mul3A_1998 = arith.muli %scan3A_1254, %mul3A_1997 : i32
      %add3A_1999 = arith.constant 128 : i32
      %add3A_2000 = arith.addi %add3A_1999, %mul3A_1998 : i32
      %swap3A_2001 = arith.index_cast %add3A_2000 : i32 to index
      %swap3A_2002 = tpu.vector_load %arg39[%swap3A_2001] {strides = array<i32>} : memref<1024xi32, #tpu.memory_space<vmem>>, vector<16xi32>,
      %swap3A_2003 = vector.shape_cast %swap3A_2002 : vector<16xi32> to vector<16xi32>
      %swap3A_2004 = vector.shape_cast %get3A_1996 : vector<16xi32> to vector<16xi32>
      tpu.vector_store %arg39[%swap3A_2001], %swap3A_2004 {strides = array<i32>} : memref<1024xi32, #tpu.memory_space<vmem>>, vector<16xi32>,
      %mul3A_2005 = arith.constant 16 : i32
      %mul3A_2006 = arith.muli %scan3A_1254, %mul3A_2005 : i32
      %get3A_2007 = arith.constant 6 : i32
      %get3A_2008 = arith.index_cast %get3A_2007 : i32 to index
      %get3A_2009 = arith.index_cast %mul3A_2006 : i32 to index
      %get3A_2010 = tpu.vector_load %arg19[%get3A_2008, %get3A_2009] {strides = array<i32>} : memref<8x128xi32, #tpu.memory_space<vmem>>, vector<1x16xi32>,
      %get3A_2011 = vector.shape_cast %get3A_2010 : vector<1x16xi32> to vector<16xi32>
      %mul3A_2012 = arith.constant 16 : i32
      %mul3A_2013 = arith.muli %scan3A_1254, %mul3A_2012 : i32
      %add3A_2014 = arith.constant 256 : i32
      %add3A_2015 = arith.addi %add3A_2014, %mul3A_2013 : i32
      %swap3A_2016 = arith.index_cast %add3A_2015 : i32 to index
      %swap3A_2017 = tpu.vector_load %arg39[%swap3A_2016] {strides = array<i32>} : memref<1024xi32, #tpu.memory_space<vmem>>, vector<16xi32>,
      %swap3A_2018 = vector.shape_cast %swap3A_2017 : vector<16xi32> to vector<16xi32>
      %swap3A_2019 = vector.shape_cast %get3A_2011 : vector<16xi32> to vector<16xi32>
      tpu.vector_store %arg39[%swap3A_2016], %swap3A_2019 {strides = array<i32>} : memref<1024xi32, #tpu.memory_space<vmem>>, vector<16xi32>,
      %mul3A_2020 = arith.constant 16 : i32
      %mul3A_2021 = arith.muli %scan3A_1254, %mul3A_2020 : i32
      %get3A_2022 = arith.constant 6 : i32
      %get3A_2023 = arith.index_cast %get3A_2022 : i32 to index
      %get3A_2024 = arith.index_cast %mul3A_2021 : i32 to index
      %get3A_2025 = tpu.vector_load %arg20[%get3A_2023, %get3A_2024] {strides = array<i32>} : memref<8x128xi32, #tpu.memory_space<vmem>>, vector<1x16xi32>,
      %get3A_2026 = vector.shape_cast %get3A_2025 : vector<1x16xi32> to vector<16xi32>
      %mul3A_2027 = arith.constant 16 : i32
      %mul3A_2028 = arith.muli %scan3A_1254, %mul3A_2027 : i32
      %add3A_2029 = arith.constant 384 : i32
      %add3A_2030 = arith.addi %add3A_2029, %mul3A_2028 : i32
      %swap3A_2031 = arith.index_cast %add3A_2030 : i32 to index
      %swap3A_2032 = tpu.vector_load %arg39[%swap3A_2031] {strides = array<i32>} : memref<1024xi32, #tpu.memory_space<vmem>>, vector<16xi32>,
      %swap3A_2033 = vector.shape_cast %swap3A_2032 : vector<16xi32> to vector<16xi32>
      %swap3A_2034 = vector.shape_cast %get3A_2026 : vector<16xi32> to vector<16xi32>
      tpu.vector_store %arg39[%swap3A_2031], %swap3A_2034 {strides = array<i32>} : memref<1024xi32, #tpu.memory_space<vmem>>, vector<16xi32>,
      %mul3A_2035 = arith.constant 16 : i32
      %mul3A_2036 = arith.muli %scan3A_1254, %mul3A_2035 : i32
      %get3A_2037 = arith.constant 6 : i32
      %get3A_2038 = arith.index_cast %get3A_2037 : i32 to index
      %get3A_2039 = arith.index_cast %mul3A_2036 : i32 to index
      %get3A_2040 = tpu.vector_load %arg21[%get3A_2038, %get3A_2039] {strides = array<i32>} : memref<8x128xi32, #tpu.memory_space<vmem>>, vector<1x16xi32>,
      %get3A_2041 = vector.shape_cast %get3A_2040 : vector<1x16xi32> to vector<16xi32>
      %mul3A_2042 = arith.constant 16 : i32
      %mul3A_2043 = arith.muli %scan3A_1254, %mul3A_2042 : i32
      %add3A_2044 = arith.constant 512 : i32
      %add3A_2045 = arith.addi %add3A_2044, %mul3A_2043 : i32
      %swap3A_2046 = arith.index_cast %add3A_2045 : i32 to index
      %swap3A_2047 = tpu.vector_load %arg39[%swap3A_2046] {strides = array<i32>} : memref<1024xi32, #tpu.memory_space<vmem>>, vector<16xi32>,
      %swap3A_2048 = vector.shape_cast %swap3A_2047 : vector<16xi32> to vector<16xi32>
      %swap3A_2049 = vector.shape_cast %get3A_2041 : vector<16xi32> to vector<16xi32>
      tpu.vector_store %arg39[%swap3A_2046], %swap3A_2049 {strides = array<i32>} : memref<1024xi32, #tpu.memory_space<vmem>>, vector<16xi32>,
      %mul3A_2050 = arith.constant 16 : i32
      %mul3A_2051 = arith.muli %scan3A_1254, %mul3A_2050 : i32
      %get3A_2052 = arith.constant 6 : i32
      %get3A_2053 = arith.index_cast %get3A_2052 : i32 to index
      %get3A_2054 = arith.index_cast %mul3A_2051 : i32 to index
      %get3A_2055 = tpu.vector_load %arg22[%get3A_2053, %get3A_2054] {strides = array<i32>} : memref<8x128xi32, #tpu.memory_space<vmem>>, vector<1x16xi32>,
      %get3A_2056 = vector.shape_cast %get3A_2055 : vector<1x16xi32> to vector<16xi32>
      %mul3A_2057 = arith.constant 16 : i32
      %mul3A_2058 = arith.muli %scan3A_1254, %mul3A_2057 : i32
      %add3A_2059 = arith.constant 640 : i32
      %add3A_2060 = arith.addi %add3A_2059, %mul3A_2058 : i32
      %swap3A_2061 = arith.index_cast %add3A_2060 : i32 to index
      %swap3A_2062 = tpu.vector_load %arg39[%swap3A_2061] {strides = array<i32>} : memref<1024xi32, #tpu.memory_space<vmem>>, vector<16xi32>,
      %swap3A_2063 = vector.shape_cast %swap3A_2062 : vector<16xi32> to vector<16xi32>
      %swap3A_2064 = vector.shape_cast %get3A_2056 : vector<16xi32> to vector<16xi32>
      tpu.vector_store %arg39[%swap3A_2061], %swap3A_2064 {strides = array<i32>} : memref<1024xi32, #tpu.memory_space<vmem>>, vector<16xi32>,
      %mul3A_2065 = arith.constant 16 : i32
      %mul3A_2066 = arith.muli %scan3A_1254, %mul3A_2065 : i32
      %get3A_2067 = arith.constant 6 : i32
      %get3A_2068 = arith.index_cast %get3A_2067 : i32 to index
      %get3A_2069 = arith.index_cast %mul3A_2066 : i32 to index
      %get3A_2070 = tpu.vector_load %arg23[%get3A_2068, %get3A_2069] {strides = array<i32>} : memref<8x128xi32, #tpu.memory_space<vmem>>, vector<1x16xi32>,
      %get3A_2071 = vector.shape_cast %get3A_2070 : vector<1x16xi32> to vector<16xi32>
      %mul3A_2072 = arith.constant 16 : i32
      %mul3A_2073 = arith.muli %scan3A_1254, %mul3A_2072 : i32
      %add3A_2074 = arith.constant 768 : i32
      %add3A_2075 = arith.addi %add3A_2074, %mul3A_2073 : i32
      %swap3A_2076 = arith.index_cast %add3A_2075 : i32 to index
      %swap3A_2077 = tpu.vector_load %arg39[%swap3A_2076] {strides = array<i32>} : memref<1024xi32, #tpu.memory_space<vmem>>, vector<16xi32>,
      %swap3A_2078 = vector.shape_cast %swap3A_2077 : vector<16xi32> to vector<16xi32>
      %swap3A_2079 = vector.shape_cast %get3A_2071 : vector<16xi32> to vector<16xi32>
      tpu.vector_store %arg39[%swap3A_2076], %swap3A_2079 {strides = array<i32>} : memref<1024xi32, #tpu.memory_space<vmem>>, vector<16xi32>,
      %mul3A_2080 = arith.constant 16 : i32
      %mul3A_2081 = arith.muli %scan3A_1254, %mul3A_2080 : i32
      %get3A_2082 = arith.constant 6 : i32
      %get3A_2083 = arith.index_cast %get3A_2082 : i32 to index
      %get3A_2084 = arith.index_cast %mul3A_2081 : i32 to index
      %get3A_2085 = tpu.vector_load %arg24[%get3A_2083, %get3A_2084] {strides = array<i32>} : memref<8x128xi32, #tpu.memory_space<vmem>>, vector<1x16xi32>,
      %get3A_2086 = vector.shape_cast %get3A_2085 : vector<1x16xi32> to vector<16xi32>
      %mul3A_2087 = arith.constant 16 : i32
      %mul3A_2088 = arith.muli %scan3A_1254, %mul3A_2087 : i32
      %add3A_2089 = arith.constant 896 : i32
      %add3A_2090 = arith.addi %add3A_2089, %mul3A_2088 : i32
      %swap3A_2091 = arith.index_cast %add3A_2090 : i32 to index
      %swap3A_2092 = tpu.vector_load %arg39[%swap3A_2091] {strides = array<i32>} : memref<1024xi32, #tpu.memory_space<vmem>>, vector<16xi32>,
      %swap3A_2093 = vector.shape_cast %swap3A_2092 : vector<16xi32> to vector<16xi32>
      %swap3A_2094 = vector.shape_cast %get3A_2086 : vector<16xi32> to vector<16xi32>
      tpu.vector_store %arg39[%swap3A_2091], %swap3A_2094 {strides = array<i32>} : memref<1024xi32, #tpu.memory_space<vmem>>, vector<16xi32>,
      %mul3A_2095 = arith.constant 16 : i32
      %mul3A_2096 = arith.muli %scan3A_1254, %mul3A_2095 : i32
      %get3A_2097 = arith.constant 7 : i32
      %get3A_2098 = arith.index_cast %get3A_2097 : i32 to index
      %get3A_2099 = arith.index_cast %mul3A_2096 : i32 to index
      %get3A_2100 = tpu.vector_load %arg17[%get3A_2098, %get3A_2099] {strides = array<i32>} : memref<8x128xi32, #tpu.memory_space<vmem>>, vector<1x16xi32>,
      %get3A_2101 = vector.shape_cast %get3A_2100 : vector<1x16xi32> to vector<16xi32>
      %mul3A_2102 = arith.constant 16 : i32
      %mul3A_2103 = arith.muli %scan3A_1254, %mul3A_2102 : i32
      %add3A_2104 = arith.constant 0 : i32
      %add3A_2105 = arith.addi %add3A_2104, %mul3A_2103 : i32
      %swap3A_2106 = arith.index_cast %add3A_2105 : i32 to index
      %swap3A_2107 = tpu.vector_load %arg40[%swap3A_2106] {strides = array<i32>} : memref<1024xi32, #tpu.memory_space<vmem>>, vector<16xi32>,
      %swap3A_2108 = vector.shape_cast %swap3A_2107 : vector<16xi32> to vector<16xi32>
      %swap3A_2109 = vector.shape_cast %get3A_2101 : vector<16xi32> to vector<16xi32>
      tpu.vector_store %arg40[%swap3A_2106], %swap3A_2109 {strides = array<i32>} : memref<1024xi32, #tpu.memory_space<vmem>>, vector<16xi32>,
      %mul3A_2110 = arith.constant 16 : i32
      %mul3A_2111 = arith.muli %scan3A_1254, %mul3A_2110 : i32
      %get3A_2112 = arith.constant 7 : i32
      %get3A_2113 = arith.index_cast %get3A_2112 : i32 to index
      %get3A_2114 = arith.index_cast %mul3A_2111 : i32 to index
      %get3A_2115 = tpu.vector_load %arg18[%get3A_2113, %get3A_2114] {strides = array<i32>} : memref<8x128xi32, #tpu.memory_space<vmem>>, vector<1x16xi32>,
      %get3A_2116 = vector.shape_cast %get3A_2115 : vector<1x16xi32> to vector<16xi32>
      %mul3A_2117 = arith.constant 16 : i32
      %mul3A_2118 = arith.muli %scan3A_1254, %mul3A_2117 : i32
      %add3A_2119 = arith.constant 128 : i32
      %add3A_2120 = arith.addi %add3A_2119, %mul3A_2118 : i32
      %swap3A_2121 = arith.index_cast %add3A_2120 : i32 to index
      %swap3A_2122 = tpu.vector_load %arg40[%swap3A_2121] {strides = array<i32>} : memref<1024xi32, #tpu.memory_space<vmem>>, vector<16xi32>,
      %swap3A_2123 = vector.shape_cast %swap3A_2122 : vector<16xi32> to vector<16xi32>
      %swap3A_2124 = vector.shape_cast %get3A_2116 : vector<16xi32> to vector<16xi32>
      tpu.vector_store %arg40[%swap3A_2121], %swap3A_2124 {strides = array<i32>} : memref<1024xi32, #tpu.memory_space<vmem>>, vector<16xi32>,
      %mul3A_2125 = arith.constant 16 : i32
      %mul3A_2126 = arith.muli %scan3A_1254, %mul3A_2125 : i32
      %get3A_2127 = arith.constant 7 : i32
      %get3A_2128 = arith.index_cast %get3A_2127 : i32 to index
      %get3A_2129 = arith.index_cast %mul3A_2126 : i32 to index
      %get3A_2130 = tpu.vector_load %arg19[%get3A_2128, %get3A_2129] {strides = array<i32>} : memref<8x128xi32, #tpu.memory_space<vmem>>, vector<1x16xi32>,
      %get3A_2131 = vector.shape_cast %get3A_2130 : vector<1x16xi32> to vector<16xi32>
      %mul3A_2132 = arith.constant 16 : i32
      %mul3A_2133 = arith.muli %scan3A_1254, %mul3A_2132 : i32
      %add3A_2134 = arith.constant 256 : i32
      %add3A_2135 = arith.addi %add3A_2134, %mul3A_2133 : i32
      %swap3A_2136 = arith.index_cast %add3A_2135 : i32 to index
      %swap3A_2137 = tpu.vector_load %arg40[%swap3A_2136] {strides = array<i32>} : memref<1024xi32, #tpu.memory_space<vmem>>, vector<16xi32>,
      %swap3A_2138 = vector.shape_cast %swap3A_2137 : vector<16xi32> to vector<16xi32>
      %swap3A_2139 = vector.shape_cast %get3A_2131 : vector<16xi32> to vector<16xi32>
      tpu.vector_store %arg40[%swap3A_2136], %swap3A_2139 {strides = array<i32>} : memref<1024xi32, #tpu.memory_space<vmem>>, vector<16xi32>,
      %mul3A_2140 = arith.constant 16 : i32
      %mul3A_2141 = arith.muli %scan3A_1254, %mul3A_2140 : i32
      %get3A_2142 = arith.constant 7 : i32
      %get3A_2143 = arith.index_cast %get3A_2142 : i32 to index
      %get3A_2144 = arith.index_cast %mul3A_2141 : i32 to index
      %get3A_2145 = tpu.vector_load %arg20[%get3A_2143, %get3A_2144] {strides = array<i32>} : memref<8x128xi32, #tpu.memory_space<vmem>>, vector<1x16xi32>,
      %get3A_2146 = vector.shape_cast %get3A_2145 : vector<1x16xi32> to vector<16xi32>
      %mul3A_2147 = arith.constant 16 : i32
      %mul3A_2148 = arith.muli %scan3A_1254, %mul3A_2147 : i32
      %add3A_2149 = arith.constant 384 : i32
      %add3A_2150 = arith.addi %add3A_2149, %mul3A_2148 : i32
      %swap3A_2151 = arith.index_cast %add3A_2150 : i32 to index
      %swap3A_2152 = tpu.vector_load %arg40[%swap3A_2151] {strides = array<i32>} : memref<1024xi32, #tpu.memory_space<vmem>>, vector<16xi32>,
      %swap3A_2153 = vector.shape_cast %swap3A_2152 : vector<16xi32> to vector<16xi32>
      %swap3A_2154 = vector.shape_cast %get3A_2146 : vector<16xi32> to vector<16xi32>
      tpu.vector_store %arg40[%swap3A_2151], %swap3A_2154 {strides = array<i32>} : memref<1024xi32, #tpu.memory_space<vmem>>, vector<16xi32>,
      %mul3A_2155 = arith.constant 16 : i32
      %mul3A_2156 = arith.muli %scan3A_1254, %mul3A_2155 : i32
      %get3A_2157 = arith.constant 7 : i32
      %get3A_2158 = arith.index_cast %get3A_2157 : i32 to index
      %get3A_2159 = arith.index_cast %mul3A_2156 : i32 to index
      %get3A_2160 = tpu.vector_load %arg21[%get3A_2158, %get3A_2159] {strides = array<i32>} : memref<8x128xi32, #tpu.memory_space<vmem>>, vector<1x16xi32>,
      %get3A_2161 = vector.shape_cast %get3A_2160 : vector<1x16xi32> to vector<16xi32>
      %mul3A_2162 = arith.constant 16 : i32
      %mul3A_2163 = arith.muli %scan3A_1254, %mul3A_2162 : i32
      %add3A_2164 = arith.constant 512 : i32
      %add3A_2165 = arith.addi %add3A_2164, %mul3A_2163 : i32
      %swap3A_2166 = arith.index_cast %add3A_2165 : i32 to index
      %swap3A_2167 = tpu.vector_load %arg40[%swap3A_2166] {strides = array<i32>} : memref<1024xi32, #tpu.memory_space<vmem>>, vector<16xi32>,
      %swap3A_2168 = vector.shape_cast %swap3A_2167 : vector<16xi32> to vector<16xi32>
      %swap3A_2169 = vector.shape_cast %get3A_2161 : vector<16xi32> to vector<16xi32>
      tpu.vector_store %arg40[%swap3A_2166], %swap3A_2169 {strides = array<i32>} : memref<1024xi32, #tpu.memory_space<vmem>>, vector<16xi32>,
      %mul3A_2170 = arith.constant 16 : i32
      %mul3A_2171 = arith.muli %scan3A_1254, %mul3A_2170 : i32
      %get3A_2172 = arith.constant 7 : i32
      %get3A_2173 = arith.index_cast %get3A_2172 : i32 to index
      %get3A_2174 = arith.index_cast %mul3A_2171 : i32 to index
      %get3A_2175 = tpu.vector_load %arg22[%get3A_2173, %get3A_2174] {strides = array<i32>} : memref<8x128xi32, #tpu.memory_space<vmem>>, vector<1x16xi32>,
      %get3A_2176 = vector.shape_cast %get3A_2175 : vector<1x16xi32> to vector<16xi32>
      %mul3A_2177 = arith.constant 16 : i32
      %mul3A_2178 = arith.muli %scan3A_1254, %mul3A_2177 : i32
      %add3A_2179 = arith.constant 640 : i32
      %add3A_2180 = arith.addi %add3A_2179, %mul3A_2178 : i32
      %swap3A_2181 = arith.index_cast %add3A_2180 : i32 to index
      %swap3A_2182 = tpu.vector_load %arg40[%swap3A_2181] {strides = array<i32>} : memref<1024xi32, #tpu.memory_space<vmem>>, vector<16xi32>,
      %swap3A_2183 = vector.shape_cast %swap3A_2182 : vector<16xi32> to vector<16xi32>
      %swap3A_2184 = vector.shape_cast %get3A_2176 : vector<16xi32> to vector<16xi32>
      tpu.vector_store %arg40[%swap3A_2181], %swap3A_2184 {strides = array<i32>} : memref<1024xi32, #tpu.memory_space<vmem>>, vector<16xi32>,
      %mul3A_2185 = arith.constant 16 : i32
      %mul3A_2186 = arith.muli %scan3A_1254, %mul3A_2185 : i32
      %get3A_2187 = arith.constant 7 : i32
      %get3A_2188 = arith.index_cast %get3A_2187 : i32 to index
      %get3A_2189 = arith.index_cast %mul3A_2186 : i32 to index
      %get3A_2190 = tpu.vector_load %arg23[%get3A_2188, %get3A_2189] {strides = array<i32>} : memref<8x128xi32, #tpu.memory_space<vmem>>, vector<1x16xi32>,
      %get3A_2191 = vector.shape_cast %get3A_2190 : vector<1x16xi32> to vector<16xi32>
      %mul3A_2192 = arith.constant 16 : i32
      %mul3A_2193 = arith.muli %scan3A_1254, %mul3A_2192 : i32
      %add3A_2194 = arith.constant 768 : i32
      %add3A_2195 = arith.addi %add3A_2194, %mul3A_2193 : i32
      %swap3A_2196 = arith.index_cast %add3A_2195 : i32 to index
      %swap3A_2197 = tpu.vector_load %arg40[%swap3A_2196] {strides = array<i32>} : memref<1024xi32, #tpu.memory_space<vmem>>, vector<16xi32>,
      %swap3A_2198 = vector.shape_cast %swap3A_2197 : vector<16xi32> to vector<16xi32>
      %swap3A_2199 = vector.shape_cast %get3A_2191 : vector<16xi32> to vector<16xi32>
      tpu.vector_store %arg40[%swap3A_2196], %swap3A_2199 {strides = array<i32>} : memref<1024xi32, #tpu.memory_space<vmem>>, vector<16xi32>,
      %mul3A_2200 = arith.constant 16 : i32
      %mul3A_2201 = arith.muli %scan3A_1254, %mul3A_2200 : i32
      %get3A_2202 = arith.constant 7 : i32
      %get3A_2203 = arith.index_cast %get3A_2202 : i32 to index
      %get3A_2204 = arith.index_cast %mul3A_2201 : i32 to index
      %get3A_2205 = tpu.vector_load %arg24[%get3A_2203, %get3A_2204] {strides = array<i32>} : memref<8x128xi32, #tpu.memory_space<vmem>>, vector<1x16xi32>,
      %get3A_2206 = vector.shape_cast %get3A_2205 : vector<1x16xi32> to vector<16xi32>
      %mul3A_2207 = arith.constant 16 : i32
      %mul3A_2208 = arith.muli %scan3A_1254, %mul3A_2207 : i32
      %add3A_2209 = arith.constant 896 : i32
      %add3A_2210 = arith.addi %add3A_2209, %mul3A_2208 : i32
      %swap3A_2211 = arith.index_cast %add3A_2210 : i32 to index
      %swap3A_2212 = tpu.vector_load %arg40[%swap3A_2211] {strides = array<i32>} : memref<1024xi32, #tpu.memory_space<vmem>>, vector<16xi32>,
      %swap3A_2213 = vector.shape_cast %swap3A_2212 : vector<16xi32> to vector<16xi32>
      %swap3A_2214 = vector.shape_cast %get3A_2206 : vector<16xi32> to vector<16xi32>
      tpu.vector_store %arg40[%swap3A_2211], %swap3A_2214 {strides = array<i32>} : memref<1024xi32, #tpu.memory_space<vmem>>, vector<16xi32>,
    }
    %scan3A_1172 = arith.constant 8 : i32
    %dma_start3A_1173 = arith.constant 0 : i32
    %dma_start3A_1174 = tpu.memref_slice %arg10[%dma_start3A_1173] : memref<1000000xf32, #tpu.memory_space<vmem_shared>> -> memref<1000000xf32, #tpu.memory_space<vmem_shared>>
    tpu.enqueue_indirect_dma source(%arg13 : memref<1024xf32, #tpu.memory_space<vmem>>) target(%dma_start3A_1174 : memref<1000000xf32, #tpu.memory_space<vmem_shared>>) offsets(%arg33 : memref<1024xi32, #tpu.memory_space<vmem>>) semaphore(%arg51 : memref<!tpu.dma_semaphore, #tpu.memory_space<semaphore_mem>>) {add = true}
    %dma_start3A_1175 = arith.constant 0 : i32
    %dma_start3A_1176 = tpu.memref_slice %arg10[%dma_start3A_1175] : memref<1000000xf32, #tpu.memory_space<vmem_shared>> -> memref<1000000xf32, #tpu.memory_space<vmem_shared>>
    tpu.enqueue_indirect_dma source(%arg13 : memref<1024xf32, #tpu.memory_space<vmem>>) target(%dma_start3A_1176 : memref<1000000xf32, #tpu.memory_space<vmem_shared>>) offsets(%arg34 : memref<1024xi32, #tpu.memory_space<vmem>>) semaphore(%arg51 : memref<!tpu.dma_semaphore, #tpu.memory_space<semaphore_mem>>) {add = true}
    %dma_start3A_1177 = arith.constant 0 : i32
    %dma_start3A_1178 = tpu.memref_slice %arg10[%dma_start3A_1177] : memref<1000000xf32, #tpu.memory_space<vmem_shared>> -> memref<1000000xf32, #tpu.memory_space<vmem_shared>>
    tpu.enqueue_indirect_dma source(%arg13 : memref<1024xf32, #tpu.memory_space<vmem>>) target(%dma_start3A_1178 : memref<1000000xf32, #tpu.memory_space<vmem_shared>>) offsets(%arg35 : memref<1024xi32, #tpu.memory_space<vmem>>) semaphore(%arg51 : memref<!tpu.dma_semaphore, #tpu.memory_space<semaphore_mem>>) {add = true}
    %dma_start3A_1179 = arith.constant 0 : i32
    %dma_start3A_1180 = tpu.memref_slice %arg10[%dma_start3A_1179] : memref<1000000xf32, #tpu.memory_space<vmem_shared>> -> memref<1000000xf32, #tpu.memory_space<vmem_shared>>
    tpu.enqueue_indirect_dma source(%arg13 : memref<1024xf32, #tpu.memory_space<vmem>>) target(%dma_start3A_1180 : memref<1000000xf32, #tpu.memory_space<vmem_shared>>) offsets(%arg36 : memref<1024xi32, #tpu.memory_space<vmem>>) semaphore(%arg51 : memref<!tpu.dma_semaphore, #tpu.memory_space<semaphore_mem>>) {add = true}
    %dma_start3A_1181 = arith.constant 0 : i32
    %dma_start3A_1182 = tpu.memref_slice %arg10[%dma_start3A_1181] : memref<1000000xf32, #tpu.memory_space<vmem_shared>> -> memref<1000000xf32, #tpu.memory_space<vmem_shared>>
    tpu.enqueue_indirect_dma source(%arg13 : memref<1024xf32, #tpu.memory_space<vmem>>) target(%dma_start3A_1182 : memref<1000000xf32, #tpu.memory_space<vmem_shared>>) offsets(%arg37 : memref<1024xi32, #tpu.memory_space<vmem>>) semaphore(%arg51 : memref<!tpu.dma_semaphore, #tpu.memory_space<semaphore_mem>>) {add = true}
    %dma_start3A_1183 = arith.constant 0 : i32
    %dma_start3A_1184 = tpu.memref_slice %arg10[%dma_start3A_1183] : memref<1000000xf32, #tpu.memory_space<vmem_shared>> -> memref<1000000xf32, #tpu.memory_space<vmem_shared>>
    tpu.enqueue_indirect_dma source(%arg13 : memref<1024xf32, #tpu.memory_space<vmem>>) target(%dma_start3A_1184 : memref<1000000xf32, #tpu.memory_space<vmem_shared>>) offsets(%arg38 : memref<1024xi32, #tpu.memory_space<vmem>>) semaphore(%arg51 : memref<!tpu.dma_semaphore, #tpu.memory_space<semaphore_mem>>) {add = true}
    %dma_start3A_1185 = arith.constant 0 : i32
    %dma_start3A_1186 = tpu.memref_slice %arg10[%dma_start3A_1185] : memref<1000000xf32, #tpu.memory_space<vmem_shared>> -> memref<1000000xf32, #tpu.memory_space<vmem_shared>>
    tpu.enqueue_indirect_dma source(%arg13 : memref<1024xf32, #tpu.memory_space<vmem>>) target(%dma_start3A_1186 : memref<1000000xf32, #tpu.memory_space<vmem_shared>>) offsets(%arg39 : memref<1024xi32, #tpu.memory_space<vmem>>) semaphore(%arg51 : memref<!tpu.dma_semaphore, #tpu.memory_space<semaphore_mem>>) {add = true}
    %dma_start3A_1187 = arith.constant 0 : i32
    %dma_start3A_1188 = tpu.memref_slice %arg10[%dma_start3A_1187] : memref<1000000xf32, #tpu.memory_space<vmem_shared>> -> memref<1000000xf32, #tpu.memory_space<vmem_shared>>
    tpu.enqueue_indirect_dma source(%arg13 : memref<1024xf32, #tpu.memory_space<vmem>>) target(%dma_start3A_1188 : memref<1000000xf32, #tpu.memory_space<vmem_shared>>) offsets(%arg40 : memref<1024xi32, #tpu.memory_space<vmem>>) semaphore(%arg51 : memref<!tpu.dma_semaphore, #tpu.memory_space<semaphore_mem>>) {add = true}
    %dma_wait3A_1189 = arith.constant 0 : i32
    %dma_wait3A_1190 = tpu.memref_slice %arg10[%dma_wait3A_1189] : memref<1000000xf32, #tpu.memory_space<vmem_shared>> -> memref<1000000xf32, #tpu.memory_space<vmem_shared>>
    tpu.wait_indirect_dma semaphore(%arg51 : memref<!tpu.dma_semaphore, #tpu.memory_space<semaphore_mem>>) src(%arg13 : memref<1024xf32, #tpu.memory_space<vmem>>) dst(%dma_wait3A_1190 : memref<1000000xf32, #tpu.memory_space<vmem_shared>>)
    %dma_wait3A_1191 = arith.constant 0 : i32
    %dma_wait3A_1192 = tpu.memref_slice %arg10[%dma_wait3A_1191] : memref<1000000xf32, #tpu.memory_space<vmem_shared>> -> memref<1000000xf32, #tpu.memory_space<vmem_shared>>
    tpu.wait_indirect_dma semaphore(%arg51 : memref<!tpu.dma_semaphore, #tpu.memory_space<semaphore_mem>>) src(%arg13 : memref<1024xf32, #tpu.memory_space<vmem>>) dst(%dma_wait3A_1192 : memref<1000000xf32, #tpu.memory_space<vmem_shared>>)
    %dma_wait3A_1193 = arith.constant 0 : i32
    %dma_wait3A_1194 = tpu.memref_slice %arg10[%dma_wait3A_1193] : memref<1000000xf32, #tpu.memory_space<vmem_shared>> -> memref<1000000xf32, #tpu.memory_space<vmem_shared>>
    tpu.wait_indirect_dma semaphore(%arg51 : memref<!tpu.dma_semaphore, #tpu.memory_space<semaphore_mem>>) src(%arg13 : memref<1024xf32, #tpu.memory_space<vmem>>) dst(%dma_wait3A_1194 : memref<1000000xf32, #tpu.memory_space<vmem_shared>>)
    %dma_wait3A_1195 = arith.constant 0 : i32
    %dma_wait3A_1196 = tpu.memref_slice %arg10[%dma_wait3A_1195] : memref<1000000xf32, #tpu.memory_space<vmem_shared>> -> memref<1000000xf32, #tpu.memory_space<vmem_shared>>
    tpu.wait_indirect_dma semaphore(%arg51 : memref<!tpu.dma_semaphore, #tpu.memory_space<semaphore_mem>>) src(%arg13 : memref<1024xf32, #tpu.memory_space<vmem>>) dst(%dma_wait3A_1196 : memref<1000000xf32, #tpu.memory_space<vmem_shared>>)
    %dma_wait3A_1197 = arith.constant 0 : i32
    %dma_wait3A_1198 = tpu.memref_slice %arg10[%dma_wait3A_1197] : memref<1000000xf32, #tpu.memory_space<vmem_shared>> -> memref<1000000xf32, #tpu.memory_space<vmem_shared>>
    tpu.wait_indirect_dma semaphore(%arg51 : memref<!tpu.dma_semaphore, #tpu.memory_space<semaphore_mem>>) src(%arg13 : memref<1024xf32, #tpu.memory_space<vmem>>) dst(%dma_wait3A_1198 : memref<1000000xf32, #tpu.memory_space<vmem_shared>>)
    %dma_wait3A_1199 = arith.constant 0 : i32
    %dma_wait3A_1200 = tpu.memref_slice %arg10[%dma_wait3A_1199] : memref<1000000xf32, #tpu.memory_space<vmem_shared>> -> memref<1000000xf32, #tpu.memory_space<vmem_shared>>
    tpu.wait_indirect_dma semaphore(%arg51 : memref<!tpu.dma_semaphore, #tpu.memory_space<semaphore_mem>>) src(%arg13 : memref<1024xf32, #tpu.memory_space<vmem>>) dst(%dma_wait3A_1200 : memref<1000000xf32, #tpu.memory_space<vmem_shared>>)
    %dma_wait3A_1201 = arith.constant 0 : i32
    %dma_wait3A_1202 = tpu.memref_slice %arg10[%dma_wait3A_1201] : memref<1000000xf32, #tpu.memory_space<vmem_shared>> -> memref<1000000xf32, #tpu.memory_space<vmem_shared>>
    tpu.wait_indirect_dma semaphore(%arg51 : memref<!tpu.dma_semaphore, #tpu.memory_space<semaphore_mem>>) src(%arg13 : memref<1024xf32, #tpu.memory_space<vmem>>) dst(%dma_wait3A_1202 : memref<1000000xf32, #tpu.memory_space<vmem_shared>>)
    %dma_wait3A_1203 = arith.constant 0 : i32
    %dma_wait3A_1204 = tpu.memref_slice %arg10[%dma_wait3A_1203] : memref<1000000xf32, #tpu.memory_space<vmem_shared>> -> memref<1000000xf32, #tpu.memory_space<vmem_shared>>
    tpu.wait_indirect_dma semaphore(%arg51 : memref<!tpu.dma_semaphore, #tpu.memory_space<semaphore_mem>>) src(%arg13 : memref<1024xf32, #tpu.memory_space<vmem>>) dst(%dma_wait3A_1204 : memref<1000000xf32, #tpu.memory_space<vmem_shared>>)
    %dma_wait3A_1205 = arith.constant 0 : i32
    %dma_wait3A_1206 = tpu.memref_slice %arg10[%dma_wait3A_1205] : memref<1000000xf32, #tpu.memory_space<vmem_shared>> -> memref<1000000xf32, #tpu.memory_space<vmem_shared>>
    tpu.wait_indirect_dma semaphore(%arg52 : memref<!tpu.dma_semaphore, #tpu.memory_space<semaphore_mem>>) src(%arg13 : memref<1024xf32, #tpu.memory_space<vmem>>) dst(%dma_wait3A_1206 : memref<1000000xf32, #tpu.memory_space<vmem_shared>>)
    %dma_wait3A_1207 = arith.constant 0 : i32
    %dma_wait3A_1208 = tpu.memref_slice %arg10[%dma_wait3A_1207] : memref<1000000xf32, #tpu.memory_space<vmem_shared>> -> memref<1000000xf32, #tpu.memory_space<vmem_shared>>
    tpu.wait_indirect_dma semaphore(%arg52 : memref<!tpu.dma_semaphore, #tpu.memory_space<semaphore_mem>>) src(%arg13 : memref<1024xf32, #tpu.memory_space<vmem>>) dst(%dma_wait3A_1208 : memref<1000000xf32, #tpu.memory_space<vmem_shared>>)
    %dma_wait3A_1209 = arith.constant 0 : i32
    %dma_wait3A_1210 = tpu.memref_slice %arg10[%dma_wait3A_1209] : memref<1000000xf32, #tpu.memory_space<vmem_shared>> -> memref<1000000xf32, #tpu.memory_space<vmem_shared>>
    tpu.wait_indirect_dma semaphore(%arg52 : memref<!tpu.dma_semaphore, #tpu.memory_space<semaphore_mem>>) src(%arg13 : memref<1024xf32, #tpu.memory_space<vmem>>) dst(%dma_wait3A_1210 : memref<1000000xf32, #tpu.memory_space<vmem_shared>>)
    %dma_wait3A_1211 = arith.constant 0 : i32
    %dma_wait3A_1212 = tpu.memref_slice %arg10[%dma_wait3A_1211] : memref<1000000xf32, #tpu.memory_space<vmem_shared>> -> memref<1000000xf32, #tpu.memory_space<vmem_shared>>
    tpu.wait_indirect_dma semaphore(%arg52 : memref<!tpu.dma_semaphore, #tpu.memory_space<semaphore_mem>>) src(%arg13 : memref<1024xf32, #tpu.memory_space<vmem>>) dst(%dma_wait3A_1212 : memref<1000000xf32, #tpu.memory_space<vmem_shared>>)
    %dma_wait3A_1213 = arith.constant 0 : i32
    %dma_wait3A_1214 = tpu.memref_slice %arg10[%dma_wait3A_1213] : memref<1000000xf32, #tpu.memory_space<vmem_shared>> -> memref<1000000xf32, #tpu.memory_space<vmem_shared>>
    tpu.wait_indirect_dma semaphore(%arg52 : memref<!tpu.dma_semaphore, #tpu.memory_space<semaphore_mem>>) src(%arg13 : memref<1024xf32, #tpu.memory_space<vmem>>) dst(%dma_wait3A_1214 : memref<1000000xf32, #tpu.memory_space<vmem_shared>>)
    %dma_wait3A_1215 = arith.constant 0 : i32
    %dma_wait3A_1216 = tpu.memref_slice %arg10[%dma_wait3A_1215] : memref<1000000xf32, #tpu.memory_space<vmem_shared>> -> memref<1000000xf32, #tpu.memory_space<vmem_shared>>
    tpu.wait_indirect_dma semaphore(%arg52 : memref<!tpu.dma_semaphore, #tpu.memory_space<semaphore_mem>>) src(%arg13 : memref<1024xf32, #tpu.memory_space<vmem>>) dst(%dma_wait3A_1216 : memref<1000000xf32, #tpu.memory_space<vmem_shared>>)
    %dma_wait3A_1217 = arith.constant 0 : i32
    %dma_wait3A_1218 = tpu.memref_slice %arg10[%dma_wait3A_1217] : memref<1000000xf32, #tpu.memory_space<vmem_shared>> -> memref<1000000xf32, #tpu.memory_space<vmem_shared>>
    tpu.wait_indirect_dma semaphore(%arg52 : memref<!tpu.dma_semaphore, #tpu.memory_space<semaphore_mem>>) src(%arg13 : memref<1024xf32, #tpu.memory_space<vmem>>) dst(%dma_wait3A_1218 : memref<1000000xf32, #tpu.memory_space<vmem_shared>>)
    %dma_wait3A_1219 = arith.constant 0 : i32
    %dma_wait3A_1220 = tpu.memref_slice %arg10[%dma_wait3A_1219] : memref<1000000xf32, #tpu.memory_space<vmem_shared>> -> memref<1000000xf32, #tpu.memory_space<vmem_shared>>
    tpu.wait_indirect_dma semaphore(%arg52 : memref<!tpu.dma_semaphore, #tpu.memory_space<semaphore_mem>>) src(%arg13 : memref<1024xf32, #tpu.memory_space<vmem>>) dst(%dma_wait3A_1220 : memref<1000000xf32, #tpu.memory_space<vmem_shared>>)
    %barrier3A_1221 = arith.constant 0 : index
    tpu.barrier barrier_id(%barrier3A_1221)
    %eq3A_1222 = arith.constant 0 : i32
    %eq3A_1223 = arith.cmpi eq, %arg1, %eq3A_1222 : i32
    %eq3A_1224 = arith.constant 0 : i32
    %eq3A_1225 = arith.cmpi eq, %arg0, %eq3A_1224 : i32
    %and3A_1226 = arith.andi %eq3A_1223, %eq3A_1225 : i1
    %convert_element_type3A_1227 = arith.extui %and3A_1226 : i1 to i32
    %cond3A_1228 = arith.constant 0 : i32
    %cond3A_1229 = arith.cmpi ne, %convert_element_type3A_1227, %cond3A_1228 : i32
    scf.if %cond3A_1229 {
      "tpu.region"() ({
        %run_scoped3A = tpu.sem_alloc : memref<!tpu.dma_semaphore, #tpu.memory_space<semaphore_mem>>
        tpu.enqueue_dma source(%arg10 : memref<1000000xf32, #tpu.memory_space<vmem_shared>>) target(%arg6 : memref<1000000xf32, #tpu.memory_space<hbm>>) target_semaphore(%run_scoped3A : memref<!tpu.dma_semaphore, #tpu.memory_space<semaphore_mem>>)
        tpu.wait_dma2 semaphore(%run_scoped3A : memref<!tpu.dma_semaphore, #tpu.memory_space<semaphore_mem>>) src(%arg10 : memref<1000000xf32, #tpu.memory_space<vmem_shared>>) dst(%arg6 : memref<1000000xf32, #tpu.memory_space<hbm>>)
        tpu.yield
      }) : () -> ()
    } else {
    }
    %eq3A_1230 = arith.constant 0 : i32
    %eq3A_1231 = arith.cmpi eq, %arg1, %eq3A_1230 : i32
    %eq3A_1232 = arith.constant 1 : i32
    %eq3A_1233 = arith.cmpi eq, %arg0, %eq3A_1232 : i32
    %and3A_1234 = arith.andi %eq3A_1231, %eq3A_1233 : i1
    %convert_element_type3A_1235 = arith.extui %and3A_1234 : i1 to i32
    %cond3A_1236 = arith.constant 0 : i32
    %cond3A_1237 = arith.cmpi ne, %convert_element_type3A_1235, %cond3A_1236 : i32
    scf.if %cond3A_1237 {
      "tpu.region"() ({
        %run_scoped3A = tpu.sem_alloc : memref<!tpu.dma_semaphore, #tpu.memory_space<semaphore_mem>>
        tpu.enqueue_dma source(%arg10 : memref<1000000xf32, #tpu.memory_space<vmem_shared>>) target(%arg7 : memref<1000000xf32, #tpu.memory_space<hbm>>) target_semaphore(%run_scoped3A : memref<!tpu.dma_semaphore, #tpu.memory_space<semaphore_mem>>)
        tpu.wait_dma2 semaphore(%run_scoped3A : memref<!tpu.dma_semaphore, #tpu.memory_space<semaphore_mem>>) src(%arg10 : memref<1000000xf32, #tpu.memory_space<vmem_shared>>) dst(%arg7 : memref<1000000xf32, #tpu.memory_space<hbm>>)
        tpu.yield
      }) : () -> ()
    } else {
    }
    %eq3A_1238 = arith.constant 1 : i32
    %eq3A_1239 = arith.cmpi eq, %arg1, %eq3A_1238 : i32
    %eq3A_1240 = arith.constant 0 : i32
    %eq3A_1241 = arith.cmpi eq, %arg0, %eq3A_1240 : i32
    %and3A_1242 = arith.andi %eq3A_1239, %eq3A_1241 : i1
    %convert_element_type3A_1243 = arith.extui %and3A_1242 : i1 to i32
    %cond3A_1244 = arith.constant 0 : i32
    %cond3A_1245 = arith.cmpi ne, %convert_element_type3A_1243, %cond3A_1244 : i32
    scf.if %cond3A_1245 {
      "tpu.region"() ({
        %run_scoped3A = tpu.sem_alloc : memref<!tpu.dma_semaphore, #tpu.memory_space<semaphore_mem>>
        tpu.enqueue_dma source(%arg11 : memref<16xf32, #tpu.memory_space<vmem_shared>>) target(%arg8 : memref<16xf32, #tpu.memory_space<hbm>>) target_semaphore(%run_scoped3A : memref<!tpu.dma_semaphore, #tpu.memory_space<semaphore_mem>>)
        tpu.wait_dma2 semaphore(%run_scoped3A : memref<!tpu.dma_semaphore, #tpu.memory_space<semaphore_mem>>) src(%arg11 : memref<16xf32, #tpu.memory_space<vmem_shared>>) dst(%arg8 : memref<16xf32, #tpu.memory_space<hbm>>)
        tpu.yield
      }) : () -> ()
    } else {
    }
    %eq3A_1246 = arith.constant 1 : i32
    %eq3A_1247 = arith.cmpi eq, %arg1, %eq3A_1246 : i32
    %eq3A_1248 = arith.constant 1 : i32
    %eq3A_1249 = arith.cmpi eq, %arg0, %eq3A_1248 : i32
    %and3A_1250 = arith.andi %eq3A_1247, %eq3A_1249 : i1
    %convert_element_type3A_1251 = arith.extui %and3A_1250 : i1 to i32
    %cond3A_1252 = arith.constant 0 : i32
    %cond3A_1253 = arith.cmpi ne, %convert_element_type3A_1251, %cond3A_1252 : i32
    scf.if %cond3A_1253 {
      "tpu.region"() ({
        %run_scoped3A = tpu.sem_alloc : memref<!tpu.dma_semaphore, #tpu.memory_space<semaphore_mem>>
        tpu.enqueue_dma source(%arg11 : memref<16xf32, #tpu.memory_space<vmem_shared>>) target(%arg9 : memref<16xf32, #tpu.memory_space<hbm>>) target_semaphore(%run_scoped3A : memref<!tpu.dma_semaphore, #tpu.memory_space<semaphore_mem>>)
        tpu.wait_dma2 semaphore(%run_scoped3A : memref<!tpu.dma_semaphore, #tpu.memory_space<semaphore_mem>>) src(%arg11 : memref<16xf32, #tpu.memory_space<vmem_shared>>) dst(%arg9 : memref<16xf32, #tpu.memory_space<hbm>>)
        tpu.yield
      }) : () -> ()
    } else {
    }
    return
  }
}

</mosaic_0001>

<sc_bundles>
// kernel: kernel.3.cloned.1.call-start
scs
__scs_entry_jumppad:
0x0: {  	(pc) =	sbr.rel $0x88, $3  }
0x1: {  	(tag) =	ssettag $0x0;
	lr =	simm.s32 $0x1  }
0x2: {  	[smem:$0x3F9D] =	sst lr;
	_ =	strace $0xD0000000  }
0x3: {  	_ = 	snop  }
0x4: {  	_ = 	snop  }
0x5: {  	_ = 	snop  }
0x6: {  	_ = 	snop  }
0x7: {  	_ = 	snop  }
__scs_overlays_trampoline_lowered:
0x8: {  	[smem:$0x3FAC] =	sst s0  }
0x9: {  	[smem:$0x3FAD] =	sst s1  }
0xa: {  	[smem:$0x3FAE] =	sst s2  }
0xb: {  	[smem:$0x3FAF] =	sst s3  }
0xc: {  	[smem:$0x3FB0] =	sst s4  }
0xd: {  	[smem:$0x3FB1] =	sst s5  }
0xe: {  	[smem:$0x3FB2] =	sst s6  }
0xf: {  	[smem:$0x3FB3] =	sst s7  }
0x10: {  	[smem:$0x3FB4] =	sst s8  }
0x11: {  	[smem:$0x3FB5] =	sst s9;
	s0 =	simm.s32 @!p0 $0x0  }
0x12: {  	s1 =	sld [smem:$0x3F9B];
	s0 =	simm.s32 @p0 $0x1  }
0x13: {  	[smem:$0x3FB6] =	sst s0;
	s0 =	simm.s32 @!p1 $0x0  }
0x14: {  	s2 =	sld [smem:$0x3F9A];
	s0 =	simm.s32 @p1 $0x1  }
0x15: {  	[smem:$0x3FB7] =	sst s0;
	s0 =	simm.s32 @!p2 $0x0  }
0x16: {  	s3 =	sld [smem:$0x3FDB];
	s0 =	simm.s32 @p2 $0x1  }
0x17: {  	s4 =	simm.s32 $0x1BF5;
	[smem:$0x3FB9] =	sst s0  }
0x18: {  	s0 =	sld [smem:$0x3F9C];
	_ =	swait.ge [sflag:s4], $0x0  }
0x19: {  	s7 =	sld [smem:$0x3F9D]  }
0x1a: {  	s8 =	sadd.s32 $0xFFFFE003, lr  }
0x1b: {  	s9 =	sadd.s32 $0xFFFFFEF7, lr;
	s5 =	simm.s32 $0xFFFFFFFF;
	p2 =	slt.u32 s8, $0xFFFFF086  }
0x1c: {  	p1 =	slt.u32 s9, $0xF7A;
	s5 =	simm.s32 @!p2 $0x0  }
0x1d: {  	s5 =	simm.s32 @p1 $0x1;
	p0 =	seq.s32 s7, s2  }
0x1e: {  	s7 =	smul.u32 @!p0 $0xF7A, s2;
	p2 =	seq.s32 @!p0 s5, $0x0  }
0x1f: {  	s9 =	smul.u32 $0xF7A, s1;
	s8 =	simm.s32 @!p0 $0x1BF5;
	p2 =	por !p2, p0  }
0x20: {  	[sflag:s8] =	ssyncset.s32 @!p0 $0xFFFFF086;
	s6 =	sadd.s32 @!p0 s3, s7;
	s7 =	simm.s32 @!p0 $0x108  }
0x21: {  	s3 =	sadd.s32 s3, s9;
	s6 =	sadd.s32 @!p0 $0x88, s6;
	s7 =	simm.s32 @p2 $0x1082  }
0x22: {  	[simem:s7], [sflag:s8] =	dma.local @!p0 [hbm:s6], $0xF7A  }
0x23: {  	s9 =	sor.u32 $0xD0000000, s2;
	s6 =	simm.s32 $0x108;
	_ =	swait.ge @!p0 [sflag:s8], $0x0  }
0x24: {  	s3 =	sadd.s32 $0x88, s3;
	s6 =	simm.s32 @!p1 $0x1082;
	[sflag:s4] =	ssyncset.s32 $0xFFFFF086  }
0x25: {  	[simem:s6], [sflag:s4] =	dma.local [hbm:s3], $0xF7A  }
0x26: {  	[smem:$0x3F9D] =	sst s1;
	(tag) =	ssettag s2;
	_ =	strace s9  }
0x27: {  	s1 =	sld [smem:$0x3FAD]  }
0x28: {  	s2 =	sld [smem:$0x3FAE]  }
0x29: {  	s4 =	sld [smem:$0x3FB0]  }
0x2a: {  	p0 =	seq.s32 s5, $0x0;
	s5 =	sld [smem:$0x3FB1]  }
0x2b: {  	s6 =	sld [smem:$0x3FB2]  }
0x2c: {  	s7 =	sld [smem:$0x3FB3]  }
0x2d: {  	s3 =	simm.s32 $0x108;
	s8 =	sld [smem:$0x3FB4]  }
0x2e: {  	s3 =	simm.s32 @!p0 $0x1082;
	s9 =	sld [smem:$0x3FB5]  }
0x2f: {  	lr =	sadd.s32 s0, s3;
	s0 =	sld [smem:$0x3FAC]  }
0x30: {  	s3 =	sld [smem:$0x3FAF]  }
0x31: {  	[smem:$0x3FB8] =	sst s10  }
0x32: {  	s10 =	sld [smem:$0x3FB6];
	_ =	sdelay $0x3  }
0x33: {  	p0 =	seq.s32 s10, $0x1;
	s10 =	sld [smem:$0x3FB8];
	_ =	sdelay $0x3  }
0x34: {  	[smem:$0x3FB8] =	sst s10  }
0x35: {  	s10 =	sld [smem:$0x3FB7];
	_ =	sdelay $0x3  }
0x36: {  	p1 =	seq.s32 s10, $0x1;
	s10 =	sld [smem:$0x3FB8];
	_ =	sdelay $0x3  }
0x37: {  	[smem:$0x3FB8] =	sst s10  }
0x38: {  	s10 =	sld [smem:$0x3FB9]  }
0x39: {  	_ = 	snop;
	(pc) =	sbr.ind lr, $3  }
0x3a: {  	_ = 	snop  }
0x3b: {  	_ = 	snop  }
0x3c: {  	p2 =	seq.s32 s10, $0x1;
	s10 =	sld [smem:$0x3FB8]  }
0x3d: {  	_ =	shalt  }
0x3e: {  	_ =	shalt  }
0x3f: {  	_ =	shalt  }
0x40: {  	_ =	shalt  }
0x41: {  	_ =	shalt  }
0x42: {  	_ =	shalt  }
0x43: {  	_ =	shalt  }
0x44: {  	_ =	shalt  }
0x45: {  	_ =	shalt  }
0x46: {  	_ =	shalt  }
0x47: {  	_ =	shalt  }
0x48: {  	_ =	shalt  }
0x49: {  	_ =	shalt  }
0x4a: {  	_ =	shalt  }
0x4b: {  	_ =	shalt  }
0x4c: {  	_ =	shalt  }
0x4d: {  	_ =	shalt  }
0x4e: {  	_ =	shalt  }
0x4f: {  	_ =	shalt  }
0x50: {  	_ =	shalt  }
0x51: {  	_ =	shalt  }
0x52: {  	_ =	shalt  }
0x53: {  	_ =	shalt  }
0x54: {  	_ =	shalt  }
0x55: {  	_ =	shalt  }
0x56: {  	_ =	shalt  }
0x57: {  	_ =	shalt  }
0x58: {  	_ =	shalt  }
0x59: {  	_ =	shalt  }
0x5a: {  	_ =	shalt  }
0x5b: {  	_ =	shalt  }
0x5c: {  	_ =	shalt  }
0x5d: {  	_ =	shalt  }
0x5e: {  	_ =	shalt  }
0x5f: {  	_ =	shalt  }
0x60: {  	_ =	shalt  }
0x61: {  	_ =	shalt  }
0x62: {  	_ =	shalt  }
0x63: {  	_ =	shalt  }
0x64: {  	_ =	shalt  }
0x65: {  	_ =	shalt  }
0x66: {  	_ =	shalt  }
0x67: {  	_ =	shalt  }
0x68: {  	_ =	shalt  }
0x69: {  	_ =	shalt  }
0x6a: {  	_ =	shalt  }
0x6b: {  	_ =	shalt  }
0x6c: {  	_ =	shalt  }
0x6d: {  	_ =	shalt  }
0x6e: {  	_ =	shalt  }
0x6f: {  	_ =	shalt  }
0x70: {  	_ =	shalt  }
0x71: {  	_ =	shalt  }
0x72: {  	_ =	shalt  }
0x73: {  	_ =	shalt  }
0x74: {  	_ =	shalt  }
0x75: {  	_ =	shalt  }
0x76: {  	_ =	shalt  }
0x77: {  	_ =	shalt  }
0x78: {  	_ =	shalt  }
0x79: {  	_ =	shalt  }
0x7a: {  	_ =	shalt  }
0x7b: {  	_ =	shalt  }
0x7c: {  	_ =	shalt  }
0x7d: {  	_ =	shalt  }
0x7e: {  	_ =	shalt  }
0x7f: {  	_ =	shalt  }
0x80: {  	_ =	shalt  }
0x81: {  	_ =	shalt  }
0x82: {  	_ =	shalt  }
0x83: {  	_ =	shalt  }
0x84: {  	_ =	shalt  }
0x85: {  	_ =	shalt  }
0x86: {  	_ =	shalt  }
0x87: {  	_ =	shalt  }
.Lfunc_end0:
.L_simem_size_0:
called_computation_lowered:
.L_overlay_start_0:
0x88: {  	s2 =	sld [smem:$0x3FD9]  }
0x89: {  	s3 =	sld [smem:$0x3FFE];
	_ =	sdelay $0x1  }
0x8a: {  	s1 =	srdreg.scid  }
0x8b: {  	s0 =	sand.u32 $0x1, s1  }
0x8c: {  	s14 =	sshll.u32 s0, $0xA;
	s2 =	sadd.s32 s3, s2  }
0x8d: {  	s2 =	sadd.s32 s2, s14  }
0x8e: {  	[smem:$0x3FC4] =	sst s2  }
0x8f: {  	_ = 	snop  }
0x90: {  	s2 =	sld [smem:$0x3FC9]  }
0x91: {  	s15 =	sld [smem:$0x3FD0]  }
0x92: {  	s4 =	sld [smem:$0x3FC8]  }
0x93: {  	s5 =	sld [smem:$0x3FC7]  }
0x94: {  	s7 =	simm.s32 $0xA;
	s8 =	simm.s32 $0x10;
	s6 =	sld [smem:$0x3FC6]  }
0x95: {  	[smem:s8], [sflag:s7] =	dma.local [hbm:s15], $0x1  }
0x96: {  	_ =	swait.eq [sflag:s7], $0x1  }
0x97: {  	s16 =	sld [smem:$0x10];
	[sflag:s7] =	ssyncset.done $0x0  }
0x98: {  	s17 =	sld [smem:$0x11];
	[sflag:s7] =	ssyncadd.s32 $0xFFFFFFFF  }
0x99: {  	s18 =	sld [smem:$0x12];
	(tm) =	ssettm $0x1  }
0x9a: {  	s9 =	sld [smem:$0x3FFB];
	_ =	sdelay $0x3  }
0x9b: {  	_ =	strace s9  }
0x9c: {  	s9 =	sld [smem:$0x3FFC];
	_ =	sdelay $0x3  }
0x9d: {  	_ =	strace s9  }
0x9e: {  	s9 =	sld [smem:$0x3FFD];
	_ =	sdelay $0x3  }
0x9f: {  	_ =	strace s9  }
0xa0: {  	_ =	strace $0x8FFFFFFF  }
0xa1: {  	s19 =	sld [smem:$0x3FDB];
	_ =	sdelay $0x1  }
0xa2: {  	s10 =	simm.s32 $_scs_section_size  }
0xa3: {  	s11 =	simm.s32 $_size__tile_overlayer_lowered;
	s12 =	simm.s32 $_tile_overlayer_lowered  }
0xa4: {  	s22 =	simm.s32 $0x1BFF;
	s21 =	sshll.u32 s12, $0x1;
	s9 =	sadd.s32 s10, s19  }
0xa5: {  	s13 =	simm.s32 $0x0;
	s20 =	sshll.u32 s11, $0x1;
	s11 =	sadd.s32 s21, s9  }
0xa6: {  	[timem:s13], [sflag:s22] =	dma.local [hbm:s11], s20  }
0xa7: {  	_ =	swait.ge [sflag:s22], s20  }
0xa8: {  	s10 =	ssub.s32 $0x0, s20;
	[sflag:s22] =	ssyncset.done $0x0  }
0xa9: {  	[sflag:s22] =	ssyncadd.s32 s10;
	_ =	sdelay $0x1  }
0xaa: {  	s23 =	simm.s32 $0x1B8B  }
0xab: {  	_ =	swait.ge [sflag:s23], $0x1  }
0xac: {  	[sflag:s23] =	ssyncset.done $0x0  }
0xad: {  	s25 =	simm.s32 $0x1B8E;
	s24 =	sld [smem:$0x3FFE];
	[sflag:s23] =	ssyncadd.s32 $0xFFFFFFFF  }
0xae: {  	s26 =	simm.s32 $execute0_lowered;
	[smem:$0x3FD2] =	sst s25  }
0xaf: {  	s11 =	sshll.u32 s26, $0x1;
	_ =	strace $0x80000046;
	[dreg:$0x1] =	wrdreg $0xFFFFFFFF  }
0xb0: {  	s28 =	simm.s32 $_size_execute0_lowered;
	s9 =	sadd.s32 s9, s11;
	[dreg:$0x0] =	wrdreg $0x0  }
0xb1: {  	s11 =	sshll.u32 s28, $0x1;
	[dreg:$0x2] =	wrdreg s9  }
0xb2: {  	[dreg:$0x3] =	wrdreg s11  }
0xb3: {  	[dreg:$0x4] =	wrdreg $0xC0  }
0xb4: {  	_ =	task [dreg:s13], $0x5FFFF  }
0xb5: {  	[dreg:$0x1] =	wrdreg $0xFFFFFFFF  }
0xb6: {  	[dreg:$0x0] =	wrdreg $0x60  }
0xb7: {  	[dreg:$0x2] =	wrdreg s2  }
0xb8: {  	[dreg:$0x3] =	wrdreg s4  }
0xb9: {  	[dreg:$0x4] =	wrdreg s5  }
0xba: {  	[dreg:$0x5] =	wrdreg s6  }
0xbb: {  	[dreg:$0x6] =	wrdreg s16  }
0xbc: {  	[dreg:$0x7] =	wrdreg s17  }
0xbd: {  	[dreg:$0x8] =	wrdreg s24  }
0xbe: {  	[dreg:$0x9] =	wrdreg s18  }
0xbf: {  	[dreg:$0xa] =	wrdreg $0x0  }
0xc0: {  	[dreg:$0xb] =	wrdreg $0xF4280  }
0xc1: {  	[dreg:$0xc] =	wrdreg $0x9  }
0xc2: {  	_ =	task.clear_ibuf [dreg:s13], $0xDFFFF;
	_ =	strace $0x90000046  }
0xc3: {  	s29 =	simm.s32 $0x9;
	_ =	strace $0x80000048  }
0xc4: {  	_ =	swait.ge [sflag:s29], $0x1  }
0xc5: {  	[sflag:s29] =	ssyncadd.s32 $0xFFFFFFFF  }
0xc6: {  	_ =	strace $0x90000048  }
0xc7: {  	_ =	sfence  }
0xc8: {  	s30 =	sld [smem:$0x0];
	_ =	sdelay $0x2  }
0xc9: {  	s31 =	sshll.u32 s1, $0xD;
	s1 =	sshrl.u32 s1, $0x2  }
0xca: {  	s3 =	sand.u32 $0x4000, s31;
	s1 =	sadd.s32 s1, s30  }
0xcb: {  	s0 =	sor.u32 s3, s0;
	s1 =	sshll.u32 s1, $0x11  }
0xcc: {  	s0 =	sor.u32 s1, s0  }
0xcd: {  	s0 =	sadd.s32 $0x8F2B, s0  }
0xce: {  	[sflag:s0] =	ssyncadd.remote.s32 $0x1  }
0xcf: {  	_ =	sfence.sel $0xFFFF  }
0xd0: {  	[dreg:$0x0] =	wrdreg $0xFFFFFFFF;
	(pc) =	sbr.abs _section_cstart, $3  }
0xd1: {  	[dreg:$0x1] =	wrdreg $0xFFFFFFFF  }
0xd2: {  	_ =	task.clear_ibuf [dreg:s13], $0x2FFFF;
	_ =	strace $0x9FFFFFFF  }
0xd3: {  	(tm) =	ssettm $0x7FFFFFFF  }
tec
execute0_lowered:
.L_overlay_start_1:
0x0: {  	(tag) =	ssettag $0x1  }
0x1: {  	s1 =	rddreg [dreg:$0x0]  }
0x2: {  	s0 =	rddreg [dreg:$0x1]  }
0x3: {  	s2 =	rddreg [dreg:$0x6]  }
0x4: {  	s7 =	rddreg [dreg:$0x8]  }
0x5: {  	s23 =	rddreg [dreg:$0x9];
	s9 =	simm.s32 $0x0;
	s3 =	srdreg.scid  }
0x6: {  	s5 =	stileid.u32;
	s28 =	simm.s32 $0x115B0;
	s29 =	simm.s32 $0x119B0  }
0x7: {  	s30 =	simm.s32 $0x1;
	s31 =	simm.s32 $0x400;
	[smem:$0x7FF] =	sst s9  }
0x8: {  	s12 =	sand.u32 $0x1, s3;
	s2 =	sadd.s32 $0x800, s2;
	p0 =	seq.s32 s5, $0x0  }
0x9: {  	s4 =	sshll.u32 s5, $0x7;
	s13 =	sshll.u32 s5, $0xD;
	s8 =	sshll.u32 s5, $0xA  }
0xa: {  	p4 =	seq.s32 s5, $0x1;
	_ =	strace $0x80000047;
	[dreg:$0xb] =	wrdreg s2  }
0xb: {  	s24 =	ssub.s32 $0x2, s12;
	p2 =	seq.s32 s12, $0x1;
	p3 =	seq.s32 s12, $0x0  }
0xc: {  	s26 =	sor.u32 s12, s5;
	s1 =	sadd.s32 s1, s4;
	s6 =	sadd.s32 s0, s8  }
0xd: {  	s15 =	sor.u32 $0x400, s13;
	s16 =	sor.u32 $0x800, s13;
	s17 =	sor.u32 $0xC00, s13  }
0xe: {  	s21 =	sor.u32 $0x1000, s13;
	s22 =	sor.u32 $0x1400, s13;
	v0 =	vmov s12;
	s12 =	simm.s32 $0x3  }
0xf: {  	s25 =	sshrl.u32 s24, $0x1;
	p0 =	por !p0, !p2;
	[dreg:$0xc] =	wrdreg s1  }
0x10: {  	s10 =	sshrl.u32 s15, $0x3;
	s11 =	sshrl.u32 s16, $0x3;
	s14 =	sshrl.u32 s17, $0x3  }
0x11: {  	s19 =	sshrl.u32 s21, $0x3;
	p1 =	sne.s32 s26, $0x0;
	s20 =	sshrl.u32 s22, $0x3  }
0x12: {  	s26 =	sor.u32 $0x1C00, s13;
	p3 =	por !p4, !p3;
	p2 =	por !p4, !p2  }
0x13: {  	s8 =	sadd.s32 $0x4000, s6;
	[dreg:$0xd] =	wrdreg s6;
	s2 =	ssub.s32 s24, s25  }
0x14: {  	p0 =	por !p0, !p0;
	s1 =	sadd.s32 s0, s10;
	s18 =	sadd.s32 s0, s14  }
0x15: {  	s24 =	sor.u32 $0x1800, s13;
	s3 =	sshrl.u32 s26, $0x3;
	[dreg:$0x16] =	wrdreg s8  }
0x16: {  	p3 =	por !p3, !p3;
	p4 =	por !p2, !p2;
	[dreg:$0xe] =	wrdreg s1  }
0x17: {  	p2 =	sne.s32 s5, $0x1;
	s10 =	sadd.s32 $0x4080, s6;
	[dreg:$0x10] =	wrdreg s18  }
0x18: {  	s14 =	sadd.s32 $0x4180, s6;
	s5 =	simm.s32 $0x149B0;
	[dreg:$0x17] =	wrdreg s10  }
0x19: {  	s8 =	simm.s32 $0x159B0;
	s1 =	sadd.s32 s0, s11;
	[dreg:$0x19] =	wrdreg s14  }
0x1a: {  	s25 =	sshrl.u32 s24, $0x3;
	s4 =	smax.u32 s2, $0x1;
	[dreg:$0xf] =	wrdreg s1  }
0x1b: {  	p3 =	por !p3, p0;
	s11 =	sadd.s32 $0x4100, s6;
	[dreg:$0x15] =	wrdreg s4  }
0x1c: {  	p4 =	por !p4, p0;
	s18 =	sadd.s32 $0x4200, s6;
	[dreg:$0x18] =	wrdreg s11  }
0x1d: {  	s2 =	simm.s32 $0x141B0;
	s1 =	sadd.s32 s0, s19;
	[dreg:$0x1a] =	wrdreg s18  }
0x1e: {  	s10 =	simm.s32 $0x151B0;
	s19 =	sadd.s32 $0x4280, s6;
	[dreg:$0x11] =	wrdreg s1  }
0x1f: {  	s14 =	simm.s32 $0x155B0;
	s1 =	sadd.s32 s0, s20;
	[dreg:$0x1b] =	wrdreg s19  }
0x20: {  	s4 =	simm.s32 $0x145B0;
	s20 =	sadd.s32 $0x4300, s6;
	[dreg:$0x12] =	wrdreg s1  }
0x21: {  	s11 =	simm.s32 $0x2;
	s1 =	sadd.s32 s0, s25;
	[dreg:$0x1c] =	wrdreg s20  }
0x22: {  	s25 =	sadd.s32 $0x4380, s6;
	s6 =	simm.s32 $0x14DB0;
	[dreg:$0x13] =	wrdreg s1  }
0x23: {  	s20 =	simm.s32 $0x0;
	s1 =	sadd.s32 s0, s3;
	[dreg:$0x1d] =	wrdreg s25  }
0x24: {  	v1 =	vimm.f32 $0.0e+00;
	v2 =	vimm.s32 $0x0;
	s3 =	simm.s32 $0x13DB0;
	[dreg:$0x14] =	wrdreg s1;
	s1 =	simm.s32 $0xF830  }
.LBB2_1:
0x25: {  	[dreg:$0x1e] =	wrdreg s20;
	s18 =	stileid.u32;
	s20 =	sshrl.u32 @!p1 s7, $0x3  }
0x26: {  	s18 =	sshll.u32 @!p1 s18, $0x6;
	[smem:$0x7FD] =	sst s20  }
0x27: {  	s19 =	sor.u32 @!p1 $0x1C05, s18;
	s18 =	rddreg [dreg:$0x2]  }
0x28: {  	[smem:$0x7FC] =	sst s19  }
0x29: {  	[spmem:s20], [sflag:s19] =	dma.local @!p1 [hbm:s18], $0x1E850  }
0x2a: {  	s18 =	simm.s32 @!p1 $0x5  }
0x2b: {  	_ =	swait.ge @!p1 [sflag:s18], $0x1E850  }
0x2c: {  	s20 =	sshrl.u32 @p0 s7, $0x3;
	[sflag:s18] =	ssyncset.done @!p1 $0x0  }
0x2d: {  	[dreg:$0x1f] =	wrdreg s20;
	[sflag:s18] =	ssyncadd.s32 @!p1 $0xFFFE17B0  }
0x2e: {  	s18 =	simm.s32 @p0 $0x1C05;
	s19 =	rddreg [dreg:$0x3]  }
0x2f: {  	[spmem:s20], [sflag:s18] =	dma.local @p0 [hbm:s19], $0x1E850  }
0x30: {  	s18 =	simm.s32 @p0 $0x5  }
0x31: {  	_ =	swait.ge @p0 [sflag:s18], $0x1E850  }
0x32: {  	[sflag:s18] =	ssyncset.done @p0 $0x0  }
0x33: {  	s20 =	simm.s32 $0xF430;
	s19 =	rddreg [dreg:$0xc];
	[sflag:s18] =	ssyncadd.s32 @p0 $0xFFFE17B0  }
0x34: {  	[tilespmem:s20], [sflag:$0x5] =	stream.linear.gather [hbm4b:s19+s9], $0x400, $0x38;
	[tilespmem:$0x17DB0] =	vst v63  }
0x35: {  	s19 =	simm.s32 $0x5  }
0x36: {  	_ =	swait.ge [sflag:s19], $0x400  }
0x37: {  	[sflag:s19] =	ssyncset.done $0x0  }
0x38: {  	[sflag:s19] =	ssyncadd.s32 $0xFFFFFC00  }
0x39: {  	v3 =	vld [tilespmem:$0xF430]  }
0x3a: {  	v4 =	vld [tilespmem:$0xF440];
	_ =	sdelay $0x1  }
0x3b: {  	v5 =	vld [tilespmem:$0xF450];
	_ =	sdelay $0x1  }
0x3c: {  	v6 =	vld [tilespmem:$0xF460]  }
0x3d: {  	vm0 =	veq.s32 v3, v0;
	vm1 =	veq.s32 v4, v0  }
0x3e: {  	v7 =	vld [tilespmem:$0xF470];
	v52 =	vsel vm0, $0x3F800000, v1;
	v3 =	vsel vm1, $0x3F800000, v1  }
0x3f: {  	vm14 =	veq.s32 v5, v0;
	v8 =	vadd.f32 v3, v52  }
0x40: {  	v9 =	vld [tilespmem:$0xF480];
	v5 =	vsel vm14, $0x3F800000, v1  }
0x41: {  	vm15 =	veq.s32 v6, v0;
	v8 =	vadd.f32 v5, v8  }
0x42: {  	v10 =	vld [tilespmem:$0xF490];
	v6 =	vsel vm15, $0x3F800000, v1  }
0x43: {  	vm4 =	veq.s32 v7, v0;
	v8 =	vadd.f32 v6, v8  }
0x44: {  	v11 =	vld [tilespmem:$0xF4A0];
	v7 =	vsel vm4, $0x3F800000, v1  }
0x45: {  	vm5 =	veq.s32 v9, v0;
	v8 =	vadd.f32 v7, v8  }
0x46: {  	v12 =	vld [tilespmem:$0xF4B0];
	v9 =	vsel vm5, $0x3F800000, v1  }
0x47: {  	vm6 =	veq.s32 v10, v0;
	v8 =	vadd.f32 v9, v8  }
0x48: {  	v13 =	vld [tilespmem:$0xF4C0];
	v10 =	vsel vm6, $0x3F800000, v1  }
0x49: {  	vm7 =	veq.s32 v11, v0;
	v8 =	vadd.f32 v10, v8  }
0x4a: {  	v14 =	vld [tilespmem:$0xF4D0];
	v11 =	vsel vm7, $0x3F800000, v1  }
0x4b: {  	vm8 =	veq.s32 v12, v0;
	v8 =	vadd.f32 v11, v8  }
0x4c: {  	v15 =	vld [tilespmem:$0xF4E0];
	v12 =	vsel vm8, $0x3F800000, v1  }
0x4d: {  	vm9 =	veq.s32 v13, v0;
	v8 =	vadd.f32 v12, v8  }
0x4e: {  	v16 =	vld [tilespmem:$0xF4F0];
	v13 =	vsel vm9, $0x3F800000, v1  }
0x4f: {  	vm10 =	veq.s32 v14, v0;
	v8 =	vadd.f32 v13, v8  }
0x50: {  	v17 =	vld [tilespmem:$0xF500];
	v14 =	vsel vm10, $0x3F800000, v1  }
0x51: {  	vm11 =	veq.s32 v15, v0;
	v8 =	vadd.f32 v14, v8  }
0x52: {  	v18 =	vld [tilespmem:$0xF510];
	v15 =	vsel vm11, $0x3F800000, v1  }
0x53: {  	vm12 =	veq.s32 v16, v0;
	v8 =	vadd.f32 v15, v8  }
0x54: {  	v19 =	vld [tilespmem:$0xF520];
	v16 =	vsel vm12, $0x3F800000, v1  }
0x55: {  	vm13 =	veq.s32 v17, v0;
	v8 =	vadd.f32 v16, v8  }
0x56: {  	v20 =	vld [tilespmem:$0xF530];
	v17 =	vsel vm13, $0x3F800000, v1  }
0x57: {  	vm14 =	veq.s32 v18, v0;
	v8 =	vadd.f32 v17, v8  }
0x58: {  	v21 =	vld [tilespmem:$0xF540];
	v18 =	vsel vm14, $0x3F800000, v1  }
0x59: {  	vm15 =	veq.s32 v19, v0;
	v8 =	vadd.f32 v18, v8  }
0x5a: {  	v22 =	vld [tilespmem:$0xF550];
	v19 =	vsel vm15, $0x3F800000, v1  }
0x5b: {  	vm4 =	veq.s32 v20, v0;
	v8 =	vadd.f32 v19, v8  }
0x5c: {  	v23 =	vld [tilespmem:$0xF560];
	v20 =	vsel vm4, $0x3F800000, v1  }
0x5d: {  	vm5 =	veq.s32 v21, v0;
	v8 =	vadd.f32 v20, v8  }
0x5e: {  	v24 =	vld [tilespmem:$0xF570];
	v21 =	vsel vm5, $0x3F800000, v1  }
0x5f: {  	vm6 =	veq.s32 v22, v0;
	v8 =	vadd.f32 v21, v8  }
0x60: {  	v25 =	vld [tilespmem:$0xF580];
	v22 =	vsel vm6, $0x3F800000, v1  }
0x61: {  	vm7 =	veq.s32 v23, v0;
	v8 =	vadd.f32 v22, v8  }
0x62: {  	v26 =	vld [tilespmem:$0xF590];
	v23 =	vsel vm7, $0x3F800000, v1  }
0x63: {  	vm8 =	veq.s32 v24, v0;
	v8 =	vadd.f32 v23, v8  }
0x64: {  	v27 =	vld [tilespmem:$0xF5A0];
	v24 =	vsel vm8, $0x3F800000, v1  }
0x65: {  	vm9 =	veq.s32 v25, v0;
	v8 =	vadd.f32 v24, v8  }
0x66: {  	v28 =	vld [tilespmem:$0xF5B0];
	v25 =	vsel vm9, $0x3F800000, v1  }
0x67: {  	vm10 =	veq.s32 v26, v0;
	v8 =	vadd.f32 v25, v8  }
0x68: {  	v29 =	vld [tilespmem:$0xF5C0];
	v26 =	vsel vm10, $0x3F800000, v1  }
0x69: {  	vm11 =	veq.s32 v27, v0;
	v8 =	vadd.f32 v26, v8  }
0x6a: {  	v30 =	vld [tilespmem:$0xF5D0];
	v27 =	vsel vm11, $0x3F800000, v1  }
0x6b: {  	vm12 =	veq.s32 v28, v0;
	v8 =	vadd.f32 v27, v8  }
0x6c: {  	v31 =	vld [tilespmem:$0xF5E0];
	v28 =	vsel vm12, $0x3F800000, v1  }
0x6d: {  	vm13 =	veq.s32 v29, v0;
	v8 =	vadd.f32 v28, v8  }
0x6e: {  	v32 =	vld [tilespmem:$0xF5F0];
	v29 =	vsel vm13, $0x3F800000, v1  }
0x6f: {  	vm14 =	veq.s32 v30, v0;
	v8 =	vadd.f32 v29, v8  }
0x70: {  	v33 =	vld [tilespmem:$0xF600];
	v30 =	vsel vm14, $0x3F800000, v1  }
0x71: {  	vm15 =	veq.s32 v31, v0;
	v8 =	vadd.f32 v30, v8  }
0x72: {  	v34 =	vld [tilespmem:$0xF610];
	v31 =	vsel vm15, $0x3F800000, v1  }
0x73: {  	vm4 =	veq.s32 v32, v0;
	v8 =	vadd.f32 v31, v8  }
0x74: {  	v35 =	vld [tilespmem:$0xF620];
	v32 =	vsel vm4, $0x3F800000, v1  }
0x75: {  	vm5 =	veq.s32 v33, v0;
	v8 =	vadd.f32 v32, v8  }
0x76: {  	v36 =	vld [tilespmem:$0xF630];
	v33 =	vsel vm5, $0x3F800000, v1  }
0x77: {  	vm6 =	veq.s32 v34, v0;
	v8 =	vadd.f32 v33, v8  }
0x78: {  	v37 =	vld [tilespmem:$0xF640];
	v34 =	vsel vm6, $0x3F800000, v1  }
0x79: {  	vm7 =	veq.s32 v35, v0;
	v8 =	vadd.f32 v34, v8  }
0x7a: {  	v38 =	vld [tilespmem:$0xF650];
	v35 =	vsel vm7, $0x3F800000, v1  }
0x7b: {  	[tilespmem:$0xFCB0] =	vst v2;
	vm8 =	veq.s32 v36, v0;
	v8 =	vadd.f32 v35, v8  }
0x7c: {  	v39 =	vld [tilespmem:$0xF660];
	[tilespmem:$0xF830] =	vst v52;
	v36 =	vsel vm8, $0x3F800000, v1  }
0x7d: {  	vm9 =	veq.s32 v37, v0;
	[tilespmem:$0xF840] =	vst v3;
	v53 =	vadd.f32 v36, v8  }
0x7e: {  	v54 =	vld [tilespmem:$0xF670];
	[tilespmem:$0xF850] =	vst v5;
	v3 =	vsel vm9, $0x3F800000, v1  }
0x7f: {  	vm10 =	veq.s32 v38, v0;
	[tilespmem:$0xF860] =	vst v6;
	v4 =	vadd.f32 v3, v53  }
0x80: {  	v56 =	vld [tilespmem:$0xF680];
	[tilespmem:$0xF870] =	vst v7;
	v55 =	vsel vm10, $0x3F800000, v1  }
0x81: {  	vm11 =	veq.s32 v39, v0;
	[tilespmem:$0xF880] =	vst v9;
	v4 =	vadd.f32 v55, v4  }
0x82: {  	v58 =	vld [tilespmem:$0xF690];
	[tilespmem:$0xF890] =	vst v10;
	v57 =	vsel vm11, $0x3F800000, v1  }
0x83: {  	vm12 =	veq.s32 v54, v0;
	[tilespmem:$0xF8A0] =	vst v11;
	v4 =	vadd.f32 v57, v4  }
0x84: {  	v59 =	vld [tilespmem:$0xF6A0];
	[tilespmem:$0xF8B0] =	vst v12;
	v8 =	vsel vm12, $0x3F800000, v1  }
0x85: {  	vm13 =	veq.s32 v56, v0;
	[tilespmem:$0xF8C0] =	vst v13;
	v4 =	vadd.f32 v8, v4  }
0x86: {  	v60 =	vld [tilespmem:$0xF6B0];
	[tilespmem:$0xF8D0] =	vst v14;
	v6 =	vsel vm13, $0x3F800000, v1  }
0x87: {  	[tilespmem:$0xF8E0] =	vst v15;
	vm14 =	veq.s32 v58, v0;
	v4 =	vadd.f32 v6, v4  }
0x88: {  	v61 =	vld [tilespmem:$0xF6C0];
	[tilespmem:$0xF8F0] =	vst v16;
	v9 =	vsel vm14, $0x3F800000, v1  }
0x89: {  	[tilespmem:$0xF900] =	vst v17;
	vm15 =	veq.s32 v59, v0;
	v4 =	vadd.f32 v9, v4  }
0x8a: {  	v62 =	vld [tilespmem:$0xF6D0];
	[tilespmem:$0xF910] =	vst v18;
	v10 =	vsel vm15, $0x3F800000, v1  }
0x8b: {  	vm4 =	veq.s32 v60, v0;
	[tilespmem:$0xF920] =	vst v19;
	v4 =	vadd.f32 v10, v4  }
0x8c: {  	v63 =	vld [tilespmem:$0xF6E0];
	[tilespmem:$0xF930] =	vst v20;
	v11 =	vsel vm4, $0x3F800000, v1  }
0x8d: {  	vm5 =	veq.s32 v61, v0;
	[tilespmem:$0xF940] =	vst v21;
	v4 =	vadd.f32 v11, v4  }
0x8e: {  	v37 =	vld [tilespmem:$0xF6F0];
	[tilespmem:$0xF950] =	vst v22;
	v12 =	vsel vm5, $0x3F800000, v1  }
0x8f: {  	vm6 =	veq.s32 v62, v0;
	[tilespmem:$0xF960] =	vst v23;
	v4 =	vadd.f32 v12, v4  }
0x90: {  	v38 =	vld [tilespmem:$0xF700];
	[tilespmem:$0xF970] =	vst v24;
	v13 =	vsel vm6, $0x3F800000, v1  }
0x91: {  	vm7 =	veq.s32 v63, v0;
	[tilespmem:$0xF980] =	vst v25;
	v4 =	vadd.f32 v13, v4  }
0x92: {  	v39 =	vld [tilespmem:$0xF710];
	[tilespmem:$0xF990] =	vst v26;
	v14 =	vsel vm7, $0x3F800000, v1  }
0x93: {  	[tilespmem:$0xF9A0] =	vst v27;
	vm8 =	veq.s32 v37, v0;
	v4 =	vadd.f32 v14, v4  }
0x94: {  	v40 =	vld [tilespmem:$0xF720];
	[tilespmem:$0xF9B0] =	vst v28;
	v15 =	vsel vm8, $0x3F800000, v1  }
0x95: {  	[tilespmem:$0xF9C0] =	vst v29;
	vm9 =	veq.s32 v38, v0;
	v4 =	vadd.f32 v15, v4  }
0x96: {  	v41 =	vld [tilespmem:$0xF730];
	[tilespmem:$0xF9D0] =	vst v30;
	v16 =	vsel vm9, $0x3F800000, v1  }
0x97: {  	[tilespmem:$0xF9E0] =	vst v31;
	vm10 =	veq.s32 v39, v0;
	v4 =	vadd.f32 v16, v4  }
0x98: {  	v42 =	vld [tilespmem:$0xF740];
	[tilespmem:$0xF9F0] =	vst v32;
	v17 =	vsel vm10, $0x3F800000, v1  }
0x99: {  	vm11 =	veq.s32 v40, v0;
	[tilespmem:$0xFA00] =	vst v33;
	v4 =	vadd.f32 v17, v4  }
0x9a: {  	v43 =	vld [tilespmem:$0xF750];
	[tilespmem:$0xFA10] =	vst v34;
	v18 =	vsel vm11, $0x3F800000, v1  }
0x9b: {  	[tilespmem:$0xFA20] =	vst v35;
	vm12 =	veq.s32 v41, v0;
	v4 =	vadd.f32 v18, v4  }
0x9c: {  	v44 =	vld [tilespmem:$0xF760];
	[tilespmem:$0xFA30] =	vst v36;
	v19 =	vsel vm12, $0x3F800000, v1  }
0x9d: {  	v60 =	vld [tilespmem:$0xF810];
	[tilespmem:$0xFA40] =	vst v3;
	vm13 =	veq.s32 v42, v0;
	v4 =	vadd.f32 v19, v4  }
0x9e: {  	v45 =	vld [tilespmem:$0xF770];
	[tilespmem:$0xFA50] =	vst v55;
	v3 =	vsel vm13, $0x3F800000, v1  }
0x9f: {  	[tilespmem:$0xFA60] =	vst v57;
	vm14 =	veq.s32 v43, v0;
	v4 =	vadd.f32 v3, v4  }
0xa0: {  	v47 =	vld [tilespmem:$0xF780];
	[tilespmem:$0xFA80] =	vst v6;
	v46 =	vsel vm14, $0x3F800000, v1  }
0xa1: {  	[tilespmem:$0xFA90] =	vst v9;
	vm15 =	veq.s32 v44, v0;
	v4 =	vadd.f32 v46, v4  }
0xa2: {  	v49 =	vld [tilespmem:$0xF790];
	vm14 =	veq.s32 v60, v0;
	[tilespmem:$0xFB50] =	vst v46;
	v48 =	vsel vm15, $0x3F800000, v1  }
0xa3: {  	v63 =	vsel vm14, $0x3F800000, v1;
	[tilespmem:$0xFAA0] =	vst v10;
	vm4 =	veq.s32 v45, v0;
	v4 =	vadd.f32 v48, v4  }
0xa4: {  	v51 =	vld [tilespmem:$0xF7A0];
	[tilespmem:$0xFC10] =	vst v63;
	v50 =	vsel vm4, $0x3F800000, v1  }
0xa5: {  	[tilespmem:$0xFB60] =	vst v48;
	vm5 =	veq.s32 v47, v0;
	v4 =	vadd.f32 v50, v4  }
0xa6: {  	v52 =	vld [tilespmem:$0xF7B0];
	[tilespmem:$0xFAB0] =	vst v11;
	v7 =	vsel vm5, $0x3F800000, v1  }
0xa7: {  	[tilespmem:$0xFB70] =	vst v50;
	vm6 =	veq.s32 v49, v0;
	v4 =	vadd.f32 v7, v4  }
0xa8: {  	[tilespmem:$0xFA70] =	vst v8;
	v53 =	vld [tilespmem:$0xF7C0];
	v8 =	vsel vm6, $0x3F800000, v1  }
0xa9: {  	[tilespmem:$0xFAC0] =	vst v12;
	vm7 =	veq.s32 v51, v0;
	v4 =	vadd.f32 v8, v4  }
0xaa: {  	v54 =	vld [tilespmem:$0xF7D0];
	[tilespmem:$0xFB80] =	vst v7;
	v10 =	vsel vm7, $0x3F800000, v1  }
0xab: {  	v56 =	vld [tilespmem:$0xF7F0];
	[tilespmem:$0xFAD0] =	vst v13;
	vm8 =	veq.s32 v52, v0;
	v4 =	vadd.f32 v10, v4  }
0xac: {  	[tilespmem:$0xFAE0] =	vst v14;
	v55 =	vld [tilespmem:$0xF7E0];
	v11 =	vsel vm8, $0x3F800000, v1  }
0xad: {  	[tilespmem:$0xFAF0] =	vst v15;
	vm9 =	veq.s32 v53, v0;
	v4 =	vadd.f32 v11, v4  }
0xae: {  	[tilespmem:$0xFB40] =	vst v3;
	v3 =	vsel vm9, $0x3F800000, v1  }
0xaf: {  	[tilespmem:$0xFB00] =	vst v16;
	vm10 =	veq.s32 v54, v0;
	v4 =	vadd.f32 v3, v4  }
0xb0: {  	v58 =	vld [tilespmem:$0xF800];
	[tilespmem:$0xFB10] =	vst v17;
	v57 =	vsel vm10, $0x3F800000, v1  }
0xb1: {  	[tilespmem:$0xFB20] =	vst v18;
	vm12 =	veq.s32 v56, v0;
	vm11 =	veq.s32 v55, v0;
	v4 =	vadd.f32 v57, v4  }
0xb2: {  	[tilespmem:$0xFB30] =	vst v19;
	v61 =	vsel vm12, $0x3F800000, v1;
	v59 =	vsel vm11, $0x3F800000, v1  }
0xb3: {  	[tilespmem:$0xFBF0] =	vst v61;
	v4 =	vadd.f32 v59, v4  }
0xb4: {  	v62 =	vld [tilespmem:$0xF820];
	[tilespmem:$0xFBD0] =	vst v57  }
0xb5: {  	vm13 =	veq.s32 v58, v0;
	[tilespmem:$0xFB90] =	vst v8;
	v4 =	vadd.f32 v61, v4  }
0xb6: {  	[tilespmem:$0xFBC0] =	vst v3;
	v3 =	vsel vm13, $0x3F800000, v1  }
0xb7: {  	[tilespmem:$0xFBE0] =	vst v59;
	v4 =	vadd.f32 v3, v4  }
0xb8: {  	[tilespmem:$0xFBA0] =	vst v10  }
0xb9: {  	vm15 =	veq.s32 v62, v0;
	[tilespmem:$0xFBB0] =	vst v11;
	v4 =	vadd.f32 v63, v4  }
0xba: {  	[tilespmem:$0xFC00] =	vst v3;
	v3 =	vsel vm15, $0x3F800000, v1  }
0xbb: {  	[tilespmem:$0xFC20] =	vst v3;
	v4 =	vadd.f32 v3, v4;
	v3 =	vimm.f32 @!p2 $0.0e+00  }
0xbc: {  	[tilespmem:$0xFD30] =	vst @!p2 v3  }
0xbd: {  	s18 =	simm.s32 @!p2 $0xFD30;
	[tilespmem:$0xFC30] =	vst v4  }
0xbe: {  	[spmem:s23] =	stream.linear.scatter @!p2 [tilespmem:s18], [sflag:$0x5], $0x80, $0x38;
	[tilespmem:$0x17DB0] =	vst v63  }
0xbf: {  	s18 =	simm.s32 @!p2 $0x5  }
0xc0: {  	_ =	swait.ge @!p2 [sflag:s18], $0x80  }
0xc1: {  	[sflag:s18] =	ssyncset.done @!p2 $0x0  }
0xc2: {  	s25 =	simm.s32 $0xFC30;
	[sflag:s18] =	ssyncadd.s32 @!p2 $0xFFFFFF80  }
0xc3: {  	s20 =	simm.s32 $0xFCB0;
	s18 =	simm.s32 $0x10;
	[bflag:$0x0] =	sbarrier.arrive $0xFFFF  }
0xc4: {  	[spmem:s23] =	stream.indirect.scatter.add.f32 [tilespmem:s25], [sflag:$0x5], $0x1, s20, s18, $0xb8;
	[tilespmem:$0x17DB0] =	vst v63  }
0xc5: {  	_ =	swait.ge [sflag:s19], $0x10  }
0xc6: {  	[sflag:s19] =	ssyncset.done $0x0  }
0xc7: {  	s25 =	simm.s32 $0xFDB0;
	s23 =	rddreg [dreg:$0xd];
	[sflag:s19] =	ssyncadd.s32 $0xFFFFFFF0  }
0xc8: {  	[tilespmem:s25], [sflag:$0x1] =	stream.linear.gather [hbm4b:s23+s9], $0x400, $0x38;
	[tilespmem:$0x17DB0] =	vst v63  }
0xc9: {  	s20 =	simm.s32 $0x101B0;
	s19 =	rddreg [dreg:$0xe]  }
0xca: {  	[tilespmem:s20], [sflag:$0x1] =	stream.linear.gather [hbm4b:s19+s9], $0x400, $0x38;
	[tilespmem:$0x17DB0] =	vst v63  }
0xcb: {  	s23 =	rddreg [dreg:$0xf];
	s25 =	simm.s32 $0x105B0  }
0xcc: {  	[tilespmem:s25], [sflag:$0x1] =	stream.linear.gather [hbm4b:s23+s9], $0x400, $0x38;
	[tilespmem:$0x17DB0] =	vst v63  }
0xcd: {  	s19 =	rddreg [dreg:$0x10];
	s20 =	simm.s32 $0x109B0  }
0xce: {  	[tilespmem:s20], [sflag:$0x1] =	stream.linear.gather [hbm4b:s19+s9], $0x400, $0x38;
	[tilespmem:$0x17DB0] =	vst v63  }
0xcf: {  	s23 =	rddreg [dreg:$0x11];
	s25 =	simm.s32 $0x10DB0  }
0xd0: {  	[tilespmem:s25], [sflag:$0x1] =	stream.linear.gather [hbm4b:s23+s9], $0x400, $0x38;
	[tilespmem:$0x17DB0] =	vst v63  }
0xd1: {  	s19 =	rddreg [dreg:$0x12];
	s20 =	simm.s32 $0x111B0  }
0xd2: {  	[tilespmem:s20], [sflag:$0x1] =	stream.linear.gather [hbm4b:s19+s9], $0x400, $0x38;
	[tilespmem:$0x17DB0] =	vst v63  }
0xd3: {  	s23 =	rddreg [dreg:$0x13]  }
0xd4: {  	[tilespmem:s28], [sflag:$0x1] =	stream.linear.gather [hbm4b:s23+s9], $0x400, $0x38;
	[tilespmem:$0x17DB0] =	vst v63  }
0xd5: {  	s25 =	rddreg [dreg:$0x14]  }
0xd6: {  	[tilespmem:s29], [sflag:$0x1] =	stream.linear.gather [hbm4b:s25+s9], $0x400, $0x38;
	[tilespmem:$0x17DB0] =	vst v63  }
0xd7: {  	s19 =	rddreg [dreg:$0x16];
	s20 =	simm.s32 $0x11DB0  }
0xd8: {  	[tilespmem:s20], [sflag:$0x2] =	stream.linear.gather [hbm4b:s19+s9], $0x400, $0x38;
	[tilespmem:$0x17DB0] =	vst v63  }
0xd9: {  	s23 =	rddreg [dreg:$0x17];
	s25 =	simm.s32 $0x121B0  }
0xda: {  	[tilespmem:s25], [sflag:$0x2] =	stream.linear.gather [hbm4b:s23+s9], $0x400, $0x38;
	[tilespmem:$0x17DB0] =	vst v63  }
0xdb: {  	s19 =	rddreg [dreg:$0x18];
	s20 =	simm.s32 $0x125B0  }
0xdc: {  	[tilespmem:s20], [sflag:$0x2] =	stream.linear.gather [hbm4b:s19+s9], $0x400, $0x38;
	[tilespmem:$0x17DB0] =	vst v63  }
0xdd: {  	s23 =	rddreg [dreg:$0x19];
	s25 =	simm.s32 $0x129B0  }
0xde: {  	[tilespmem:s25], [sflag:$0x2] =	stream.linear.gather [hbm4b:s23+s9], $0x400, $0x38;
	[tilespmem:$0x17DB0] =	vst v63  }
0xdf: {  	s19 =	rddreg [dreg:$0x1a];
	s20 =	simm.s32 $0x12DB0  }
0xe0: {  	[tilespmem:s20], [sflag:$0x2] =	stream.linear.gather [hbm4b:s19+s9], $0x400, $0x38;
	[tilespmem:$0x17DB0] =	vst v63  }
0xe1: {  	s23 =	rddreg [dreg:$0x1b];
	s25 =	simm.s32 $0x131B0  }
0xe2: {  	[tilespmem:s25], [sflag:$0x2] =	stream.linear.gather [hbm4b:s23+s9], $0x400, $0x38;
	[tilespmem:$0x17DB0] =	vst v63  }
0xe3: {  	s19 =	rddreg [dreg:$0x1c];
	s20 =	simm.s32 $0x135B0  }
0xe4: {  	[tilespmem:s20], [sflag:$0x2] =	stream.linear.gather [hbm4b:s19+s9], $0x400, $0x38;
	[tilespmem:$0x17DB0] =	vst v63  }
0xe5: {  	s18 =	simm.s32 $0x0;
	s23 =	rddreg [dreg:$0x1d];
	s25 =	simm.s32 $0x139B0  }
0xe6: {  	[tilespmem:s25], [sflag:$0x2] =	stream.linear.gather [hbm4b:s23+s9], $0x400, $0x38;
	[tilespmem:$0x17DB0] =	vst v63  }
.LBB2_2:
0xe7: {  	_ =	swait.ge [sflag:s30], $0x400  }
0xe8: {  	[sflag:s30] =	ssyncset.done $0x0  }
0xe9: {  	[sflag:s30] =	ssyncadd.s32 $0xFFFFFC00  }
0xea: {  	_ =	swait.ge [sflag:s30], $0x400  }
0xeb: {  	[sflag:s30] =	ssyncset.done $0x0  }
0xec: {  	[sflag:s30] =	ssyncadd.s32 $0xFFFFFC00  }
0xed: {  	_ =	swait.ge [sflag:s30], $0x400  }
0xee: {  	[sflag:s30] =	ssyncset.done $0x0  }
0xef: {  	[sflag:s30] =	ssyncadd.s32 $0xFFFFFC00  }
0xf0: {  	_ =	swait.ge [sflag:s30], $0x400  }
0xf1: {  	[sflag:s30] =	ssyncset.done $0x0  }
0xf2: {  	[sflag:s30] =	ssyncadd.s32 $0xFFFFFC00  }
0xf3: {  	_ =	swait.ge [sflag:s30], $0x400  }
0xf4: {  	[sflag:s30] =	ssyncset.done $0x0  }
0xf5: {  	[sflag:s30] =	ssyncadd.s32 $0xFFFFFC00  }
0xf6: {  	_ =	swait.ge [sflag:s30], $0x400  }
0xf7: {  	[sflag:s30] =	ssyncset.done $0x0  }
0xf8: {  	[sflag:s30] =	ssyncadd.s32 $0xFFFFFC00  }
0xf9: {  	_ =	swait.ge [sflag:s30], $0x400  }
0xfa: {  	[sflag:s30] =	ssyncset.done $0x0  }
0xfb: {  	[sflag:s30] =	ssyncadd.s32 $0xFFFFFC00  }
0xfc: {  	_ =	swait.ge [sflag:s30], $0x400  }
0xfd: {  	p5 =	seq.s32 s18, $0x0;
	[sflag:s30] =	ssyncset.done $0x0  }
0xfe: {  	s19 =	simm.s32 @!p5 $0x3;
	[sflag:s30] =	ssyncadd.s32 $0xFFFFFC00  }
0xff: {  	_ =	swait.ge @!p5 [sflag:s19], $0x400  }
0x100: {  	[sflag:s19] =	ssyncset.done @!p5 $0x0  }
0x101: {  	[sflag:s19] =	ssyncadd.s32 @!p5 $0xFFFFFC00  }
0x102: {  	_ =	swait.ge @!p5 [sflag:s19], $0x400  }
0x103: {  	[sflag:s19] =	ssyncset.done @!p5 $0x0  }
0x104: {  	[sflag:s19] =	ssyncadd.s32 @!p5 $0xFFFFFC00  }
0x105: {  	_ =	swait.ge @!p5 [sflag:s19], $0x400  }
0x106: {  	[sflag:s19] =	ssyncset.done @!p5 $0x0  }
0x107: {  	[sflag:s19] =	ssyncadd.s32 @!p5 $0xFFFFFC00  }
0x108: {  	_ =	swait.ge @!p5 [sflag:s19], $0x400  }
0x109: {  	[sflag:s19] =	ssyncset.done @!p5 $0x0  }
0x10a: {  	[sflag:s19] =	ssyncadd.s32 @!p5 $0xFFFFFC00  }
0x10b: {  	_ =	swait.ge @!p5 [sflag:s19], $0x400  }
0x10c: {  	[sflag:s19] =	ssyncset.done @!p5 $0x0  }
0x10d: {  	[sflag:s19] =	ssyncadd.s32 @!p5 $0xFFFFFC00  }
0x10e: {  	_ =	swait.ge @!p5 [sflag:s19], $0x400  }
0x10f: {  	[sflag:s19] =	ssyncset.done @!p5 $0x0  }
0x110: {  	[sflag:s19] =	ssyncadd.s32 @!p5 $0xFFFFFC00  }
0x111: {  	_ =	swait.ge @!p5 [sflag:s19], $0x400  }
0x112: {  	[sflag:s19] =	ssyncset.done @!p5 $0x0  }
0x113: {  	[sflag:s19] =	ssyncadd.s32 @!p5 $0xFFFFFC00  }
0x114: {  	_ =	swait.ge @!p5 [sflag:s19], $0x400  }
0x115: {  	[sflag:s19] =	ssyncset.done @!p5 $0x0  }
0x116: {  	[sflag:s19] =	ssyncadd.s32 @!p5 $0xFFFFFC00;
	s19 =	simm.s32 $0x0  }
0x117: {  	v3 =	vld [tilespmem:s19+$0x11D30]  }
0x118: {  	v4 =	vld [tilespmem:s19+$0xFDB0]  }
0x119: {  	v5 =	vld [tilespmem:s19+$0x101B0]  }
0x11a: {  	v6 =	vld [tilespmem:s19+$0x105B0]  }
0x11b: {  	v7 =	vld [tilespmem:s19+$0x109B0]  }
0x11c: {  	v8 =	vld [tilespmem:s19+$0x10DB0];
	[tilespmem:s19+$0x15D30] =	vst v3  }
0x11d: {  	v9 =	vld [tilespmem:s19+$0x10130];
	[tilespmem:s19+$0x13DB0] =	vst v4  }
0x11e: {  	v10 =	vld [tilespmem:s19+$0x10530];
	[tilespmem:s19+$0x13E30] =	vst v5  }
0x11f: {  	v3 =	vld [tilespmem:s19+$0x111B0];
	[tilespmem:s19+$0x13EB0] =	vst v6  }
0x120: {  	v4 =	vld [tilespmem:s19+$0x115B0];
	[tilespmem:s19+$0x13F30] =	vst v7  }
0x121: {  	v5 =	vld [tilespmem:s19+$0x119B0];
	[tilespmem:s19+$0x13FB0] =	vst v8  }
0x122: {  	v6 =	vld [tilespmem:s19+$0xFE30];
	[tilespmem:s19+$0x159B0] =	vst v9  }
0x123: {  	v7 =	vld [tilespmem:s19+$0x10230];
	[tilespmem:s19+$0x15A30] =	vst v10  }
0x124: {  	v8 =	vld [tilespmem:s19+$0x11CB0];
	[tilespmem:s19+$0x14030] =	vst v3  }
0x125: {  	v3 =	vld [tilespmem:s19+$0x10630];
	[tilespmem:s19+$0x140B0] =	vst v4  }
0x126: {  	v4 =	vld [tilespmem:s19+$0x10A30];
	[tilespmem:s19+$0x14130] =	vst v5  }
0x127: {  	v5 =	vld [tilespmem:s19+$0x10E30];
	[tilespmem:s19+$0x141B0] =	vst v6  }
0x128: {  	v6 =	vld [tilespmem:s19+$0x11230];
	[tilespmem:s19+$0x14230] =	vst v7  }
0x129: {  	v7 =	vld [tilespmem:s19+$0x11630];
	[tilespmem:s19+$0x15930] =	vst v8  }
0x12a: {  	[tilespmem:s19+$0x142B0] =	vst v3;
	v3 =	vld [tilespmem:s19+$0x11A30]  }
0x12b: {  	[tilespmem:s19+$0x14330] =	vst v4;
	v4 =	vld [tilespmem:s19+$0xFEB0]  }
0x12c: {  	[tilespmem:s19+$0x143B0] =	vst v5;
	v5 =	vld [tilespmem:s19+$0x102B0]  }
0x12d: {  	[tilespmem:s19+$0x14430] =	vst v6;
	v6 =	vld [tilespmem:s19+$0x106B0]  }
0x12e: {  	[tilespmem:s19+$0x144B0] =	vst v7;
	v7 =	vld [tilespmem:s19+$0x10AB0]  }
0x12f: {  	[tilespmem:s19+$0x14530] =	vst v3;
	v3 =	vld [tilespmem:s19+$0x10EB0]  }
0x130: {  	[tilespmem:s19+$0x145B0] =	vst v4;
	v4 =	vld [tilespmem:s19+$0x112B0]  }
0x131: {  	[tilespmem:s19+$0x14630] =	vst v5;
	v5 =	vld [tilespmem:s19+$0x116B0]  }
0x132: {  	[tilespmem:s19+$0x146B0] =	vst v6;
	v6 =	vld [tilespmem:s19+$0x11AB0]  }
0x133: {  	[tilespmem:s19+$0x14730] =	vst v7;
	v7 =	vld [tilespmem:s19+$0xFF30]  }
0x134: {  	[tilespmem:s19+$0x147B0] =	vst v3;
	v3 =	vld [tilespmem:s19+$0x10330]  }
0x135: {  	[tilespmem:s19+$0x14830] =	vst v4;
	v4 =	vld [tilespmem:s19+$0x10730]  }
0x136: {  	[tilespmem:s19+$0x148B0] =	vst v5;
	v5 =	vld [tilespmem:s19+$0x10B30]  }
0x137: {  	[tilespmem:s19+$0x14930] =	vst v6;
	v6 =	vld [tilespmem:s19+$0x10F30]  }
0x138: {  	[tilespmem:s19+$0x149B0] =	vst v7;
	v7 =	vld [tilespmem:s19+$0x11330]  }
0x139: {  	[tilespmem:s19+$0x14A30] =	vst v3;
	v3 =	vld [tilespmem:s19+$0x11730]  }
0x13a: {  	[tilespmem:s19+$0x14AB0] =	vst v4;
	v4 =	vld [tilespmem:s19+$0x11B30]  }
0x13b: {  	[tilespmem:s19+$0x14B30] =	vst v5;
	v5 =	vld [tilespmem:s19+$0xFFB0]  }
0x13c: {  	[tilespmem:s19+$0x14BB0] =	vst v6;
	v6 =	vld [tilespmem:s19+$0x103B0]  }
0x13d: {  	[tilespmem:s19+$0x14C30] =	vst v7;
	v7 =	vld [tilespmem:s19+$0x107B0]  }
0x13e: {  	[tilespmem:s19+$0x14CB0] =	vst v3;
	v3 =	vld [tilespmem:s19+$0x10BB0]  }
0x13f: {  	[tilespmem:s19+$0x14D30] =	vst v4;
	v4 =	vld [tilespmem:s19+$0x10FB0]  }
0x140: {  	[tilespmem:s19+$0x14DB0] =	vst v5;
	v5 =	vld [tilespmem:s19+$0x113B0]  }
0x141: {  	[tilespmem:s19+$0x14E30] =	vst v6;
	v6 =	vld [tilespmem:s19+$0x117B0]  }
0x142: {  	[tilespmem:s19+$0x14EB0] =	vst v7;
	v7 =	vld [tilespmem:s19+$0x11BB0]  }
0x143: {  	[tilespmem:s19+$0x14F30] =	vst v3;
	v3 =	vld [tilespmem:s19+$0x10030]  }
0x144: {  	[tilespmem:s19+$0x14FB0] =	vst v4;
	v4 =	vld [tilespmem:s19+$0x10430]  }
0x145: {  	[tilespmem:s19+$0x15030] =	vst v5;
	v5 =	vld [tilespmem:s19+$0x10830]  }
0x146: {  	[tilespmem:s19+$0x150B0] =	vst v6;
	v6 =	vld [tilespmem:s19+$0x10C30]  }
0x147: {  	[tilespmem:s19+$0x15130] =	vst v7;
	v7 =	vld [tilespmem:s19+$0x11030]  }
0x148: {  	[tilespmem:s19+$0x151B0] =	vst v3;
	v3 =	vld [tilespmem:s19+$0x11430]  }
0x149: {  	[tilespmem:s19+$0x15230] =	vst v4;
	v4 =	vld [tilespmem:s19+$0x11830]  }
0x14a: {  	[tilespmem:s19+$0x152B0] =	vst v5;
	v5 =	vld [tilespmem:s19+$0x11C30]  }
0x14b: {  	[tilespmem:s19+$0x15330] =	vst v6;
	v6 =	vld [tilespmem:s19+$0x100B0]  }
0x14c: {  	[tilespmem:s19+$0x153B0] =	vst v7;
	v7 =	vld [tilespmem:s19+$0x104B0]  }
0x14d: {  	[tilespmem:s19+$0x15430] =	vst v3;
	v3 =	vld [tilespmem:s19+$0x108B0]  }
0x14e: {  	[tilespmem:s19+$0x154B0] =	vst v4;
	v4 =	vld [tilespmem:s19+$0x10CB0]  }
0x14f: {  	[tilespmem:s19+$0x15530] =	vst v5;
	v5 =	vld [tilespmem:s19+$0x110B0]  }
0x150: {  	[tilespmem:s19+$0x155B0] =	vst v6;
	v6 =	vld [tilespmem:s19+$0x114B0]  }
0x151: {  	[tilespmem:s19+$0x15630] =	vst v7;
	v7 =	vld [tilespmem:s19+$0x118B0]  }
0x152: {  	[tilespmem:s19+$0x156B0] =	vst v3;
	v3 =	vld [tilespmem:s19+$0x10930]  }
0x153: {  	[tilespmem:s19+$0x15730] =	vst v4;
	v4 =	vld [tilespmem:s19+$0x10D30]  }
0x154: {  	[tilespmem:s19+$0x157B0] =	vst v5;
	v5 =	vld [tilespmem:s19+$0x11130]  }
0x155: {  	[tilespmem:s19+$0x15830] =	vst v6;
	v6 =	vld [tilespmem:s19+$0x11530]  }
0x156: {  	s23 =	simm.s32 $0x10;
	s20 =	simm.s32 $0x80;
	[tilespmem:s19+$0x158B0] =	vst v7;
	v7 =	vld [tilespmem:s19+$0x11930]  }
.LBB2_3:
0x157: {  	p6 =	sne.s32 s20, $0x1C0;
	v8 =	vld [tilespmem:s23+$0x11D30];
	[tilespmem:s19+$0x15AB0] =	vst v3  }
0x158: {  	v3 =	vld [tilespmem:s23+$0xFDB0];
	[tilespmem:s19+$0x15B30] =	vst v4  }
0x159: {  	v4 =	vld [tilespmem:s23+$0x101B0];
	[tilespmem:s19+$0x15BB0] =	vst v5  }
0x15a: {  	v5 =	vld [tilespmem:s23+$0x105B0];
	[tilespmem:s19+$0x15C30] =	vst v6  }
0x15b: {  	v6 =	vld [tilespmem:s23+$0x109B0];
	[tilespmem:s19+$0x15CB0] =	vst v7;
	s19 =	smov.u32 s23  }
0x15c: {  	v7 =	vld [tilespmem:s19+$0x10DB0];
	[tilespmem:s19+$0x15D30] =	vst v8  }
0x15d: {  	[tilespmem:s19+$0x13DB0] =	vst v3;
	v3 =	vld [tilespmem:s19+$0x111B0]  }
0x15e: {  	[tilespmem:s19+$0x13E30] =	vst v4;
	v4 =	vld [tilespmem:s19+$0x115B0]  }
0x15f: {  	[tilespmem:s19+$0x13EB0] =	vst v5;
	v5 =	vld [tilespmem:s19+$0x119B0]  }
0x160: {  	[tilespmem:s19+$0x13F30] =	vst v6;
	v6 =	vld [tilespmem:s19+$0xFE30]  }
0x161: {  	[tilespmem:s19+$0x13FB0] =	vst v7;
	v7 =	vld [tilespmem:s19+$0x10230]  }
0x162: {  	[tilespmem:s19+$0x14030] =	vst v3;
	v3 =	vld [tilespmem:s19+$0x10630]  }
0x163: {  	[tilespmem:s19+$0x140B0] =	vst v4;
	v4 =	vld [tilespmem:s19+$0x10A30]  }
0x164: {  	[tilespmem:s19+$0x14130] =	vst v5;
	v5 =	vld [tilespmem:s19+$0x10E30]  }
0x165: {  	[tilespmem:s19+$0x141B0] =	vst v6;
	v6 =	vld [tilespmem:s19+$0x11230]  }
0x166: {  	[tilespmem:s19+$0x14230] =	vst v7;
	v7 =	vld [tilespmem:s19+$0x11630]  }
0x167: {  	[tilespmem:s19+$0x142B0] =	vst v3;
	v3 =	vld [tilespmem:s19+$0x11A30]  }
0x168: {  	[tilespmem:s19+$0x14330] =	vst v4;
	v4 =	vld [tilespmem:s19+$0xFEB0]  }
0x169: {  	[tilespmem:s19+$0x143B0] =	vst v5;
	v5 =	vld [tilespmem:s19+$0x102B0]  }
0x16a: {  	[tilespmem:s19+$0x14430] =	vst v6;
	v6 =	vld [tilespmem:s19+$0x106B0]  }
0x16b: {  	[tilespmem:s19+$0x144B0] =	vst v7;
	v7 =	vld [tilespmem:s19+$0x10AB0]  }
0x16c: {  	[tilespmem:s19+$0x14530] =	vst v3;
	v3 =	vld [tilespmem:s19+$0x10EB0]  }
0x16d: {  	[tilespmem:s19+$0x145B0] =	vst v4;
	v4 =	vld [tilespmem:s19+$0x112B0]  }
0x16e: {  	[tilespmem:s19+$0x14630] =	vst v5;
	v5 =	vld [tilespmem:s19+$0x116B0]  }
0x16f: {  	[tilespmem:s19+$0x146B0] =	vst v6;
	v6 =	vld [tilespmem:s19+$0x11AB0]  }
0x170: {  	[tilespmem:s19+$0x14730] =	vst v7;
	v7 =	vld [tilespmem:s19+$0xFF30]  }
0x171: {  	[tilespmem:s19+$0x147B0] =	vst v3;
	v3 =	vld [tilespmem:s19+$0x10330]  }
0x172: {  	[tilespmem:s19+$0x14830] =	vst v4;
	v4 =	vld [tilespmem:s19+$0x10730]  }
0x173: {  	[tilespmem:s19+$0x148B0] =	vst v5;
	v5 =	vld [tilespmem:s19+$0x10B30]  }
0x174: {  	[tilespmem:s19+$0x14930] =	vst v6;
	v6 =	vld [tilespmem:s19+$0x10F30]  }
0x175: {  	[tilespmem:s19+$0x149B0] =	vst v7;
	v7 =	vld [tilespmem:s19+$0x11330]  }
0x176: {  	[tilespmem:s19+$0x14A30] =	vst v3;
	v3 =	vld [tilespmem:s19+$0x11730]  }
0x177: {  	[tilespmem:s19+$0x14AB0] =	vst v4;
	v4 =	vld [tilespmem:s19+$0x11B30]  }
0x178: {  	[tilespmem:s19+$0x14B30] =	vst v5;
	v5 =	vld [tilespmem:s19+$0xFFB0]  }
0x179: {  	[tilespmem:s19+$0x14BB0] =	vst v6;
	v6 =	vld [tilespmem:s19+$0x103B0]  }
0x17a: {  	[tilespmem:s19+$0x14C30] =	vst v7;
	v7 =	vld [tilespmem:s19+$0x107B0]  }
0x17b: {  	[tilespmem:s19+$0x14CB0] =	vst v3;
	v3 =	vld [tilespmem:s19+$0x10BB0]  }
0x17c: {  	[tilespmem:s19+$0x14D30] =	vst v4;
	v4 =	vld [tilespmem:s19+$0x10FB0]  }
0x17d: {  	[tilespmem:s19+$0x14DB0] =	vst v5;
	v5 =	vld [tilespmem:s19+$0x113B0]  }
0x17e: {  	[tilespmem:s19+$0x14E30] =	vst v6;
	v6 =	vld [tilespmem:s19+$0x117B0]  }
0x17f: {  	[tilespmem:s19+$0x14EB0] =	vst v7;
	v7 =	vld [tilespmem:s19+$0x11BB0]  }
0x180: {  	[tilespmem:s19+$0x14F30] =	vst v3;
	v3 =	vld [tilespmem:s19+$0x10030]  }
0x181: {  	[tilespmem:s19+$0x14FB0] =	vst v4;
	v4 =	vld [tilespmem:s19+$0x10430]  }
0x182: {  	[tilespmem:s19+$0x15030] =	vst v5;
	v5 =	vld [tilespmem:s19+$0x10830]  }
0x183: {  	[tilespmem:s19+$0x150B0] =	vst v6;
	v6 =	vld [tilespmem:s19+$0x10C30]  }
0x184: {  	[tilespmem:s19+$0x15130] =	vst v7;
	v7 =	vld [tilespmem:s19+$0x11030]  }
0x185: {  	[tilespmem:s19+$0x151B0] =	vst v3;
	v3 =	vld [tilespmem:s19+$0x11430]  }
0x186: {  	[tilespmem:s19+$0x15230] =	vst v4;
	v4 =	vld [tilespmem:s19+$0x11830]  }
0x187: {  	[tilespmem:s19+$0x152B0] =	vst v5;
	v5 =	vld [tilespmem:s19+$0x11C30]  }
0x188: {  	[tilespmem:s19+$0x15330] =	vst v6;
	v6 =	vld [tilespmem:s19+$0x100B0]  }
0x189: {  	[tilespmem:s19+$0x153B0] =	vst v7;
	v7 =	vld [tilespmem:s19+$0x104B0]  }
0x18a: {  	[tilespmem:s19+$0x15430] =	vst v3;
	v3 =	vld [tilespmem:s19+$0x108B0]  }
0x18b: {  	[tilespmem:s19+$0x154B0] =	vst v4;
	v4 =	vld [tilespmem:s19+$0x10CB0]  }
0x18c: {  	[tilespmem:s19+$0x15530] =	vst v5;
	v5 =	vld [tilespmem:s19+$0x110B0]  }
0x18d: {  	[tilespmem:s19+$0x155B0] =	vst v6;
	v6 =	vld [tilespmem:s19+$0x114B0]  }
0x18e: {  	[tilespmem:s19+$0x15630] =	vst v7;
	v7 =	vld [tilespmem:s19+$0x118B0]  }
0x18f: {  	[tilespmem:s19+$0x156B0] =	vst v3;
	v8 =	vld [tilespmem:s19+$0x11CB0]  }
0x190: {  	[tilespmem:s19+$0x15730] =	vst v4;
	v9 =	vld [tilespmem:s19+$0x10130]  }
0x191: {  	[tilespmem:s19+$0x157B0] =	vst v5;
	v10 =	vld [tilespmem:s19+$0x10530]  }
.Ltmp0:
0x192: {  	[tilespmem:s19+$0x15830] =	vst v6;
	v3 =	vld [tilespmem:s19+$0x10930];
	(pc) =	sbr.rel @p6 .LBB2_3-.Ltmp0, $4  }
0x193: {  	[tilespmem:s19+$0x158B0] =	vst v7;
	v4 =	vld [tilespmem:s19+$0x10D30]  }
0x194: {  	[tilespmem:s19+$0x15930] =	vst v8;
	v5 =	vld [tilespmem:s19+$0x11130]  }
0x195: {  	[tilespmem:s19+$0x159B0] =	vst v9;
	v6 =	vld [tilespmem:s19+$0x11530]  }
0x196: {  	s23 =	sshra.s32 s20, $0x2;
	s20 =	sadd.s32 $0x40, s20;
	[tilespmem:s19+$0x15A30] =	vst v10;
	v7 =	vld [tilespmem:s19+$0x11930]  }
0x197: {  	v8 =	vld [tilespmem:s23+$0x11D30];
	[tilespmem:s19+$0x15AB0] =	vst v3  }
0x198: {  	v3 =	vld [tilespmem:s23+$0xFDB0];
	[tilespmem:s19+$0x15B30] =	vst v4  }
0x199: {  	v4 =	vld [tilespmem:s23+$0x101B0];
	[tilespmem:s19+$0x15BB0] =	vst v5  }
0x19a: {  	v5 =	vld [tilespmem:s23+$0x105B0];
	[tilespmem:s19+$0x15C30] =	vst v6  }
0x19b: {  	v6 =	vld [tilespmem:s23+$0x109B0];
	[tilespmem:s19+$0x15CB0] =	vst v7  }
0x19c: {  	v7 =	vld [tilespmem:s23+$0x10DB0];
	[tilespmem:s23+$0x15D30] =	vst v8  }
0x19d: {  	[tilespmem:s23+$0x13DB0] =	vst v3;
	v3 =	vld [tilespmem:s23+$0x111B0]  }
0x19e: {  	[tilespmem:s23+$0x13E30] =	vst v4;
	v4 =	vld [tilespmem:s23+$0x115B0]  }
0x19f: {  	[tilespmem:s23+$0x13EB0] =	vst v5;
	v5 =	vld [tilespmem:s23+$0x119B0]  }
0x1a0: {  	[tilespmem:s23+$0x13F30] =	vst v6;
	v6 =	vld [tilespmem:s23+$0xFE30]  }
0x1a1: {  	[tilespmem:s23+$0x13FB0] =	vst v7;
	v7 =	vld [tilespmem:s23+$0x10230]  }
0x1a2: {  	[tilespmem:s23+$0x14030] =	vst v3;
	v3 =	vld [tilespmem:s23+$0x10630]  }
0x1a3: {  	[tilespmem:s23+$0x140B0] =	vst v4;
	v4 =	vld [tilespmem:s23+$0x10A30]  }
0x1a4: {  	[tilespmem:s23+$0x14130] =	vst v5;
	v5 =	vld [tilespmem:s23+$0x10E30]  }
0x1a5: {  	[tilespmem:s23+$0x141B0] =	vst v6;
	v6 =	vld [tilespmem:s23+$0x11230]  }
0x1a6: {  	[tilespmem:s23+$0x14230] =	vst v7;
	v7 =	vld [tilespmem:s23+$0x11630]  }
0x1a7: {  	[tilespmem:s23+$0x142B0] =	vst v3;
	v3 =	vld [tilespmem:s23+$0x11A30]  }
0x1a8: {  	[tilespmem:s23+$0x14330] =	vst v4;
	v4 =	vld [tilespmem:s23+$0xFEB0]  }
0x1a9: {  	[tilespmem:s23+$0x143B0] =	vst v5;
	v5 =	vld [tilespmem:s23+$0x102B0]  }
0x1aa: {  	[tilespmem:s23+$0x14430] =	vst v6;
	v6 =	vld [tilespmem:s23+$0x106B0]  }
0x1ab: {  	[tilespmem:s23+$0x144B0] =	vst v7;
	v7 =	vld [tilespmem:s23+$0x10AB0]  }
0x1ac: {  	[tilespmem:s23+$0x14530] =	vst v3;
	v3 =	vld [tilespmem:s23+$0x10EB0]  }
0x1ad: {  	[tilespmem:s23+$0x145B0] =	vst v4;
	v4 =	vld [tilespmem:s23+$0x112B0]  }
0x1ae: {  	[tilespmem:s23+$0x14630] =	vst v5;
	v5 =	vld [tilespmem:s23+$0x116B0]  }
0x1af: {  	[tilespmem:s23+$0x146B0] =	vst v6;
	v6 =	vld [tilespmem:s23+$0x11AB0]  }
0x1b0: {  	[tilespmem:s23+$0x14730] =	vst v7;
	v7 =	vld [tilespmem:s23+$0xFF30]  }
0x1b1: {  	[tilespmem:s23+$0x147B0] =	vst v3;
	v3 =	vld [tilespmem:s23+$0x10330]  }
0x1b2: {  	[tilespmem:s23+$0x14830] =	vst v4;
	v4 =	vld [tilespmem:s23+$0x10730]  }
0x1b3: {  	[tilespmem:s23+$0x148B0] =	vst v5;
	v5 =	vld [tilespmem:s23+$0x10B30]  }
0x1b4: {  	[tilespmem:s23+$0x14930] =	vst v6;
	v6 =	vld [tilespmem:s23+$0x10F30]  }
0x1b5: {  	[tilespmem:s23+$0x149B0] =	vst v7;
	v7 =	vld [tilespmem:s23+$0x11330]  }
0x1b6: {  	[tilespmem:s23+$0x14A30] =	vst v3;
	v3 =	vld [tilespmem:s23+$0x11730]  }
0x1b7: {  	[tilespmem:s23+$0x14AB0] =	vst v4;
	v4 =	vld [tilespmem:s23+$0x11B30]  }
0x1b8: {  	[tilespmem:s23+$0x14B30] =	vst v5;
	v5 =	vld [tilespmem:s23+$0xFFB0]  }
0x1b9: {  	[tilespmem:s23+$0x14BB0] =	vst v6;
	v6 =	vld [tilespmem:s23+$0x103B0]  }
0x1ba: {  	[tilespmem:s23+$0x14C30] =	vst v7;
	v7 =	vld [tilespmem:s23+$0x107B0]  }
0x1bb: {  	[tilespmem:s23+$0x14CB0] =	vst v3;
	v3 =	vld [tilespmem:s23+$0x10BB0]  }
0x1bc: {  	[tilespmem:s23+$0x14D30] =	vst v4;
	v4 =	vld [tilespmem:s23+$0x10FB0]  }
0x1bd: {  	[tilespmem:s23+$0x14DB0] =	vst v5;
	v5 =	vld [tilespmem:s23+$0x113B0]  }
0x1be: {  	[tilespmem:s23+$0x14E30] =	vst v6;
	v6 =	vld [tilespmem:s23+$0x117B0]  }
0x1bf: {  	[tilespmem:s23+$0x14EB0] =	vst v7;
	v7 =	vld [tilespmem:s23+$0x11BB0]  }
0x1c0: {  	[tilespmem:s23+$0x14F30] =	vst v3;
	v3 =	vld [tilespmem:s23+$0x10030]  }
0x1c1: {  	[tilespmem:s23+$0x14FB0] =	vst v4;
	v4 =	vld [tilespmem:s23+$0x10430]  }
0x1c2: {  	[tilespmem:s23+$0x15030] =	vst v5;
	v5 =	vld [tilespmem:s23+$0x10830]  }
0x1c3: {  	[tilespmem:s23+$0x150B0] =	vst v6;
	v6 =	vld [tilespmem:s23+$0x10C30]  }
0x1c4: {  	[tilespmem:s23+$0x15130] =	vst v7;
	v7 =	vld [tilespmem:s23+$0x11030]  }
0x1c5: {  	[tilespmem:s23+$0x151B0] =	vst v3;
	v3 =	vld [tilespmem:s23+$0x11430]  }
0x1c6: {  	[tilespmem:s23+$0x15230] =	vst v4;
	v4 =	vld [tilespmem:s23+$0x11830]  }
0x1c7: {  	[tilespmem:s23+$0x152B0] =	vst v5;
	v5 =	vld [tilespmem:s23+$0x11C30]  }
0x1c8: {  	[tilespmem:s23+$0x15330] =	vst v6;
	v6 =	vld [tilespmem:s23+$0x100B0]  }
0x1c9: {  	[tilespmem:s23+$0x153B0] =	vst v7;
	v7 =	vld [tilespmem:s23+$0x104B0]  }
0x1ca: {  	[tilespmem:s23+$0x15430] =	vst v3;
	v3 =	vld [tilespmem:s23+$0x108B0]  }
0x1cb: {  	[tilespmem:s23+$0x154B0] =	vst v4;
	v4 =	vld [tilespmem:s23+$0x10CB0]  }
0x1cc: {  	[tilespmem:s23+$0x15530] =	vst v5;
	v5 =	vld [tilespmem:s23+$0x110B0]  }
0x1cd: {  	[tilespmem:s23+$0x155B0] =	vst v6;
	v6 =	vld [tilespmem:s23+$0x114B0]  }
0x1ce: {  	[tilespmem:s23+$0x15630] =	vst v7;
	v7 =	vld [tilespmem:s23+$0x118B0]  }
0x1cf: {  	[tilespmem:s23+$0x156B0] =	vst v3;
	v3 =	vld [tilespmem:s23+$0x11CB0]  }
0x1d0: {  	[tilespmem:s23+$0x15730] =	vst v4;
	v4 =	vld [tilespmem:s23+$0x10130]  }
0x1d1: {  	[tilespmem:s23+$0x157B0] =	vst v5;
	v5 =	vld [tilespmem:s23+$0x10530]  }
0x1d2: {  	[tilespmem:s23+$0x15830] =	vst v6;
	v6 =	vld [tilespmem:s23+$0x10930]  }
0x1d3: {  	[tilespmem:s23+$0x158B0] =	vst v7;
	v7 =	vld [tilespmem:s23+$0x10D30]  }
0x1d4: {  	[tilespmem:s23+$0x15930] =	vst v3;
	v3 =	vld [tilespmem:s23+$0x11130]  }
0x1d5: {  	[tilespmem:s23+$0x159B0] =	vst v4;
	v4 =	vld [tilespmem:s23+$0x11530]  }
0x1d6: {  	[tilespmem:s23+$0x15A30] =	vst v5;
	v5 =	vld [tilespmem:s23+$0x11930]  }
0x1d7: {  	[tilespmem:s23+$0x15AB0] =	vst v6  }
0x1d8: {  	[tilespmem:s23+$0x15B30] =	vst v7  }
0x1d9: {  	[tilespmem:s23+$0x15BB0] =	vst v3  }
0x1da: {  	[tilespmem:s23+$0x15C30] =	vst v4  }
0x1db: {  	[tilespmem:s23+$0x15CB0] =	vst v5  }
0x1dc: {  	[spmem:s7] =	stream.indirect.scatter.add.f32 [tilespmem:s1], [sflag:$0x3], $0x1, s3, s31, $0xb8;
	[tilespmem:$0x17DB0] =	vst v63  }
0x1dd: {  	_ = 	snop  }
0x1de: {  	[spmem:s7] =	stream.indirect.scatter.add.f32 [tilespmem:s1], [sflag:$0x3], $0x1, s2, s31, $0xb8;
	[tilespmem:$0x17DB0] =	vst v63  }
0x1df: {  	_ = 	snop  }
0x1e0: {  	[spmem:s7] =	stream.indirect.scatter.add.f32 [tilespmem:s1], [sflag:$0x3], $0x1, s4, s31, $0xb8;
	[tilespmem:$0x17DB0] =	vst v63  }
0x1e1: {  	_ = 	snop  }
0x1e2: {  	[spmem:s7] =	stream.indirect.scatter.add.f32 [tilespmem:s1], [sflag:$0x3], $0x1, s5, s31, $0xb8;
	[tilespmem:$0x17DB0] =	vst v63  }
0x1e3: {  	s19 =	sshll.u32 s18, $0x12  }
0x1e4: {  	[spmem:s7] =	stream.indirect.scatter.add.f32 [tilespmem:s1], [sflag:$0x3], $0x1, s6, s31, $0xb8;
	[tilespmem:$0x17DB0] =	vst v63  }
0x1e5: {  	s20 =	sadd.s32 $0x40000, s19  }
0x1e6: {  	[spmem:s7] =	stream.indirect.scatter.add.f32 [tilespmem:s1], [sflag:$0x3], $0x1, s10, s31, $0xb8;
	[tilespmem:$0x17DB0] =	vst v63  }
0x1e7: {  	s25 =	sor.u32 s13, s20  }
0x1e8: {  	[spmem:s7] =	stream.indirect.scatter.add.f32 [tilespmem:s1], [sflag:$0x3], $0x1, s14, s31, $0xb8;
	[tilespmem:$0x17DB0] =	vst v63  }
0x1e9: {  	s23 =	sshrl.u32 s25, $0x3  }
0x1ea: {  	[spmem:s7] =	stream.indirect.scatter.add.f32 [tilespmem:s1], [sflag:$0x3], $0x1, s8, s31, $0xb8;
	[tilespmem:$0x17DB0] =	vst v63  }
0x1eb: {  	s25 =	simm.s32 $0xFDB0;
	s23 =	sadd.s32 s0, s23  }
0x1ec: {  	[tilespmem:s25], [sflag:$0x1] =	stream.linear.gather [hbm4b:s23+s9], $0x400, $0x38;
	[tilespmem:$0x17DB0] =	vst v63  }
0x1ed: {  	s25 =	sor.u32 s15, s20  }
0x1ee: {  	s23 =	sshrl.u32 s25, $0x3  }
0x1ef: {  	s25 =	simm.s32 $0x101B0;
	s23 =	sadd.s32 s0, s23  }
0x1f0: {  	[tilespmem:s25], [sflag:$0x1] =	stream.linear.gather [hbm4b:s23+s9], $0x400, $0x38;
	[tilespmem:$0x17DB0] =	vst v63  }
0x1f1: {  	s25 =	sor.u32 s16, s20  }
0x1f2: {  	s23 =	sshrl.u32 s25, $0x3  }
0x1f3: {  	s25 =	simm.s32 $0x105B0;
	s23 =	sadd.s32 s0, s23  }
0x1f4: {  	[tilespmem:s25], [sflag:$0x1] =	stream.linear.gather [hbm4b:s23+s9], $0x400, $0x38;
	[tilespmem:$0x17DB0] =	vst v63  }
0x1f5: {  	s25 =	sor.u32 s17, s20  }
0x1f6: {  	s23 =	sshrl.u32 s25, $0x3  }
0x1f7: {  	s25 =	simm.s32 $0x109B0;
	s23 =	sadd.s32 s0, s23  }
0x1f8: {  	[tilespmem:s25], [sflag:$0x1] =	stream.linear.gather [hbm4b:s23+s9], $0x400, $0x38;
	[tilespmem:$0x17DB0] =	vst v63  }
0x1f9: {  	s25 =	sor.u32 s21, s20  }
0x1fa: {  	s23 =	sshrl.u32 s25, $0x3  }
0x1fb: {  	s25 =	simm.s32 $0x10DB0;
	s23 =	sadd.s32 s0, s23  }
0x1fc: {  	[tilespmem:s25], [sflag:$0x1] =	stream.linear.gather [hbm4b:s23+s9], $0x400, $0x38;
	[tilespmem:$0x17DB0] =	vst v63  }
0x1fd: {  	s25 =	sor.u32 s22, s20  }
0x1fe: {  	s23 =	sshrl.u32 s25, $0x3  }
0x1ff: {  	s25 =	simm.s32 $0x111B0;
	s23 =	sadd.s32 s0, s23  }
0x200: {  	[tilespmem:s25], [sflag:$0x1] =	stream.linear.gather [hbm4b:s23+s9], $0x400, $0x38;
	[tilespmem:$0x17DB0] =	vst v63  }
0x201: {  	s25 =	sor.u32 s24, s20  }
0x202: {  	s20 =	sor.u32 s26, s20;
	s23 =	sshrl.u32 s25, $0x3  }
0x203: {  	s20 =	sshrl.u32 s20, $0x3;
	s23 =	sadd.s32 s0, s23  }
0x204: {  	[tilespmem:s28], [sflag:$0x1] =	stream.linear.gather [hbm4b:s23+s9], $0x400, $0x38;
	[tilespmem:$0x17DB0] =	vst v63  }
0x205: {  	s20 =	sadd.s32 s0, s20  }
0x206: {  	[tilespmem:s29], [sflag:$0x1] =	stream.linear.gather [hbm4b:s20+s9], $0x400, $0x38;
	[tilespmem:$0x17DB0] =	vst v63  }
0x207: {  	_ =	swait.ge [sflag:s11], $0x400  }
0x208: {  	[sflag:s11] =	ssyncset.done $0x0  }
0x209: {  	[sflag:s11] =	ssyncadd.s32 $0xFFFFFC00  }
0x20a: {  	_ =	swait.ge [sflag:s11], $0x400  }
0x20b: {  	[sflag:s11] =	ssyncset.done $0x0  }
0x20c: {  	[sflag:s11] =	ssyncadd.s32 $0xFFFFFC00  }
0x20d: {  	_ =	swait.ge [sflag:s11], $0x400  }
0x20e: {  	[sflag:s11] =	ssyncset.done $0x0  }
0x20f: {  	[sflag:s11] =	ssyncadd.s32 $0xFFFFFC00  }
0x210: {  	_ =	swait.ge [sflag:s11], $0x400  }
0x211: {  	[sflag:s11] =	ssyncset.done $0x0  }
0x212: {  	[sflag:s11] =	ssyncadd.s32 $0xFFFFFC00  }
0x213: {  	_ =	swait.ge [sflag:s11], $0x400  }
0x214: {  	[sflag:s11] =	ssyncset.done $0x0  }
0x215: {  	[sflag:s11] =	ssyncadd.s32 $0xFFFFFC00  }
0x216: {  	_ =	swait.ge [sflag:s11], $0x400  }
0x217: {  	[sflag:s11] =	ssyncset.done $0x0  }
0x218: {  	[sflag:s11] =	ssyncadd.s32 $0xFFFFFC00  }
0x219: {  	_ =	swait.ge [sflag:s11], $0x400  }
0x21a: {  	[sflag:s11] =	ssyncset.done $0x0  }
0x21b: {  	[sflag:s11] =	ssyncadd.s32 $0xFFFFFC00  }
0x21c: {  	_ =	swait.ge [sflag:s11], $0x400  }
0x21d: {  	[sflag:s11] =	ssyncset.done $0x0  }
0x21e: {  	s20 =	simm.s32 @!p5 $0x4;
	[sflag:s11] =	ssyncadd.s32 $0xFFFFFC00  }
0x21f: {  	_ =	swait.ge @!p5 [sflag:s20], $0x400  }
0x220: {  	[sflag:s20] =	ssyncset.done @!p5 $0x0  }
0x221: {  	[sflag:s20] =	ssyncadd.s32 @!p5 $0xFFFFFC00  }
0x222: {  	_ =	swait.ge @!p5 [sflag:s20], $0x400  }
0x223: {  	[sflag:s20] =	ssyncset.done @!p5 $0x0  }
0x224: {  	[sflag:s20] =	ssyncadd.s32 @!p5 $0xFFFFFC00  }
0x225: {  	_ =	swait.ge @!p5 [sflag:s20], $0x400  }
0x226: {  	[sflag:s20] =	ssyncset.done @!p5 $0x0  }
0x227: {  	[sflag:s20] =	ssyncadd.s32 @!p5 $0xFFFFFC00  }
0x228: {  	_ =	swait.ge @!p5 [sflag:s20], $0x400  }
0x229: {  	[sflag:s20] =	ssyncset.done @!p5 $0x0  }
0x22a: {  	[sflag:s20] =	ssyncadd.s32 @!p5 $0xFFFFFC00  }
0x22b: {  	_ =	swait.ge @!p5 [sflag:s20], $0x400  }
0x22c: {  	[sflag:s20] =	ssyncset.done @!p5 $0x0  }
0x22d: {  	[sflag:s20] =	ssyncadd.s32 @!p5 $0xFFFFFC00  }
0x22e: {  	_ =	swait.ge @!p5 [sflag:s20], $0x400  }
0x22f: {  	[sflag:s20] =	ssyncset.done @!p5 $0x0  }
0x230: {  	[sflag:s20] =	ssyncadd.s32 @!p5 $0xFFFFFC00  }
0x231: {  	_ =	swait.ge @!p5 [sflag:s20], $0x400  }
0x232: {  	[sflag:s20] =	ssyncset.done @!p5 $0x0  }
0x233: {  	[sflag:s20] =	ssyncadd.s32 @!p5 $0xFFFFFC00  }
0x234: {  	_ =	swait.ge @!p5 [sflag:s20], $0x400  }
0x235: {  	[sflag:s20] =	ssyncset.done @!p5 $0x0  }
0x236: {  	[sflag:s20] =	ssyncadd.s32 @!p5 $0xFFFFFC00;
	s20 =	simm.s32 $0x0  }
0x237: {  	v3 =	vld [tilespmem:s20+$0x13D30]  }
0x238: {  	v4 =	vld [tilespmem:s20+$0x11DB0]  }
0x239: {  	v5 =	vld [tilespmem:s20+$0x121B0]  }
0x23a: {  	v6 =	vld [tilespmem:s20+$0x125B0]  }
0x23b: {  	v7 =	vld [tilespmem:s20+$0x129B0]  }
0x23c: {  	v8 =	vld [tilespmem:s20+$0x12DB0];
	[tilespmem:s20+$0x17D30] =	vst v3  }
0x23d: {  	v9 =	vld [tilespmem:s20+$0x12130];
	[tilespmem:s20+$0x15DB0] =	vst v4  }
0x23e: {  	v10 =	vld [tilespmem:s20+$0x12530];
	[tilespmem:s20+$0x15E30] =	vst v5  }
0x23f: {  	v3 =	vld [tilespmem:s20+$0x131B0];
	[tilespmem:s20+$0x15EB0] =	vst v6  }
0x240: {  	v4 =	vld [tilespmem:s20+$0x135B0];
	[tilespmem:s20+$0x15F30] =	vst v7  }
0x241: {  	v5 =	vld [tilespmem:s20+$0x139B0];
	[tilespmem:s20+$0x15FB0] =	vst v8  }
0x242: {  	v6 =	vld [tilespmem:s20+$0x11E30];
	[tilespmem:s20+$0x179B0] =	vst v9  }
0x243: {  	v7 =	vld [tilespmem:s20+$0x12230];
	[tilespmem:s20+$0x17A30] =	vst v10  }
0x244: {  	v8 =	vld [tilespmem:s20+$0x13CB0];
	[tilespmem:s20+$0x16030] =	vst v3  }
0x245: {  	v3 =	vld [tilespmem:s20+$0x12630];
	[tilespmem:s20+$0x160B0] =	vst v4  }
0x246: {  	v4 =	vld [tilespmem:s20+$0x12A30];
	[tilespmem:s20+$0x16130] =	vst v5  }
0x247: {  	v5 =	vld [tilespmem:s20+$0x12E30];
	[tilespmem:s20+$0x161B0] =	vst v6  }
0x248: {  	v6 =	vld [tilespmem:s20+$0x13230];
	[tilespmem:s20+$0x16230] =	vst v7  }
0x249: {  	v7 =	vld [tilespmem:s20+$0x13630];
	[tilespmem:s20+$0x17930] =	vst v8  }
0x24a: {  	[tilespmem:s20+$0x162B0] =	vst v3;
	v3 =	vld [tilespmem:s20+$0x13A30]  }
0x24b: {  	[tilespmem:s20+$0x16330] =	vst v4;
	v4 =	vld [tilespmem:s20+$0x11EB0]  }
0x24c: {  	[tilespmem:s20+$0x163B0] =	vst v5;
	v5 =	vld [tilespmem:s20+$0x122B0]  }
0x24d: {  	[tilespmem:s20+$0x16430] =	vst v6;
	v6 =	vld [tilespmem:s20+$0x126B0]  }
0x24e: {  	[tilespmem:s20+$0x164B0] =	vst v7;
	v7 =	vld [tilespmem:s20+$0x12AB0]  }
0x24f: {  	[tilespmem:s20+$0x16530] =	vst v3;
	v3 =	vld [tilespmem:s20+$0x12EB0]  }
0x250: {  	[tilespmem:s20+$0x165B0] =	vst v4;
	v4 =	vld [tilespmem:s20+$0x132B0]  }
0x251: {  	[tilespmem:s20+$0x16630] =	vst v5;
	v5 =	vld [tilespmem:s20+$0x136B0]  }
0x252: {  	[tilespmem:s20+$0x166B0] =	vst v6;
	v6 =	vld [tilespmem:s20+$0x13AB0]  }
0x253: {  	[tilespmem:s20+$0x16730] =	vst v7;
	v7 =	vld [tilespmem:s20+$0x11F30]  }
0x254: {  	[tilespmem:s20+$0x167B0] =	vst v3;
	v3 =	vld [tilespmem:s20+$0x12330]  }
0x255: {  	[tilespmem:s20+$0x16830] =	vst v4;
	v4 =	vld [tilespmem:s20+$0x12730]  }
0x256: {  	[tilespmem:s20+$0x168B0] =	vst v5;
	v5 =	vld [tilespmem:s20+$0x12B30]  }
0x257: {  	[tilespmem:s20+$0x16930] =	vst v6;
	v6 =	vld [tilespmem:s20+$0x12F30]  }
0x258: {  	[tilespmem:s20+$0x169B0] =	vst v7;
	v7 =	vld [tilespmem:s20+$0x13330]  }
0x259: {  	[tilespmem:s20+$0x16A30] =	vst v3;
	v3 =	vld [tilespmem:s20+$0x13730]  }
0x25a: {  	[tilespmem:s20+$0x16AB0] =	vst v4;
	v4 =	vld [tilespmem:s20+$0x13B30]  }
0x25b: {  	[tilespmem:s20+$0x16B30] =	vst v5;
	v5 =	vld [tilespmem:s20+$0x11FB0]  }
0x25c: {  	[tilespmem:s20+$0x16BB0] =	vst v6;
	v6 =	vld [tilespmem:s20+$0x123B0]  }
0x25d: {  	[tilespmem:s20+$0x16C30] =	vst v7;
	v7 =	vld [tilespmem:s20+$0x127B0]  }
0x25e: {  	[tilespmem:s20+$0x16CB0] =	vst v3;
	v3 =	vld [tilespmem:s20+$0x12BB0]  }
0x25f: {  	[tilespmem:s20+$0x16D30] =	vst v4;
	v4 =	vld [tilespmem:s20+$0x12FB0]  }
0x260: {  	[tilespmem:s20+$0x16DB0] =	vst v5;
	v5 =	vld [tilespmem:s20+$0x133B0]  }
0x261: {  	[tilespmem:s20+$0x16E30] =	vst v6;
	v6 =	vld [tilespmem:s20+$0x137B0]  }
0x262: {  	[tilespmem:s20+$0x16EB0] =	vst v7;
	v7 =	vld [tilespmem:s20+$0x13BB0]  }
0x263: {  	[tilespmem:s20+$0x16F30] =	vst v3;
	v3 =	vld [tilespmem:s20+$0x12030]  }
0x264: {  	[tilespmem:s20+$0x16FB0] =	vst v4;
	v4 =	vld [tilespmem:s20+$0x12430]  }
0x265: {  	[tilespmem:s20+$0x17030] =	vst v5;
	v5 =	vld [tilespmem:s20+$0x12830]  }
0x266: {  	[tilespmem:s20+$0x170B0] =	vst v6;
	v6 =	vld [tilespmem:s20+$0x12C30]  }
0x267: {  	[tilespmem:s20+$0x17130] =	vst v7;
	v7 =	vld [tilespmem:s20+$0x13030]  }
0x268: {  	[tilespmem:s20+$0x171B0] =	vst v3;
	v3 =	vld [tilespmem:s20+$0x13430]  }
0x269: {  	[tilespmem:s20+$0x17230] =	vst v4;
	v4 =	vld [tilespmem:s20+$0x13830]  }
0x26a: {  	[tilespmem:s20+$0x172B0] =	vst v5;
	v5 =	vld [tilespmem:s20+$0x13C30]  }
0x26b: {  	[tilespmem:s20+$0x17330] =	vst v6;
	v6 =	vld [tilespmem:s20+$0x120B0]  }
0x26c: {  	[tilespmem:s20+$0x173B0] =	vst v7;
	v7 =	vld [tilespmem:s20+$0x124B0]  }
0x26d: {  	[tilespmem:s20+$0x17430] =	vst v3;
	v3 =	vld [tilespmem:s20+$0x128B0]  }
0x26e: {  	[tilespmem:s20+$0x174B0] =	vst v4;
	v4 =	vld [tilespmem:s20+$0x12CB0]  }
0x26f: {  	[tilespmem:s20+$0x17530] =	vst v5;
	v5 =	vld [tilespmem:s20+$0x130B0]  }
0x270: {  	[tilespmem:s20+$0x175B0] =	vst v6;
	v6 =	vld [tilespmem:s20+$0x134B0]  }
0x271: {  	[tilespmem:s20+$0x17630] =	vst v7;
	v7 =	vld [tilespmem:s20+$0x138B0]  }
0x272: {  	[tilespmem:s20+$0x176B0] =	vst v3;
	v3 =	vld [tilespmem:s20+$0x12930]  }
0x273: {  	[tilespmem:s20+$0x17730] =	vst v4;
	v4 =	vld [tilespmem:s20+$0x12D30]  }
0x274: {  	[tilespmem:s20+$0x177B0] =	vst v5;
	v5 =	vld [tilespmem:s20+$0x13130]  }
0x275: {  	[tilespmem:s20+$0x17830] =	vst v6;
	v6 =	vld [tilespmem:s20+$0x13530]  }
0x276: {  	s25 =	simm.s32 $0x10;
	s23 =	simm.s32 $0x80;
	[tilespmem:s20+$0x178B0] =	vst v7;
	v7 =	vld [tilespmem:s20+$0x13930]  }
.LBB2_5:
0x277: {  	p5 =	sne.s32 s23, $0x1C0;
	v8 =	vld [tilespmem:s25+$0x13D30];
	[tilespmem:s20+$0x17AB0] =	vst v3  }
0x278: {  	v3 =	vld [tilespmem:s25+$0x11DB0];
	[tilespmem:s20+$0x17B30] =	vst v4  }
0x279: {  	v4 =	vld [tilespmem:s25+$0x121B0];
	[tilespmem:s20+$0x17BB0] =	vst v5  }
0x27a: {  	v5 =	vld [tilespmem:s25+$0x125B0];
	[tilespmem:s20+$0x17C30] =	vst v6  }
0x27b: {  	v6 =	vld [tilespmem:s25+$0x129B0];
	[tilespmem:s20+$0x17CB0] =	vst v7;
	s20 =	smov.u32 s25  }
0x27c: {  	v7 =	vld [tilespmem:s20+$0x12DB0];
	[tilespmem:s20+$0x17D30] =	vst v8  }
0x27d: {  	[tilespmem:s20+$0x15DB0] =	vst v3;
	v3 =	vld [tilespmem:s20+$0x131B0]  }
0x27e: {  	[tilespmem:s20+$0x15E30] =	vst v4;
	v4 =	vld [tilespmem:s20+$0x135B0]  }
0x27f: {  	[tilespmem:s20+$0x15EB0] =	vst v5;
	v5 =	vld [tilespmem:s20+$0x139B0]  }
0x280: {  	[tilespmem:s20+$0x15F30] =	vst v6;
	v6 =	vld [tilespmem:s20+$0x11E30]  }
0x281: {  	[tilespmem:s20+$0x15FB0] =	vst v7;
	v7 =	vld [tilespmem:s20+$0x12230]  }
0x282: {  	[tilespmem:s20+$0x16030] =	vst v3;
	v3 =	vld [tilespmem:s20+$0x12630]  }
0x283: {  	[tilespmem:s20+$0x160B0] =	vst v4;
	v4 =	vld [tilespmem:s20+$0x12A30]  }
0x284: {  	[tilespmem:s20+$0x16130] =	vst v5;
	v5 =	vld [tilespmem:s20+$0x12E30]  }
0x285: {  	[tilespmem:s20+$0x161B0] =	vst v6;
	v6 =	vld [tilespmem:s20+$0x13230]  }
0x286: {  	[tilespmem:s20+$0x16230] =	vst v7;
	v7 =	vld [tilespmem:s20+$0x13630]  }
0x287: {  	[tilespmem:s20+$0x162B0] =	vst v3;
	v3 =	vld [tilespmem:s20+$0x13A30]  }
0x288: {  	[tilespmem:s20+$0x16330] =	vst v4;
	v4 =	vld [tilespmem:s20+$0x11EB0]  }
0x289: {  	[tilespmem:s20+$0x163B0] =	vst v5;
	v5 =	vld [tilespmem:s20+$0x122B0]  }
0x28a: {  	[tilespmem:s20+$0x16430] =	vst v6;
	v6 =	vld [tilespmem:s20+$0x126B0]  }
0x28b: {  	[tilespmem:s20+$0x164B0] =	vst v7;
	v7 =	vld [tilespmem:s20+$0x12AB0]  }
0x28c: {  	[tilespmem:s20+$0x16530] =	vst v3;
	v3 =	vld [tilespmem:s20+$0x12EB0]  }
0x28d: {  	[tilespmem:s20+$0x165B0] =	vst v4;
	v4 =	vld [tilespmem:s20+$0x132B0]  }
0x28e: {  	[tilespmem:s20+$0x16630] =	vst v5;
	v5 =	vld [tilespmem:s20+$0x136B0]  }
0x28f: {  	[tilespmem:s20+$0x166B0] =	vst v6;
	v6 =	vld [tilespmem:s20+$0x13AB0]  }
0x290: {  	[tilespmem:s20+$0x16730] =	vst v7;
	v7 =	vld [tilespmem:s20+$0x11F30]  }
0x291: {  	[tilespmem:s20+$0x167B0] =	vst v3;
	v3 =	vld [tilespmem:s20+$0x12330]  }
0x292: {  	[tilespmem:s20+$0x16830] =	vst v4;
	v4 =	vld [tilespmem:s20+$0x12730]  }
0x293: {  	[tilespmem:s20+$0x168B0] =	vst v5;
	v5 =	vld [tilespmem:s20+$0x12B30]  }
0x294: {  	[tilespmem:s20+$0x16930] =	vst v6;
	v6 =	vld [tilespmem:s20+$0x12F30]  }
0x295: {  	[tilespmem:s20+$0x169B0] =	vst v7;
	v7 =	vld [tilespmem:s20+$0x13330]  }
0x296: {  	[tilespmem:s20+$0x16A30] =	vst v3;
	v3 =	vld [tilespmem:s20+$0x13730]  }
0x297: {  	[tilespmem:s20+$0x16AB0] =	vst v4;
	v4 =	vld [tilespmem:s20+$0x13B30]  }
0x298: {  	[tilespmem:s20+$0x16B30] =	vst v5;
	v5 =	vld [tilespmem:s20+$0x11FB0]  }
0x299: {  	[tilespmem:s20+$0x16BB0] =	vst v6;
	v6 =	vld [tilespmem:s20+$0x123B0]  }
0x29a: {  	[tilespmem:s20+$0x16C30] =	vst v7;
	v7 =	vld [tilespmem:s20+$0x127B0]  }
0x29b: {  	[tilespmem:s20+$0x16CB0] =	vst v3;
	v3 =	vld [tilespmem:s20+$0x12BB0]  }
0x29c: {  	[tilespmem:s20+$0x16D30] =	vst v4;
	v4 =	vld [tilespmem:s20+$0x12FB0]  }
0x29d: {  	[tilespmem:s20+$0x16DB0] =	vst v5;
	v5 =	vld [tilespmem:s20+$0x133B0]  }
0x29e: {  	[tilespmem:s20+$0x16E30] =	vst v6;
	v6 =	vld [tilespmem:s20+$0x137B0]  }
0x29f: {  	[tilespmem:s20+$0x16EB0] =	vst v7;
	v7 =	vld [tilespmem:s20+$0x13BB0]  }
0x2a0: {  	[tilespmem:s20+$0x16F30] =	vst v3;
	v3 =	vld [tilespmem:s20+$0x12030]  }
0x2a1: {  	[tilespmem:s20+$0x16FB0] =	vst v4;
	v4 =	vld [tilespmem:s20+$0x12430]  }
0x2a2: {  	[tilespmem:s20+$0x17030] =	vst v5;
	v5 =	vld [tilespmem:s20+$0x12830]  }
0x2a3: {  	[tilespmem:s20+$0x170B0] =	vst v6;
	v6 =	vld [tilespmem:s20+$0x12C30]  }
0x2a4: {  	[tilespmem:s20+$0x17130] =	vst v7;
	v7 =	vld [tilespmem:s20+$0x13030]  }
0x2a5: {  	[tilespmem:s20+$0x171B0] =	vst v3;
	v3 =	vld [tilespmem:s20+$0x13430]  }
0x2a6: {  	[tilespmem:s20+$0x17230] =	vst v4;
	v4 =	vld [tilespmem:s20+$0x13830]  }
0x2a7: {  	[tilespmem:s20+$0x172B0] =	vst v5;
	v5 =	vld [tilespmem:s20+$0x13C30]  }
0x2a8: {  	[tilespmem:s20+$0x17330] =	vst v6;
	v6 =	vld [tilespmem:s20+$0x120B0]  }
0x2a9: {  	[tilespmem:s20+$0x173B0] =	vst v7;
	v7 =	vld [tilespmem:s20+$0x124B0]  }
0x2aa: {  	[tilespmem:s20+$0x17430] =	vst v3;
	v3 =	vld [tilespmem:s20+$0x128B0]  }
0x2ab: {  	[tilespmem:s20+$0x174B0] =	vst v4;
	v4 =	vld [tilespmem:s20+$0x12CB0]  }
0x2ac: {  	[tilespmem:s20+$0x17530] =	vst v5;
	v5 =	vld [tilespmem:s20+$0x130B0]  }
0x2ad: {  	[tilespmem:s20+$0x175B0] =	vst v6;
	v6 =	vld [tilespmem:s20+$0x134B0]  }
0x2ae: {  	[tilespmem:s20+$0x17630] =	vst v7;
	v7 =	vld [tilespmem:s20+$0x138B0]  }
0x2af: {  	[tilespmem:s20+$0x176B0] =	vst v3;
	v8 =	vld [tilespmem:s20+$0x13CB0]  }
0x2b0: {  	[tilespmem:s20+$0x17730] =	vst v4;
	v9 =	vld [tilespmem:s20+$0x12130]  }
0x2b1: {  	[tilespmem:s20+$0x177B0] =	vst v5;
	v10 =	vld [tilespmem:s20+$0x12530]  }
.Ltmp1:
0x2b2: {  	[tilespmem:s20+$0x17830] =	vst v6;
	v3 =	vld [tilespmem:s20+$0x12930];
	(pc) =	sbr.rel @p5 .LBB2_5-.Ltmp1, $4  }
0x2b3: {  	[tilespmem:s20+$0x178B0] =	vst v7;
	v4 =	vld [tilespmem:s20+$0x12D30]  }
0x2b4: {  	[tilespmem:s20+$0x17930] =	vst v8;
	v5 =	vld [tilespmem:s20+$0x13130]  }
0x2b5: {  	[tilespmem:s20+$0x179B0] =	vst v9;
	v6 =	vld [tilespmem:s20+$0x13530]  }
0x2b6: {  	s25 =	sshra.s32 s23, $0x2;
	s23 =	sadd.s32 $0x40, s23;
	[tilespmem:s20+$0x17A30] =	vst v10;
	v7 =	vld [tilespmem:s20+$0x13930]  }
0x2b7: {  	v8 =	vld [tilespmem:s25+$0x13D30];
	[tilespmem:s20+$0x17AB0] =	vst v3  }
0x2b8: {  	v3 =	vld [tilespmem:s25+$0x11DB0];
	[tilespmem:s20+$0x17B30] =	vst v4  }
0x2b9: {  	v4 =	vld [tilespmem:s25+$0x121B0];
	[tilespmem:s20+$0x17BB0] =	vst v5  }
0x2ba: {  	v5 =	vld [tilespmem:s25+$0x125B0];
	[tilespmem:s20+$0x17C30] =	vst v6  }
0x2bb: {  	v6 =	vld [tilespmem:s25+$0x129B0];
	[tilespmem:s20+$0x17CB0] =	vst v7  }
0x2bc: {  	v7 =	vld [tilespmem:s25+$0x12DB0];
	[tilespmem:s25+$0x17D30] =	vst v8  }
0x2bd: {  	v18 =	vld [tilespmem:s25+$0x135B0];
	[tilespmem:s25+$0x15DB0] =	vst v3  }
0x2be: {  	v19 =	vld [tilespmem:s25+$0x139B0];
	[tilespmem:s25+$0x15E30] =	vst v4  }
0x2bf: {  	v3 =	vld [tilespmem:s25+$0x131B0];
	[tilespmem:s25+$0x15EB0] =	vst v5  }
0x2c0: {  	v20 =	vld [tilespmem:s25+$0x11E30];
	[tilespmem:s25+$0x15F30] =	vst v6  }
0x2c1: {  	v21 =	vld [tilespmem:s25+$0x12230];
	[tilespmem:s25+$0x15FB0] =	vst v7  }
0x2c2: {  	v22 =	vld [tilespmem:s25+$0x12A30];
	[tilespmem:s25+$0x160B0] =	vst v18  }
0x2c3: {  	v23 =	vld [tilespmem:s25+$0x12E30];
	[tilespmem:s25+$0x16130] =	vst v19  }
0x2c4: {  	[tilespmem:s25+$0x16030] =	vst v3;
	v3 =	vld [tilespmem:s25+$0x12630]  }
0x2c5: {  	v24 =	vld [tilespmem:s25+$0x13230];
	[tilespmem:s25+$0x161B0] =	vst v20  }
0x2c6: {  	v25 =	vld [tilespmem:s25+$0x13630];
	[tilespmem:s25+$0x16230] =	vst v21  }
0x2c7: {  	v26 =	vld [tilespmem:s25+$0x11EB0];
	[tilespmem:s25+$0x16330] =	vst v22  }
0x2c8: {  	v27 =	vld [tilespmem:s25+$0x122B0];
	[tilespmem:s25+$0x163B0] =	vst v23  }
0x2c9: {  	[tilespmem:s25+$0x162B0] =	vst v3;
	v3 =	vld [tilespmem:s25+$0x13A30]  }
0x2ca: {  	v28 =	vld [tilespmem:s25+$0x126B0];
	[tilespmem:s25+$0x16430] =	vst v24  }
0x2cb: {  	v29 =	vld [tilespmem:s25+$0x12AB0];
	[tilespmem:s25+$0x164B0] =	vst v25  }
0x2cc: {  	v30 =	vld [tilespmem:s25+$0x132B0];
	[tilespmem:s25+$0x165B0] =	vst v26  }
0x2cd: {  	v31 =	vld [tilespmem:s25+$0x136B0];
	[tilespmem:s25+$0x16630] =	vst v27  }
0x2ce: {  	[tilespmem:s25+$0x16530] =	vst v3;
	v3 =	vld [tilespmem:s25+$0x12EB0]  }
0x2cf: {  	v32 =	vld [tilespmem:s25+$0x13AB0];
	[tilespmem:s25+$0x166B0] =	vst v28  }
0x2d0: {  	v33 =	vld [tilespmem:s25+$0x11F30];
	[tilespmem:s25+$0x16730] =	vst v29  }
0x2d1: {  	v34 =	vld [tilespmem:s25+$0x12730];
	[tilespmem:s25+$0x16830] =	vst v30  }
0x2d2: {  	v35 =	vld [tilespmem:s25+$0x12B30];
	[tilespmem:s25+$0x168B0] =	vst v31  }
0x2d3: {  	[tilespmem:s25+$0x167B0] =	vst v3;
	v3 =	vld [tilespmem:s25+$0x12330]  }
0x2d4: {  	v36 =	vld [tilespmem:s25+$0x12F30];
	[tilespmem:s25+$0x16930] =	vst v32  }
0x2d5: {  	v37 =	vld [tilespmem:s25+$0x13330];
	[tilespmem:s25+$0x169B0] =	vst v33  }
0x2d6: {  	v38 =	vld [tilespmem:s25+$0x13B30];
	[tilespmem:s25+$0x16AB0] =	vst v34  }
0x2d7: {  	v39 =	vld [tilespmem:s25+$0x11FB0];
	[tilespmem:s25+$0x16B30] =	vst v35  }
0x2d8: {  	[tilespmem:s25+$0x16A30] =	vst v3;
	v3 =	vld [tilespmem:s25+$0x13730]  }
0x2d9: {  	v40 =	vld [tilespmem:s25+$0x123B0];
	[tilespmem:s25+$0x16BB0] =	vst v36  }
0x2da: {  	v41 =	vld [tilespmem:s25+$0x127B0];
	[tilespmem:s25+$0x16C30] =	vst v37  }
0x2db: {  	v42 =	vld [tilespmem:s25+$0x12FB0];
	[tilespmem:s25+$0x16D30] =	vst v38  }
0x2dc: {  	v43 =	vld [tilespmem:s25+$0x133B0];
	[tilespmem:s25+$0x16DB0] =	vst v39  }
0x2dd: {  	[tilespmem:s25+$0x16CB0] =	vst v3;
	v3 =	vld [tilespmem:s25+$0x12BB0]  }
0x2de: {  	v44 =	vld [tilespmem:s25+$0x137B0];
	[tilespmem:s25+$0x16E30] =	vst v40  }
0x2df: {  	v45 =	vld [tilespmem:s25+$0x13BB0];
	[tilespmem:s25+$0x16EB0] =	vst v41  }
0x2e0: {  	v46 =	vld [tilespmem:s25+$0x12430];
	[tilespmem:s25+$0x16FB0] =	vst v42  }
0x2e1: {  	v47 =	vld [tilespmem:s25+$0x12830];
	[tilespmem:s25+$0x17030] =	vst v43  }
0x2e2: {  	[tilespmem:s25+$0x16F30] =	vst v3;
	v3 =	vld [tilespmem:s25+$0x12030]  }
0x2e3: {  	v48 =	vld [tilespmem:s25+$0x12C30];
	[tilespmem:s25+$0x170B0] =	vst v44  }
0x2e4: {  	v49 =	vld [tilespmem:s25+$0x13030];
	[tilespmem:s25+$0x17130] =	vst v45  }
0x2e5: {  	v50 =	vld [tilespmem:s25+$0x13830];
	[tilespmem:s25+$0x17230] =	vst v46  }
0x2e6: {  	v51 =	vld [tilespmem:s25+$0x13C30];
	[tilespmem:s25+$0x172B0] =	vst v47  }
0x2e7: {  	[tilespmem:s25+$0x171B0] =	vst v3;
	v3 =	vld [tilespmem:s25+$0x13430]  }
0x2e8: {  	v52 =	vld [tilespmem:s25+$0x120B0];
	[tilespmem:s25+$0x17330] =	vst v48  }
0x2e9: {  	v53 =	vld [tilespmem:s25+$0x124B0];
	[tilespmem:s25+$0x173B0] =	vst v49  }
0x2ea: {  	v54 =	vld [tilespmem:s25+$0x12CB0];
	[tilespmem:s25+$0x174B0] =	vst v50  }
0x2eb: {  	v55 =	vld [tilespmem:s25+$0x130B0];
	[tilespmem:s25+$0x17530] =	vst v51  }
0x2ec: {  	[tilespmem:s25+$0x17430] =	vst v3;
	v3 =	vld [tilespmem:s25+$0x128B0]  }
0x2ed: {  	v56 =	vld [tilespmem:s25+$0x134B0];
	[tilespmem:s25+$0x175B0] =	vst v52  }
0x2ee: {  	v57 =	vld [tilespmem:s25+$0x138B0];
	[tilespmem:s25+$0x17630] =	vst v53  }
0x2ef: {  	v58 =	vld [tilespmem:s25+$0x12130];
	[tilespmem:s25+$0x17730] =	vst v54  }
0x2f0: {  	v59 =	vld [tilespmem:s25+$0x12530];
	[tilespmem:s25+$0x177B0] =	vst v55  }
0x2f1: {  	[tilespmem:s25+$0x176B0] =	vst v3;
	v3 =	vld [tilespmem:s25+$0x13CB0]  }
0x2f2: {  	v60 =	vld [tilespmem:s25+$0x12930];
	[tilespmem:s25+$0x17830] =	vst v56  }
0x2f3: {  	v61 =	vld [tilespmem:s25+$0x12D30];
	[tilespmem:s25+$0x178B0] =	vst v57  }
0x2f4: {  	v62 =	vld [tilespmem:s25+$0x13530];
	[tilespmem:s25+$0x179B0] =	vst v58  }
0x2f5: {  	v63 =	vld [tilespmem:s25+$0x13930];
	[tilespmem:s25+$0x17A30] =	vst v59  }
0x2f6: {  	[tilespmem:s25+$0x17930] =	vst v3;
	v3 =	vld [tilespmem:s25+$0x13130]  }
0x2f7: {  	[tilespmem:s25+$0x17AB0] =	vst v60  }
0x2f8: {  	[tilespmem:s25+$0x17B30] =	vst v61  }
0x2f9: {  	[tilespmem:s25+$0x17C30] =	vst v62  }
0x2fa: {  	[tilespmem:s25+$0x17CB0] =	vst v63  }
0x2fb: {  	s23 =	simm.s32 $0x15DB0;
	[tilespmem:s25+$0x17BB0] =	vst v3  }
0x2fc: {  	[spmem:s7] =	stream.indirect.scatter.add.f32 [tilespmem:s1], [sflag:$0x4], $0x1, s23, s31, $0xb8;
	[tilespmem:$0x17DB0] =	vst v63  }
0x2fd: {  	s25 =	simm.s32 $0x161B0  }
0x2fe: {  	[spmem:s7] =	stream.indirect.scatter.add.f32 [tilespmem:s1], [sflag:$0x4], $0x1, s25, s31, $0xb8;
	[tilespmem:$0x17DB0] =	vst v63  }
0x2ff: {  	s23 =	simm.s32 $0x165B0  }
0x300: {  	[spmem:s7] =	stream.indirect.scatter.add.f32 [tilespmem:s1], [sflag:$0x4], $0x1, s23, s31, $0xb8;
	[tilespmem:$0x17DB0] =	vst v63  }
0x301: {  	s25 =	simm.s32 $0x169B0  }
0x302: {  	[spmem:s7] =	stream.indirect.scatter.add.f32 [tilespmem:s1], [sflag:$0x4], $0x1, s25, s31, $0xb8;
	[tilespmem:$0x17DB0] =	vst v63  }
0x303: {  	p5 =	sgt.u32 s18, $0xA;
	s23 =	simm.s32 $0x16DB0  }
0x304: {  	[spmem:s7] =	stream.indirect.scatter.add.f32 [tilespmem:s1], [sflag:$0x4], $0x1, s23, s31, $0xb8;
	[tilespmem:$0x17DB0] =	vst v63  }
0x305: {  	s19 =	sadd.s32 @!p5 $0x60000, s19;
	s25 =	simm.s32 $0x171B0  }
0x306: {  	[spmem:s7] =	stream.indirect.scatter.add.f32 [tilespmem:s1], [sflag:$0x4], $0x1, s25, s31, $0xb8;
	[tilespmem:$0x17DB0] =	vst v63  }
0x307: {  	s20 =	sor.u32 @!p5 s13, s19;
	s23 =	simm.s32 $0x175B0  }
0x308: {  	[spmem:s7] =	stream.indirect.scatter.add.f32 [tilespmem:s1], [sflag:$0x4], $0x1, s23, s31, $0xb8;
	[tilespmem:$0x17DB0] =	vst v63  }
0x309: {  	s20 =	sshrl.u32 @!p5 s20, $0x3;
	s25 =	simm.s32 $0x179B0  }
0x30a: {  	[spmem:s7] =	stream.indirect.scatter.add.f32 [tilespmem:s1], [sflag:$0x4], $0x1, s25, s31, $0xb8;
	[tilespmem:$0x17DB0] =	vst v63  }
0x30b: {  	s20 =	sadd.s32 @!p5 s0, s20;
	s23 =	simm.s32 @!p5 $0x0;
	s25 =	simm.s32 @!p5 $0x11DB0  }
0x30c: {  	[tilespmem:s25], [sflag:$0x2] =	stream.linear.gather @!p5 [hbm4b:s20+s23], $0x400, $0x38;
	[tilespmem:$0x17DB0] =	vst v63  }
0x30d: {  	s20 =	sor.u32 @!p5 s15, s19  }
0x30e: {  	s20 =	sshrl.u32 @!p5 s20, $0x3  }
0x30f: {  	s25 =	simm.s32 @!p5 $0x121B0;
	s20 =	sadd.s32 @!p5 s0, s20  }
0x310: {  	[tilespmem:s25], [sflag:$0x2] =	stream.linear.gather @!p5 [hbm4b:s20+s23], $0x400, $0x38;
	[tilespmem:$0x17DB0] =	vst v63  }
0x311: {  	s20 =	sor.u32 @!p5 s16, s19  }
0x312: {  	s20 =	sshrl.u32 @!p5 s20, $0x3  }
0x313: {  	s25 =	simm.s32 @!p5 $0x125B0;
	s20 =	sadd.s32 @!p5 s0, s20  }
0x314: {  	[tilespmem:s25], [sflag:$0x2] =	stream.linear.gather @!p5 [hbm4b:s20+s23], $0x400, $0x38;
	[tilespmem:$0x17DB0] =	vst v63  }
0x315: {  	s20 =	sor.u32 @!p5 s17, s19  }
0x316: {  	s20 =	sshrl.u32 @!p5 s20, $0x3  }
0x317: {  	s25 =	simm.s32 @!p5 $0x129B0;
	s20 =	sadd.s32 @!p5 s0, s20  }
0x318: {  	[tilespmem:s25], [sflag:$0x2] =	stream.linear.gather @!p5 [hbm4b:s20+s23], $0x400, $0x38;
	[tilespmem:$0x17DB0] =	vst v63  }
0x319: {  	s20 =	sor.u32 @!p5 s21, s19  }
0x31a: {  	s20 =	sshrl.u32 @!p5 s20, $0x3  }
0x31b: {  	s25 =	simm.s32 @!p5 $0x12DB0;
	s20 =	sadd.s32 @!p5 s0, s20  }
0x31c: {  	[tilespmem:s25], [sflag:$0x2] =	stream.linear.gather @!p5 [hbm4b:s20+s23], $0x400, $0x38;
	[tilespmem:$0x17DB0] =	vst v63  }
0x31d: {  	s20 =	sor.u32 @!p5 s22, s19  }
0x31e: {  	s20 =	sshrl.u32 @!p5 s20, $0x3  }
0x31f: {  	s25 =	simm.s32 @!p5 $0x131B0;
	s20 =	sadd.s32 @!p5 s0, s20  }
0x320: {  	[tilespmem:s25], [sflag:$0x2] =	stream.linear.gather @!p5 [hbm4b:s20+s23], $0x400, $0x38;
	[tilespmem:$0x17DB0] =	vst v63  }
0x321: {  	s20 =	sor.u32 @!p5 s24, s19  }
0x322: {  	s19 =	sor.u32 @!p5 s26, s19;
	s20 =	sshrl.u32 @!p5 s20, $0x3  }
0x323: {  	s25 =	simm.s32 @!p5 $0x135B0;
	s19 =	sshrl.u32 @!p5 s19, $0x3;
	s20 =	sadd.s32 @!p5 s0, s20  }
0x324: {  	[tilespmem:s25], [sflag:$0x2] =	stream.linear.gather @!p5 [hbm4b:s20+s23], $0x400, $0x38;
	[tilespmem:$0x17DB0] =	vst v63  }
0x325: {  	s18 =	sadd.s32 $0x1, s18;
	s19 =	sadd.s32 @!p5 s0, s19;
	s20 =	simm.s32 @!p5 $0x139B0  }
0x326: {  	[tilespmem:s20], [sflag:$0x2] =	stream.linear.gather @!p5 [hbm4b:s19+s23], $0x400, $0x38;
	[tilespmem:$0x17DB0] =	vst v63  }
0x327: {  	p5 =	sne.s32 s18, $0xC  }
.Ltmp2:
0x328: {  	_ = 	snop;
	(pc) =	sbr.rel @p5 .LBB2_2-.Ltmp2, $1  }
0x329: {  	_ =	sdelay $0x3  }
0x32a: {  	_ =	swait.ge [sflag:s30], $0x400  }
0x32b: {  	[sflag:s30] =	ssyncset.done $0x0  }
0x32c: {  	[sflag:s30] =	ssyncadd.s32 $0xFFFFFC00  }
0x32d: {  	_ =	swait.ge [sflag:s30], $0x400  }
0x32e: {  	[sflag:s30] =	ssyncset.done $0x0  }
0x32f: {  	[sflag:s30] =	ssyncadd.s32 $0xFFFFFC00  }
0x330: {  	_ =	swait.ge [sflag:s30], $0x400  }
0x331: {  	[sflag:s30] =	ssyncset.done $0x0  }
0x332: {  	[sflag:s30] =	ssyncadd.s32 $0xFFFFFC00  }
0x333: {  	_ =	swait.ge [sflag:s30], $0x400  }
0x334: {  	[sflag:s30] =	ssyncset.done $0x0  }
0x335: {  	[sflag:s30] =	ssyncadd.s32 $0xFFFFFC00  }
0x336: {  	_ =	swait.ge [sflag:s30], $0x400  }
0x337: {  	[sflag:s30] =	ssyncset.done $0x0  }
0x338: {  	[sflag:s30] =	ssyncadd.s32 $0xFFFFFC00  }
0x339: {  	_ =	swait.ge [sflag:s30], $0x400  }
0x33a: {  	[sflag:s30] =	ssyncset.done $0x0  }
0x33b: {  	[sflag:s30] =	ssyncadd.s32 $0xFFFFFC00  }
0x33c: {  	_ =	swait.ge [sflag:s30], $0x400  }
0x33d: {  	[sflag:s30] =	ssyncset.done $0x0  }
0x33e: {  	[sflag:s30] =	ssyncadd.s32 $0xFFFFFC00  }
0x33f: {  	_ =	swait.ge [sflag:s30], $0x400  }
0x340: {  	[sflag:s30] =	ssyncset.done $0x0  }
0x341: {  	[sflag:s30] =	ssyncadd.s32 $0xFFFFFC00  }
0x342: {  	_ =	swait.ge [sflag:s12], $0x400  }
0x343: {  	[sflag:s12] =	ssyncset.done $0x0  }
0x344: {  	[sflag:s12] =	ssyncadd.s32 $0xFFFFFC00  }
0x345: {  	_ =	swait.ge [sflag:s12], $0x400  }
0x346: {  	[sflag:s12] =	ssyncset.done $0x0  }
0x347: {  	[sflag:s12] =	ssyncadd.s32 $0xFFFFFC00  }
0x348: {  	_ =	swait.ge [sflag:s12], $0x400  }
0x349: {  	[sflag:s12] =	ssyncset.done $0x0  }
0x34a: {  	[sflag:s12] =	ssyncadd.s32 $0xFFFFFC00  }
0x34b: {  	_ =	swait.ge [sflag:s12], $0x400  }
0x34c: {  	[sflag:s12] =	ssyncset.done $0x0  }
0x34d: {  	[sflag:s12] =	ssyncadd.s32 $0xFFFFFC00  }
0x34e: {  	_ =	swait.ge [sflag:s12], $0x400  }
0x34f: {  	[sflag:s12] =	ssyncset.done $0x0  }
0x350: {  	[sflag:s12] =	ssyncadd.s32 $0xFFFFFC00  }
0x351: {  	_ =	swait.ge [sflag:s12], $0x400  }
0x352: {  	[sflag:s12] =	ssyncset.done $0x0  }
0x353: {  	[sflag:s12] =	ssyncadd.s32 $0xFFFFFC00  }
0x354: {  	_ =	swait.ge [sflag:s12], $0x400  }
0x355: {  	[sflag:s12] =	ssyncset.done $0x0  }
0x356: {  	[sflag:s12] =	ssyncadd.s32 $0xFFFFFC00  }
0x357: {  	_ =	swait.ge [sflag:s12], $0x400  }
0x358: {  	[sflag:s12] =	ssyncset.done $0x0  }
0x359: {  	s18 =	simm.s32 $0x0;
	[sflag:s12] =	ssyncadd.s32 $0xFFFFFC00  }
0x35a: {  	v3 =	vld [tilespmem:s18+$0x11D30]  }
0x35b: {  	v4 =	vld [tilespmem:s18+$0xFDB0]  }
0x35c: {  	v5 =	vld [tilespmem:s18+$0x101B0]  }
0x35d: {  	v6 =	vld [tilespmem:s18+$0x105B0]  }
0x35e: {  	v7 =	vld [tilespmem:s18+$0x109B0]  }
0x35f: {  	v8 =	vld [tilespmem:s18+$0x10DB0];
	[tilespmem:s18+$0x15D30] =	vst v3  }
0x360: {  	v9 =	vld [tilespmem:s18+$0x10130];
	[tilespmem:s18+$0x13DB0] =	vst v4  }
0x361: {  	v10 =	vld [tilespmem:s18+$0x10530];
	[tilespmem:s18+$0x13E30] =	vst v5  }
0x362: {  	v3 =	vld [tilespmem:s18+$0x111B0];
	[tilespmem:s18+$0x13EB0] =	vst v6  }
0x363: {  	v4 =	vld [tilespmem:s18+$0x115B0];
	[tilespmem:s18+$0x13F30] =	vst v7  }
0x364: {  	v5 =	vld [tilespmem:s18+$0x119B0];
	[tilespmem:s18+$0x13FB0] =	vst v8  }
0x365: {  	v6 =	vld [tilespmem:s18+$0xFE30];
	[tilespmem:s18+$0x159B0] =	vst v9  }
0x366: {  	v7 =	vld [tilespmem:s18+$0x10230];
	[tilespmem:s18+$0x15A30] =	vst v10  }
0x367: {  	v8 =	vld [tilespmem:s18+$0x11CB0];
	[tilespmem:s18+$0x14030] =	vst v3  }
0x368: {  	v3 =	vld [tilespmem:s18+$0x10630];
	[tilespmem:s18+$0x140B0] =	vst v4  }
0x369: {  	v4 =	vld [tilespmem:s18+$0x10A30];
	[tilespmem:s18+$0x14130] =	vst v5  }
0x36a: {  	v5 =	vld [tilespmem:s18+$0x10E30];
	[tilespmem:s18+$0x141B0] =	vst v6  }
0x36b: {  	v6 =	vld [tilespmem:s18+$0x11230];
	[tilespmem:s18+$0x14230] =	vst v7  }
0x36c: {  	v7 =	vld [tilespmem:s18+$0x11630];
	[tilespmem:s18+$0x15930] =	vst v8  }
0x36d: {  	[tilespmem:s18+$0x142B0] =	vst v3;
	v3 =	vld [tilespmem:s18+$0x11A30]  }
0x36e: {  	[tilespmem:s18+$0x14330] =	vst v4;
	v4 =	vld [tilespmem:s18+$0xFEB0]  }
0x36f: {  	[tilespmem:s18+$0x143B0] =	vst v5;
	v5 =	vld [tilespmem:s18+$0x102B0]  }
0x370: {  	[tilespmem:s18+$0x14430] =	vst v6;
	v6 =	vld [tilespmem:s18+$0x106B0]  }
0x371: {  	[tilespmem:s18+$0x144B0] =	vst v7;
	v7 =	vld [tilespmem:s18+$0x10AB0]  }
0x372: {  	[tilespmem:s18+$0x14530] =	vst v3;
	v3 =	vld [tilespmem:s18+$0x10EB0]  }
0x373: {  	[tilespmem:s18+$0x145B0] =	vst v4;
	v4 =	vld [tilespmem:s18+$0x112B0]  }
0x374: {  	[tilespmem:s18+$0x14630] =	vst v5;
	v5 =	vld [tilespmem:s18+$0x116B0]  }
0x375: {  	[tilespmem:s18+$0x146B0] =	vst v6;
	v6 =	vld [tilespmem:s18+$0x11AB0]  }
0x376: {  	[tilespmem:s18+$0x14730] =	vst v7;
	v7 =	vld [tilespmem:s18+$0xFF30]  }
0x377: {  	[tilespmem:s18+$0x147B0] =	vst v3;
	v3 =	vld [tilespmem:s18+$0x10330]  }
0x378: {  	[tilespmem:s18+$0x14830] =	vst v4;
	v4 =	vld [tilespmem:s18+$0x10730]  }
0x379: {  	[tilespmem:s18+$0x148B0] =	vst v5;
	v5 =	vld [tilespmem:s18+$0x10B30]  }
0x37a: {  	[tilespmem:s18+$0x14930] =	vst v6;
	v6 =	vld [tilespmem:s18+$0x10F30]  }
0x37b: {  	[tilespmem:s18+$0x149B0] =	vst v7;
	v7 =	vld [tilespmem:s18+$0x11330]  }
0x37c: {  	[tilespmem:s18+$0x14A30] =	vst v3;
	v3 =	vld [tilespmem:s18+$0x11730]  }
0x37d: {  	[tilespmem:s18+$0x14AB0] =	vst v4;
	v4 =	vld [tilespmem:s18+$0x11B30]  }
0x37e: {  	[tilespmem:s18+$0x14B30] =	vst v5;
	v5 =	vld [tilespmem:s18+$0xFFB0]  }
0x37f: {  	[tilespmem:s18+$0x14BB0] =	vst v6;
	v6 =	vld [tilespmem:s18+$0x103B0]  }
0x380: {  	[tilespmem:s18+$0x14C30] =	vst v7;
	v7 =	vld [tilespmem:s18+$0x107B0]  }
0x381: {  	[tilespmem:s18+$0x14CB0] =	vst v3;
	v3 =	vld [tilespmem:s18+$0x10BB0]  }
0x382: {  	[tilespmem:s18+$0x14D30] =	vst v4;
	v4 =	vld [tilespmem:s18+$0x10FB0]  }
0x383: {  	[tilespmem:s18+$0x14DB0] =	vst v5;
	v5 =	vld [tilespmem:s18+$0x113B0]  }
0x384: {  	[tilespmem:s18+$0x14E30] =	vst v6;
	v6 =	vld [tilespmem:s18+$0x117B0]  }
0x385: {  	[tilespmem:s18+$0x14EB0] =	vst v7;
	v7 =	vld [tilespmem:s18+$0x11BB0]  }
0x386: {  	[tilespmem:s18+$0x14F30] =	vst v3;
	v3 =	vld [tilespmem:s18+$0x10030]  }
0x387: {  	[tilespmem:s18+$0x14FB0] =	vst v4;
	v4 =	vld [tilespmem:s18+$0x10430]  }
0x388: {  	[tilespmem:s18+$0x15030] =	vst v5;
	v5 =	vld [tilespmem:s18+$0x10830]  }
0x389: {  	[tilespmem:s18+$0x150B0] =	vst v6;
	v6 =	vld [tilespmem:s18+$0x10C30]  }
0x38a: {  	[tilespmem:s18+$0x15130] =	vst v7;
	v7 =	vld [tilespmem:s18+$0x11030]  }
0x38b: {  	[tilespmem:s18+$0x151B0] =	vst v3;
	v3 =	vld [tilespmem:s18+$0x11430]  }
0x38c: {  	[tilespmem:s18+$0x15230] =	vst v4;
	v4 =	vld [tilespmem:s18+$0x11830]  }
0x38d: {  	[tilespmem:s18+$0x152B0] =	vst v5;
	v5 =	vld [tilespmem:s18+$0x11C30]  }
0x38e: {  	[tilespmem:s18+$0x15330] =	vst v6;
	v6 =	vld [tilespmem:s18+$0x100B0]  }
0x38f: {  	[tilespmem:s18+$0x153B0] =	vst v7;
	v7 =	vld [tilespmem:s18+$0x104B0]  }
0x390: {  	[tilespmem:s18+$0x15430] =	vst v3;
	v3 =	vld [tilespmem:s18+$0x108B0]  }
0x391: {  	[tilespmem:s18+$0x154B0] =	vst v4;
	v4 =	vld [tilespmem:s18+$0x10CB0]  }
0x392: {  	[tilespmem:s18+$0x15530] =	vst v5;
	v5 =	vld [tilespmem:s18+$0x110B0]  }
0x393: {  	[tilespmem:s18+$0x155B0] =	vst v6;
	v6 =	vld [tilespmem:s18+$0x114B0]  }
0x394: {  	[tilespmem:s18+$0x15630] =	vst v7;
	v7 =	vld [tilespmem:s18+$0x118B0]  }
0x395: {  	[tilespmem:s18+$0x156B0] =	vst v3;
	v3 =	vld [tilespmem:s18+$0x10930]  }
0x396: {  	[tilespmem:s18+$0x15730] =	vst v4;
	v4 =	vld [tilespmem:s18+$0x10D30]  }
0x397: {  	[tilespmem:s18+$0x157B0] =	vst v5;
	v5 =	vld [tilespmem:s18+$0x11130]  }
0x398: {  	[tilespmem:s18+$0x15830] =	vst v6;
	v6 =	vld [tilespmem:s18+$0x11530]  }
0x399: {  	s20 =	simm.s32 $0x10;
	s19 =	simm.s32 $0x80;
	[tilespmem:s18+$0x158B0] =	vst v7;
	v7 =	vld [tilespmem:s18+$0x11930]  }
.LBB2_8:
0x39a: {  	p5 =	sne.s32 s19, $0x1C0;
	v8 =	vld [tilespmem:s20+$0x11D30];
	[tilespmem:s18+$0x15AB0] =	vst v3  }
0x39b: {  	v3 =	vld [tilespmem:s20+$0xFDB0];
	[tilespmem:s18+$0x15B30] =	vst v4  }
0x39c: {  	v4 =	vld [tilespmem:s20+$0x101B0];
	[tilespmem:s18+$0x15BB0] =	vst v5  }
0x39d: {  	v5 =	vld [tilespmem:s20+$0x105B0];
	[tilespmem:s18+$0x15C30] =	vst v6  }
0x39e: {  	v6 =	vld [tilespmem:s20+$0x109B0];
	[tilespmem:s18+$0x15CB0] =	vst v7;
	s18 =	smov.u32 s20  }
0x39f: {  	v7 =	vld [tilespmem:s18+$0x10DB0];
	[tilespmem:s18+$0x15D30] =	vst v8  }
0x3a0: {  	[tilespmem:s18+$0x13DB0] =	vst v3;
	v3 =	vld [tilespmem:s18+$0x111B0]  }
0x3a1: {  	[tilespmem:s18+$0x13E30] =	vst v4;
	v4 =	vld [tilespmem:s18+$0x115B0]  }
0x3a2: {  	[tilespmem:s18+$0x13EB0] =	vst v5;
	v5 =	vld [tilespmem:s18+$0x119B0]  }
0x3a3: {  	[tilespmem:s18+$0x13F30] =	vst v6;
	v6 =	vld [tilespmem:s18+$0xFE30]  }
0x3a4: {  	[tilespmem:s18+$0x13FB0] =	vst v7;
	v7 =	vld [tilespmem:s18+$0x10230]  }
0x3a5: {  	[tilespmem:s18+$0x14030] =	vst v3;
	v3 =	vld [tilespmem:s18+$0x10630]  }
0x3a6: {  	[tilespmem:s18+$0x140B0] =	vst v4;
	v4 =	vld [tilespmem:s18+$0x10A30]  }
0x3a7: {  	[tilespmem:s18+$0x14130] =	vst v5;
	v5 =	vld [tilespmem:s18+$0x10E30]  }
0x3a8: {  	[tilespmem:s18+$0x141B0] =	vst v6;
	v6 =	vld [tilespmem:s18+$0x11230]  }
0x3a9: {  	[tilespmem:s18+$0x14230] =	vst v7;
	v7 =	vld [tilespmem:s18+$0x11630]  }
0x3aa: {  	[tilespmem:s18+$0x142B0] =	vst v3;
	v3 =	vld [tilespmem:s18+$0x11A30]  }
0x3ab: {  	[tilespmem:s18+$0x14330] =	vst v4;
	v4 =	vld [tilespmem:s18+$0xFEB0]  }
0x3ac: {  	[tilespmem:s18+$0x143B0] =	vst v5;
	v5 =	vld [tilespmem:s18+$0x102B0]  }
0x3ad: {  	[tilespmem:s18+$0x14430] =	vst v6;
	v6 =	vld [tilespmem:s18+$0x106B0]  }
0x3ae: {  	[tilespmem:s18+$0x144B0] =	vst v7;
	v7 =	vld [tilespmem:s18+$0x10AB0]  }
0x3af: {  	[tilespmem:s18+$0x14530] =	vst v3;
	v3 =	vld [tilespmem:s18+$0x10EB0]  }
0x3b0: {  	[tilespmem:s18+$0x145B0] =	vst v4;
	v4 =	vld [tilespmem:s18+$0x112B0]  }
0x3b1: {  	[tilespmem:s18+$0x14630] =	vst v5;
	v5 =	vld [tilespmem:s18+$0x116B0]  }
0x3b2: {  	[tilespmem:s18+$0x146B0] =	vst v6;
	v6 =	vld [tilespmem:s18+$0x11AB0]  }
0x3b3: {  	[tilespmem:s18+$0x14730] =	vst v7;
	v7 =	vld [tilespmem:s18+$0xFF30]  }
0x3b4: {  	[tilespmem:s18+$0x147B0] =	vst v3;
	v3 =	vld [tilespmem:s18+$0x10330]  }
0x3b5: {  	[tilespmem:s18+$0x14830] =	vst v4;
	v4 =	vld [tilespmem:s18+$0x10730]  }
0x3b6: {  	[tilespmem:s18+$0x148B0] =	vst v5;
	v5 =	vld [tilespmem:s18+$0x10B30]  }
0x3b7: {  	[tilespmem:s18+$0x14930] =	vst v6;
	v6 =	vld [tilespmem:s18+$0x10F30]  }
0x3b8: {  	[tilespmem:s18+$0x149B0] =	vst v7;
	v7 =	vld [tilespmem:s18+$0x11330]  }
0x3b9: {  	[tilespmem:s18+$0x14A30] =	vst v3;
	v3 =	vld [tilespmem:s18+$0x11730]  }
0x3ba: {  	[tilespmem:s18+$0x14AB0] =	vst v4;
	v4 =	vld [tilespmem:s18+$0x11B30]  }
0x3bb: {  	[tilespmem:s18+$0x14B30] =	vst v5;
	v5 =	vld [tilespmem:s18+$0xFFB0]  }
0x3bc: {  	[tilespmem:s18+$0x14BB0] =	vst v6;
	v6 =	vld [tilespmem:s18+$0x103B0]  }
0x3bd: {  	[tilespmem:s18+$0x14C30] =	vst v7;
	v7 =	vld [tilespmem:s18+$0x107B0]  }
0x3be: {  	[tilespmem:s18+$0x14CB0] =	vst v3;
	v3 =	vld [tilespmem:s18+$0x10BB0]  }
0x3bf: {  	[tilespmem:s18+$0x14D30] =	vst v4;
	v4 =	vld [tilespmem:s18+$0x10FB0]  }
0x3c0: {  	[tilespmem:s18+$0x14DB0] =	vst v5;
	v5 =	vld [tilespmem:s18+$0x113B0]  }
0x3c1: {  	[tilespmem:s18+$0x14E30] =	vst v6;
	v6 =	vld [tilespmem:s18+$0x117B0]  }
0x3c2: {  	[tilespmem:s18+$0x14EB0] =	vst v7;
	v7 =	vld [tilespmem:s18+$0x11BB0]  }
0x3c3: {  	[tilespmem:s18+$0x14F30] =	vst v3;
	v3 =	vld [tilespmem:s18+$0x10030]  }
0x3c4: {  	[tilespmem:s18+$0x14FB0] =	vst v4;
	v4 =	vld [tilespmem:s18+$0x10430]  }
0x3c5: {  	[tilespmem:s18+$0x15030] =	vst v5;
	v5 =	vld [tilespmem:s18+$0x10830]  }
0x3c6: {  	[tilespmem:s18+$0x150B0] =	vst v6;
	v6 =	vld [tilespmem:s18+$0x10C30]  }
0x3c7: {  	[tilespmem:s18+$0x15130] =	vst v7;
	v7 =	vld [tilespmem:s18+$0x11030]  }
0x3c8: {  	[tilespmem:s18+$0x151B0] =	vst v3;
	v3 =	vld [tilespmem:s18+$0x11430]  }
0x3c9: {  	[tilespmem:s18+$0x15230] =	vst v4;
	v4 =	vld [tilespmem:s18+$0x11830]  }
0x3ca: {  	[tilespmem:s18+$0x152B0] =	vst v5;
	v5 =	vld [tilespmem:s18+$0x11C30]  }
0x3cb: {  	[tilespmem:s18+$0x15330] =	vst v6;
	v6 =	vld [tilespmem:s18+$0x100B0]  }
0x3cc: {  	[tilespmem:s18+$0x153B0] =	vst v7;
	v7 =	vld [tilespmem:s18+$0x104B0]  }
0x3cd: {  	[tilespmem:s18+$0x15430] =	vst v3;
	v3 =	vld [tilespmem:s18+$0x108B0]  }
0x3ce: {  	[tilespmem:s18+$0x154B0] =	vst v4;
	v4 =	vld [tilespmem:s18+$0x10CB0]  }
0x3cf: {  	[tilespmem:s18+$0x15530] =	vst v5;
	v5 =	vld [tilespmem:s18+$0x110B0]  }
0x3d0: {  	[tilespmem:s18+$0x155B0] =	vst v6;
	v6 =	vld [tilespmem:s18+$0x114B0]  }
0x3d1: {  	[tilespmem:s18+$0x15630] =	vst v7;
	v7 =	vld [tilespmem:s18+$0x118B0]  }
0x3d2: {  	[tilespmem:s18+$0x156B0] =	vst v3;
	v8 =	vld [tilespmem:s18+$0x11CB0]  }
0x3d3: {  	[tilespmem:s18+$0x15730] =	vst v4;
	v9 =	vld [tilespmem:s18+$0x10130]  }
0x3d4: {  	[tilespmem:s18+$0x157B0] =	vst v5;
	v10 =	vld [tilespmem:s18+$0x10530]  }
.Ltmp3:
0x3d5: {  	[tilespmem:s18+$0x15830] =	vst v6;
	v3 =	vld [tilespmem:s18+$0x10930];
	(pc) =	sbr.rel @p5 .LBB2_8-.Ltmp3, $4  }
0x3d6: {  	[tilespmem:s18+$0x158B0] =	vst v7;
	v4 =	vld [tilespmem:s18+$0x10D30]  }
0x3d7: {  	[tilespmem:s18+$0x15930] =	vst v8;
	v5 =	vld [tilespmem:s18+$0x11130]  }
0x3d8: {  	[tilespmem:s18+$0x159B0] =	vst v9;
	v6 =	vld [tilespmem:s18+$0x11530]  }
0x3d9: {  	s20 =	sshra.s32 s19, $0x2;
	s19 =	sadd.s32 $0x40, s19;
	[tilespmem:s18+$0x15A30] =	vst v10;
	v7 =	vld [tilespmem:s18+$0x11930]  }
0x3da: {  	v8 =	vld [tilespmem:s20+$0x11D30];
	[tilespmem:s18+$0x15AB0] =	vst v3  }
0x3db: {  	v3 =	vld [tilespmem:s20+$0xFDB0];
	[tilespmem:s18+$0x15B30] =	vst v4  }
0x3dc: {  	v4 =	vld [tilespmem:s20+$0x101B0];
	[tilespmem:s18+$0x15BB0] =	vst v5  }
0x3dd: {  	v5 =	vld [tilespmem:s20+$0x105B0];
	[tilespmem:s18+$0x15C30] =	vst v6  }
0x3de: {  	v6 =	vld [tilespmem:s20+$0x109B0];
	[tilespmem:s18+$0x15CB0] =	vst v7  }
0x3df: {  	v7 =	vld [tilespmem:s20+$0x10DB0];
	[tilespmem:s20+$0x15D30] =	vst v8  }
0x3e0: {  	v18 =	vld [tilespmem:s20+$0x115B0];
	[tilespmem:s20+$0x13DB0] =	vst v3  }
0x3e1: {  	v19 =	vld [tilespmem:s20+$0x119B0];
	[tilespmem:s20+$0x13E30] =	vst v4  }
0x3e2: {  	v3 =	vld [tilespmem:s20+$0x111B0];
	[tilespmem:s20+$0x13EB0] =	vst v5  }
0x3e3: {  	v20 =	vld [tilespmem:s20+$0xFE30];
	[tilespmem:s20+$0x13F30] =	vst v6  }
0x3e4: {  	v21 =	vld [tilespmem:s20+$0x10230];
	[tilespmem:s20+$0x13FB0] =	vst v7  }
0x3e5: {  	v22 =	vld [tilespmem:s20+$0x10A30];
	[tilespmem:s20+$0x140B0] =	vst v18  }
0x3e6: {  	v23 =	vld [tilespmem:s20+$0x10E30];
	[tilespmem:s20+$0x14130] =	vst v19  }
0x3e7: {  	[tilespmem:s20+$0x14030] =	vst v3;
	v3 =	vld [tilespmem:s20+$0x10630]  }
0x3e8: {  	v24 =	vld [tilespmem:s20+$0x11230];
	[tilespmem:s20+$0x141B0] =	vst v20  }
0x3e9: {  	v25 =	vld [tilespmem:s20+$0x11630];
	[tilespmem:s20+$0x14230] =	vst v21  }
0x3ea: {  	v26 =	vld [tilespmem:s20+$0xFEB0];
	[tilespmem:s20+$0x14330] =	vst v22  }
0x3eb: {  	v27 =	vld [tilespmem:s20+$0x102B0];
	[tilespmem:s20+$0x143B0] =	vst v23  }
0x3ec: {  	[tilespmem:s20+$0x142B0] =	vst v3;
	v3 =	vld [tilespmem:s20+$0x11A30]  }
0x3ed: {  	v28 =	vld [tilespmem:s20+$0x106B0];
	[tilespmem:s20+$0x14430] =	vst v24  }
0x3ee: {  	v29 =	vld [tilespmem:s20+$0x10AB0];
	[tilespmem:s20+$0x144B0] =	vst v25  }
0x3ef: {  	v30 =	vld [tilespmem:s20+$0x112B0];
	[tilespmem:s20+$0x145B0] =	vst v26  }
0x3f0: {  	v31 =	vld [tilespmem:s20+$0x116B0];
	[tilespmem:s20+$0x14630] =	vst v27  }
0x3f1: {  	[tilespmem:s20+$0x14530] =	vst v3;
	v3 =	vld [tilespmem:s20+$0x10EB0]  }
0x3f2: {  	v32 =	vld [tilespmem:s20+$0x11AB0];
	[tilespmem:s20+$0x146B0] =	vst v28  }
0x3f3: {  	v33 =	vld [tilespmem:s20+$0xFF30];
	[tilespmem:s20+$0x14730] =	vst v29  }
0x3f4: {  	v34 =	vld [tilespmem:s20+$0x10730];
	[tilespmem:s20+$0x14830] =	vst v30  }
0x3f5: {  	v35 =	vld [tilespmem:s20+$0x10B30];
	[tilespmem:s20+$0x148B0] =	vst v31  }
0x3f6: {  	[tilespmem:s20+$0x147B0] =	vst v3;
	v3 =	vld [tilespmem:s20+$0x10330]  }
0x3f7: {  	v36 =	vld [tilespmem:s20+$0x10F30];
	[tilespmem:s20+$0x14930] =	vst v32  }
0x3f8: {  	v37 =	vld [tilespmem:s20+$0x11330];
	[tilespmem:s20+$0x149B0] =	vst v33  }
0x3f9: {  	v38 =	vld [tilespmem:s20+$0x11B30];
	[tilespmem:s20+$0x14AB0] =	vst v34  }
0x3fa: {  	v39 =	vld [tilespmem:s20+$0xFFB0];
	[tilespmem:s20+$0x14B30] =	vst v35  }
0x3fb: {  	[tilespmem:s20+$0x14A30] =	vst v3;
	v3 =	vld [tilespmem:s20+$0x11730]  }
0x3fc: {  	v40 =	vld [tilespmem:s20+$0x103B0];
	[tilespmem:s20+$0x14BB0] =	vst v36  }
0x3fd: {  	v41 =	vld [tilespmem:s20+$0x107B0];
	[tilespmem:s20+$0x14C30] =	vst v37  }
0x3fe: {  	v42 =	vld [tilespmem:s20+$0x10FB0];
	[tilespmem:s20+$0x14D30] =	vst v38  }
0x3ff: {  	v43 =	vld [tilespmem:s20+$0x113B0];
	[tilespmem:s20+$0x14DB0] =	vst v39  }
0x400: {  	[tilespmem:s20+$0x14CB0] =	vst v3;
	v3 =	vld [tilespmem:s20+$0x10BB0]  }
0x401: {  	v44 =	vld [tilespmem:s20+$0x117B0];
	[tilespmem:s20+$0x14E30] =	vst v40  }
0x402: {  	v45 =	vld [tilespmem:s20+$0x11BB0];
	[tilespmem:s20+$0x14EB0] =	vst v41  }
0x403: {  	v46 =	vld [tilespmem:s20+$0x10430];
	[tilespmem:s20+$0x14FB0] =	vst v42  }
0x404: {  	v47 =	vld [tilespmem:s20+$0x10830];
	[tilespmem:s20+$0x15030] =	vst v43  }
0x405: {  	[tilespmem:s20+$0x14F30] =	vst v3;
	v3 =	vld [tilespmem:s20+$0x10030]  }
0x406: {  	v48 =	vld [tilespmem:s20+$0x10C30];
	[tilespmem:s20+$0x150B0] =	vst v44  }
0x407: {  	v49 =	vld [tilespmem:s20+$0x11030];
	[tilespmem:s20+$0x15130] =	vst v45  }
0x408: {  	v50 =	vld [tilespmem:s20+$0x11830];
	[tilespmem:s20+$0x15230] =	vst v46  }
0x409: {  	v51 =	vld [tilespmem:s20+$0x11C30];
	[tilespmem:s20+$0x152B0] =	vst v47  }
0x40a: {  	[tilespmem:s20+$0x151B0] =	vst v3;
	v3 =	vld [tilespmem:s20+$0x11430]  }
0x40b: {  	v52 =	vld [tilespmem:s20+$0x100B0];
	[tilespmem:s20+$0x15330] =	vst v48  }
0x40c: {  	v53 =	vld [tilespmem:s20+$0x104B0];
	[tilespmem:s20+$0x153B0] =	vst v49  }
0x40d: {  	v54 =	vld [tilespmem:s20+$0x10CB0];
	[tilespmem:s20+$0x154B0] =	vst v50  }
0x40e: {  	v55 =	vld [tilespmem:s20+$0x110B0];
	[tilespmem:s20+$0x15530] =	vst v51  }
0x40f: {  	[tilespmem:s20+$0x15430] =	vst v3;
	v3 =	vld [tilespmem:s20+$0x108B0]  }
0x410: {  	v56 =	vld [tilespmem:s20+$0x114B0];
	[tilespmem:s20+$0x155B0] =	vst v52  }
0x411: {  	v57 =	vld [tilespmem:s20+$0x118B0];
	[tilespmem:s20+$0x15630] =	vst v53  }
0x412: {  	v58 =	vld [tilespmem:s20+$0x10130];
	[tilespmem:s20+$0x15730] =	vst v54  }
0x413: {  	v59 =	vld [tilespmem:s20+$0x10530];
	[tilespmem:s20+$0x157B0] =	vst v55  }
0x414: {  	[tilespmem:s20+$0x156B0] =	vst v3;
	v3 =	vld [tilespmem:s20+$0x11CB0]  }
0x415: {  	v60 =	vld [tilespmem:s20+$0x10930];
	[tilespmem:s20+$0x15830] =	vst v56  }
0x416: {  	v61 =	vld [tilespmem:s20+$0x10D30];
	[tilespmem:s20+$0x158B0] =	vst v57  }
0x417: {  	v62 =	vld [tilespmem:s20+$0x11530];
	[tilespmem:s20+$0x159B0] =	vst v58  }
0x418: {  	v63 =	vld [tilespmem:s20+$0x11930];
	[tilespmem:s20+$0x15A30] =	vst v59  }
0x419: {  	[tilespmem:s20+$0x15930] =	vst v3;
	v3 =	vld [tilespmem:s20+$0x11130]  }
0x41a: {  	[tilespmem:s20+$0x15AB0] =	vst v60  }
0x41b: {  	[tilespmem:s20+$0x15B30] =	vst v61  }
0x41c: {  	[tilespmem:s20+$0x15C30] =	vst v62  }
0x41d: {  	[tilespmem:s20+$0x15CB0] =	vst v63  }
0x41e: {  	[tilespmem:s20+$0x15BB0] =	vst v3  }
0x41f: {  	[spmem:s7] =	stream.indirect.scatter.add.f32 [tilespmem:s1], [sflag:$0x3], $0x1, s3, s31, $0xb8;
	[tilespmem:$0x17DB0] =	vst v63  }
0x420: {  	_ = 	snop  }
0x421: {  	[spmem:s7] =	stream.indirect.scatter.add.f32 [tilespmem:s1], [sflag:$0x3], $0x1, s2, s31, $0xb8;
	[tilespmem:$0x17DB0] =	vst v63  }
0x422: {  	_ = 	snop  }
0x423: {  	[spmem:s7] =	stream.indirect.scatter.add.f32 [tilespmem:s1], [sflag:$0x3], $0x1, s4, s31, $0xb8;
	[tilespmem:$0x17DB0] =	vst v63  }
0x424: {  	_ = 	snop  }
0x425: {  	[spmem:s7] =	stream.indirect.scatter.add.f32 [tilespmem:s1], [sflag:$0x3], $0x1, s5, s31, $0xb8;
	[tilespmem:$0x17DB0] =	vst v63  }
0x426: {  	_ = 	snop  }
0x427: {  	[spmem:s7] =	stream.indirect.scatter.add.f32 [tilespmem:s1], [sflag:$0x3], $0x1, s6, s31, $0xb8;
	[tilespmem:$0x17DB0] =	vst v63  }
0x428: {  	_ = 	snop  }
0x429: {  	[spmem:s7] =	stream.indirect.scatter.add.f32 [tilespmem:s1], [sflag:$0x3], $0x1, s10, s31, $0xb8;
	[tilespmem:$0x17DB0] =	vst v63  }
0x42a: {  	_ = 	snop  }
0x42b: {  	[spmem:s7] =	stream.indirect.scatter.add.f32 [tilespmem:s1], [sflag:$0x3], $0x1, s14, s31, $0xb8;
	[tilespmem:$0x17DB0] =	vst v63  }
0x42c: {  	_ = 	snop  }
0x42d: {  	[spmem:s7] =	stream.indirect.scatter.add.f32 [tilespmem:s1], [sflag:$0x3], $0x1, s8, s31, $0xb8;
	[tilespmem:$0x17DB0] =	vst v63  }
0x42e: {  	_ =	swait.ge [sflag:s12], $0x400  }
0x42f: {  	[sflag:s12] =	ssyncset.done $0x0  }
0x430: {  	[sflag:s12] =	ssyncadd.s32 $0xFFFFFC00  }
0x431: {  	_ =	swait.ge [sflag:s12], $0x400  }
0x432: {  	[sflag:s12] =	ssyncset.done $0x0  }
0x433: {  	[sflag:s12] =	ssyncadd.s32 $0xFFFFFC00  }
0x434: {  	_ =	swait.ge [sflag:s12], $0x400  }
0x435: {  	[sflag:s12] =	ssyncset.done $0x0  }
0x436: {  	[sflag:s12] =	ssyncadd.s32 $0xFFFFFC00  }
0x437: {  	_ =	swait.ge [sflag:s12], $0x400  }
0x438: {  	[sflag:s12] =	ssyncset.done $0x0  }
0x439: {  	[sflag:s12] =	ssyncadd.s32 $0xFFFFFC00  }
0x43a: {  	_ =	swait.ge [sflag:s12], $0x400  }
0x43b: {  	[sflag:s12] =	ssyncset.done $0x0  }
0x43c: {  	[sflag:s12] =	ssyncadd.s32 $0xFFFFFC00  }
0x43d: {  	_ =	swait.ge [sflag:s12], $0x400  }
0x43e: {  	[sflag:s12] =	ssyncset.done $0x0  }
0x43f: {  	[sflag:s12] =	ssyncadd.s32 $0xFFFFFC00  }
0x440: {  	_ =	swait.ge [sflag:s12], $0x400  }
0x441: {  	[sflag:s12] =	ssyncset.done $0x0  }
0x442: {  	[sflag:s12] =	ssyncadd.s32 $0xFFFFFC00  }
0x443: {  	_ =	swait.ge [sflag:s12], $0x400  }
0x444: {  	[sflag:s12] =	ssyncset.done $0x0  }
0x445: {  	s25 =	simm.s32 $0x4;
	[sflag:s12] =	ssyncadd.s32 $0xFFFFFC00  }
0x446: {  	_ =	swait.ge [sflag:s25], $0x400  }
0x447: {  	[sflag:s25] =	ssyncset.done $0x0  }
0x448: {  	[sflag:s25] =	ssyncadd.s32 $0xFFFFFC00  }
0x449: {  	_ =	swait.ge [sflag:s25], $0x400  }
0x44a: {  	[sflag:s25] =	ssyncset.done $0x0  }
0x44b: {  	[sflag:s25] =	ssyncadd.s32 $0xFFFFFC00  }
0x44c: {  	_ =	swait.ge [sflag:s25], $0x400  }
0x44d: {  	[sflag:s25] =	ssyncset.done $0x0  }
0x44e: {  	[sflag:s25] =	ssyncadd.s32 $0xFFFFFC00  }
0x44f: {  	_ =	swait.ge [sflag:s25], $0x400  }
0x450: {  	[sflag:s25] =	ssyncset.done $0x0  }
0x451: {  	[sflag:s25] =	ssyncadd.s32 $0xFFFFFC00  }
0x452: {  	_ =	swait.ge [sflag:s25], $0x400  }
0x453: {  	[sflag:s25] =	ssyncset.done $0x0  }
0x454: {  	[sflag:s25] =	ssyncadd.s32 $0xFFFFFC00  }
0x455: {  	_ =	swait.ge [sflag:s25], $0x400  }
0x456: {  	[sflag:s25] =	ssyncset.done $0x0  }
0x457: {  	[sflag:s25] =	ssyncadd.s32 $0xFFFFFC00  }
0x458: {  	_ =	swait.ge [sflag:s25], $0x400  }
0x459: {  	[sflag:s25] =	ssyncset.done $0x0  }
0x45a: {  	[sflag:s25] =	ssyncadd.s32 $0xFFFFFC00  }
0x45b: {  	_ =	swait.ge [sflag:s25], $0x400  }
0x45c: {  	[sflag:s25] =	ssyncset.done $0x0  }
0x45d: {  	[sflag:s25] =	ssyncadd.s32 $0xFFFFFC00  }
0x45e: {  	[bflag:$0x0] =	sbarrier.arrive $0xFFFF  }
0x45f: {  	s19 =	sld [smem:$0x7FC]  }
0x460: {  	s20 =	sld [smem:$0x7FD];
	_ =	sdelay $0x1  }
0x461: {  	s18 =	rddreg [dreg:$0x4]  }
0x462: {  	[hbm:s18], [sflag:s19] =	dma.local @!p1 [spmem:s20], $0x1E850  }
0x463: {  	s18 =	simm.s32 @!p1 $0x5  }
0x464: {  	_ =	swait.ge @!p1 [sflag:s18], $0x1E850  }
0x465: {  	[sflag:s18] =	ssyncset.done @!p1 $0x0  }
0x466: {  	[sflag:s18] =	ssyncadd.s32 @!p1 $0xFFFE17B0  }
0x467: {  	s23 =	rddreg [dreg:$0x9]  }
0x468: {  	s19 =	simm.s32 @!p3 $0x1C45;
	s20 =	rddreg [dreg:$0xb];
	s18 =	sshrl.u32 @!p3 s23, $0x3  }
0x469: {  	[hbm:s20], [sflag:s19] =	dma.local @!p3 [spmem:s18], $0x10  }
0x46a: {  	s18 =	simm.s32 @!p3 $0x5  }
0x46b: {  	_ =	swait.ge @!p3 [sflag:s18], $0x10  }
0x46c: {  	[sflag:s18] =	ssyncset.done @!p3 $0x0  }
0x46d: {  	[sflag:s18] =	ssyncadd.s32 @!p3 $0xFFFFFFF0  }
0x46e: {  	s19 =	simm.s32 @!p4 $0x1C45;
	s18 =	sshrl.u32 @!p4 s23, $0x3;
	s20 =	rddreg [dreg:$0x7]  }
0x46f: {  	[hbm:s20], [sflag:s19] =	dma.local @!p4 [spmem:s18], $0x10  }
0x470: {  	s18 =	simm.s32 @!p4 $0x5  }
0x471: {  	_ =	swait.ge @!p4 [sflag:s18], $0x10  }
0x472: {  	[sflag:s18] =	ssyncset.done @!p4 $0x0  }
0x473: {  	s20 =	rddreg [dreg:$0x1f];
	[sflag:s18] =	ssyncadd.s32 @!p4 $0xFFFFFFF0  }
0x474: {  	s18 =	simm.s32 @p0 $0x1C05;
	s19 =	rddreg [dreg:$0x5]  }
0x475: {  	[hbm:s19], [sflag:s18] =	dma.local @p0 [spmem:s20], $0x1E850  }
0x476: {  	s18 =	simm.s32 @p0 $0x5  }
0x477: {  	_ =	swait.ge @p0 [sflag:s18], $0x1E850  }
0x478: {  	s19 =	rddreg [dreg:$0x1e]  }
0x479: {  	s25 =	rddreg [dreg:$0x15];
	s20 =	sadd.s32 $0x1, s19  }
0x47a: {  	p5 =	sne.s32 s20, s25  }
.Ltmp4:
0x47b: {  	_ = 	snop;
	(pc) =	sbr.rel @p5 .LBB2_1-.Ltmp4, $3  }
0x47c: {  	_ =	sdelay $0x1  }
0x47d: {  	[sflag:s18] =	ssyncset.done @p0 $0x0  }
0x47e: {  	[sflag:s18] =	ssyncadd.s32 @p0 $0xFFFE17B0  }
0x47f: {  	_ =	sfence.sel $0x180000  }
0x480: {  	[bflag:$0x0] =	sbarrier.arrive $0xFFFF  }
0x481: {  	_ =	strace $0x90000047  }
0x482: {  	s0 =	stileid.u32;
	[bflag:$0x2] =	sbarrier.arrive $0xFFFF  }
0x483: {  	p0 =	sne.s32 s0, $0x0;
	s0 =	rddreg [dreg:$0xa]  }
0x484: {  	s0 =	sadd.s32 @!p0 $0x100000, s0  }
0x485: {  	[sflag:s0] =	ssyncadd.tile.s32 @!p0 $0x1;
	_ =	shalt  }
.Lfunc_end2:
_tile_overlayer_lowered:
.L_overlay_start_2:
0x486: {  	(tag) =	ssettag $0x2  }
0x487: {  	s0 =	rddreg [dreg:$0x0];
	s2 =	stileid.u32  }
0x488: {  	s1 =	rddreg [dreg:$0x1];
	p0 =	sne.s32 s2, $0x0  }
0x489: {  	s3 =	rddreg [dreg:$0x2];
	[bflag:$0x3] =	sbarrier.arrive $0xFFFF;
	s2 =	simm.s32 @!p0 $0x1C05  }
0x48a: {  	[timem:s3], [sflag:s2] =	dma.local @!p0 [hbm:s0], s1  }
0x48b: {  	s0 =	simm.s32 @!p0 $0x5  }
0x48c: {  	_ =	swait.ge @!p0 [sflag:s0], s1  }
0x48d: {  	s1 =	ssub.s32 @!p0 $0x0, s1;
	[sflag:s0] =	ssyncset.done @!p0 $0x0  }
0x48e: {  	[sflag:s0] =	ssyncadd.s32 @!p0 s1  }
0x48f: {  	[bflag:$0x3] =	sbarrier.arrive $0xFFFF  }
0x490: {  	_ =	shalt  }

</sc_bundles>
